<compile_context>
chip_gen: v7x
topology: tpu7x:2x2x1
jax: 0.10.2.dev20260603
libtpu: 0.0.44.dev20260713+nightly
codegen_flags: <defaults>
</compile_context>

<pallas_src>
import functools

import jax
import jax.numpy as jnp
from jax import lax
from jax.experimental import pallas as pl
from jax.experimental.pallas import tpu as pltpu
from jax.experimental.pallas import tpu_sc as plsc

N = 10000
E = 320000
D = 128
NC = 2
NS = 16
NW = NC * NS
NPAD = 10240
RPT = NPAD // NS
CHUNK = 125
EPT = E // NW
NCHUNK = EPT // CHUNK
SCHUNK = 16
NSTAGE = NCHUNK // SCHUNK
CHUNK_DEG = 80
NCHUNK_DEG = E // NW // CHUNK_DEG

_mesh = plsc.VectorSubcoreMesh(
    core_axis_name="c", subcore_axis_name="s", num_cores=NC, num_subcores=NS)


def _zero_vmem_2d(ref, rows, cols):
  z = jnp.zeros((16,), jnp.float32)

  def body(r, _):
    for j in range(cols // 16):
      ref[r, pl.ds(16 * j, 16)] = z
    return 0

  lax.fori_loop(0, rows, body, 0)


def _zero_vmem_1d(ref, n):
  z = jnp.zeros((16,), jnp.float32)

  def body(r, _):
    ref[pl.ds(16 * r, 16)] = z
    return 0

  lax.fori_loop(0, n // 16, body, 0)


@functools.partial(
    pl.kernel,
    out_type=jax.ShapeDtypeStruct((NC, NPAD), jnp.float32),
    mesh=_mesh,
    scratch_types=[
        pltpu.VMEM((NCHUNK_DEG, CHUNK_DEG), jnp.int32),
        pltpu.VMEM((CHUNK_DEG,), jnp.float32),
        pltpu.VMEM((RPT,), jnp.float32),
        pltpu.VMEM_SHARED((NPAD,), jnp.float32),
    ],
)
def _deg_kernel(dst_hbm, deg_hbm, didx, ones_v, dbuf, deg_sh):
  c = lax.axis_index("c")
  s = lax.axis_index("s")
  tid = c * NS + s

  _zero_vmem_1d(dbuf, RPT)
  pltpu.sync_copy(dbuf, deg_sh.at[pl.ds(s * RPT, RPT)])

  one = jnp.ones((16,), jnp.float32)
  for j in range(CHUNK_DEG // 16):
    ones_v[pl.ds(16 * j, 16)] = one

  pltpu.sync_copy(dst_hbm.at[tid], didx)
  plsc.subcore_barrier()

  def body(i, _):
    pltpu.sync_copy(ones_v, deg_sh.at[didx.at[i]], add=True)
    return 0

  lax.fori_loop(0, NCHUNK_DEG, body, 0)
  plsc.subcore_barrier()

  pltpu.sync_copy(deg_sh.at[pl.ds(s * RPT, RPT)], dbuf)
  pltpu.sync_copy(dbuf, deg_hbm.at[c, pl.ds(s * RPT, RPT)])


@functools.partial(
    pl.kernel,
    out_type=(jax.ShapeDtypeStruct((NPAD, D), jnp.float32),
              jax.ShapeDtypeStruct((NPAD, D), jnp.float32)),
    mesh=_mesh,
    scratch_types=[
        pltpu.VMEM((SCHUNK, CHUNK), jnp.int32),
        pltpu.VMEM((SCHUNK, CHUNK), jnp.int32),
        pltpu.VMEM((CHUNK, D), jnp.float32),
        pltpu.VMEM((CHUNK, D), jnp.float32),
        pltpu.VMEM_SHARED((NPAD, D), jnp.float32),
        pltpu.SemaphoreType.DMA,
        pltpu.SemaphoreType.DMA,
        pltpu.SemaphoreType.DMA,
        pltpu.SemaphoreType.DMA,
    ],
)
def _edge_kernel(hs_hbm, src_hbm, dst_hbm, acc0_hbm, acc1_hbm,
                 sidx, didx, rows0, rows1, acc_sh, sem0, sem1, ssem0, ssem1):
  c = lax.axis_index("c")
  s = lax.axis_index("s")
  tid = c * NS + s

  _zero_vmem_2d(rows0, CHUNK, D)
  for k in range(RPT // 80):
    pltpu.sync_copy(rows0.at[pl.ds(0, 80)],
                    acc_sh.at[pl.ds(s * RPT + 80 * k, 80)])
  plsc.subcore_barrier()

  def stage(st, _):
    pltpu.sync_copy(src_hbm.at[tid, pl.ds(st * SCHUNK, SCHUNK)], sidx)
    pltpu.sync_copy(dst_hbm.at[tid, pl.ds(st * SCHUNK, SCHUNK)], didx)

    pltpu.async_copy(hs_hbm.at[sidx.at[0]], rows0, sem0)
    pltpu.async_copy(hs_hbm.at[sidx.at[1]], rows1, sem1)

    def body(i, _):
      a = 2 * i
      b = a + 1
      pltpu.make_async_copy(hs_hbm.at[sidx.at[a]], rows0, sem0).wait()
      pltpu.async_copy(rows0, acc_sh.at[didx.at[a]], ssem0, add=True)
      pltpu.make_async_copy(hs_hbm.at[sidx.at[b]], rows1, sem1).wait()
      pltpu.async_copy(rows1, acc_sh.at[didx.at[b]], ssem1, add=True)
      pltpu.make_async_copy(rows0, acc_sh.at[didx.at[a]], ssem0).wait()

      @pl.when(i < SCHUNK // 2 - 1)
      def _():
        pltpu.async_copy(hs_hbm.at[sidx.at[a + 2]], rows0, sem0)

      pltpu.make_async_copy(rows1, acc_sh.at[didx.at[b]], ssem1).wait()

      @pl.when(i < SCHUNK // 2 - 1)
      def _():
        pltpu.async_copy(hs_hbm.at[sidx.at[b + 2]], rows1, sem1)
      return 0

    lax.fori_loop(0, SCHUNK // 2, body, 0)
    return 0

  lax.fori_loop(0, NSTAGE, stage, 0)

  plsc.subcore_barrier()

  for k in range(RPT // 80):
    pltpu.sync_copy(acc_sh.at[pl.ds(s * RPT + 80 * k, 80)],
                    rows0.at[pl.ds(0, 80)])

    @pl.when(c == 0)
    def _():
      pltpu.sync_copy(rows0.at[pl.ds(0, 80)],
                      acc0_hbm.at[pl.ds(s * RPT + 80 * k, 80)])

    @pl.when(c == 1)
    def _():
      pltpu.sync_copy(rows0.at[pl.ds(0, 80)],
                      acc1_hbm.at[pl.ds(s * RPT + 80 * k, 80)])


BM = 1024
GRID = (N + BM - 1) // BM


def _mm_scale_body(x_ref, w_ref, deg0_ref, deg1_ref, hs_ref, dinv_ref):
  dinv = lax.rsqrt(deg0_ref[...] + deg1_ref[...] + 1.0)
  h = jnp.dot(x_ref[...], w_ref[...], preferred_element_type=jnp.float32)
  hs_ref[...] = h * dinv
  dinv_ref[...] = dinv


def _mm_scale(x, w, deg0, deg1):
  return pl.pallas_call(
      _mm_scale_body,
      grid=(GRID,),
      in_specs=[
          pl.BlockSpec((BM, D), lambda m: (m, 0)),
          pl.BlockSpec((D, D), lambda m: (0, 0)),
          pl.BlockSpec((BM, 1), lambda m: (m, 0)),
          pl.BlockSpec((BM, 1), lambda m: (m, 0)),
      ],
      out_specs=[pl.BlockSpec((BM, D), lambda m: (m, 0)),
                 pl.BlockSpec((BM, 1), lambda m: (m, 0))],
      out_shape=[jax.ShapeDtypeStruct((N, D), jnp.float32),
                 jax.ShapeDtypeStruct((N, 1), jnp.float32)],
  )(x, w, deg0, deg1)


def _ln_relu(z, g_ref, be_ref):
  mu = jnp.mean(z, axis=-1, keepdims=True)
  zc = z - mu
  var = jnp.mean(zc * zc, axis=-1, keepdims=True)
  y = zc * lax.rsqrt(var + 1e-5) * g_ref[...] + be_ref[...]
  return jnp.maximum(y, 0.0)


def _mid_body(a0_ref, a1_ref, hs_ref, dinv_ref, b_ref, g_ref, be_ref, w_ref,
              hs2_ref):
  acc = a0_ref[...] + a1_ref[...] + hs_ref[...]
  z = acc * dinv_ref[...] + b_ref[...]
  t = _ln_relu(z, g_ref, be_ref)
  h2 = jnp.dot(t, w_ref[...], preferred_element_type=jnp.float32)
  hs2_ref[...] = h2 * dinv_ref[...]


def _mid(acc0, acc1, hs, dinv2d, b1, g1, be1, w2):
  return pl.pallas_call(
      _mid_body,
      grid=(GRID,),
      in_specs=[
          pl.BlockSpec((BM, D), lambda m: (m, 0)),
          pl.BlockSpec((BM, D), lambda m: (m, 0)),
          pl.BlockSpec((BM, D), lambda m: (m, 0)),
          pl.BlockSpec((BM, 1), lambda m: (m, 0)),
          pl.BlockSpec((D,), lambda m: (0,)),
          pl.BlockSpec((D,), lambda m: (0,)),
          pl.BlockSpec((D,), lambda m: (0,)),
          pl.BlockSpec((D, D), lambda m: (0, 0)),
      ],
      out_specs=pl.BlockSpec((BM, D), lambda m: (m, 0)),
      out_shape=jax.ShapeDtypeStruct((N, D), jnp.float32),
  )(acc0, acc1, hs, dinv2d, b1, g1, be1, w2)


def _final_body(a0_ref, a1_ref, hs_ref, dinv_ref, b_ref, g_ref, be_ref,
                out_ref):
  acc = a0_ref[...] + a1_ref[...] + hs_ref[...]
  z = acc * dinv_ref[...] + b_ref[...]
  out_ref[...] = _ln_relu(z, g_ref, be_ref)


def _final(acc0, acc1, hs, dinv2d, b2, g2, be2):
  return pl.pallas_call(
      _final_body,
      grid=(GRID,),
      in_specs=[
          pl.BlockSpec((BM, D), lambda m: (m, 0)),
          pl.BlockSpec((BM, D), lambda m: (m, 0)),
          pl.BlockSpec((BM, D), lambda m: (m, 0)),
          pl.BlockSpec((BM, 1), lambda m: (m, 0)),
          pl.BlockSpec((D,), lambda m: (0,)),
          pl.BlockSpec((D,), lambda m: (0,)),
          pl.BlockSpec((D,), lambda m: (0,)),
      ],
      out_specs=pl.BlockSpec((BM, D), lambda m: (m, 0)),
      out_shape=jax.ShapeDtypeStruct((N, D), jnp.float32),
  )(acc0, acc1, hs, dinv2d, b2, g2, be2)


def kernel(x, edge_index, W1, b1, g1, be1, W2, b2, g2, be2):
  src = edge_index[0].reshape(NW, NCHUNK, CHUNK)
  dst = edge_index[1].reshape(NW, NCHUNK, CHUNK)
  dst_by_tile = edge_index[1].reshape(NW, NCHUNK_DEG, CHUNK_DEG)

  degp = _deg_kernel(dst_by_tile)
  deg0 = degp[0, :N].reshape(N, 1)
  deg1 = degp[1, :N].reshape(N, 1)

  hs1, dinv2d = _mm_scale(x, W1, deg0, deg1)
  a0, a1 = _edge_kernel(hs1, src, dst)
  hs2 = _mid(a0[:N], a1[:N], hs1, dinv2d, b1, g1, be1, W2)
  a0, a1 = _edge_kernel(hs2, src, dst)
  return _final(a0[:N], a1[:N], hs2, dinv2d, b2, g2, be2)

# --- scband reference (transcript-rebuilt; emitter-appended) ---
"""Pipeline reference for scband-skeleton-gnn-87780541596400 (READ-ONLY COPY).

The authoritative reference and input builder live on the scoring server;
editing this copy changes nothing except your own understanding.
"""

import jax, jax.numpy as jnp
import numpy as np

N = 10000
E = 320000
D = 128


def setup_inputs(seed: int = 0) -> dict:
    key = jax.random.key(seed)
    ks = jax.random.split(key, 12)
    x = jax.random.normal(ks[0], (N, D), dtype=jnp.float32)
    edge_index = jax.random.randint(ks[1], (2, E), 0, N, dtype=jnp.int32)
    s1 = 1.0 / np.sqrt(D)
    W1 = jax.random.uniform(ks[2], (D, D), dtype=jnp.float32, minval=-s1, maxval=s1)
    b1 = jnp.zeros((D,), dtype=jnp.float32)
    g1 = jnp.ones((D,), dtype=jnp.float32)
    be1 = jnp.zeros((D,), dtype=jnp.float32)
    W2 = jax.random.uniform(ks[3], (D, D), dtype=jnp.float32, minval=-s1, maxval=s1)
    b2 = jnp.zeros((D,), dtype=jnp.float32)
    g2 = jnp.ones((D,), dtype=jnp.float32)
    be2 = jnp.zeros((D,), dtype=jnp.float32)
    return {"x": x, "edge_index": edge_index, "W1": W1, "b1": b1, "g1": g1, "be1": be1,
            "W2": W2, "b2": b2, "g2": g2, "be2": be2}


def _gcn_conv(x, edge_index, W, b):
    n = x.shape[0]
    src = edge_index[0]
    dst = edge_index[1]
    loop = jnp.arange(n, dtype=src.dtype)
    src = jnp.concatenate([src, loop])
    dst = jnp.concatenate([dst, loop])
    deg = jnp.zeros((n,), dtype=x.dtype).at[dst].add(1.0)
    dinv = jnp.where(deg > 0, 1.0 / jnp.sqrt(deg), 0.0)
    h = x @ W
    norm = dinv[src] * dinv[dst]
    msg = h[src] * norm[:, None]
    out = jnp.zeros_like(h).at[dst].add(msg)
    return out + b


def _layernorm(x, g, b, eps=1e-5):
    mu = jnp.mean(x, axis=-1, keepdims=True)
    var = jnp.var(x, axis=-1, keepdims=True)
    return (x - mu) / jnp.sqrt(var + eps) * g + b


def reference(x, edge_index, W1, b1, g1, be1, W2, b2, g2, be2):
    h = _gcn_conv(x, edge_index, W1, b1)
    h = jax.nn.relu(_layernorm(h, g1, be1))
    # dropout is identity in eval mode
    h = _gcn_conv(h, edge_index, W2, b2)
    h = jax.nn.relu(_layernorm(h, g2, be2))
    return h

if __name__ == "__main__":
    import jax
    _d = setup_inputs()
    print(jax.jit(kernel)(*tuple(_d.values())))

</pallas_src>

<mosaic_0001>
#map = affine_map<(d0, d1) -> (0, 0, 0)>
#map1 = affine_map<(d0, d1) -> (0, 0)>
module attributes {stable_mosaic.version = 14 : i64} {
  func.func @_deg_kernel(%arg0: i32, %arg1: i32, %arg2: memref<32x125x80xi32, #tpu.memory_space<hbm>>, %arg3: memref<2x10240xf32, #tpu.memory_space<hbm>>, %arg4: memref<125x80xi32, #tpu.memory_space<vmem>>, %arg5: memref<80xf32, #tpu.memory_space<vmem>>, %arg6: memref<640xf32, #tpu.memory_space<vmem>>, %arg7: memref<10240xf32, #tpu.memory_space<vmem_shared>>) attributes {dimension_semantics = [#tpu.dimension_semantics<core_parallel>, #tpu.dimension_semantics<subcore_parallel>], iteration_bounds = array<i64: 2, 16>, scalar_prefetch = 0 : i64, scratch_operands = 4 : i64, tpu.core_type = #tpu.core_type<sc_vector_subcore>, window_params = [{transform_indices = #map}, {transform_indices = #map1}]} {
    %mul3A = arith.constant 16 : i32
    %mul3A_0 = arith.muli %arg0, %mul3A : i32
    %add3A = arith.addi %mul3A_0, %arg1 : i32
    %broadcast_in_dim3A = arith.constant 0.000000e+00 : f32
    %broadcast_in_dim3A_1 = vector.broadcast %broadcast_in_dim3A : f32 to vector<16xf32>
    %scan3A = arith.constant 0 : i32
    %scan3A_2 = arith.constant 0 : i32
    %scan3A_3 = arith.constant 40 : i32
    %scan3A_4 = arith.addi %scan3A_2, %scan3A_3 : i32
    %scan3A_5 = arith.constant 1 : i32
    %scan3A_6 = scf.for %scan3A_43 = %scan3A_2 to %scan3A_4 step %scan3A_5 iter_args(%scan3A_44 = %scan3A) -> (i32)  : i32 {
      %mul3A_45 = arith.constant 16 : i32
      %mul3A_46 = arith.muli %mul3A_45, %scan3A_43 : i32
      %swap3A_47 = arith.index_cast %mul3A_46 : i32 to index
      %swap3A_48 = tpu.vector_load %arg6[%swap3A_47] {strides = array<i32>} : memref<640xf32, #tpu.memory_space<vmem>>, vector<16xf32>,
      %swap3A_49 = vector.shape_cast %swap3A_48 : vector<16xf32> to vector<16xf32>
      %swap3A_50 = vector.shape_cast %broadcast_in_dim3A_1 : vector<16xf32> to vector<16xf32>
      tpu.vector_store %arg6[%swap3A_47], %swap3A_50 {strides = array<i32>} : memref<640xf32, #tpu.memory_space<vmem>>, vector<16xf32>,
      %scan3A_51 = arith.constant 0 : i32
      scf.yield %scan3A_51 : i32
    }
    %scan3A_7 = arith.constant 40 : i32
    %mul3A_8 = arith.constant 640 : i32
    %mul3A_9 = arith.muli %arg1, %mul3A_8 : i32
    "tpu.region"() ({
      %run_scoped3A = tpu.sem_alloc : memref<!tpu.dma_semaphore, #tpu.memory_space<semaphore_mem>>
      %dma_start3A = tpu.memref_slice %arg7[%mul3A_9] : memref<10240xf32, #tpu.memory_space<vmem_shared>> -> memref<640xf32, #tpu.memory_space<vmem_shared>>
      %dma_start3A_43 = tpu.memref_slice %arg7[%mul3A_9] : memref<10240xf32, #tpu.memory_space<vmem_shared>> -> memref<640xf32, #tpu.memory_space<vmem_shared>>
      tpu.enqueue_dma source(%arg6 : memref<640xf32, #tpu.memory_space<vmem>>) target(%dma_start3A_43 : memref<640xf32, #tpu.memory_space<vmem_shared>>) target_semaphore(%run_scoped3A : memref<!tpu.dma_semaphore, #tpu.memory_space<semaphore_mem>>)
      %dma_wait3A = tpu.memref_slice %arg7[%mul3A_9] : memref<10240xf32, #tpu.memory_space<vmem_shared>> -> memref<640xf32, #tpu.memory_space<vmem_shared>>
      %dma_wait3A_44 = tpu.memref_slice %arg7[%mul3A_9] : memref<10240xf32, #tpu.memory_space<vmem_shared>> -> memref<640xf32, #tpu.memory_space<vmem_shared>>
      tpu.wait_dma2 semaphore(%run_scoped3A : memref<!tpu.dma_semaphore, #tpu.memory_space<semaphore_mem>>) src(%arg6 : memref<640xf32, #tpu.memory_space<vmem>>) dst(%dma_wait3A_44 : memref<640xf32, #tpu.memory_space<vmem_shared>>)
      tpu.yield
    }) : () -> ()
    %broadcast_in_dim3A_10 = arith.constant 1.000000e+00 : f32
    %broadcast_in_dim3A_11 = vector.broadcast %broadcast_in_dim3A_10 : f32 to vector<16xf32>
    %swap3A = arith.constant 0 : index
    %swap3A_12 = tpu.vector_load %arg5[%swap3A] {strides = array<i32>} : memref<80xf32, #tpu.memory_space<vmem>>, vector<16xf32>,
    %swap3A_13 = vector.shape_cast %swap3A_12 : vector<16xf32> to vector<16xf32>
    %swap3A_14 = vector.shape_cast %broadcast_in_dim3A_11 : vector<16xf32> to vector<16xf32>
    tpu.vector_store %arg5[%swap3A], %swap3A_14 {strides = array<i32>} : memref<80xf32, #tpu.memory_space<vmem>>, vector<16xf32>,
    %swap3A_15 = arith.constant 16 : index
    %swap3A_16 = tpu.vector_load %arg5[%swap3A_15] {strides = array<i32>} : memref<80xf32, #tpu.memory_space<vmem>>, vector<16xf32>,
    %swap3A_17 = vector.shape_cast %swap3A_16 : vector<16xf32> to vector<16xf32>
    %swap3A_18 = vector.shape_cast %broadcast_in_dim3A_11 : vector<16xf32> to vector<16xf32>
    tpu.vector_store %arg5[%swap3A_15], %swap3A_18 {strides = array<i32>} : memref<80xf32, #tpu.memory_space<vmem>>, vector<16xf32>,
    %swap3A_19 = arith.constant 32 : index
    %swap3A_20 = tpu.vector_load %arg5[%swap3A_19] {strides = array<i32>} : memref<80xf32, #tpu.memory_space<vmem>>, vector<16xf32>,
    %swap3A_21 = vector.shape_cast %swap3A_20 : vector<16xf32> to vector<16xf32>
    %swap3A_22 = vector.shape_cast %broadcast_in_dim3A_11 : vector<16xf32> to vector<16xf32>
    tpu.vector_store %arg5[%swap3A_19], %swap3A_22 {strides = array<i32>} : memref<80xf32, #tpu.memory_space<vmem>>, vector<16xf32>,
    %swap3A_23 = arith.constant 48 : index
    %swap3A_24 = tpu.vector_load %arg5[%swap3A_23] {strides = array<i32>} : memref<80xf32, #tpu.memory_space<vmem>>, vector<16xf32>,
    %swap3A_25 = vector.shape_cast %swap3A_24 : vector<16xf32> to vector<16xf32>
    %swap3A_26 = vector.shape_cast %broadcast_in_dim3A_11 : vector<16xf32> to vector<16xf32>
    tpu.vector_store %arg5[%swap3A_23], %swap3A_26 {strides = array<i32>} : memref<80xf32, #tpu.memory_space<vmem>>, vector<16xf32>,
    %swap3A_27 = arith.constant 64 : index
    %swap3A_28 = tpu.vector_load %arg5[%swap3A_27] {strides = array<i32>} : memref<80xf32, #tpu.memory_space<vmem>>, vector<16xf32>,
    %swap3A_29 = vector.shape_cast %swap3A_28 : vector<16xf32> to vector<16xf32>
    %swap3A_30 = vector.shape_cast %broadcast_in_dim3A_11 : vector<16xf32> to vector<16xf32>
    tpu.vector_store %arg5[%swap3A_27], %swap3A_30 {strides = array<i32>} : memref<80xf32, #tpu.memory_space<vmem>>, vector<16xf32>,
    "tpu.region"() ({
      %run_scoped3A = tpu.sem_alloc : memref<!tpu.dma_semaphore, #tpu.memory_space<semaphore_mem>>
      %dma_start3A = arith.constant 0 : i32
      %dma_start3A_43 = arith.constant 0 : i32
      %dma_start3A_44 = tpu.memref_slice %arg2[%add3A, %dma_start3A, %dma_start3A_43] : memref<32x125x80xi32, #tpu.memory_space<hbm>> -> memref<1x125x80xi32, #tpu.memory_space<hbm>>
      %dma_start3A_45 = tpu.memref_squeeze %dma_start3A_44 : memref<1x125x80xi32, #tpu.memory_space<hbm>> -> memref<125x80xi32, #tpu.memory_space<hbm>>
      %dma_start3A_46 = arith.constant 0 : i32
      %dma_start3A_47 = arith.constant 0 : i32
      %dma_start3A_48 = tpu.memref_slice %arg2[%add3A, %dma_start3A_46, %dma_start3A_47] : memref<32x125x80xi32, #tpu.memory_space<hbm>> -> memref<1x125x80xi32, #tpu.memory_space<hbm>>
      %dma_start3A_49 = tpu.memref_squeeze %dma_start3A_48 : memref<1x125x80xi32, #tpu.memory_space<hbm>> -> memref<125x80xi32, #tpu.memory_space<hbm>>
      tpu.enqueue_dma source(%dma_start3A_49 : memref<125x80xi32, #tpu.memory_space<hbm>>) target(%arg4 : memref<125x80xi32, #tpu.memory_space<vmem>>) target_semaphore(%run_scoped3A : memref<!tpu.dma_semaphore, #tpu.memory_space<semaphore_mem>>)
      %dma_wait3A = arith.constant 0 : i32
      %dma_wait3A_50 = arith.constant 0 : i32
      %dma_wait3A_51 = tpu.memref_slice %arg2[%add3A, %dma_wait3A, %dma_wait3A_50] : memref<32x125x80xi32, #tpu.memory_space<hbm>> -> memref<1x125x80xi32, #tpu.memory_space<hbm>>
      %dma_wait3A_52 = tpu.memref_squeeze %dma_wait3A_51 : memref<1x125x80xi32, #tpu.memory_space<hbm>> -> memref<125x80xi32, #tpu.memory_space<hbm>>
      %dma_wait3A_53 = arith.constant 0 : i32
      %dma_wait3A_54 = arith.constant 0 : i32
      %dma_wait3A_55 = tpu.memref_slice %arg2[%add3A, %dma_wait3A_53, %dma_wait3A_54] : memref<32x125x80xi32, #tpu.memory_space<hbm>> -> memref<1x125x80xi32, #tpu.memory_space<hbm>>
      %dma_wait3A_56 = tpu.memref_squeeze %dma_wait3A_55 : memref<1x125x80xi32, #tpu.memory_space<hbm>> -> memref<125x80xi32, #tpu.memory_space<hbm>>
      tpu.wait_dma2 semaphore(%run_scoped3A : memref<!tpu.dma_semaphore, #tpu.memory_space<semaphore_mem>>) src(%dma_wait3A_56 : memref<125x80xi32, #tpu.memory_space<hbm>>) dst(%arg4 : memref<125x80xi32, #tpu.memory_space<vmem>>)
      tpu.yield
    }) : () -> ()
    %barrier3A = arith.constant 0 : index
    tpu.barrier barrier_id(%barrier3A)
    %scan3A_31 = arith.constant 0 : i32
    %scan3A_32 = arith.constant 0 : i32
    %scan3A_33 = arith.constant 125 : i32
    %scan3A_34 = arith.addi %scan3A_32, %scan3A_33 : i32
    %scan3A_35 = arith.constant 1 : i32
    %scan3A_36 = scf.for %scan3A_43 = %scan3A_32 to %scan3A_34 step %scan3A_35 iter_args(%scan3A_44 = %scan3A_31) -> (i32)  : i32 {
      "tpu.region"() ({
        %run_scoped3A = tpu.sem_alloc : memref<!tpu.dma_semaphore, #tpu.memory_space<semaphore_mem>>
        %dma_start3A = arith.constant 0 : i32
        %dma_start3A_46 = tpu.memref_slice %arg4[%scan3A_43, %dma_start3A] : memref<125x80xi32, #tpu.memory_space<vmem>> -> memref<1x80xi32, #tpu.memory_space<vmem>>
        %dma_start3A_47 = tpu.memref_squeeze %dma_start3A_46 : memref<1x80xi32, #tpu.memory_space<vmem>> -> memref<80xi32, #tpu.memory_space<vmem>>
        %dma_start3A_48 = arith.constant 0 : i32
        %dma_start3A_49 = tpu.memref_slice %arg7[%dma_start3A_48] : memref<10240xf32, #tpu.memory_space<vmem_shared>> -> memref<10240xf32, #tpu.memory_space<vmem_shared>>
        tpu.enqueue_indirect_dma source(%arg5 : memref<80xf32, #tpu.memory_space<vmem>>) target(%dma_start3A_49 : memref<10240xf32, #tpu.memory_space<vmem_shared>>) offsets(%dma_start3A_47 : memref<80xi32, #tpu.memory_space<vmem>>) semaphore(%run_scoped3A : memref<!tpu.dma_semaphore, #tpu.memory_space<semaphore_mem>>) {add = true}
        %dma_wait3A = arith.constant 0 : i32
        %dma_wait3A_50 = tpu.memref_slice %arg4[%scan3A_43, %dma_wait3A] : memref<125x80xi32, #tpu.memory_space<vmem>> -> memref<1x80xi32, #tpu.memory_space<vmem>>
        %dma_wait3A_51 = tpu.memref_squeeze %dma_wait3A_50 : memref<1x80xi32, #tpu.memory_space<vmem>> -> memref<80xi32, #tpu.memory_space<vmem>>
        %dma_wait3A_52 = arith.constant 0 : i32
        %dma_wait3A_53 = tpu.memref_slice %arg7[%dma_wait3A_52] : memref<10240xf32, #tpu.memory_space<vmem_shared>> -> memref<10240xf32, #tpu.memory_space<vmem_shared>>
        tpu.wait_indirect_dma semaphore(%run_scoped3A : memref<!tpu.dma_semaphore, #tpu.memory_space<semaphore_mem>>) src(%arg5 : memref<80xf32, #tpu.memory_space<vmem>>) dst(%dma_wait3A_53 : memref<10240xf32, #tpu.memory_space<vmem_shared>>)
        tpu.yield
      }) : () -> ()
      %scan3A_45 = arith.constant 0 : i32
      scf.yield %scan3A_45 : i32
    }
    %scan3A_37 = arith.constant 125 : i32
    %barrier3A_38 = arith.constant 0 : index
    tpu.barrier barrier_id(%barrier3A_38)
    %mul3A_39 = arith.constant 640 : i32
    %mul3A_40 = arith.muli %arg1, %mul3A_39 : i32
    "tpu.region"() ({
      %run_scoped3A = tpu.sem_alloc : memref<!tpu.dma_semaphore, #tpu.memory_space<semaphore_mem>>
      %dma_start3A = tpu.memref_slice %arg7[%mul3A_40] : memref<10240xf32, #tpu.memory_space<vmem_shared>> -> memref<640xf32, #tpu.memory_space<vmem_shared>>
      %dma_start3A_43 = tpu.memref_slice %arg7[%mul3A_40] : memref<10240xf32, #tpu.memory_space<vmem_shared>> -> memref<640xf32, #tpu.memory_space<vmem_shared>>
      tpu.enqueue_dma source(%dma_start3A_43 : memref<640xf32, #tpu.memory_space<vmem_shared>>) target(%arg6 : memref<640xf32, #tpu.memory_space<vmem>>) target_semaphore(%run_scoped3A : memref<!tpu.dma_semaphore, #tpu.memory_space<semaphore_mem>>)
      %dma_wait3A = tpu.memref_slice %arg7[%mul3A_40] : memref<10240xf32, #tpu.memory_space<vmem_shared>> -> memref<640xf32, #tpu.memory_space<vmem_shared>>
      %dma_wait3A_44 = tpu.memref_slice %arg7[%mul3A_40] : memref<10240xf32, #tpu.memory_space<vmem_shared>> -> memref<640xf32, #tpu.memory_space<vmem_shared>>
      tpu.wait_dma2 semaphore(%run_scoped3A : memref<!tpu.dma_semaphore, #tpu.memory_space<semaphore_mem>>) src(%dma_wait3A_44 : memref<640xf32, #tpu.memory_space<vmem_shared>>) dst(%arg6 : memref<640xf32, #tpu.memory_space<vmem>>)
      tpu.yield
    }) : () -> ()
    %mul3A_41 = arith.constant 640 : i32
    %mul3A_42 = arith.muli %arg1, %mul3A_41 : i32
    "tpu.region"() ({
      %run_scoped3A = tpu.sem_alloc : memref<!tpu.dma_semaphore, #tpu.memory_space<semaphore_mem>>
      %dma_start3A = tpu.memref_slice %arg3[%arg0, %mul3A_42] : memref<2x10240xf32, #tpu.memory_space<hbm>> -> memref<1x640xf32, #tpu.memory_space<hbm>>
      %dma_start3A_43 = tpu.memref_squeeze %dma_start3A : memref<1x640xf32, #tpu.memory_space<hbm>> -> memref<640xf32, #tpu.memory_space<hbm>>
      %dma_start3A_44 = tpu.memref_slice %arg3[%arg0, %mul3A_42] : memref<2x10240xf32, #tpu.memory_space<hbm>> -> memref<1x640xf32, #tpu.memory_space<hbm>>
      %dma_start3A_45 = tpu.memref_squeeze %dma_start3A_44 : memref<1x640xf32, #tpu.memory_space<hbm>> -> memref<640xf32, #tpu.memory_space<hbm>>
      tpu.enqueue_dma source(%arg6 : memref<640xf32, #tpu.memory_space<vmem>>) target(%dma_start3A_45 : memref<640xf32, #tpu.memory_space<hbm>>) target_semaphore(%run_scoped3A : memref<!tpu.dma_semaphore, #tpu.memory_space<semaphore_mem>>)
      %dma_wait3A = tpu.memref_slice %arg3[%arg0, %mul3A_42] : memref<2x10240xf32, #tpu.memory_space<hbm>> -> memref<1x640xf32, #tpu.memory_space<hbm>>
      %dma_wait3A_46 = tpu.memref_squeeze %dma_wait3A : memref<1x640xf32, #tpu.memory_space<hbm>> -> memref<640xf32, #tpu.memory_space<hbm>>
      %dma_wait3A_47 = tpu.memref_slice %arg3[%arg0, %mul3A_42] : memref<2x10240xf32, #tpu.memory_space<hbm>> -> memref<1x640xf32, #tpu.memory_space<hbm>>
      %dma_wait3A_48 = tpu.memref_squeeze %dma_wait3A_47 : memref<1x640xf32, #tpu.memory_space<hbm>> -> memref<640xf32, #tpu.memory_space<hbm>>
      tpu.wait_dma2 semaphore(%run_scoped3A : memref<!tpu.dma_semaphore, #tpu.memory_space<semaphore_mem>>) src(%arg6 : memref<640xf32, #tpu.memory_space<vmem>>) dst(%dma_wait3A_48 : memref<640xf32, #tpu.memory_space<hbm>>)
      tpu.yield
    }) : () -> ()
    return
  }
}

#map = affine_map<(d0, d1) -> (0, 0)>
#map1 = affine_map<(d0, d1) -> (0, 0, 0)>
module attributes {stable_mosaic.version = 14 : i64} {
  func.func @_edge_kernel(%arg0: i32, %arg1: i32, %arg2: memref<10000x128xf32, #tpu.memory_space<hbm>>, %arg3: memref<32x80x125xi32, #tpu.memory_space<hbm>>, %arg4: memref<32x80x125xi32, #tpu.memory_space<hbm>>, %arg5: memref<10240x128xf32, #tpu.memory_space<hbm>>, %arg6: memref<10240x128xf32, #tpu.memory_space<hbm>>, %arg7: memref<16x125xi32, #tpu.memory_space<vmem>>, %arg8: memref<16x125xi32, #tpu.memory_space<vmem>>, %arg9: memref<125x128xf32, #tpu.memory_space<vmem>>, %arg10: memref<125x128xf32, #tpu.memory_space<vmem>>, %arg11: memref<10240x128xf32, #tpu.memory_space<vmem_shared>>, %arg12: memref<!tpu.dma_semaphore, #tpu.memory_space<semaphore_mem>>, %arg13: memref<!tpu.dma_semaphore, #tpu.memory_space<semaphore_mem>>, %arg14: memref<!tpu.dma_semaphore, #tpu.memory_space<semaphore_mem>>, %arg15: memref<!tpu.dma_semaphore, #tpu.memory_space<semaphore_mem>>) attributes {dimension_semantics = [#tpu.dimension_semantics<core_parallel>, #tpu.dimension_semantics<subcore_parallel>], iteration_bounds = array<i64: 2, 16>, scalar_prefetch = 0 : i64, scratch_operands = 9 : i64, tpu.core_type = #tpu.core_type<sc_vector_subcore>, window_params = [{transform_indices = #map}, {transform_indices = #map1}, {transform_indices = #map1}, {transform_indices = #map}, {transform_indices = #map}]} {
    %mul3A = arith.constant 16 : i32
    %mul3A_0 = arith.muli %arg0, %mul3A : i32
    %add3A = arith.addi %mul3A_0, %arg1 : i32
    %broadcast_in_dim3A = arith.constant 0.000000e+00 : f32
    %broadcast_in_dim3A_1 = vector.broadcast %broadcast_in_dim3A : f32 to vector<16xf32>
    %scan3A = arith.constant 0 : i32
    %scan3A_2 = arith.constant 0 : i32
    %scan3A_3 = arith.constant 125 : i32
    %scan3A_4 = arith.addi %scan3A_2, %scan3A_3 : i32
    %scan3A_5 = arith.constant 1 : i32
    %scan3A_6 = scf.for %scan3A_157 = %scan3A_2 to %scan3A_4 step %scan3A_5 iter_args(%scan3A_158 = %scan3A) -> (i32)  : i32 {
      %swap3A = arith.index_cast %scan3A_157 : i32 to index
      %swap3A_159 = arith.constant 0 : index
      %swap3A_160 = tpu.vector_load %arg9[%swap3A, %swap3A_159] {strides = array<i32>} : memref<125x128xf32, #tpu.memory_space<vmem>>, vector<1x16xf32>,
      %swap3A_161 = vector.shape_cast %swap3A_160 : vector<1x16xf32> to vector<16xf32>
      %swap3A_162 = vector.shape_cast %broadcast_in_dim3A_1 : vector<16xf32> to vector<1x16xf32>
      tpu.vector_store %arg9[%swap3A, %swap3A_159], %swap3A_162 {strides = array<i32>} : memref<125x128xf32, #tpu.memory_space<vmem>>, vector<1x16xf32>,
      %swap3A_163 = arith.index_cast %scan3A_157 : i32 to index
      %swap3A_164 = arith.constant 16 : index
      %swap3A_165 = tpu.vector_load %arg9[%swap3A_163, %swap3A_164] {strides = array<i32>} : memref<125x128xf32, #tpu.memory_space<vmem>>, vector<1x16xf32>,
      %swap3A_166 = vector.shape_cast %swap3A_165 : vector<1x16xf32> to vector<16xf32>
      %swap3A_167 = vector.shape_cast %broadcast_in_dim3A_1 : vector<16xf32> to vector<1x16xf32>
      tpu.vector_store %arg9[%swap3A_163, %swap3A_164], %swap3A_167 {strides = array<i32>} : memref<125x128xf32, #tpu.memory_space<vmem>>, vector<1x16xf32>,
      %swap3A_168 = arith.index_cast %scan3A_157 : i32 to index
      %swap3A_169 = arith.constant 32 : index
      %swap3A_170 = tpu.vector_load %arg9[%swap3A_168, %swap3A_169] {strides = array<i32>} : memref<125x128xf32, #tpu.memory_space<vmem>>, vector<1x16xf32>,
      %swap3A_171 = vector.shape_cast %swap3A_170 : vector<1x16xf32> to vector<16xf32>
      %swap3A_172 = vector.shape_cast %broadcast_in_dim3A_1 : vector<16xf32> to vector<1x16xf32>
      tpu.vector_store %arg9[%swap3A_168, %swap3A_169], %swap3A_172 {strides = array<i32>} : memref<125x128xf32, #tpu.memory_space<vmem>>, vector<1x16xf32>,
      %swap3A_173 = arith.index_cast %scan3A_157 : i32 to index
      %swap3A_174 = arith.constant 48 : index
      %swap3A_175 = tpu.vector_load %arg9[%swap3A_173, %swap3A_174] {strides = array<i32>} : memref<125x128xf32, #tpu.memory_space<vmem>>, vector<1x16xf32>,
      %swap3A_176 = vector.shape_cast %swap3A_175 : vector<1x16xf32> to vector<16xf32>
      %swap3A_177 = vector.shape_cast %broadcast_in_dim3A_1 : vector<16xf32> to vector<1x16xf32>
      tpu.vector_store %arg9[%swap3A_173, %swap3A_174], %swap3A_177 {strides = array<i32>} : memref<125x128xf32, #tpu.memory_space<vmem>>, vector<1x16xf32>,
      %swap3A_178 = arith.index_cast %scan3A_157 : i32 to index
      %swap3A_179 = arith.constant 64 : index
      %swap3A_180 = tpu.vector_load %arg9[%swap3A_178, %swap3A_179] {strides = array<i32>} : memref<125x128xf32, #tpu.memory_space<vmem>>, vector<1x16xf32>,
      %swap3A_181 = vector.shape_cast %swap3A_180 : vector<1x16xf32> to vector<16xf32>
      %swap3A_182 = vector.shape_cast %broadcast_in_dim3A_1 : vector<16xf32> to vector<1x16xf32>
      tpu.vector_store %arg9[%swap3A_178, %swap3A_179], %swap3A_182 {strides = array<i32>} : memref<125x128xf32, #tpu.memory_space<vmem>>, vector<1x16xf32>,
      %swap3A_183 = arith.index_cast %scan3A_157 : i32 to index
      %swap3A_184 = arith.constant 80 : index
      %swap3A_185 = tpu.vector_load %arg9[%swap3A_183, %swap3A_184] {strides = array<i32>} : memref<125x128xf32, #tpu.memory_space<vmem>>, vector<1x16xf32>,
      %swap3A_186 = vector.shape_cast %swap3A_185 : vector<1x16xf32> to vector<16xf32>
      %swap3A_187 = vector.shape_cast %broadcast_in_dim3A_1 : vector<16xf32> to vector<1x16xf32>
      tpu.vector_store %arg9[%swap3A_183, %swap3A_184], %swap3A_187 {strides = array<i32>} : memref<125x128xf32, #tpu.memory_space<vmem>>, vector<1x16xf32>,
      %swap3A_188 = arith.index_cast %scan3A_157 : i32 to index
      %swap3A_189 = arith.constant 96 : index
      %swap3A_190 = tpu.vector_load %arg9[%swap3A_188, %swap3A_189] {strides = array<i32>} : memref<125x128xf32, #tpu.memory_space<vmem>>, vector<1x16xf32>,
      %swap3A_191 = vector.shape_cast %swap3A_190 : vector<1x16xf32> to vector<16xf32>
      %swap3A_192 = vector.shape_cast %broadcast_in_dim3A_1 : vector<16xf32> to vector<1x16xf32>
      tpu.vector_store %arg9[%swap3A_188, %swap3A_189], %swap3A_192 {strides = array<i32>} : memref<125x128xf32, #tpu.memory_space<vmem>>, vector<1x16xf32>,
      %swap3A_193 = arith.index_cast %scan3A_157 : i32 to index
      %swap3A_194 = arith.constant 112 : index
      %swap3A_195 = tpu.vector_load %arg9[%swap3A_193, %swap3A_194] {strides = array<i32>} : memref<125x128xf32, #tpu.memory_space<vmem>>, vector<1x16xf32>,
      %swap3A_196 = vector.shape_cast %swap3A_195 : vector<1x16xf32> to vector<16xf32>
      %swap3A_197 = vector.shape_cast %broadcast_in_dim3A_1 : vector<16xf32> to vector<1x16xf32>
      tpu.vector_store %arg9[%swap3A_193, %swap3A_194], %swap3A_197 {strides = array<i32>} : memref<125x128xf32, #tpu.memory_space<vmem>>, vector<1x16xf32>,
      %scan3A_198 = arith.constant 0 : i32
      scf.yield %scan3A_198 : i32
    }
    %scan3A_7 = arith.constant 125 : i32
    %mul3A_8 = arith.constant 640 : i32
    %mul3A_9 = arith.muli %arg1, %mul3A_8 : i32
    %add3A_10 = arith.constant 0 : i32
    %add3A_11 = arith.addi %mul3A_9, %add3A_10 : i32
    "tpu.region"() ({
      %run_scoped3A = tpu.sem_alloc : memref<!tpu.dma_semaphore, #tpu.memory_space<semaphore_mem>>
      %dma_start3A = arith.constant 0 : i32
      %dma_start3A_157 = arith.constant 0 : i32
      %dma_start3A_158 = tpu.memref_slice %arg9[%dma_start3A, %dma_start3A_157] : memref<125x128xf32, #tpu.memory_space<vmem>> -> memref<80x128xf32, #tpu.memory_space<vmem>>
      %dma_start3A_159 = arith.constant 0 : i32
      %dma_start3A_160 = tpu.memref_slice %arg11[%add3A_11, %dma_start3A_159] : memref<10240x128xf32, #tpu.memory_space<vmem_shared>> -> memref<80x128xf32, #tpu.memory_space<vmem_shared>>
      %dma_start3A_161 = arith.constant 0 : i32
      %dma_start3A_162 = tpu.memref_slice %arg11[%add3A_11, %dma_start3A_161] : memref<10240x128xf32, #tpu.memory_space<vmem_shared>> -> memref<80x128xf32, #tpu.memory_space<vmem_shared>>
      %dma_start3A_163 = arith.constant 0 : i32
      %dma_start3A_164 = arith.constant 0 : i32
      %dma_start3A_165 = tpu.memref_slice %arg9[%dma_start3A_163, %dma_start3A_164] : memref<125x128xf32, #tpu.memory_space<vmem>> -> memref<80x128xf32, #tpu.memory_space<vmem>>
      tpu.enqueue_dma source(%dma_start3A_165 : memref<80x128xf32, #tpu.memory_space<vmem>>) target(%dma_start3A_162 : memref<80x128xf32, #tpu.memory_space<vmem_shared>>) target_semaphore(%run_scoped3A : memref<!tpu.dma_semaphore, #tpu.memory_space<semaphore_mem>>)
      %dma_wait3A = arith.constant 0 : i32
      %dma_wait3A_166 = arith.constant 0 : i32
      %dma_wait3A_167 = tpu.memref_slice %arg9[%dma_wait3A, %dma_wait3A_166] : memref<125x128xf32, #tpu.memory_space<vmem>> -> memref<80x128xf32, #tpu.memory_space<vmem>>
      %dma_wait3A_168 = arith.constant 0 : i32
      %dma_wait3A_169 = tpu.memref_slice %arg11[%add3A_11, %dma_wait3A_168] : memref<10240x128xf32, #tpu.memory_space<vmem_shared>> -> memref<80x128xf32, #tpu.memory_space<vmem_shared>>
      %dma_wait3A_170 = arith.constant 0 : i32
      %dma_wait3A_171 = tpu.memref_slice %arg11[%add3A_11, %dma_wait3A_170] : memref<10240x128xf32, #tpu.memory_space<vmem_shared>> -> memref<80x128xf32, #tpu.memory_space<vmem_shared>>
      %dma_wait3A_172 = arith.constant 0 : i32
      %dma_wait3A_173 = arith.constant 0 : i32
      %dma_wait3A_174 = tpu.memref_slice %arg9[%dma_wait3A_172, %dma_wait3A_173] : memref<125x128xf32, #tpu.memory_space<vmem>> -> memref<80x128xf32, #tpu.memory_space<vmem>>
      tpu.wait_dma2 semaphore(%run_scoped3A : memref<!tpu.dma_semaphore, #tpu.memory_space<semaphore_mem>>) src(%dma_wait3A_174 : memref<80x128xf32, #tpu.memory_space<vmem>>) dst(%dma_wait3A_171 : memref<80x128xf32, #tpu.memory_space<vmem_shared>>)
      tpu.yield
    }) : () -> ()
    %mul3A_12 = arith.constant 640 : i32
    %mul3A_13 = arith.muli %arg1, %mul3A_12 : i32
    %add3A_14 = arith.constant 80 : i32
    %add3A_15 = arith.addi %mul3A_13, %add3A_14 : i32
    "tpu.region"() ({
      %run_scoped3A = tpu.sem_alloc : memref<!tpu.dma_semaphore, #tpu.memory_space<semaphore_mem>>
      %dma_start3A = arith.constant 0 : i32
      %dma_start3A_157 = arith.constant 0 : i32
      %dma_start3A_158 = tpu.memref_slice %arg9[%dma_start3A, %dma_start3A_157] : memref<125x128xf32, #tpu.memory_space<vmem>> -> memref<80x128xf32, #tpu.memory_space<vmem>>
      %dma_start3A_159 = arith.constant 0 : i32
      %dma_start3A_160 = tpu.memref_slice %arg11[%add3A_15, %dma_start3A_159] : memref<10240x128xf32, #tpu.memory_space<vmem_shared>> -> memref<80x128xf32, #tpu.memory_space<vmem_shared>>
      %dma_start3A_161 = arith.constant 0 : i32
      %dma_start3A_162 = tpu.memref_slice %arg11[%add3A_15, %dma_start3A_161] : memref<10240x128xf32, #tpu.memory_space<vmem_shared>> -> memref<80x128xf32, #tpu.memory_space<vmem_shared>>
      %dma_start3A_163 = arith.constant 0 : i32
      %dma_start3A_164 = arith.constant 0 : i32
      %dma_start3A_165 = tpu.memref_slice %arg9[%dma_start3A_163, %dma_start3A_164] : memref<125x128xf32, #tpu.memory_space<vmem>> -> memref<80x128xf32, #tpu.memory_space<vmem>>
      tpu.enqueue_dma source(%dma_start3A_165 : memref<80x128xf32, #tpu.memory_space<vmem>>) target(%dma_start3A_162 : memref<80x128xf32, #tpu.memory_space<vmem_shared>>) target_semaphore(%run_scoped3A : memref<!tpu.dma_semaphore, #tpu.memory_space<semaphore_mem>>)
      %dma_wait3A = arith.constant 0 : i32
      %dma_wait3A_166 = arith.constant 0 : i32
      %dma_wait3A_167 = tpu.memref_slice %arg9[%dma_wait3A, %dma_wait3A_166] : memref<125x128xf32, #tpu.memory_space<vmem>> -> memref<80x128xf32, #tpu.memory_space<vmem>>
      %dma_wait3A_168 = arith.constant 0 : i32
      %dma_wait3A_169 = tpu.memref_slice %arg11[%add3A_15, %dma_wait3A_168] : memref<10240x128xf32, #tpu.memory_space<vmem_shared>> -> memref<80x128xf32, #tpu.memory_space<vmem_shared>>
      %dma_wait3A_170 = arith.constant 0 : i32
      %dma_wait3A_171 = tpu.memref_slice %arg11[%add3A_15, %dma_wait3A_170] : memref<10240x128xf32, #tpu.memory_space<vmem_shared>> -> memref<80x128xf32, #tpu.memory_space<vmem_shared>>
      %dma_wait3A_172 = arith.constant 0 : i32
      %dma_wait3A_173 = arith.constant 0 : i32
      %dma_wait3A_174 = tpu.memref_slice %arg9[%dma_wait3A_172, %dma_wait3A_173] : memref<125x128xf32, #tpu.memory_space<vmem>> -> memref<80x128xf32, #tpu.memory_space<vmem>>
      tpu.wait_dma2 semaphore(%run_scoped3A : memref<!tpu.dma_semaphore, #tpu.memory_space<semaphore_mem>>) src(%dma_wait3A_174 : memref<80x128xf32, #tpu.memory_space<vmem>>) dst(%dma_wait3A_171 : memref<80x128xf32, #tpu.memory_space<vmem_shared>>)
      tpu.yield
    }) : () -> ()
    %mul3A_16 = arith.constant 640 : i32
    %mul3A_17 = arith.muli %arg1, %mul3A_16 : i32
    %add3A_18 = arith.constant 160 : i32
    %add3A_19 = arith.addi %mul3A_17, %add3A_18 : i32
    "tpu.region"() ({
      %run_scoped3A = tpu.sem_alloc : memref<!tpu.dma_semaphore, #tpu.memory_space<semaphore_mem>>
      %dma_start3A = arith.constant 0 : i32
      %dma_start3A_157 = arith.constant 0 : i32
      %dma_start3A_158 = tpu.memref_slice %arg9[%dma_start3A, %dma_start3A_157] : memref<125x128xf32, #tpu.memory_space<vmem>> -> memref<80x128xf32, #tpu.memory_space<vmem>>
      %dma_start3A_159 = arith.constant 0 : i32
      %dma_start3A_160 = tpu.memref_slice %arg11[%add3A_19, %dma_start3A_159] : memref<10240x128xf32, #tpu.memory_space<vmem_shared>> -> memref<80x128xf32, #tpu.memory_space<vmem_shared>>
      %dma_start3A_161 = arith.constant 0 : i32
      %dma_start3A_162 = tpu.memref_slice %arg11[%add3A_19, %dma_start3A_161] : memref<10240x128xf32, #tpu.memory_space<vmem_shared>> -> memref<80x128xf32, #tpu.memory_space<vmem_shared>>
      %dma_start3A_163 = arith.constant 0 : i32
      %dma_start3A_164 = arith.constant 0 : i32
      %dma_start3A_165 = tpu.memref_slice %arg9[%dma_start3A_163, %dma_start3A_164] : memref<125x128xf32, #tpu.memory_space<vmem>> -> memref<80x128xf32, #tpu.memory_space<vmem>>
      tpu.enqueue_dma source(%dma_start3A_165 : memref<80x128xf32, #tpu.memory_space<vmem>>) target(%dma_start3A_162 : memref<80x128xf32, #tpu.memory_space<vmem_shared>>) target_semaphore(%run_scoped3A : memref<!tpu.dma_semaphore, #tpu.memory_space<semaphore_mem>>)
      %dma_wait3A = arith.constant 0 : i32
      %dma_wait3A_166 = arith.constant 0 : i32
      %dma_wait3A_167 = tpu.memref_slice %arg9[%dma_wait3A, %dma_wait3A_166] : memref<125x128xf32, #tpu.memory_space<vmem>> -> memref<80x128xf32, #tpu.memory_space<vmem>>
      %dma_wait3A_168 = arith.constant 0 : i32
      %dma_wait3A_169 = tpu.memref_slice %arg11[%add3A_19, %dma_wait3A_168] : memref<10240x128xf32, #tpu.memory_space<vmem_shared>> -> memref<80x128xf32, #tpu.memory_space<vmem_shared>>
      %dma_wait3A_170 = arith.constant 0 : i32
      %dma_wait3A_171 = tpu.memref_slice %arg11[%add3A_19, %dma_wait3A_170] : memref<10240x128xf32, #tpu.memory_space<vmem_shared>> -> memref<80x128xf32, #tpu.memory_space<vmem_shared>>
      %dma_wait3A_172 = arith.constant 0 : i32
      %dma_wait3A_173 = arith.constant 0 : i32
      %dma_wait3A_174 = tpu.memref_slice %arg9[%dma_wait3A_172, %dma_wait3A_173] : memref<125x128xf32, #tpu.memory_space<vmem>> -> memref<80x128xf32, #tpu.memory_space<vmem>>
      tpu.wait_dma2 semaphore(%run_scoped3A : memref<!tpu.dma_semaphore, #tpu.memory_space<semaphore_mem>>) src(%dma_wait3A_174 : memref<80x128xf32, #tpu.memory_space<vmem>>) dst(%dma_wait3A_171 : memref<80x128xf32, #tpu.memory_space<vmem_shared>>)
      tpu.yield
    }) : () -> ()
    %mul3A_20 = arith.constant 640 : i32
    %mul3A_21 = arith.muli %arg1, %mul3A_20 : i32
    %add3A_22 = arith.constant 240 : i32
    %add3A_23 = arith.addi %mul3A_21, %add3A_22 : i32
    "tpu.region"() ({
      %run_scoped3A = tpu.sem_alloc : memref<!tpu.dma_semaphore, #tpu.memory_space<semaphore_mem>>
      %dma_start3A = arith.constant 0 : i32
      %dma_start3A_157 = arith.constant 0 : i32
      %dma_start3A_158 = tpu.memref_slice %arg9[%dma_start3A, %dma_start3A_157] : memref<125x128xf32, #tpu.memory_space<vmem>> -> memref<80x128xf32, #tpu.memory_space<vmem>>
      %dma_start3A_159 = arith.constant 0 : i32
      %dma_start3A_160 = tpu.memref_slice %arg11[%add3A_23, %dma_start3A_159] : memref<10240x128xf32, #tpu.memory_space<vmem_shared>> -> memref<80x128xf32, #tpu.memory_space<vmem_shared>>
      %dma_start3A_161 = arith.constant 0 : i32
      %dma_start3A_162 = tpu.memref_slice %arg11[%add3A_23, %dma_start3A_161] : memref<10240x128xf32, #tpu.memory_space<vmem_shared>> -> memref<80x128xf32, #tpu.memory_space<vmem_shared>>
      %dma_start3A_163 = arith.constant 0 : i32
      %dma_start3A_164 = arith.constant 0 : i32
      %dma_start3A_165 = tpu.memref_slice %arg9[%dma_start3A_163, %dma_start3A_164] : memref<125x128xf32, #tpu.memory_space<vmem>> -> memref<80x128xf32, #tpu.memory_space<vmem>>
      tpu.enqueue_dma source(%dma_start3A_165 : memref<80x128xf32, #tpu.memory_space<vmem>>) target(%dma_start3A_162 : memref<80x128xf32, #tpu.memory_space<vmem_shared>>) target_semaphore(%run_scoped3A : memref<!tpu.dma_semaphore, #tpu.memory_space<semaphore_mem>>)
      %dma_wait3A = arith.constant 0 : i32
      %dma_wait3A_166 = arith.constant 0 : i32
      %dma_wait3A_167 = tpu.memref_slice %arg9[%dma_wait3A, %dma_wait3A_166] : memref<125x128xf32, #tpu.memory_space<vmem>> -> memref<80x128xf32, #tpu.memory_space<vmem>>
      %dma_wait3A_168 = arith.constant 0 : i32
      %dma_wait3A_169 = tpu.memref_slice %arg11[%add3A_23, %dma_wait3A_168] : memref<10240x128xf32, #tpu.memory_space<vmem_shared>> -> memref<80x128xf32, #tpu.memory_space<vmem_shared>>
      %dma_wait3A_170 = arith.constant 0 : i32
      %dma_wait3A_171 = tpu.memref_slice %arg11[%add3A_23, %dma_wait3A_170] : memref<10240x128xf32, #tpu.memory_space<vmem_shared>> -> memref<80x128xf32, #tpu.memory_space<vmem_shared>>
      %dma_wait3A_172 = arith.constant 0 : i32
      %dma_wait3A_173 = arith.constant 0 : i32
      %dma_wait3A_174 = tpu.memref_slice %arg9[%dma_wait3A_172, %dma_wait3A_173] : memref<125x128xf32, #tpu.memory_space<vmem>> -> memref<80x128xf32, #tpu.memory_space<vmem>>
      tpu.wait_dma2 semaphore(%run_scoped3A : memref<!tpu.dma_semaphore, #tpu.memory_space<semaphore_mem>>) src(%dma_wait3A_174 : memref<80x128xf32, #tpu.memory_space<vmem>>) dst(%dma_wait3A_171 : memref<80x128xf32, #tpu.memory_space<vmem_shared>>)
      tpu.yield
    }) : () -> ()
    %mul3A_24 = arith.constant 640 : i32
    %mul3A_25 = arith.muli %arg1, %mul3A_24 : i32
    %add3A_26 = arith.constant 320 : i32
    %add3A_27 = arith.addi %mul3A_25, %add3A_26 : i32
    "tpu.region"() ({
      %run_scoped3A = tpu.sem_alloc : memref<!tpu.dma_semaphore, #tpu.memory_space<semaphore_mem>>
      %dma_start3A = arith.constant 0 : i32
      %dma_start3A_157 = arith.constant 0 : i32
      %dma_start3A_158 = tpu.memref_slice %arg9[%dma_start3A, %dma_start3A_157] : memref<125x128xf32, #tpu.memory_space<vmem>> -> memref<80x128xf32, #tpu.memory_space<vmem>>
      %dma_start3A_159 = arith.constant 0 : i32
      %dma_start3A_160 = tpu.memref_slice %arg11[%add3A_27, %dma_start3A_159] : memref<10240x128xf32, #tpu.memory_space<vmem_shared>> -> memref<80x128xf32, #tpu.memory_space<vmem_shared>>
      %dma_start3A_161 = arith.constant 0 : i32
      %dma_start3A_162 = tpu.memref_slice %arg11[%add3A_27, %dma_start3A_161] : memref<10240x128xf32, #tpu.memory_space<vmem_shared>> -> memref<80x128xf32, #tpu.memory_space<vmem_shared>>
      %dma_start3A_163 = arith.constant 0 : i32
      %dma_start3A_164 = arith.constant 0 : i32
      %dma_start3A_165 = tpu.memref_slice %arg9[%dma_start3A_163, %dma_start3A_164] : memref<125x128xf32, #tpu.memory_space<vmem>> -> memref<80x128xf32, #tpu.memory_space<vmem>>
      tpu.enqueue_dma source(%dma_start3A_165 : memref<80x128xf32, #tpu.memory_space<vmem>>) target(%dma_start3A_162 : memref<80x128xf32, #tpu.memory_space<vmem_shared>>) target_semaphore(%run_scoped3A : memref<!tpu.dma_semaphore, #tpu.memory_space<semaphore_mem>>)
      %dma_wait3A = arith.constant 0 : i32
      %dma_wait3A_166 = arith.constant 0 : i32
      %dma_wait3A_167 = tpu.memref_slice %arg9[%dma_wait3A, %dma_wait3A_166] : memref<125x128xf32, #tpu.memory_space<vmem>> -> memref<80x128xf32, #tpu.memory_space<vmem>>
      %dma_wait3A_168 = arith.constant 0 : i32
      %dma_wait3A_169 = tpu.memref_slice %arg11[%add3A_27, %dma_wait3A_168] : memref<10240x128xf32, #tpu.memory_space<vmem_shared>> -> memref<80x128xf32, #tpu.memory_space<vmem_shared>>
      %dma_wait3A_170 = arith.constant 0 : i32
      %dma_wait3A_171 = tpu.memref_slice %arg11[%add3A_27, %dma_wait3A_170] : memref<10240x128xf32, #tpu.memory_space<vmem_shared>> -> memref<80x128xf32, #tpu.memory_space<vmem_shared>>
      %dma_wait3A_172 = arith.constant 0 : i32
      %dma_wait3A_173 = arith.constant 0 : i32
      %dma_wait3A_174 = tpu.memref_slice %arg9[%dma_wait3A_172, %dma_wait3A_173] : memref<125x128xf32, #tpu.memory_space<vmem>> -> memref<80x128xf32, #tpu.memory_space<vmem>>
      tpu.wait_dma2 semaphore(%run_scoped3A : memref<!tpu.dma_semaphore, #tpu.memory_space<semaphore_mem>>) src(%dma_wait3A_174 : memref<80x128xf32, #tpu.memory_space<vmem>>) dst(%dma_wait3A_171 : memref<80x128xf32, #tpu.memory_space<vmem_shared>>)
      tpu.yield
    }) : () -> ()
    %mul3A_28 = arith.constant 640 : i32
    %mul3A_29 = arith.muli %arg1, %mul3A_28 : i32
    %add3A_30 = arith.constant 400 : i32
    %add3A_31 = arith.addi %mul3A_29, %add3A_30 : i32
    "tpu.region"() ({
      %run_scoped3A = tpu.sem_alloc : memref<!tpu.dma_semaphore, #tpu.memory_space<semaphore_mem>>
      %dma_start3A = arith.constant 0 : i32
      %dma_start3A_157 = arith.constant 0 : i32
      %dma_start3A_158 = tpu.memref_slice %arg9[%dma_start3A, %dma_start3A_157] : memref<125x128xf32, #tpu.memory_space<vmem>> -> memref<80x128xf32, #tpu.memory_space<vmem>>
      %dma_start3A_159 = arith.constant 0 : i32
      %dma_start3A_160 = tpu.memref_slice %arg11[%add3A_31, %dma_start3A_159] : memref<10240x128xf32, #tpu.memory_space<vmem_shared>> -> memref<80x128xf32, #tpu.memory_space<vmem_shared>>
      %dma_start3A_161 = arith.constant 0 : i32
      %dma_start3A_162 = tpu.memref_slice %arg11[%add3A_31, %dma_start3A_161] : memref<10240x128xf32, #tpu.memory_space<vmem_shared>> -> memref<80x128xf32, #tpu.memory_space<vmem_shared>>
      %dma_start3A_163 = arith.constant 0 : i32
      %dma_start3A_164 = arith.constant 0 : i32
      %dma_start3A_165 = tpu.memref_slice %arg9[%dma_start3A_163, %dma_start3A_164] : memref<125x128xf32, #tpu.memory_space<vmem>> -> memref<80x128xf32, #tpu.memory_space<vmem>>
      tpu.enqueue_dma source(%dma_start3A_165 : memref<80x128xf32, #tpu.memory_space<vmem>>) target(%dma_start3A_162 : memref<80x128xf32, #tpu.memory_space<vmem_shared>>) target_semaphore(%run_scoped3A : memref<!tpu.dma_semaphore, #tpu.memory_space<semaphore_mem>>)
      %dma_wait3A = arith.constant 0 : i32
      %dma_wait3A_166 = arith.constant 0 : i32
      %dma_wait3A_167 = tpu.memref_slice %arg9[%dma_wait3A, %dma_wait3A_166] : memref<125x128xf32, #tpu.memory_space<vmem>> -> memref<80x128xf32, #tpu.memory_space<vmem>>
      %dma_wait3A_168 = arith.constant 0 : i32
      %dma_wait3A_169 = tpu.memref_slice %arg11[%add3A_31, %dma_wait3A_168] : memref<10240x128xf32, #tpu.memory_space<vmem_shared>> -> memref<80x128xf32, #tpu.memory_space<vmem_shared>>
      %dma_wait3A_170 = arith.constant 0 : i32
      %dma_wait3A_171 = tpu.memref_slice %arg11[%add3A_31, %dma_wait3A_170] : memref<10240x128xf32, #tpu.memory_space<vmem_shared>> -> memref<80x128xf32, #tpu.memory_space<vmem_shared>>
      %dma_wait3A_172 = arith.constant 0 : i32
      %dma_wait3A_173 = arith.constant 0 : i32
      %dma_wait3A_174 = tpu.memref_slice %arg9[%dma_wait3A_172, %dma_wait3A_173] : memref<125x128xf32, #tpu.memory_space<vmem>> -> memref<80x128xf32, #tpu.memory_space<vmem>>
      tpu.wait_dma2 semaphore(%run_scoped3A : memref<!tpu.dma_semaphore, #tpu.memory_space<semaphore_mem>>) src(%dma_wait3A_174 : memref<80x128xf32, #tpu.memory_space<vmem>>) dst(%dma_wait3A_171 : memref<80x128xf32, #tpu.memory_space<vmem_shared>>)
      tpu.yield
    }) : () -> ()
    %mul3A_32 = arith.constant 640 : i32
    %mul3A_33 = arith.muli %arg1, %mul3A_32 : i32
    %add3A_34 = arith.constant 480 : i32
    %add3A_35 = arith.addi %mul3A_33, %add3A_34 : i32
    "tpu.region"() ({
      %run_scoped3A = tpu.sem_alloc : memref<!tpu.dma_semaphore, #tpu.memory_space<semaphore_mem>>
      %dma_start3A = arith.constant 0 : i32
      %dma_start3A_157 = arith.constant 0 : i32
      %dma_start3A_158 = tpu.memref_slice %arg9[%dma_start3A, %dma_start3A_157] : memref<125x128xf32, #tpu.memory_space<vmem>> -> memref<80x128xf32, #tpu.memory_space<vmem>>
      %dma_start3A_159 = arith.constant 0 : i32
      %dma_start3A_160 = tpu.memref_slice %arg11[%add3A_35, %dma_start3A_159] : memref<10240x128xf32, #tpu.memory_space<vmem_shared>> -> memref<80x128xf32, #tpu.memory_space<vmem_shared>>
      %dma_start3A_161 = arith.constant 0 : i32
      %dma_start3A_162 = tpu.memref_slice %arg11[%add3A_35, %dma_start3A_161] : memref<10240x128xf32, #tpu.memory_space<vmem_shared>> -> memref<80x128xf32, #tpu.memory_space<vmem_shared>>
      %dma_start3A_163 = arith.constant 0 : i32
      %dma_start3A_164 = arith.constant 0 : i32
      %dma_start3A_165 = tpu.memref_slice %arg9[%dma_start3A_163, %dma_start3A_164] : memref<125x128xf32, #tpu.memory_space<vmem>> -> memref<80x128xf32, #tpu.memory_space<vmem>>
      tpu.enqueue_dma source(%dma_start3A_165 : memref<80x128xf32, #tpu.memory_space<vmem>>) target(%dma_start3A_162 : memref<80x128xf32, #tpu.memory_space<vmem_shared>>) target_semaphore(%run_scoped3A : memref<!tpu.dma_semaphore, #tpu.memory_space<semaphore_mem>>)
      %dma_wait3A = arith.constant 0 : i32
      %dma_wait3A_166 = arith.constant 0 : i32
      %dma_wait3A_167 = tpu.memref_slice %arg9[%dma_wait3A, %dma_wait3A_166] : memref<125x128xf32, #tpu.memory_space<vmem>> -> memref<80x128xf32, #tpu.memory_space<vmem>>
      %dma_wait3A_168 = arith.constant 0 : i32
      %dma_wait3A_169 = tpu.memref_slice %arg11[%add3A_35, %dma_wait3A_168] : memref<10240x128xf32, #tpu.memory_space<vmem_shared>> -> memref<80x128xf32, #tpu.memory_space<vmem_shared>>
      %dma_wait3A_170 = arith.constant 0 : i32
      %dma_wait3A_171 = tpu.memref_slice %arg11[%add3A_35, %dma_wait3A_170] : memref<10240x128xf32, #tpu.memory_space<vmem_shared>> -> memref<80x128xf32, #tpu.memory_space<vmem_shared>>
      %dma_wait3A_172 = arith.constant 0 : i32
      %dma_wait3A_173 = arith.constant 0 : i32
      %dma_wait3A_174 = tpu.memref_slice %arg9[%dma_wait3A_172, %dma_wait3A_173] : memref<125x128xf32, #tpu.memory_space<vmem>> -> memref<80x128xf32, #tpu.memory_space<vmem>>
      tpu.wait_dma2 semaphore(%run_scoped3A : memref<!tpu.dma_semaphore, #tpu.memory_space<semaphore_mem>>) src(%dma_wait3A_174 : memref<80x128xf32, #tpu.memory_space<vmem>>) dst(%dma_wait3A_171 : memref<80x128xf32, #tpu.memory_space<vmem_shared>>)
      tpu.yield
    }) : () -> ()
    %mul3A_36 = arith.constant 640 : i32
    %mul3A_37 = arith.muli %arg1, %mul3A_36 : i32
    %add3A_38 = arith.constant 560 : i32
    %add3A_39 = arith.addi %mul3A_37, %add3A_38 : i32
    "tpu.region"() ({
      %run_scoped3A = tpu.sem_alloc : memref<!tpu.dma_semaphore, #tpu.memory_space<semaphore_mem>>
      %dma_start3A = arith.constant 0 : i32
      %dma_start3A_157 = arith.constant 0 : i32
      %dma_start3A_158 = tpu.memref_slice %arg9[%dma_start3A, %dma_start3A_157] : memref<125x128xf32, #tpu.memory_space<vmem>> -> memref<80x128xf32, #tpu.memory_space<vmem>>
      %dma_start3A_159 = arith.constant 0 : i32
      %dma_start3A_160 = tpu.memref_slice %arg11[%add3A_39, %dma_start3A_159] : memref<10240x128xf32, #tpu.memory_space<vmem_shared>> -> memref<80x128xf32, #tpu.memory_space<vmem_shared>>
      %dma_start3A_161 = arith.constant 0 : i32
      %dma_start3A_162 = tpu.memref_slice %arg11[%add3A_39, %dma_start3A_161] : memref<10240x128xf32, #tpu.memory_space<vmem_shared>> -> memref<80x128xf32, #tpu.memory_space<vmem_shared>>
      %dma_start3A_163 = arith.constant 0 : i32
      %dma_start3A_164 = arith.constant 0 : i32
      %dma_start3A_165 = tpu.memref_slice %arg9[%dma_start3A_163, %dma_start3A_164] : memref<125x128xf32, #tpu.memory_space<vmem>> -> memref<80x128xf32, #tpu.memory_space<vmem>>
      tpu.enqueue_dma source(%dma_start3A_165 : memref<80x128xf32, #tpu.memory_space<vmem>>) target(%dma_start3A_162 : memref<80x128xf32, #tpu.memory_space<vmem_shared>>) target_semaphore(%run_scoped3A : memref<!tpu.dma_semaphore, #tpu.memory_space<semaphore_mem>>)
      %dma_wait3A = arith.constant 0 : i32
      %dma_wait3A_166 = arith.constant 0 : i32
      %dma_wait3A_167 = tpu.memref_slice %arg9[%dma_wait3A, %dma_wait3A_166] : memref<125x128xf32, #tpu.memory_space<vmem>> -> memref<80x128xf32, #tpu.memory_space<vmem>>
      %dma_wait3A_168 = arith.constant 0 : i32
      %dma_wait3A_169 = tpu.memref_slice %arg11[%add3A_39, %dma_wait3A_168] : memref<10240x128xf32, #tpu.memory_space<vmem_shared>> -> memref<80x128xf32, #tpu.memory_space<vmem_shared>>
      %dma_wait3A_170 = arith.constant 0 : i32
      %dma_wait3A_171 = tpu.memref_slice %arg11[%add3A_39, %dma_wait3A_170] : memref<10240x128xf32, #tpu.memory_space<vmem_shared>> -> memref<80x128xf32, #tpu.memory_space<vmem_shared>>
      %dma_wait3A_172 = arith.constant 0 : i32
      %dma_wait3A_173 = arith.constant 0 : i32
      %dma_wait3A_174 = tpu.memref_slice %arg9[%dma_wait3A_172, %dma_wait3A_173] : memref<125x128xf32, #tpu.memory_space<vmem>> -> memref<80x128xf32, #tpu.memory_space<vmem>>
      tpu.wait_dma2 semaphore(%run_scoped3A : memref<!tpu.dma_semaphore, #tpu.memory_space<semaphore_mem>>) src(%dma_wait3A_174 : memref<80x128xf32, #tpu.memory_space<vmem>>) dst(%dma_wait3A_171 : memref<80x128xf32, #tpu.memory_space<vmem_shared>>)
      tpu.yield
    }) : () -> ()
    %barrier3A = arith.constant 0 : index
    tpu.barrier barrier_id(%barrier3A)
    %scan3A_40 = arith.constant 0 : i32
    %scan3A_41 = arith.constant 0 : i32
    %scan3A_42 = arith.constant 5 : i32
    %scan3A_43 = arith.addi %scan3A_41, %scan3A_42 : i32
    %scan3A_44 = arith.constant 1 : i32
    %scan3A_45 = scf.for %scan3A_157 = %scan3A_41 to %scan3A_43 step %scan3A_44 iter_args(%scan3A_158 = %scan3A_40) -> (i32)  : i32 {
      %mul3A_159 = arith.constant 16 : i32
      %mul3A_160 = arith.muli %scan3A_157, %mul3A_159 : i32
      "tpu.region"() ({
        %run_scoped3A = tpu.sem_alloc : memref<!tpu.dma_semaphore, #tpu.memory_space<semaphore_mem>>
        %dma_start3A_184 = arith.constant 0 : i32
        %dma_start3A_185 = tpu.memref_slice %arg3[%add3A, %mul3A_160, %dma_start3A_184] : memref<32x80x125xi32, #tpu.memory_space<hbm>> -> memref<1x16x125xi32, #tpu.memory_space<hbm>>
        %dma_start3A_186 = tpu.memref_squeeze %dma_start3A_185 : memref<1x16x125xi32, #tpu.memory_space<hbm>> -> memref<16x125xi32, #tpu.memory_space<hbm>>
        %dma_start3A_187 = arith.constant 0 : i32
        %dma_start3A_188 = tpu.memref_slice %arg3[%add3A, %mul3A_160, %dma_start3A_187] : memref<32x80x125xi32, #tpu.memory_space<hbm>> -> memref<1x16x125xi32, #tpu.memory_space<hbm>>
        %dma_start3A_189 = tpu.memref_squeeze %dma_start3A_188 : memref<1x16x125xi32, #tpu.memory_space<hbm>> -> memref<16x125xi32, #tpu.memory_space<hbm>>
        tpu.enqueue_dma source(%dma_start3A_189 : memref<16x125xi32, #tpu.memory_space<hbm>>) target(%arg7 : memref<16x125xi32, #tpu.memory_space<vmem>>) target_semaphore(%run_scoped3A : memref<!tpu.dma_semaphore, #tpu.memory_space<semaphore_mem>>)
        %dma_wait3A = arith.constant 0 : i32
        %dma_wait3A_190 = tpu.memref_slice %arg3[%add3A, %mul3A_160, %dma_wait3A] : memref<32x80x125xi32, #tpu.memory_space<hbm>> -> memref<1x16x125xi32, #tpu.memory_space<hbm>>
        %dma_wait3A_191 = tpu.memref_squeeze %dma_wait3A_190 : memref<1x16x125xi32, #tpu.memory_space<hbm>> -> memref<16x125xi32, #tpu.memory_space<hbm>>
        %dma_wait3A_192 = arith.constant 0 : i32
        %dma_wait3A_193 = tpu.memref_slice %arg3[%add3A, %mul3A_160, %dma_wait3A_192] : memref<32x80x125xi32, #tpu.memory_space<hbm>> -> memref<1x16x125xi32, #tpu.memory_space<hbm>>
        %dma_wait3A_194 = tpu.memref_squeeze %dma_wait3A_193 : memref<1x16x125xi32, #tpu.memory_space<hbm>> -> memref<16x125xi32, #tpu.memory_space<hbm>>
        tpu.wait_dma2 semaphore(%run_scoped3A : memref<!tpu.dma_semaphore, #tpu.memory_space<semaphore_mem>>) src(%dma_wait3A_194 : memref<16x125xi32, #tpu.memory_space<hbm>>) dst(%arg7 : memref<16x125xi32, #tpu.memory_space<vmem>>)
        tpu.yield
      }) : () -> ()
      %mul3A_161 = arith.constant 16 : i32
      %mul3A_162 = arith.muli %scan3A_157, %mul3A_161 : i32
      "tpu.region"() ({
        %run_scoped3A = tpu.sem_alloc : memref<!tpu.dma_semaphore, #tpu.memory_space<semaphore_mem>>
        %dma_start3A_184 = arith.constant 0 : i32
        %dma_start3A_185 = tpu.memref_slice %arg4[%add3A, %mul3A_162, %dma_start3A_184] : memref<32x80x125xi32, #tpu.memory_space<hbm>> -> memref<1x16x125xi32, #tpu.memory_space<hbm>>
        %dma_start3A_186 = tpu.memref_squeeze %dma_start3A_185 : memref<1x16x125xi32, #tpu.memory_space<hbm>> -> memref<16x125xi32, #tpu.memory_space<hbm>>
        %dma_start3A_187 = arith.constant 0 : i32
        %dma_start3A_188 = tpu.memref_slice %arg4[%add3A, %mul3A_162, %dma_start3A_187] : memref<32x80x125xi32, #tpu.memory_space<hbm>> -> memref<1x16x125xi32, #tpu.memory_space<hbm>>
        %dma_start3A_189 = tpu.memref_squeeze %dma_start3A_188 : memref<1x16x125xi32, #tpu.memory_space<hbm>> -> memref<16x125xi32, #tpu.memory_space<hbm>>
        tpu.enqueue_dma source(%dma_start3A_189 : memref<16x125xi32, #tpu.memory_space<hbm>>) target(%arg8 : memref<16x125xi32, #tpu.memory_space<vmem>>) target_semaphore(%run_scoped3A : memref<!tpu.dma_semaphore, #tpu.memory_space<semaphore_mem>>)
        %dma_wait3A = arith.constant 0 : i32
        %dma_wait3A_190 = tpu.memref_slice %arg4[%add3A, %mul3A_162, %dma_wait3A] : memref<32x80x125xi32, #tpu.memory_space<hbm>> -> memref<1x16x125xi32, #tpu.memory_space<hbm>>
        %dma_wait3A_191 = tpu.memref_squeeze %dma_wait3A_190 : memref<1x16x125xi32, #tpu.memory_space<hbm>> -> memref<16x125xi32, #tpu.memory_space<hbm>>
        %dma_wait3A_192 = arith.constant 0 : i32
        %dma_wait3A_193 = tpu.memref_slice %arg4[%add3A, %mul3A_162, %dma_wait3A_192] : memref<32x80x125xi32, #tpu.memory_space<hbm>> -> memref<1x16x125xi32, #tpu.memory_space<hbm>>
        %dma_wait3A_194 = tpu.memref_squeeze %dma_wait3A_193 : memref<1x16x125xi32, #tpu.memory_space<hbm>> -> memref<16x125xi32, #tpu.memory_space<hbm>>
        tpu.wait_dma2 semaphore(%run_scoped3A : memref<!tpu.dma_semaphore, #tpu.memory_space<semaphore_mem>>) src(%dma_wait3A_194 : memref<16x125xi32, #tpu.memory_space<hbm>>) dst(%arg8 : memref<16x125xi32, #tpu.memory_space<vmem>>)
        tpu.yield
      }) : () -> ()
      %dma_start3A = arith.constant 0 : i32
      %dma_start3A_163 = arith.constant 0 : i32
      %dma_start3A_164 = tpu.memref_slice %arg7[%dma_start3A, %dma_start3A_163] : memref<16x125xi32, #tpu.memory_space<vmem>> -> memref<1x125xi32, #tpu.memory_space<vmem>>
      %dma_start3A_165 = tpu.memref_squeeze %dma_start3A_164 : memref<1x125xi32, #tpu.memory_space<vmem>> -> memref<125xi32, #tpu.memory_space<vmem>>
      %dma_start3A_166 = arith.constant 0 : i32
      %dma_start3A_167 = arith.constant 0 : i32
      %dma_start3A_168 = tpu.memref_slice %arg2[%dma_start3A_166, %dma_start3A_167] : memref<10000x128xf32, #tpu.memory_space<hbm>> -> memref<10000x128xf32, #tpu.memory_space<hbm>>
      tpu.enqueue_indirect_dma source(%dma_start3A_168 : memref<10000x128xf32, #tpu.memory_space<hbm>>) target(%arg9 : memref<125x128xf32, #tpu.memory_space<vmem>>) offsets(%dma_start3A_165 : memref<125xi32, #tpu.memory_space<vmem>>) semaphore(%arg12 : memref<!tpu.dma_semaphore, #tpu.memory_space<semaphore_mem>>)
      %dma_start3A_169 = arith.constant 1 : i32
      %dma_start3A_170 = arith.constant 0 : i32
      %dma_start3A_171 = tpu.memref_slice %arg7[%dma_start3A_169, %dma_start3A_170] : memref<16x125xi32, #tpu.memory_space<vmem>> -> memref<1x125xi32, #tpu.memory_space<vmem>>
      %dma_start3A_172 = tpu.memref_squeeze %dma_start3A_171 : memref<1x125xi32, #tpu.memory_space<vmem>> -> memref<125xi32, #tpu.memory_space<vmem>>
      %dma_start3A_173 = arith.constant 0 : i32
      %dma_start3A_174 = arith.constant 0 : i32
      %dma_start3A_175 = tpu.memref_slice %arg2[%dma_start3A_173, %dma_start3A_174] : memref<10000x128xf32, #tpu.memory_space<hbm>> -> memref<10000x128xf32, #tpu.memory_space<hbm>>
      tpu.enqueue_indirect_dma source(%dma_start3A_175 : memref<10000x128xf32, #tpu.memory_space<hbm>>) target(%arg10 : memref<125x128xf32, #tpu.memory_space<vmem>>) offsets(%dma_start3A_172 : memref<125xi32, #tpu.memory_space<vmem>>) semaphore(%arg13 : memref<!tpu.dma_semaphore, #tpu.memory_space<semaphore_mem>>)
      %scan3A_176 = arith.constant 0 : i32
      %scan3A_177 = arith.constant 0 : i32
      %scan3A_178 = arith.constant 8 : i32
      %scan3A_179 = arith.addi %scan3A_177, %scan3A_178 : i32
      %scan3A_180 = arith.constant 1 : i32
      %scan3A_181 = scf.for %scan3A_184 = %scan3A_177 to %scan3A_179 step %scan3A_180 iter_args(%scan3A_185 = %scan3A_176) -> (i32)  : i32 {
        %mul3A_186 = arith.constant 2 : i32
        %mul3A_187 = arith.muli %mul3A_186, %scan3A_184 : i32
        %add3A_188 = arith.constant 1 : i32
        %add3A_189 = arith.addi %mul3A_187, %add3A_188 : i32
        %dma_wait3A = arith.constant 0 : i32
        %dma_wait3A_190 = tpu.memref_slice %arg7[%mul3A_187, %dma_wait3A] : memref<16x125xi32, #tpu.memory_space<vmem>> -> memref<1x125xi32, #tpu.memory_space<vmem>>
        %dma_wait3A_191 = tpu.memref_squeeze %dma_wait3A_190 : memref<1x125xi32, #tpu.memory_space<vmem>> -> memref<125xi32, #tpu.memory_space<vmem>>
        %dma_wait3A_192 = arith.constant 0 : i32
        %dma_wait3A_193 = arith.constant 0 : i32
        %dma_wait3A_194 = tpu.memref_slice %arg2[%dma_wait3A_192, %dma_wait3A_193] : memref<10000x128xf32, #tpu.memory_space<hbm>> -> memref<10000x128xf32, #tpu.memory_space<hbm>>
        tpu.wait_indirect_dma semaphore(%arg12 : memref<!tpu.dma_semaphore, #tpu.memory_space<semaphore_mem>>) src(%dma_wait3A_194 : memref<10000x128xf32, #tpu.memory_space<hbm>>) dst(%arg9 : memref<125x128xf32, #tpu.memory_space<vmem>>)
        %dma_start3A_195 = arith.constant 0 : i32
        %dma_start3A_196 = tpu.memref_slice %arg8[%mul3A_187, %dma_start3A_195] : memref<16x125xi32, #tpu.memory_space<vmem>> -> memref<1x125xi32, #tpu.memory_space<vmem>>
        %dma_start3A_197 = tpu.memref_squeeze %dma_start3A_196 : memref<1x125xi32, #tpu.memory_space<vmem>> -> memref<125xi32, #tpu.memory_space<vmem>>
        %dma_start3A_198 = arith.constant 0 : i32
        %dma_start3A_199 = arith.constant 0 : i32
        %dma_start3A_200 = tpu.memref_slice %arg11[%dma_start3A_198, %dma_start3A_199] : memref<10240x128xf32, #tpu.memory_space<vmem_shared>> -> memref<10240x128xf32, #tpu.memory_space<vmem_shared>>
        tpu.enqueue_indirect_dma source(%arg9 : memref<125x128xf32, #tpu.memory_space<vmem>>) target(%dma_start3A_200 : memref<10240x128xf32, #tpu.memory_space<vmem_shared>>) offsets(%dma_start3A_197 : memref<125xi32, #tpu.memory_space<vmem>>) semaphore(%arg14 : memref<!tpu.dma_semaphore, #tpu.memory_space<semaphore_mem>>) {add = true}
        %dma_wait3A_201 = arith.constant 0 : i32
        %dma_wait3A_202 = tpu.memref_slice %arg7[%add3A_189, %dma_wait3A_201] : memref<16x125xi32, #tpu.memory_space<vmem>> -> memref<1x125xi32, #tpu.memory_space<vmem>>
        %dma_wait3A_203 = tpu.memref_squeeze %dma_wait3A_202 : memref<1x125xi32, #tpu.memory_space<vmem>> -> memref<125xi32, #tpu.memory_space<vmem>>
        %dma_wait3A_204 = arith.constant 0 : i32
        %dma_wait3A_205 = arith.constant 0 : i32
        %dma_wait3A_206 = tpu.memref_slice %arg2[%dma_wait3A_204, %dma_wait3A_205] : memref<10000x128xf32, #tpu.memory_space<hbm>> -> memref<10000x128xf32, #tpu.memory_space<hbm>>
        tpu.wait_indirect_dma semaphore(%arg13 : memref<!tpu.dma_semaphore, #tpu.memory_space<semaphore_mem>>) src(%dma_wait3A_206 : memref<10000x128xf32, #tpu.memory_space<hbm>>) dst(%arg10 : memref<125x128xf32, #tpu.memory_space<vmem>>)
        %dma_start3A_207 = arith.constant 0 : i32
        %dma_start3A_208 = tpu.memref_slice %arg8[%add3A_189, %dma_start3A_207] : memref<16x125xi32, #tpu.memory_space<vmem>> -> memref<1x125xi32, #tpu.memory_space<vmem>>
        %dma_start3A_209 = tpu.memref_squeeze %dma_start3A_208 : memref<1x125xi32, #tpu.memory_space<vmem>> -> memref<125xi32, #tpu.memory_space<vmem>>
        %dma_start3A_210 = arith.constant 0 : i32
        %dma_start3A_211 = arith.constant 0 : i32
        %dma_start3A_212 = tpu.memref_slice %arg11[%dma_start3A_210, %dma_start3A_211] : memref<10240x128xf32, #tpu.memory_space<vmem_shared>> -> memref<10240x128xf32, #tpu.memory_space<vmem_shared>>
        tpu.enqueue_indirect_dma source(%arg10 : memref<125x128xf32, #tpu.memory_space<vmem>>) target(%dma_start3A_212 : memref<10240x128xf32, #tpu.memory_space<vmem_shared>>) offsets(%dma_start3A_209 : memref<125xi32, #tpu.memory_space<vmem>>) semaphore(%arg15 : memref<!tpu.dma_semaphore, #tpu.memory_space<semaphore_mem>>) {add = true}
        %dma_wait3A_213 = arith.constant 0 : i32
        %dma_wait3A_214 = tpu.memref_slice %arg8[%mul3A_187, %dma_wait3A_213] : memref<16x125xi32, #tpu.memory_space<vmem>> -> memref<1x125xi32, #tpu.memory_space<vmem>>
        %dma_wait3A_215 = tpu.memref_squeeze %dma_wait3A_214 : memref<1x125xi32, #tpu.memory_space<vmem>> -> memref<125xi32, #tpu.memory_space<vmem>>
        %dma_wait3A_216 = arith.constant 0 : i32
        %dma_wait3A_217 = arith.constant 0 : i32
        %dma_wait3A_218 = tpu.memref_slice %arg11[%dma_wait3A_216, %dma_wait3A_217] : memref<10240x128xf32, #tpu.memory_space<vmem_shared>> -> memref<10240x128xf32, #tpu.memory_space<vmem_shared>>
        tpu.wait_indirect_dma semaphore(%arg14 : memref<!tpu.dma_semaphore, #tpu.memory_space<semaphore_mem>>) src(%arg9 : memref<125x128xf32, #tpu.memory_space<vmem>>) dst(%dma_wait3A_218 : memref<10240x128xf32, #tpu.memory_space<vmem_shared>>)
        %lt3A = arith.constant 7 : i32
        %lt3A_219 = arith.cmpi slt, %scan3A_184, %lt3A : i32
        %convert_element_type3A_220 = arith.extui %lt3A_219 : i1 to i32
        %cond3A_221 = arith.constant 0 : i32
        %cond3A_222 = arith.cmpi ne, %convert_element_type3A_220, %cond3A_221 : i32
        scf.if %cond3A_222 {
          %add3A_235 = arith.constant 2 : i32
          %add3A_236 = arith.addi %mul3A_187, %add3A_235 : i32
          %dma_start3A_237 = arith.constant 0 : i32
          %dma_start3A_238 = tpu.memref_slice %arg7[%add3A_236, %dma_start3A_237] : memref<16x125xi32, #tpu.memory_space<vmem>> -> memref<1x125xi32, #tpu.memory_space<vmem>>
          %dma_start3A_239 = tpu.memref_squeeze %dma_start3A_238 : memref<1x125xi32, #tpu.memory_space<vmem>> -> memref<125xi32, #tpu.memory_space<vmem>>
          %dma_start3A_240 = arith.constant 0 : i32
          %dma_start3A_241 = arith.constant 0 : i32
          %dma_start3A_242 = tpu.memref_slice %arg2[%dma_start3A_240, %dma_start3A_241] : memref<10000x128xf32, #tpu.memory_space<hbm>> -> memref<10000x128xf32, #tpu.memory_space<hbm>>
          tpu.enqueue_indirect_dma source(%dma_start3A_242 : memref<10000x128xf32, #tpu.memory_space<hbm>>) target(%arg9 : memref<125x128xf32, #tpu.memory_space<vmem>>) offsets(%dma_start3A_239 : memref<125xi32, #tpu.memory_space<vmem>>) semaphore(%arg12 : memref<!tpu.dma_semaphore, #tpu.memory_space<semaphore_mem>>)
        } else {
        }
        %dma_wait3A_223 = arith.constant 0 : i32
        %dma_wait3A_224 = tpu.memref_slice %arg8[%add3A_189, %dma_wait3A_223] : memref<16x125xi32, #tpu.memory_space<vmem>> -> memref<1x125xi32, #tpu.memory_space<vmem>>
        %dma_wait3A_225 = tpu.memref_squeeze %dma_wait3A_224 : memref<1x125xi32, #tpu.memory_space<vmem>> -> memref<125xi32, #tpu.memory_space<vmem>>
        %dma_wait3A_226 = arith.constant 0 : i32
        %dma_wait3A_227 = arith.constant 0 : i32
        %dma_wait3A_228 = tpu.memref_slice %arg11[%dma_wait3A_226, %dma_wait3A_227] : memref<10240x128xf32, #tpu.memory_space<vmem_shared>> -> memref<10240x128xf32, #tpu.memory_space<vmem_shared>>
        tpu.wait_indirect_dma semaphore(%arg15 : memref<!tpu.dma_semaphore, #tpu.memory_space<semaphore_mem>>) src(%arg10 : memref<125x128xf32, #tpu.memory_space<vmem>>) dst(%dma_wait3A_228 : memref<10240x128xf32, #tpu.memory_space<vmem_shared>>)
        %lt3A_229 = arith.constant 7 : i32
        %lt3A_230 = arith.cmpi slt, %scan3A_184, %lt3A_229 : i32
        %convert_element_type3A_231 = arith.extui %lt3A_230 : i1 to i32
        %cond3A_232 = arith.constant 0 : i32
        %cond3A_233 = arith.cmpi ne, %convert_element_type3A_231, %cond3A_232 : i32
        scf.if %cond3A_233 {
          %add3A_235 = arith.constant 2 : i32
          %add3A_236 = arith.addi %add3A_189, %add3A_235 : i32
          %dma_start3A_237 = arith.constant 0 : i32
          %dma_start3A_238 = tpu.memref_slice %arg7[%add3A_236, %dma_start3A_237] : memref<16x125xi32, #tpu.memory_space<vmem>> -> memref<1x125xi32, #tpu.memory_space<vmem>>
          %dma_start3A_239 = tpu.memref_squeeze %dma_start3A_238 : memref<1x125xi32, #tpu.memory_space<vmem>> -> memref<125xi32, #tpu.memory_space<vmem>>
          %dma_start3A_240 = arith.constant 0 : i32
          %dma_start3A_241 = arith.constant 0 : i32
          %dma_start3A_242 = tpu.memref_slice %arg2[%dma_start3A_240, %dma_start3A_241] : memref<10000x128xf32, #tpu.memory_space<hbm>> -> memref<10000x128xf32, #tpu.memory_space<hbm>>
          tpu.enqueue_indirect_dma source(%dma_start3A_242 : memref<10000x128xf32, #tpu.memory_space<hbm>>) target(%arg10 : memref<125x128xf32, #tpu.memory_space<vmem>>) offsets(%dma_start3A_239 : memref<125xi32, #tpu.memory_space<vmem>>) semaphore(%arg13 : memref<!tpu.dma_semaphore, #tpu.memory_space<semaphore_mem>>)
        } else {
        }
        %scan3A_234 = arith.constant 0 : i32
        scf.yield %scan3A_234 : i32
      }
      %scan3A_182 = arith.constant 8 : i32
      %scan3A_183 = arith.constant 0 : i32
      scf.yield %scan3A_183 : i32
    }
    %scan3A_46 = arith.constant 5 : i32
    %barrier3A_47 = arith.constant 0 : index
    tpu.barrier barrier_id(%barrier3A_47)
    %mul3A_48 = arith.constant 640 : i32
    %mul3A_49 = arith.muli %arg1, %mul3A_48 : i32
    %add3A_50 = arith.constant 0 : i32
    %add3A_51 = arith.addi %mul3A_49, %add3A_50 : i32
    "tpu.region"() ({
      %run_scoped3A = tpu.sem_alloc : memref<!tpu.dma_semaphore, #tpu.memory_space<semaphore_mem>>
      %dma_start3A = arith.constant 0 : i32
      %dma_start3A_157 = arith.constant 0 : i32
      %dma_start3A_158 = tpu.memref_slice %arg9[%dma_start3A, %dma_start3A_157] : memref<125x128xf32, #tpu.memory_space<vmem>> -> memref<80x128xf32, #tpu.memory_space<vmem>>
      %dma_start3A_159 = arith.constant 0 : i32
      %dma_start3A_160 = tpu.memref_slice %arg11[%add3A_51, %dma_start3A_159] : memref<10240x128xf32, #tpu.memory_space<vmem_shared>> -> memref<80x128xf32, #tpu.memory_space<vmem_shared>>
      %dma_start3A_161 = arith.constant 0 : i32
      %dma_start3A_162 = arith.constant 0 : i32
      %dma_start3A_163 = tpu.memref_slice %arg9[%dma_start3A_161, %dma_start3A_162] : memref<125x128xf32, #tpu.memory_space<vmem>> -> memref<80x128xf32, #tpu.memory_space<vmem>>
      %dma_start3A_164 = arith.constant 0 : i32
      %dma_start3A_165 = tpu.memref_slice %arg11[%add3A_51, %dma_start3A_164] : memref<10240x128xf32, #tpu.memory_space<vmem_shared>> -> memref<80x128xf32, #tpu.memory_space<vmem_shared>>
      tpu.enqueue_dma source(%dma_start3A_165 : memref<80x128xf32, #tpu.memory_space<vmem_shared>>) target(%dma_start3A_163 : memref<80x128xf32, #tpu.memory_space<vmem>>) target_semaphore(%run_scoped3A : memref<!tpu.dma_semaphore, #tpu.memory_space<semaphore_mem>>)
      %dma_wait3A = arith.constant 0 : i32
      %dma_wait3A_166 = arith.constant 0 : i32
      %dma_wait3A_167 = tpu.memref_slice %arg9[%dma_wait3A, %dma_wait3A_166] : memref<125x128xf32, #tpu.memory_space<vmem>> -> memref<80x128xf32, #tpu.memory_space<vmem>>
      %dma_wait3A_168 = arith.constant 0 : i32
      %dma_wait3A_169 = tpu.memref_slice %arg11[%add3A_51, %dma_wait3A_168] : memref<10240x128xf32, #tpu.memory_space<vmem_shared>> -> memref<80x128xf32, #tpu.memory_space<vmem_shared>>
      %dma_wait3A_170 = arith.constant 0 : i32
      %dma_wait3A_171 = arith.constant 0 : i32
      %dma_wait3A_172 = tpu.memref_slice %arg9[%dma_wait3A_170, %dma_wait3A_171] : memref<125x128xf32, #tpu.memory_space<vmem>> -> memref<80x128xf32, #tpu.memory_space<vmem>>
      %dma_wait3A_173 = arith.constant 0 : i32
      %dma_wait3A_174 = tpu.memref_slice %arg11[%add3A_51, %dma_wait3A_173] : memref<10240x128xf32, #tpu.memory_space<vmem_shared>> -> memref<80x128xf32, #tpu.memory_space<vmem_shared>>
      tpu.wait_dma2 semaphore(%run_scoped3A : memref<!tpu.dma_semaphore, #tpu.memory_space<semaphore_mem>>) src(%dma_wait3A_174 : memref<80x128xf32, #tpu.memory_space<vmem_shared>>) dst(%dma_wait3A_172 : memref<80x128xf32, #tpu.memory_space<vmem>>)
      tpu.yield
    }) : () -> ()
    %eq3A = arith.constant 0 : i32
    %eq3A_52 = arith.cmpi eq, %arg0, %eq3A : i32
    %convert_element_type3A = arith.extui %eq3A_52 : i1 to i32
    %cond3A = arith.constant 0 : i32
    %cond3A_53 = arith.cmpi ne, %convert_element_type3A, %cond3A : i32
    scf.if %cond3A_53 {
      %mul3A_157 = arith.constant 640 : i32
      %mul3A_158 = arith.muli %arg1, %mul3A_157 : i32
      %add3A_159 = arith.constant 0 : i32
      %add3A_160 = arith.addi %mul3A_158, %add3A_159 : i32
      "tpu.region"() ({
        %run_scoped3A = tpu.sem_alloc : memref<!tpu.dma_semaphore, #tpu.memory_space<semaphore_mem>>
        %dma_start3A = arith.constant 0 : i32
        %dma_start3A_161 = arith.constant 0 : i32
        %dma_start3A_162 = tpu.memref_slice %arg9[%dma_start3A, %dma_start3A_161] : memref<125x128xf32, #tpu.memory_space<vmem>> -> memref<80x128xf32, #tpu.memory_space<vmem>>
        %dma_start3A_163 = arith.constant 0 : i32
        %dma_start3A_164 = tpu.memref_slice %arg5[%add3A_160, %dma_start3A_163] : memref<10240x128xf32, #tpu.memory_space<hbm>> -> memref<80x128xf32, #tpu.memory_space<hbm>>
        %dma_start3A_165 = arith.constant 0 : i32
        %dma_start3A_166 = tpu.memref_slice %arg5[%add3A_160, %dma_start3A_165] : memref<10240x128xf32, #tpu.memory_space<hbm>> -> memref<80x128xf32, #tpu.memory_space<hbm>>
        %dma_start3A_167 = arith.constant 0 : i32
        %dma_start3A_168 = arith.constant 0 : i32
        %dma_start3A_169 = tpu.memref_slice %arg9[%dma_start3A_167, %dma_start3A_168] : memref<125x128xf32, #tpu.memory_space<vmem>> -> memref<80x128xf32, #tpu.memory_space<vmem>>
        tpu.enqueue_dma source(%dma_start3A_169 : memref<80x128xf32, #tpu.memory_space<vmem>>) target(%dma_start3A_166 : memref<80x128xf32, #tpu.memory_space<hbm>>) target_semaphore(%run_scoped3A : memref<!tpu.dma_semaphore, #tpu.memory_space<semaphore_mem>>)
        %dma_wait3A = arith.constant 0 : i32
        %dma_wait3A_170 = arith.constant 0 : i32
        %dma_wait3A_171 = tpu.memref_slice %arg9[%dma_wait3A, %dma_wait3A_170] : memref<125x128xf32, #tpu.memory_space<vmem>> -> memref<80x128xf32, #tpu.memory_space<vmem>>
        %dma_wait3A_172 = arith.constant 0 : i32
        %dma_wait3A_173 = tpu.memref_slice %arg5[%add3A_160, %dma_wait3A_172] : memref<10240x128xf32, #tpu.memory_space<hbm>> -> memref<80x128xf32, #tpu.memory_space<hbm>>
        %dma_wait3A_174 = arith.constant 0 : i32
        %dma_wait3A_175 = tpu.memref_slice %arg5[%add3A_160, %dma_wait3A_174] : memref<10240x128xf32, #tpu.memory_space<hbm>> -> memref<80x128xf32, #tpu.memory_space<hbm>>
        %dma_wait3A_176 = arith.constant 0 : i32
        %dma_wait3A_177 = arith.constant 0 : i32
        %dma_wait3A_178 = tpu.memref_slice %arg9[%dma_wait3A_176, %dma_wait3A_177] : memref<125x128xf32, #tpu.memory_space<vmem>> -> memref<80x128xf32, #tpu.memory_space<vmem>>
        tpu.wait_dma2 semaphore(%run_scoped3A : memref<!tpu.dma_semaphore, #tpu.memory_space<semaphore_mem>>) src(%dma_wait3A_178 : memref<80x128xf32, #tpu.memory_space<vmem>>) dst(%dma_wait3A_175 : memref<80x128xf32, #tpu.memory_space<hbm>>)
        tpu.yield
      }) : () -> ()
    } else {
    }
    %eq3A_54 = arith.constant 1 : i32
    %eq3A_55 = arith.cmpi eq, %arg0, %eq3A_54 : i32
    %convert_element_type3A_56 = arith.extui %eq3A_55 : i1 to i32
    %cond3A_57 = arith.constant 0 : i32
    %cond3A_58 = arith.cmpi ne, %convert_element_type3A_56, %cond3A_57 : i32
    scf.if %cond3A_58 {
      %mul3A_157 = arith.constant 640 : i32
      %mul3A_158 = arith.muli %arg1, %mul3A_157 : i32
      %add3A_159 = arith.constant 0 : i32
      %add3A_160 = arith.addi %mul3A_158, %add3A_159 : i32
      "tpu.region"() ({
        %run_scoped3A = tpu.sem_alloc : memref<!tpu.dma_semaphore, #tpu.memory_space<semaphore_mem>>
        %dma_start3A = arith.constant 0 : i32
        %dma_start3A_161 = arith.constant 0 : i32
        %dma_start3A_162 = tpu.memref_slice %arg9[%dma_start3A, %dma_start3A_161] : memref<125x128xf32, #tpu.memory_space<vmem>> -> memref<80x128xf32, #tpu.memory_space<vmem>>
        %dma_start3A_163 = arith.constant 0 : i32
        %dma_start3A_164 = tpu.memref_slice %arg6[%add3A_160, %dma_start3A_163] : memref<10240x128xf32, #tpu.memory_space<hbm>> -> memref<80x128xf32, #tpu.memory_space<hbm>>
        %dma_start3A_165 = arith.constant 0 : i32
        %dma_start3A_166 = tpu.memref_slice %arg6[%add3A_160, %dma_start3A_165] : memref<10240x128xf32, #tpu.memory_space<hbm>> -> memref<80x128xf32, #tpu.memory_space<hbm>>
        %dma_start3A_167 = arith.constant 0 : i32
        %dma_start3A_168 = arith.constant 0 : i32
        %dma_start3A_169 = tpu.memref_slice %arg9[%dma_start3A_167, %dma_start3A_168] : memref<125x128xf32, #tpu.memory_space<vmem>> -> memref<80x128xf32, #tpu.memory_space<vmem>>
        tpu.enqueue_dma source(%dma_start3A_169 : memref<80x128xf32, #tpu.memory_space<vmem>>) target(%dma_start3A_166 : memref<80x128xf32, #tpu.memory_space<hbm>>) target_semaphore(%run_scoped3A : memref<!tpu.dma_semaphore, #tpu.memory_space<semaphore_mem>>)
        %dma_wait3A = arith.constant 0 : i32
        %dma_wait3A_170 = arith.constant 0 : i32
        %dma_wait3A_171 = tpu.memref_slice %arg9[%dma_wait3A, %dma_wait3A_170] : memref<125x128xf32, #tpu.memory_space<vmem>> -> memref<80x128xf32, #tpu.memory_space<vmem>>
        %dma_wait3A_172 = arith.constant 0 : i32
        %dma_wait3A_173 = tpu.memref_slice %arg6[%add3A_160, %dma_wait3A_172] : memref<10240x128xf32, #tpu.memory_space<hbm>> -> memref<80x128xf32, #tpu.memory_space<hbm>>
        %dma_wait3A_174 = arith.constant 0 : i32
        %dma_wait3A_175 = tpu.memref_slice %arg6[%add3A_160, %dma_wait3A_174] : memref<10240x128xf32, #tpu.memory_space<hbm>> -> memref<80x128xf32, #tpu.memory_space<hbm>>
        %dma_wait3A_176 = arith.constant 0 : i32
        %dma_wait3A_177 = arith.constant 0 : i32
        %dma_wait3A_178 = tpu.memref_slice %arg9[%dma_wait3A_176, %dma_wait3A_177] : memref<125x128xf32, #tpu.memory_space<vmem>> -> memref<80x128xf32, #tpu.memory_space<vmem>>
        tpu.wait_dma2 semaphore(%run_scoped3A : memref<!tpu.dma_semaphore, #tpu.memory_space<semaphore_mem>>) src(%dma_wait3A_178 : memref<80x128xf32, #tpu.memory_space<vmem>>) dst(%dma_wait3A_175 : memref<80x128xf32, #tpu.memory_space<hbm>>)
        tpu.yield
      }) : () -> ()
    } else {
    }
    %mul3A_59 = arith.constant 640 : i32
    %mul3A_60 = arith.muli %arg1, %mul3A_59 : i32
    %add3A_61 = arith.constant 80 : i32
    %add3A_62 = arith.addi %mul3A_60, %add3A_61 : i32
    "tpu.region"() ({
      %run_scoped3A = tpu.sem_alloc : memref<!tpu.dma_semaphore, #tpu.memory_space<semaphore_mem>>
      %dma_start3A = arith.constant 0 : i32
      %dma_start3A_157 = arith.constant 0 : i32
      %dma_start3A_158 = tpu.memref_slice %arg9[%dma_start3A, %dma_start3A_157] : memref<125x128xf32, #tpu.memory_space<vmem>> -> memref<80x128xf32, #tpu.memory_space<vmem>>
      %dma_start3A_159 = arith.constant 0 : i32
      %dma_start3A_160 = tpu.memref_slice %arg11[%add3A_62, %dma_start3A_159] : memref<10240x128xf32, #tpu.memory_space<vmem_shared>> -> memref<80x128xf32, #tpu.memory_space<vmem_shared>>
      %dma_start3A_161 = arith.constant 0 : i32
      %dma_start3A_162 = arith.constant 0 : i32
      %dma_start3A_163 = tpu.memref_slice %arg9[%dma_start3A_161, %dma_start3A_162] : memref<125x128xf32, #tpu.memory_space<vmem>> -> memref<80x128xf32, #tpu.memory_space<vmem>>
      %dma_start3A_164 = arith.constant 0 : i32
      %dma_start3A_165 = tpu.memref_slice %arg11[%add3A_62, %dma_start3A_164] : memref<10240x128xf32, #tpu.memory_space<vmem_shared>> -> memref<80x128xf32, #tpu.memory_space<vmem_shared>>
      tpu.enqueue_dma source(%dma_start3A_165 : memref<80x128xf32, #tpu.memory_space<vmem_shared>>) target(%dma_start3A_163 : memref<80x128xf32, #tpu.memory_space<vmem>>) target_semaphore(%run_scoped3A : memref<!tpu.dma_semaphore, #tpu.memory_space<semaphore_mem>>)
      %dma_wait3A = arith.constant 0 : i32
      %dma_wait3A_166 = arith.constant 0 : i32
      %dma_wait3A_167 = tpu.memref_slice %arg9[%dma_wait3A, %dma_wait3A_166] : memref<125x128xf32, #tpu.memory_space<vmem>> -> memref<80x128xf32, #tpu.memory_space<vmem>>
      %dma_wait3A_168 = arith.constant 0 : i32
      %dma_wait3A_169 = tpu.memref_slice %arg11[%add3A_62, %dma_wait3A_168] : memref<10240x128xf32, #tpu.memory_space<vmem_shared>> -> memref<80x128xf32, #tpu.memory_space<vmem_shared>>
      %dma_wait3A_170 = arith.constant 0 : i32
      %dma_wait3A_171 = arith.constant 0 : i32
      %dma_wait3A_172 = tpu.memref_slice %arg9[%dma_wait3A_170, %dma_wait3A_171] : memref<125x128xf32, #tpu.memory_space<vmem>> -> memref<80x128xf32, #tpu.memory_space<vmem>>
      %dma_wait3A_173 = arith.constant 0 : i32
      %dma_wait3A_174 = tpu.memref_slice %arg11[%add3A_62, %dma_wait3A_173] : memref<10240x128xf32, #tpu.memory_space<vmem_shared>> -> memref<80x128xf32, #tpu.memory_space<vmem_shared>>
      tpu.wait_dma2 semaphore(%run_scoped3A : memref<!tpu.dma_semaphore, #tpu.memory_space<semaphore_mem>>) src(%dma_wait3A_174 : memref<80x128xf32, #tpu.memory_space<vmem_shared>>) dst(%dma_wait3A_172 : memref<80x128xf32, #tpu.memory_space<vmem>>)
      tpu.yield
    }) : () -> ()
    %eq3A_63 = arith.constant 0 : i32
    %eq3A_64 = arith.cmpi eq, %arg0, %eq3A_63 : i32
    %convert_element_type3A_65 = arith.extui %eq3A_64 : i1 to i32
    %cond3A_66 = arith.constant 0 : i32
    %cond3A_67 = arith.cmpi ne, %convert_element_type3A_65, %cond3A_66 : i32
    scf.if %cond3A_67 {
      %mul3A_157 = arith.constant 640 : i32
      %mul3A_158 = arith.muli %arg1, %mul3A_157 : i32
      %add3A_159 = arith.constant 80 : i32
      %add3A_160 = arith.addi %mul3A_158, %add3A_159 : i32
      "tpu.region"() ({
        %run_scoped3A = tpu.sem_alloc : memref<!tpu.dma_semaphore, #tpu.memory_space<semaphore_mem>>
        %dma_start3A = arith.constant 0 : i32
        %dma_start3A_161 = arith.constant 0 : i32
        %dma_start3A_162 = tpu.memref_slice %arg9[%dma_start3A, %dma_start3A_161] : memref<125x128xf32, #tpu.memory_space<vmem>> -> memref<80x128xf32, #tpu.memory_space<vmem>>
        %dma_start3A_163 = arith.constant 0 : i32
        %dma_start3A_164 = tpu.memref_slice %arg5[%add3A_160, %dma_start3A_163] : memref<10240x128xf32, #tpu.memory_space<hbm>> -> memref<80x128xf32, #tpu.memory_space<hbm>>
        %dma_start3A_165 = arith.constant 0 : i32
        %dma_start3A_166 = tpu.memref_slice %arg5[%add3A_160, %dma_start3A_165] : memref<10240x128xf32, #tpu.memory_space<hbm>> -> memref<80x128xf32, #tpu.memory_space<hbm>>
        %dma_start3A_167 = arith.constant 0 : i32
        %dma_start3A_168 = arith.constant 0 : i32
        %dma_start3A_169 = tpu.memref_slice %arg9[%dma_start3A_167, %dma_start3A_168] : memref<125x128xf32, #tpu.memory_space<vmem>> -> memref<80x128xf32, #tpu.memory_space<vmem>>
        tpu.enqueue_dma source(%dma_start3A_169 : memref<80x128xf32, #tpu.memory_space<vmem>>) target(%dma_start3A_166 : memref<80x128xf32, #tpu.memory_space<hbm>>) target_semaphore(%run_scoped3A : memref<!tpu.dma_semaphore, #tpu.memory_space<semaphore_mem>>)
        %dma_wait3A = arith.constant 0 : i32
        %dma_wait3A_170 = arith.constant 0 : i32
        %dma_wait3A_171 = tpu.memref_slice %arg9[%dma_wait3A, %dma_wait3A_170] : memref<125x128xf32, #tpu.memory_space<vmem>> -> memref<80x128xf32, #tpu.memory_space<vmem>>
        %dma_wait3A_172 = arith.constant 0 : i32
        %dma_wait3A_173 = tpu.memref_slice %arg5[%add3A_160, %dma_wait3A_172] : memref<10240x128xf32, #tpu.memory_space<hbm>> -> memref<80x128xf32, #tpu.memory_space<hbm>>
        %dma_wait3A_174 = arith.constant 0 : i32
        %dma_wait3A_175 = tpu.memref_slice %arg5[%add3A_160, %dma_wait3A_174] : memref<10240x128xf32, #tpu.memory_space<hbm>> -> memref<80x128xf32, #tpu.memory_space<hbm>>
        %dma_wait3A_176 = arith.constant 0 : i32
        %dma_wait3A_177 = arith.constant 0 : i32
        %dma_wait3A_178 = tpu.memref_slice %arg9[%dma_wait3A_176, %dma_wait3A_177] : memref<125x128xf32, #tpu.memory_space<vmem>> -> memref<80x128xf32, #tpu.memory_space<vmem>>
        tpu.wait_dma2 semaphore(%run_scoped3A : memref<!tpu.dma_semaphore, #tpu.memory_space<semaphore_mem>>) src(%dma_wait3A_178 : memref<80x128xf32, #tpu.memory_space<vmem>>) dst(%dma_wait3A_175 : memref<80x128xf32, #tpu.memory_space<hbm>>)
        tpu.yield
      }) : () -> ()
    } else {
    }
    %eq3A_68 = arith.constant 1 : i32
    %eq3A_69 = arith.cmpi eq, %arg0, %eq3A_68 : i32
    %convert_element_type3A_70 = arith.extui %eq3A_69 : i1 to i32
    %cond3A_71 = arith.constant 0 : i32
    %cond3A_72 = arith.cmpi ne, %convert_element_type3A_70, %cond3A_71 : i32
    scf.if %cond3A_72 {
      %mul3A_157 = arith.constant 640 : i32
      %mul3A_158 = arith.muli %arg1, %mul3A_157 : i32
      %add3A_159 = arith.constant 80 : i32
      %add3A_160 = arith.addi %mul3A_158, %add3A_159 : i32
      "tpu.region"() ({
        %run_scoped3A = tpu.sem_alloc : memref<!tpu.dma_semaphore, #tpu.memory_space<semaphore_mem>>
        %dma_start3A = arith.constant 0 : i32
        %dma_start3A_161 = arith.constant 0 : i32
        %dma_start3A_162 = tpu.memref_slice %arg9[%dma_start3A, %dma_start3A_161] : memref<125x128xf32, #tpu.memory_space<vmem>> -> memref<80x128xf32, #tpu.memory_space<vmem>>
        %dma_start3A_163 = arith.constant 0 : i32
        %dma_start3A_164 = tpu.memref_slice %arg6[%add3A_160, %dma_start3A_163] : memref<10240x128xf32, #tpu.memory_space<hbm>> -> memref<80x128xf32, #tpu.memory_space<hbm>>
        %dma_start3A_165 = arith.constant 0 : i32
        %dma_start3A_166 = tpu.memref_slice %arg6[%add3A_160, %dma_start3A_165] : memref<10240x128xf32, #tpu.memory_space<hbm>> -> memref<80x128xf32, #tpu.memory_space<hbm>>
        %dma_start3A_167 = arith.constant 0 : i32
        %dma_start3A_168 = arith.constant 0 : i32
        %dma_start3A_169 = tpu.memref_slice %arg9[%dma_start3A_167, %dma_start3A_168] : memref<125x128xf32, #tpu.memory_space<vmem>> -> memref<80x128xf32, #tpu.memory_space<vmem>>
        tpu.enqueue_dma source(%dma_start3A_169 : memref<80x128xf32, #tpu.memory_space<vmem>>) target(%dma_start3A_166 : memref<80x128xf32, #tpu.memory_space<hbm>>) target_semaphore(%run_scoped3A : memref<!tpu.dma_semaphore, #tpu.memory_space<semaphore_mem>>)
        %dma_wait3A = arith.constant 0 : i32
        %dma_wait3A_170 = arith.constant 0 : i32
        %dma_wait3A_171 = tpu.memref_slice %arg9[%dma_wait3A, %dma_wait3A_170] : memref<125x128xf32, #tpu.memory_space<vmem>> -> memref<80x128xf32, #tpu.memory_space<vmem>>
        %dma_wait3A_172 = arith.constant 0 : i32
        %dma_wait3A_173 = tpu.memref_slice %arg6[%add3A_160, %dma_wait3A_172] : memref<10240x128xf32, #tpu.memory_space<hbm>> -> memref<80x128xf32, #tpu.memory_space<hbm>>
        %dma_wait3A_174 = arith.constant 0 : i32
        %dma_wait3A_175 = tpu.memref_slice %arg6[%add3A_160, %dma_wait3A_174] : memref<10240x128xf32, #tpu.memory_space<hbm>> -> memref<80x128xf32, #tpu.memory_space<hbm>>
        %dma_wait3A_176 = arith.constant 0 : i32
        %dma_wait3A_177 = arith.constant 0 : i32
        %dma_wait3A_178 = tpu.memref_slice %arg9[%dma_wait3A_176, %dma_wait3A_177] : memref<125x128xf32, #tpu.memory_space<vmem>> -> memref<80x128xf32, #tpu.memory_space<vmem>>
        tpu.wait_dma2 semaphore(%run_scoped3A : memref<!tpu.dma_semaphore, #tpu.memory_space<semaphore_mem>>) src(%dma_wait3A_178 : memref<80x128xf32, #tpu.memory_space<vmem>>) dst(%dma_wait3A_175 : memref<80x128xf32, #tpu.memory_space<hbm>>)
        tpu.yield
      }) : () -> ()
    } else {
    }
    %mul3A_73 = arith.constant 640 : i32
    %mul3A_74 = arith.muli %arg1, %mul3A_73 : i32
    %add3A_75 = arith.constant 160 : i32
    %add3A_76 = arith.addi %mul3A_74, %add3A_75 : i32
    "tpu.region"() ({
      %run_scoped3A = tpu.sem_alloc : memref<!tpu.dma_semaphore, #tpu.memory_space<semaphore_mem>>
      %dma_start3A = arith.constant 0 : i32
      %dma_start3A_157 = arith.constant 0 : i32
      %dma_start3A_158 = tpu.memref_slice %arg9[%dma_start3A, %dma_start3A_157] : memref<125x128xf32, #tpu.memory_space<vmem>> -> memref<80x128xf32, #tpu.memory_space<vmem>>
      %dma_start3A_159 = arith.constant 0 : i32
      %dma_start3A_160 = tpu.memref_slice %arg11[%add3A_76, %dma_start3A_159] : memref<10240x128xf32, #tpu.memory_space<vmem_shared>> -> memref<80x128xf32, #tpu.memory_space<vmem_shared>>
      %dma_start3A_161 = arith.constant 0 : i32
      %dma_start3A_162 = arith.constant 0 : i32
      %dma_start3A_163 = tpu.memref_slice %arg9[%dma_start3A_161, %dma_start3A_162] : memref<125x128xf32, #tpu.memory_space<vmem>> -> memref<80x128xf32, #tpu.memory_space<vmem>>
      %dma_start3A_164 = arith.constant 0 : i32
      %dma_start3A_165 = tpu.memref_slice %arg11[%add3A_76, %dma_start3A_164] : memref<10240x128xf32, #tpu.memory_space<vmem_shared>> -> memref<80x128xf32, #tpu.memory_space<vmem_shared>>
      tpu.enqueue_dma source(%dma_start3A_165 : memref<80x128xf32, #tpu.memory_space<vmem_shared>>) target(%dma_start3A_163 : memref<80x128xf32, #tpu.memory_space<vmem>>) target_semaphore(%run_scoped3A : memref<!tpu.dma_semaphore, #tpu.memory_space<semaphore_mem>>)
      %dma_wait3A = arith.constant 0 : i32
      %dma_wait3A_166 = arith.constant 0 : i32
      %dma_wait3A_167 = tpu.memref_slice %arg9[%dma_wait3A, %dma_wait3A_166] : memref<125x128xf32, #tpu.memory_space<vmem>> -> memref<80x128xf32, #tpu.memory_space<vmem>>
      %dma_wait3A_168 = arith.constant 0 : i32
      %dma_wait3A_169 = tpu.memref_slice %arg11[%add3A_76, %dma_wait3A_168] : memref<10240x128xf32, #tpu.memory_space<vmem_shared>> -> memref<80x128xf32, #tpu.memory_space<vmem_shared>>
      %dma_wait3A_170 = arith.constant 0 : i32
      %dma_wait3A_171 = arith.constant 0 : i32
      %dma_wait3A_172 = tpu.memref_slice %arg9[%dma_wait3A_170, %dma_wait3A_171] : memref<125x128xf32, #tpu.memory_space<vmem>> -> memref<80x128xf32, #tpu.memory_space<vmem>>
      %dma_wait3A_173 = arith.constant 0 : i32
      %dma_wait3A_174 = tpu.memref_slice %arg11[%add3A_76, %dma_wait3A_173] : memref<10240x128xf32, #tpu.memory_space<vmem_shared>> -> memref<80x128xf32, #tpu.memory_space<vmem_shared>>
      tpu.wait_dma2 semaphore(%run_scoped3A : memref<!tpu.dma_semaphore, #tpu.memory_space<semaphore_mem>>) src(%dma_wait3A_174 : memref<80x128xf32, #tpu.memory_space<vmem_shared>>) dst(%dma_wait3A_172 : memref<80x128xf32, #tpu.memory_space<vmem>>)
      tpu.yield
    }) : () -> ()
    %eq3A_77 = arith.constant 0 : i32
    %eq3A_78 = arith.cmpi eq, %arg0, %eq3A_77 : i32
    %convert_element_type3A_79 = arith.extui %eq3A_78 : i1 to i32
    %cond3A_80 = arith.constant 0 : i32
    %cond3A_81 = arith.cmpi ne, %convert_element_type3A_79, %cond3A_80 : i32
    scf.if %cond3A_81 {
      %mul3A_157 = arith.constant 640 : i32
      %mul3A_158 = arith.muli %arg1, %mul3A_157 : i32
      %add3A_159 = arith.constant 160 : i32
      %add3A_160 = arith.addi %mul3A_158, %add3A_159 : i32
      "tpu.region"() ({
        %run_scoped3A = tpu.sem_alloc : memref<!tpu.dma_semaphore, #tpu.memory_space<semaphore_mem>>
        %dma_start3A = arith.constant 0 : i32
        %dma_start3A_161 = arith.constant 0 : i32
        %dma_start3A_162 = tpu.memref_slice %arg9[%dma_start3A, %dma_start3A_161] : memref<125x128xf32, #tpu.memory_space<vmem>> -> memref<80x128xf32, #tpu.memory_space<vmem>>
        %dma_start3A_163 = arith.constant 0 : i32
        %dma_start3A_164 = tpu.memref_slice %arg5[%add3A_160, %dma_start3A_163] : memref<10240x128xf32, #tpu.memory_space<hbm>> -> memref<80x128xf32, #tpu.memory_space<hbm>>
        %dma_start3A_165 = arith.constant 0 : i32
        %dma_start3A_166 = tpu.memref_slice %arg5[%add3A_160, %dma_start3A_165] : memref<10240x128xf32, #tpu.memory_space<hbm>> -> memref<80x128xf32, #tpu.memory_space<hbm>>
        %dma_start3A_167 = arith.constant 0 : i32
        %dma_start3A_168 = arith.constant 0 : i32
        %dma_start3A_169 = tpu.memref_slice %arg9[%dma_start3A_167, %dma_start3A_168] : memref<125x128xf32, #tpu.memory_space<vmem>> -> memref<80x128xf32, #tpu.memory_space<vmem>>
        tpu.enqueue_dma source(%dma_start3A_169 : memref<80x128xf32, #tpu.memory_space<vmem>>) target(%dma_start3A_166 : memref<80x128xf32, #tpu.memory_space<hbm>>) target_semaphore(%run_scoped3A : memref<!tpu.dma_semaphore, #tpu.memory_space<semaphore_mem>>)
        %dma_wait3A = arith.constant 0 : i32
        %dma_wait3A_170 = arith.constant 0 : i32
        %dma_wait3A_171 = tpu.memref_slice %arg9[%dma_wait3A, %dma_wait3A_170] : memref<125x128xf32, #tpu.memory_space<vmem>> -> memref<80x128xf32, #tpu.memory_space<vmem>>
        %dma_wait3A_172 = arith.constant 0 : i32
        %dma_wait3A_173 = tpu.memref_slice %arg5[%add3A_160, %dma_wait3A_172] : memref<10240x128xf32, #tpu.memory_space<hbm>> -> memref<80x128xf32, #tpu.memory_space<hbm>>
        %dma_wait3A_174 = arith.constant 0 : i32
        %dma_wait3A_175 = tpu.memref_slice %arg5[%add3A_160, %dma_wait3A_174] : memref<10240x128xf32, #tpu.memory_space<hbm>> -> memref<80x128xf32, #tpu.memory_space<hbm>>
        %dma_wait3A_176 = arith.constant 0 : i32
        %dma_wait3A_177 = arith.constant 0 : i32
        %dma_wait3A_178 = tpu.memref_slice %arg9[%dma_wait3A_176, %dma_wait3A_177] : memref<125x128xf32, #tpu.memory_space<vmem>> -> memref<80x128xf32, #tpu.memory_space<vmem>>
        tpu.wait_dma2 semaphore(%run_scoped3A : memref<!tpu.dma_semaphore, #tpu.memory_space<semaphore_mem>>) src(%dma_wait3A_178 : memref<80x128xf32, #tpu.memory_space<vmem>>) dst(%dma_wait3A_175 : memref<80x128xf32, #tpu.memory_space<hbm>>)
        tpu.yield
      }) : () -> ()
    } else {
    }
    %eq3A_82 = arith.constant 1 : i32
    %eq3A_83 = arith.cmpi eq, %arg0, %eq3A_82 : i32
    %convert_element_type3A_84 = arith.extui %eq3A_83 : i1 to i32
    %cond3A_85 = arith.constant 0 : i32
    %cond3A_86 = arith.cmpi ne, %convert_element_type3A_84, %cond3A_85 : i32
    scf.if %cond3A_86 {
      %mul3A_157 = arith.constant 640 : i32
      %mul3A_158 = arith.muli %arg1, %mul3A_157 : i32
      %add3A_159 = arith.constant 160 : i32
      %add3A_160 = arith.addi %mul3A_158, %add3A_159 : i32
      "tpu.region"() ({
        %run_scoped3A = tpu.sem_alloc : memref<!tpu.dma_semaphore, #tpu.memory_space<semaphore_mem>>
        %dma_start3A = arith.constant 0 : i32
        %dma_start3A_161 = arith.constant 0 : i32
        %dma_start3A_162 = tpu.memref_slice %arg9[%dma_start3A, %dma_start3A_161] : memref<125x128xf32, #tpu.memory_space<vmem>> -> memref<80x128xf32, #tpu.memory_space<vmem>>
        %dma_start3A_163 = arith.constant 0 : i32
        %dma_start3A_164 = tpu.memref_slice %arg6[%add3A_160, %dma_start3A_163] : memref<10240x128xf32, #tpu.memory_space<hbm>> -> memref<80x128xf32, #tpu.memory_space<hbm>>
        %dma_start3A_165 = arith.constant 0 : i32
        %dma_start3A_166 = tpu.memref_slice %arg6[%add3A_160, %dma_start3A_165] : memref<10240x128xf32, #tpu.memory_space<hbm>> -> memref<80x128xf32, #tpu.memory_space<hbm>>
        %dma_start3A_167 = arith.constant 0 : i32
        %dma_start3A_168 = arith.constant 0 : i32
        %dma_start3A_169 = tpu.memref_slice %arg9[%dma_start3A_167, %dma_start3A_168] : memref<125x128xf32, #tpu.memory_space<vmem>> -> memref<80x128xf32, #tpu.memory_space<vmem>>
        tpu.enqueue_dma source(%dma_start3A_169 : memref<80x128xf32, #tpu.memory_space<vmem>>) target(%dma_start3A_166 : memref<80x128xf32, #tpu.memory_space<hbm>>) target_semaphore(%run_scoped3A : memref<!tpu.dma_semaphore, #tpu.memory_space<semaphore_mem>>)
        %dma_wait3A = arith.constant 0 : i32
        %dma_wait3A_170 = arith.constant 0 : i32
        %dma_wait3A_171 = tpu.memref_slice %arg9[%dma_wait3A, %dma_wait3A_170] : memref<125x128xf32, #tpu.memory_space<vmem>> -> memref<80x128xf32, #tpu.memory_space<vmem>>
        %dma_wait3A_172 = arith.constant 0 : i32
        %dma_wait3A_173 = tpu.memref_slice %arg6[%add3A_160, %dma_wait3A_172] : memref<10240x128xf32, #tpu.memory_space<hbm>> -> memref<80x128xf32, #tpu.memory_space<hbm>>
        %dma_wait3A_174 = arith.constant 0 : i32
        %dma_wait3A_175 = tpu.memref_slice %arg6[%add3A_160, %dma_wait3A_174] : memref<10240x128xf32, #tpu.memory_space<hbm>> -> memref<80x128xf32, #tpu.memory_space<hbm>>
        %dma_wait3A_176 = arith.constant 0 : i32
        %dma_wait3A_177 = arith.constant 0 : i32
        %dma_wait3A_178 = tpu.memref_slice %arg9[%dma_wait3A_176, %dma_wait3A_177] : memref<125x128xf32, #tpu.memory_space<vmem>> -> memref<80x128xf32, #tpu.memory_space<vmem>>
        tpu.wait_dma2 semaphore(%run_scoped3A : memref<!tpu.dma_semaphore, #tpu.memory_space<semaphore_mem>>) src(%dma_wait3A_178 : memref<80x128xf32, #tpu.memory_space<vmem>>) dst(%dma_wait3A_175 : memref<80x128xf32, #tpu.memory_space<hbm>>)
        tpu.yield
      }) : () -> ()
    } else {
    }
    %mul3A_87 = arith.constant 640 : i32
    %mul3A_88 = arith.muli %arg1, %mul3A_87 : i32
    %add3A_89 = arith.constant 240 : i32
    %add3A_90 = arith.addi %mul3A_88, %add3A_89 : i32
    "tpu.region"() ({
      %run_scoped3A = tpu.sem_alloc : memref<!tpu.dma_semaphore, #tpu.memory_space<semaphore_mem>>
      %dma_start3A = arith.constant 0 : i32
      %dma_start3A_157 = arith.constant 0 : i32
      %dma_start3A_158 = tpu.memref_slice %arg9[%dma_start3A, %dma_start3A_157] : memref<125x128xf32, #tpu.memory_space<vmem>> -> memref<80x128xf32, #tpu.memory_space<vmem>>
      %dma_start3A_159 = arith.constant 0 : i32
      %dma_start3A_160 = tpu.memref_slice %arg11[%add3A_90, %dma_start3A_159] : memref<10240x128xf32, #tpu.memory_space<vmem_shared>> -> memref<80x128xf32, #tpu.memory_space<vmem_shared>>
      %dma_start3A_161 = arith.constant 0 : i32
      %dma_start3A_162 = arith.constant 0 : i32
      %dma_start3A_163 = tpu.memref_slice %arg9[%dma_start3A_161, %dma_start3A_162] : memref<125x128xf32, #tpu.memory_space<vmem>> -> memref<80x128xf32, #tpu.memory_space<vmem>>
      %dma_start3A_164 = arith.constant 0 : i32
      %dma_start3A_165 = tpu.memref_slice %arg11[%add3A_90, %dma_start3A_164] : memref<10240x128xf32, #tpu.memory_space<vmem_shared>> -> memref<80x128xf32, #tpu.memory_space<vmem_shared>>
      tpu.enqueue_dma source(%dma_start3A_165 : memref<80x128xf32, #tpu.memory_space<vmem_shared>>) target(%dma_start3A_163 : memref<80x128xf32, #tpu.memory_space<vmem>>) target_semaphore(%run_scoped3A : memref<!tpu.dma_semaphore, #tpu.memory_space<semaphore_mem>>)
      %dma_wait3A = arith.constant 0 : i32
      %dma_wait3A_166 = arith.constant 0 : i32
      %dma_wait3A_167 = tpu.memref_slice %arg9[%dma_wait3A, %dma_wait3A_166] : memref<125x128xf32, #tpu.memory_space<vmem>> -> memref<80x128xf32, #tpu.memory_space<vmem>>
      %dma_wait3A_168 = arith.constant 0 : i32
      %dma_wait3A_169 = tpu.memref_slice %arg11[%add3A_90, %dma_wait3A_168] : memref<10240x128xf32, #tpu.memory_space<vmem_shared>> -> memref<80x128xf32, #tpu.memory_space<vmem_shared>>
      %dma_wait3A_170 = arith.constant 0 : i32
      %dma_wait3A_171 = arith.constant 0 : i32
      %dma_wait3A_172 = tpu.memref_slice %arg9[%dma_wait3A_170, %dma_wait3A_171] : memref<125x128xf32, #tpu.memory_space<vmem>> -> memref<80x128xf32, #tpu.memory_space<vmem>>
      %dma_wait3A_173 = arith.constant 0 : i32
      %dma_wait3A_174 = tpu.memref_slice %arg11[%add3A_90, %dma_wait3A_173] : memref<10240x128xf32, #tpu.memory_space<vmem_shared>> -> memref<80x128xf32, #tpu.memory_space<vmem_shared>>
      tpu.wait_dma2 semaphore(%run_scoped3A : memref<!tpu.dma_semaphore, #tpu.memory_space<semaphore_mem>>) src(%dma_wait3A_174 : memref<80x128xf32, #tpu.memory_space<vmem_shared>>) dst(%dma_wait3A_172 : memref<80x128xf32, #tpu.memory_space<vmem>>)
      tpu.yield
    }) : () -> ()
    %eq3A_91 = arith.constant 0 : i32
    %eq3A_92 = arith.cmpi eq, %arg0, %eq3A_91 : i32
    %convert_element_type3A_93 = arith.extui %eq3A_92 : i1 to i32
    %cond3A_94 = arith.constant 0 : i32
    %cond3A_95 = arith.cmpi ne, %convert_element_type3A_93, %cond3A_94 : i32
    scf.if %cond3A_95 {
      %mul3A_157 = arith.constant 640 : i32
      %mul3A_158 = arith.muli %arg1, %mul3A_157 : i32
      %add3A_159 = arith.constant 240 : i32
      %add3A_160 = arith.addi %mul3A_158, %add3A_159 : i32
      "tpu.region"() ({
        %run_scoped3A = tpu.sem_alloc : memref<!tpu.dma_semaphore, #tpu.memory_space<semaphore_mem>>
        %dma_start3A = arith.constant 0 : i32
        %dma_start3A_161 = arith.constant 0 : i32
        %dma_start3A_162 = tpu.memref_slice %arg9[%dma_start3A, %dma_start3A_161] : memref<125x128xf32, #tpu.memory_space<vmem>> -> memref<80x128xf32, #tpu.memory_space<vmem>>
        %dma_start3A_163 = arith.constant 0 : i32
        %dma_start3A_164 = tpu.memref_slice %arg5[%add3A_160, %dma_start3A_163] : memref<10240x128xf32, #tpu.memory_space<hbm>> -> memref<80x128xf32, #tpu.memory_space<hbm>>
        %dma_start3A_165 = arith.constant 0 : i32
        %dma_start3A_166 = tpu.memref_slice %arg5[%add3A_160, %dma_start3A_165] : memref<10240x128xf32, #tpu.memory_space<hbm>> -> memref<80x128xf32, #tpu.memory_space<hbm>>
        %dma_start3A_167 = arith.constant 0 : i32
        %dma_start3A_168 = arith.constant 0 : i32
        %dma_start3A_169 = tpu.memref_slice %arg9[%dma_start3A_167, %dma_start3A_168] : memref<125x128xf32, #tpu.memory_space<vmem>> -> memref<80x128xf32, #tpu.memory_space<vmem>>
        tpu.enqueue_dma source(%dma_start3A_169 : memref<80x128xf32, #tpu.memory_space<vmem>>) target(%dma_start3A_166 : memref<80x128xf32, #tpu.memory_space<hbm>>) target_semaphore(%run_scoped3A : memref<!tpu.dma_semaphore, #tpu.memory_space<semaphore_mem>>)
        %dma_wait3A = arith.constant 0 : i32
        %dma_wait3A_170 = arith.constant 0 : i32
        %dma_wait3A_171 = tpu.memref_slice %arg9[%dma_wait3A, %dma_wait3A_170] : memref<125x128xf32, #tpu.memory_space<vmem>> -> memref<80x128xf32, #tpu.memory_space<vmem>>
        %dma_wait3A_172 = arith.constant 0 : i32
        %dma_wait3A_173 = tpu.memref_slice %arg5[%add3A_160, %dma_wait3A_172] : memref<10240x128xf32, #tpu.memory_space<hbm>> -> memref<80x128xf32, #tpu.memory_space<hbm>>
        %dma_wait3A_174 = arith.constant 0 : i32
        %dma_wait3A_175 = tpu.memref_slice %arg5[%add3A_160, %dma_wait3A_174] : memref<10240x128xf32, #tpu.memory_space<hbm>> -> memref<80x128xf32, #tpu.memory_space<hbm>>
        %dma_wait3A_176 = arith.constant 0 : i32
        %dma_wait3A_177 = arith.constant 0 : i32
        %dma_wait3A_178 = tpu.memref_slice %arg9[%dma_wait3A_176, %dma_wait3A_177] : memref<125x128xf32, #tpu.memory_space<vmem>> -> memref<80x128xf32, #tpu.memory_space<vmem>>
        tpu.wait_dma2 semaphore(%run_scoped3A : memref<!tpu.dma_semaphore, #tpu.memory_space<semaphore_mem>>) src(%dma_wait3A_178 : memref<80x128xf32, #tpu.memory_space<vmem>>) dst(%dma_wait3A_175 : memref<80x128xf32, #tpu.memory_space<hbm>>)
        tpu.yield
      }) : () -> ()
    } else {
    }
    %eq3A_96 = arith.constant 1 : i32
    %eq3A_97 = arith.cmpi eq, %arg0, %eq3A_96 : i32
    %convert_element_type3A_98 = arith.extui %eq3A_97 : i1 to i32
    %cond3A_99 = arith.constant 0 : i32
    %cond3A_100 = arith.cmpi ne, %convert_element_type3A_98, %cond3A_99 : i32
    scf.if %cond3A_100 {
      %mul3A_157 = arith.constant 640 : i32
      %mul3A_158 = arith.muli %arg1, %mul3A_157 : i32
      %add3A_159 = arith.constant 240 : i32
      %add3A_160 = arith.addi %mul3A_158, %add3A_159 : i32
      "tpu.region"() ({
        %run_scoped3A = tpu.sem_alloc : memref<!tpu.dma_semaphore, #tpu.memory_space<semaphore_mem>>
        %dma_start3A = arith.constant 0 : i32
        %dma_start3A_161 = arith.constant 0 : i32
        %dma_start3A_162 = tpu.memref_slice %arg9[%dma_start3A, %dma_start3A_161] : memref<125x128xf32, #tpu.memory_space<vmem>> -> memref<80x128xf32, #tpu.memory_space<vmem>>
        %dma_start3A_163 = arith.constant 0 : i32
        %dma_start3A_164 = tpu.memref_slice %arg6[%add3A_160, %dma_start3A_163] : memref<10240x128xf32, #tpu.memory_space<hbm>> -> memref<80x128xf32, #tpu.memory_space<hbm>>
        %dma_start3A_165 = arith.constant 0 : i32
        %dma_start3A_166 = tpu.memref_slice %arg6[%add3A_160, %dma_start3A_165] : memref<10240x128xf32, #tpu.memory_space<hbm>> -> memref<80x128xf32, #tpu.memory_space<hbm>>
        %dma_start3A_167 = arith.constant 0 : i32
        %dma_start3A_168 = arith.constant 0 : i32
        %dma_start3A_169 = tpu.memref_slice %arg9[%dma_start3A_167, %dma_start3A_168] : memref<125x128xf32, #tpu.memory_space<vmem>> -> memref<80x128xf32, #tpu.memory_space<vmem>>
        tpu.enqueue_dma source(%dma_start3A_169 : memref<80x128xf32, #tpu.memory_space<vmem>>) target(%dma_start3A_166 : memref<80x128xf32, #tpu.memory_space<hbm>>) target_semaphore(%run_scoped3A : memref<!tpu.dma_semaphore, #tpu.memory_space<semaphore_mem>>)
        %dma_wait3A = arith.constant 0 : i32
        %dma_wait3A_170 = arith.constant 0 : i32
        %dma_wait3A_171 = tpu.memref_slice %arg9[%dma_wait3A, %dma_wait3A_170] : memref<125x128xf32, #tpu.memory_space<vmem>> -> memref<80x128xf32, #tpu.memory_space<vmem>>
        %dma_wait3A_172 = arith.constant 0 : i32
        %dma_wait3A_173 = tpu.memref_slice %arg6[%add3A_160, %dma_wait3A_172] : memref<10240x128xf32, #tpu.memory_space<hbm>> -> memref<80x128xf32, #tpu.memory_space<hbm>>
        %dma_wait3A_174 = arith.constant 0 : i32
        %dma_wait3A_175 = tpu.memref_slice %arg6[%add3A_160, %dma_wait3A_174] : memref<10240x128xf32, #tpu.memory_space<hbm>> -> memref<80x128xf32, #tpu.memory_space<hbm>>
        %dma_wait3A_176 = arith.constant 0 : i32
        %dma_wait3A_177 = arith.constant 0 : i32
        %dma_wait3A_178 = tpu.memref_slice %arg9[%dma_wait3A_176, %dma_wait3A_177] : memref<125x128xf32, #tpu.memory_space<vmem>> -> memref<80x128xf32, #tpu.memory_space<vmem>>
        tpu.wait_dma2 semaphore(%run_scoped3A : memref<!tpu.dma_semaphore, #tpu.memory_space<semaphore_mem>>) src(%dma_wait3A_178 : memref<80x128xf32, #tpu.memory_space<vmem>>) dst(%dma_wait3A_175 : memref<80x128xf32, #tpu.memory_space<hbm>>)
        tpu.yield
      }) : () -> ()
    } else {
    }
    %mul3A_101 = arith.constant 640 : i32
    %mul3A_102 = arith.muli %arg1, %mul3A_101 : i32
    %add3A_103 = arith.constant 320 : i32
    %add3A_104 = arith.addi %mul3A_102, %add3A_103 : i32
    "tpu.region"() ({
      %run_scoped3A = tpu.sem_alloc : memref<!tpu.dma_semaphore, #tpu.memory_space<semaphore_mem>>
      %dma_start3A = arith.constant 0 : i32
      %dma_start3A_157 = arith.constant 0 : i32
      %dma_start3A_158 = tpu.memref_slice %arg9[%dma_start3A, %dma_start3A_157] : memref<125x128xf32, #tpu.memory_space<vmem>> -> memref<80x128xf32, #tpu.memory_space<vmem>>
      %dma_start3A_159 = arith.constant 0 : i32
      %dma_start3A_160 = tpu.memref_slice %arg11[%add3A_104, %dma_start3A_159] : memref<10240x128xf32, #tpu.memory_space<vmem_shared>> -> memref<80x128xf32, #tpu.memory_space<vmem_shared>>
      %dma_start3A_161 = arith.constant 0 : i32
      %dma_start3A_162 = arith.constant 0 : i32
      %dma_start3A_163 = tpu.memref_slice %arg9[%dma_start3A_161, %dma_start3A_162] : memref<125x128xf32, #tpu.memory_space<vmem>> -> memref<80x128xf32, #tpu.memory_space<vmem>>
      %dma_start3A_164 = arith.constant 0 : i32
      %dma_start3A_165 = tpu.memref_slice %arg11[%add3A_104, %dma_start3A_164] : memref<10240x128xf32, #tpu.memory_space<vmem_shared>> -> memref<80x128xf32, #tpu.memory_space<vmem_shared>>
      tpu.enqueue_dma source(%dma_start3A_165 : memref<80x128xf32, #tpu.memory_space<vmem_shared>>) target(%dma_start3A_163 : memref<80x128xf32, #tpu.memory_space<vmem>>) target_semaphore(%run_scoped3A : memref<!tpu.dma_semaphore, #tpu.memory_space<semaphore_mem>>)
      %dma_wait3A = arith.constant 0 : i32
      %dma_wait3A_166 = arith.constant 0 : i32
      %dma_wait3A_167 = tpu.memref_slice %arg9[%dma_wait3A, %dma_wait3A_166] : memref<125x128xf32, #tpu.memory_space<vmem>> -> memref<80x128xf32, #tpu.memory_space<vmem>>
      %dma_wait3A_168 = arith.constant 0 : i32
      %dma_wait3A_169 = tpu.memref_slice %arg11[%add3A_104, %dma_wait3A_168] : memref<10240x128xf32, #tpu.memory_space<vmem_shared>> -> memref<80x128xf32, #tpu.memory_space<vmem_shared>>
      %dma_wait3A_170 = arith.constant 0 : i32
      %dma_wait3A_171 = arith.constant 0 : i32
      %dma_wait3A_172 = tpu.memref_slice %arg9[%dma_wait3A_170, %dma_wait3A_171] : memref<125x128xf32, #tpu.memory_space<vmem>> -> memref<80x128xf32, #tpu.memory_space<vmem>>
      %dma_wait3A_173 = arith.constant 0 : i32
      %dma_wait3A_174 = tpu.memref_slice %arg11[%add3A_104, %dma_wait3A_173] : memref<10240x128xf32, #tpu.memory_space<vmem_shared>> -> memref<80x128xf32, #tpu.memory_space<vmem_shared>>
      tpu.wait_dma2 semaphore(%run_scoped3A : memref<!tpu.dma_semaphore, #tpu.memory_space<semaphore_mem>>) src(%dma_wait3A_174 : memref<80x128xf32, #tpu.memory_space<vmem_shared>>) dst(%dma_wait3A_172 : memref<80x128xf32, #tpu.memory_space<vmem>>)
      tpu.yield
    }) : () -> ()
    %eq3A_105 = arith.constant 0 : i32
    %eq3A_106 = arith.cmpi eq, %arg0, %eq3A_105 : i32
    %convert_element_type3A_107 = arith.extui %eq3A_106 : i1 to i32
    %cond3A_108 = arith.constant 0 : i32
    %cond3A_109 = arith.cmpi ne, %convert_element_type3A_107, %cond3A_108 : i32
    scf.if %cond3A_109 {
      %mul3A_157 = arith.constant 640 : i32
      %mul3A_158 = arith.muli %arg1, %mul3A_157 : i32
      %add3A_159 = arith.constant 320 : i32
      %add3A_160 = arith.addi %mul3A_158, %add3A_159 : i32
      "tpu.region"() ({
        %run_scoped3A = tpu.sem_alloc : memref<!tpu.dma_semaphore, #tpu.memory_space<semaphore_mem>>
        %dma_start3A = arith.constant 0 : i32
        %dma_start3A_161 = arith.constant 0 : i32
        %dma_start3A_162 = tpu.memref_slice %arg9[%dma_start3A, %dma_start3A_161] : memref<125x128xf32, #tpu.memory_space<vmem>> -> memref<80x128xf32, #tpu.memory_space<vmem>>
        %dma_start3A_163 = arith.constant 0 : i32
        %dma_start3A_164 = tpu.memref_slice %arg5[%add3A_160, %dma_start3A_163] : memref<10240x128xf32, #tpu.memory_space<hbm>> -> memref<80x128xf32, #tpu.memory_space<hbm>>
        %dma_start3A_165 = arith.constant 0 : i32
        %dma_start3A_166 = tpu.memref_slice %arg5[%add3A_160, %dma_start3A_165] : memref<10240x128xf32, #tpu.memory_space<hbm>> -> memref<80x128xf32, #tpu.memory_space<hbm>>
        %dma_start3A_167 = arith.constant 0 : i32
        %dma_start3A_168 = arith.constant 0 : i32
        %dma_start3A_169 = tpu.memref_slice %arg9[%dma_start3A_167, %dma_start3A_168] : memref<125x128xf32, #tpu.memory_space<vmem>> -> memref<80x128xf32, #tpu.memory_space<vmem>>
        tpu.enqueue_dma source(%dma_start3A_169 : memref<80x128xf32, #tpu.memory_space<vmem>>) target(%dma_start3A_166 : memref<80x128xf32, #tpu.memory_space<hbm>>) target_semaphore(%run_scoped3A : memref<!tpu.dma_semaphore, #tpu.memory_space<semaphore_mem>>)
        %dma_wait3A = arith.constant 0 : i32
        %dma_wait3A_170 = arith.constant 0 : i32
        %dma_wait3A_171 = tpu.memref_slice %arg9[%dma_wait3A, %dma_wait3A_170] : memref<125x128xf32, #tpu.memory_space<vmem>> -> memref<80x128xf32, #tpu.memory_space<vmem>>
        %dma_wait3A_172 = arith.constant 0 : i32
        %dma_wait3A_173 = tpu.memref_slice %arg5[%add3A_160, %dma_wait3A_172] : memref<10240x128xf32, #tpu.memory_space<hbm>> -> memref<80x128xf32, #tpu.memory_space<hbm>>
        %dma_wait3A_174 = arith.constant 0 : i32
        %dma_wait3A_175 = tpu.memref_slice %arg5[%add3A_160, %dma_wait3A_174] : memref<10240x128xf32, #tpu.memory_space<hbm>> -> memref<80x128xf32, #tpu.memory_space<hbm>>
        %dma_wait3A_176 = arith.constant 0 : i32
        %dma_wait3A_177 = arith.constant 0 : i32
        %dma_wait3A_178 = tpu.memref_slice %arg9[%dma_wait3A_176, %dma_wait3A_177] : memref<125x128xf32, #tpu.memory_space<vmem>> -> memref<80x128xf32, #tpu.memory_space<vmem>>
        tpu.wait_dma2 semaphore(%run_scoped3A : memref<!tpu.dma_semaphore, #tpu.memory_space<semaphore_mem>>) src(%dma_wait3A_178 : memref<80x128xf32, #tpu.memory_space<vmem>>) dst(%dma_wait3A_175 : memref<80x128xf32, #tpu.memory_space<hbm>>)
        tpu.yield
      }) : () -> ()
    } else {
    }
    %eq3A_110 = arith.constant 1 : i32
    %eq3A_111 = arith.cmpi eq, %arg0, %eq3A_110 : i32
    %convert_element_type3A_112 = arith.extui %eq3A_111 : i1 to i32
    %cond3A_113 = arith.constant 0 : i32
    %cond3A_114 = arith.cmpi ne, %convert_element_type3A_112, %cond3A_113 : i32
    scf.if %cond3A_114 {
      %mul3A_157 = arith.constant 640 : i32
      %mul3A_158 = arith.muli %arg1, %mul3A_157 : i32
      %add3A_159 = arith.constant 320 : i32
      %add3A_160 = arith.addi %mul3A_158, %add3A_159 : i32
      "tpu.region"() ({
        %run_scoped3A = tpu.sem_alloc : memref<!tpu.dma_semaphore, #tpu.memory_space<semaphore_mem>>
        %dma_start3A = arith.constant 0 : i32
        %dma_start3A_161 = arith.constant 0 : i32
        %dma_start3A_162 = tpu.memref_slice %arg9[%dma_start3A, %dma_start3A_161] : memref<125x128xf32, #tpu.memory_space<vmem>> -> memref<80x128xf32, #tpu.memory_space<vmem>>
        %dma_start3A_163 = arith.constant 0 : i32
        %dma_start3A_164 = tpu.memref_slice %arg6[%add3A_160, %dma_start3A_163] : memref<10240x128xf32, #tpu.memory_space<hbm>> -> memref<80x128xf32, #tpu.memory_space<hbm>>
        %dma_start3A_165 = arith.constant 0 : i32
        %dma_start3A_166 = tpu.memref_slice %arg6[%add3A_160, %dma_start3A_165] : memref<10240x128xf32, #tpu.memory_space<hbm>> -> memref<80x128xf32, #tpu.memory_space<hbm>>
        %dma_start3A_167 = arith.constant 0 : i32
        %dma_start3A_168 = arith.constant 0 : i32
        %dma_start3A_169 = tpu.memref_slice %arg9[%dma_start3A_167, %dma_start3A_168] : memref<125x128xf32, #tpu.memory_space<vmem>> -> memref<80x128xf32, #tpu.memory_space<vmem>>
        tpu.enqueue_dma source(%dma_start3A_169 : memref<80x128xf32, #tpu.memory_space<vmem>>) target(%dma_start3A_166 : memref<80x128xf32, #tpu.memory_space<hbm>>) target_semaphore(%run_scoped3A : memref<!tpu.dma_semaphore, #tpu.memory_space<semaphore_mem>>)
        %dma_wait3A = arith.constant 0 : i32
        %dma_wait3A_170 = arith.constant 0 : i32
        %dma_wait3A_171 = tpu.memref_slice %arg9[%dma_wait3A, %dma_wait3A_170] : memref<125x128xf32, #tpu.memory_space<vmem>> -> memref<80x128xf32, #tpu.memory_space<vmem>>
        %dma_wait3A_172 = arith.constant 0 : i32
        %dma_wait3A_173 = tpu.memref_slice %arg6[%add3A_160, %dma_wait3A_172] : memref<10240x128xf32, #tpu.memory_space<hbm>> -> memref<80x128xf32, #tpu.memory_space<hbm>>
        %dma_wait3A_174 = arith.constant 0 : i32
        %dma_wait3A_175 = tpu.memref_slice %arg6[%add3A_160, %dma_wait3A_174] : memref<10240x128xf32, #tpu.memory_space<hbm>> -> memref<80x128xf32, #tpu.memory_space<hbm>>
        %dma_wait3A_176 = arith.constant 0 : i32
        %dma_wait3A_177 = arith.constant 0 : i32
        %dma_wait3A_178 = tpu.memref_slice %arg9[%dma_wait3A_176, %dma_wait3A_177] : memref<125x128xf32, #tpu.memory_space<vmem>> -> memref<80x128xf32, #tpu.memory_space<vmem>>
        tpu.wait_dma2 semaphore(%run_scoped3A : memref<!tpu.dma_semaphore, #tpu.memory_space<semaphore_mem>>) src(%dma_wait3A_178 : memref<80x128xf32, #tpu.memory_space<vmem>>) dst(%dma_wait3A_175 : memref<80x128xf32, #tpu.memory_space<hbm>>)
        tpu.yield
      }) : () -> ()
    } else {
    }
    %mul3A_115 = arith.constant 640 : i32
    %mul3A_116 = arith.muli %arg1, %mul3A_115 : i32
    %add3A_117 = arith.constant 400 : i32
    %add3A_118 = arith.addi %mul3A_116, %add3A_117 : i32
    "tpu.region"() ({
      %run_scoped3A = tpu.sem_alloc : memref<!tpu.dma_semaphore, #tpu.memory_space<semaphore_mem>>
      %dma_start3A = arith.constant 0 : i32
      %dma_start3A_157 = arith.constant 0 : i32
      %dma_start3A_158 = tpu.memref_slice %arg9[%dma_start3A, %dma_start3A_157] : memref<125x128xf32, #tpu.memory_space<vmem>> -> memref<80x128xf32, #tpu.memory_space<vmem>>
      %dma_start3A_159 = arith.constant 0 : i32
      %dma_start3A_160 = tpu.memref_slice %arg11[%add3A_118, %dma_start3A_159] : memref<10240x128xf32, #tpu.memory_space<vmem_shared>> -> memref<80x128xf32, #tpu.memory_space<vmem_shared>>
      %dma_start3A_161 = arith.constant 0 : i32
      %dma_start3A_162 = arith.constant 0 : i32
      %dma_start3A_163 = tpu.memref_slice %arg9[%dma_start3A_161, %dma_start3A_162] : memref<125x128xf32, #tpu.memory_space<vmem>> -> memref<80x128xf32, #tpu.memory_space<vmem>>
      %dma_start3A_164 = arith.constant 0 : i32
      %dma_start3A_165 = tpu.memref_slice %arg11[%add3A_118, %dma_start3A_164] : memref<10240x128xf32, #tpu.memory_space<vmem_shared>> -> memref<80x128xf32, #tpu.memory_space<vmem_shared>>
      tpu.enqueue_dma source(%dma_start3A_165 : memref<80x128xf32, #tpu.memory_space<vmem_shared>>) target(%dma_start3A_163 : memref<80x128xf32, #tpu.memory_space<vmem>>) target_semaphore(%run_scoped3A : memref<!tpu.dma_semaphore, #tpu.memory_space<semaphore_mem>>)
      %dma_wait3A = arith.constant 0 : i32
      %dma_wait3A_166 = arith.constant 0 : i32
      %dma_wait3A_167 = tpu.memref_slice %arg9[%dma_wait3A, %dma_wait3A_166] : memref<125x128xf32, #tpu.memory_space<vmem>> -> memref<80x128xf32, #tpu.memory_space<vmem>>
      %dma_wait3A_168 = arith.constant 0 : i32
      %dma_wait3A_169 = tpu.memref_slice %arg11[%add3A_118, %dma_wait3A_168] : memref<10240x128xf32, #tpu.memory_space<vmem_shared>> -> memref<80x128xf32, #tpu.memory_space<vmem_shared>>
      %dma_wait3A_170 = arith.constant 0 : i32
      %dma_wait3A_171 = arith.constant 0 : i32
      %dma_wait3A_172 = tpu.memref_slice %arg9[%dma_wait3A_170, %dma_wait3A_171] : memref<125x128xf32, #tpu.memory_space<vmem>> -> memref<80x128xf32, #tpu.memory_space<vmem>>
      %dma_wait3A_173 = arith.constant 0 : i32
      %dma_wait3A_174 = tpu.memref_slice %arg11[%add3A_118, %dma_wait3A_173] : memref<10240x128xf32, #tpu.memory_space<vmem_shared>> -> memref<80x128xf32, #tpu.memory_space<vmem_shared>>
      tpu.wait_dma2 semaphore(%run_scoped3A : memref<!tpu.dma_semaphore, #tpu.memory_space<semaphore_mem>>) src(%dma_wait3A_174 : memref<80x128xf32, #tpu.memory_space<vmem_shared>>) dst(%dma_wait3A_172 : memref<80x128xf32, #tpu.memory_space<vmem>>)
      tpu.yield
    }) : () -> ()
    %eq3A_119 = arith.constant 0 : i32
    %eq3A_120 = arith.cmpi eq, %arg0, %eq3A_119 : i32
    %convert_element_type3A_121 = arith.extui %eq3A_120 : i1 to i32
    %cond3A_122 = arith.constant 0 : i32
    %cond3A_123 = arith.cmpi ne, %convert_element_type3A_121, %cond3A_122 : i32
    scf.if %cond3A_123 {
      %mul3A_157 = arith.constant 640 : i32
      %mul3A_158 = arith.muli %arg1, %mul3A_157 : i32
      %add3A_159 = arith.constant 400 : i32
      %add3A_160 = arith.addi %mul3A_158, %add3A_159 : i32
      "tpu.region"() ({
        %run_scoped3A = tpu.sem_alloc : memref<!tpu.dma_semaphore, #tpu.memory_space<semaphore_mem>>
        %dma_start3A = arith.constant 0 : i32
        %dma_start3A_161 = arith.constant 0 : i32
        %dma_start3A_162 = tpu.memref_slice %arg9[%dma_start3A, %dma_start3A_161] : memref<125x128xf32, #tpu.memory_space<vmem>> -> memref<80x128xf32, #tpu.memory_space<vmem>>
        %dma_start3A_163 = arith.constant 0 : i32
        %dma_start3A_164 = tpu.memref_slice %arg5[%add3A_160, %dma_start3A_163] : memref<10240x128xf32, #tpu.memory_space<hbm>> -> memref<80x128xf32, #tpu.memory_space<hbm>>
        %dma_start3A_165 = arith.constant 0 : i32
        %dma_start3A_166 = tpu.memref_slice %arg5[%add3A_160, %dma_start3A_165] : memref<10240x128xf32, #tpu.memory_space<hbm>> -> memref<80x128xf32, #tpu.memory_space<hbm>>
        %dma_start3A_167 = arith.constant 0 : i32
        %dma_start3A_168 = arith.constant 0 : i32
        %dma_start3A_169 = tpu.memref_slice %arg9[%dma_start3A_167, %dma_start3A_168] : memref<125x128xf32, #tpu.memory_space<vmem>> -> memref<80x128xf32, #tpu.memory_space<vmem>>
        tpu.enqueue_dma source(%dma_start3A_169 : memref<80x128xf32, #tpu.memory_space<vmem>>) target(%dma_start3A_166 : memref<80x128xf32, #tpu.memory_space<hbm>>) target_semaphore(%run_scoped3A : memref<!tpu.dma_semaphore, #tpu.memory_space<semaphore_mem>>)
        %dma_wait3A = arith.constant 0 : i32
        %dma_wait3A_170 = arith.constant 0 : i32
        %dma_wait3A_171 = tpu.memref_slice %arg9[%dma_wait3A, %dma_wait3A_170] : memref<125x128xf32, #tpu.memory_space<vmem>> -> memref<80x128xf32, #tpu.memory_space<vmem>>
        %dma_wait3A_172 = arith.constant 0 : i32
        %dma_wait3A_173 = tpu.memref_slice %arg5[%add3A_160, %dma_wait3A_172] : memref<10240x128xf32, #tpu.memory_space<hbm>> -> memref<80x128xf32, #tpu.memory_space<hbm>>
        %dma_wait3A_174 = arith.constant 0 : i32
        %dma_wait3A_175 = tpu.memref_slice %arg5[%add3A_160, %dma_wait3A_174] : memref<10240x128xf32, #tpu.memory_space<hbm>> -> memref<80x128xf32, #tpu.memory_space<hbm>>
        %dma_wait3A_176 = arith.constant 0 : i32
        %dma_wait3A_177 = arith.constant 0 : i32
        %dma_wait3A_178 = tpu.memref_slice %arg9[%dma_wait3A_176, %dma_wait3A_177] : memref<125x128xf32, #tpu.memory_space<vmem>> -> memref<80x128xf32, #tpu.memory_space<vmem>>
        tpu.wait_dma2 semaphore(%run_scoped3A : memref<!tpu.dma_semaphore, #tpu.memory_space<semaphore_mem>>) src(%dma_wait3A_178 : memref<80x128xf32, #tpu.memory_space<vmem>>) dst(%dma_wait3A_175 : memref<80x128xf32, #tpu.memory_space<hbm>>)
        tpu.yield
      }) : () -> ()
    } else {
    }
    %eq3A_124 = arith.constant 1 : i32
    %eq3A_125 = arith.cmpi eq, %arg0, %eq3A_124 : i32
    %convert_element_type3A_126 = arith.extui %eq3A_125 : i1 to i32
    %cond3A_127 = arith.constant 0 : i32
    %cond3A_128 = arith.cmpi ne, %convert_element_type3A_126, %cond3A_127 : i32
    scf.if %cond3A_128 {
      %mul3A_157 = arith.constant 640 : i32
      %mul3A_158 = arith.muli %arg1, %mul3A_157 : i32
      %add3A_159 = arith.constant 400 : i32
      %add3A_160 = arith.addi %mul3A_158, %add3A_159 : i32
      "tpu.region"() ({
        %run_scoped3A = tpu.sem_alloc : memref<!tpu.dma_semaphore, #tpu.memory_space<semaphore_mem>>
        %dma_start3A = arith.constant 0 : i32
        %dma_start3A_161 = arith.constant 0 : i32
        %dma_start3A_162 = tpu.memref_slice %arg9[%dma_start3A, %dma_start3A_161] : memref<125x128xf32, #tpu.memory_space<vmem>> -> memref<80x128xf32, #tpu.memory_space<vmem>>
        %dma_start3A_163 = arith.constant 0 : i32
        %dma_start3A_164 = tpu.memref_slice %arg6[%add3A_160, %dma_start3A_163] : memref<10240x128xf32, #tpu.memory_space<hbm>> -> memref<80x128xf32, #tpu.memory_space<hbm>>
        %dma_start3A_165 = arith.constant 0 : i32
        %dma_start3A_166 = tpu.memref_slice %arg6[%add3A_160, %dma_start3A_165] : memref<10240x128xf32, #tpu.memory_space<hbm>> -> memref<80x128xf32, #tpu.memory_space<hbm>>
        %dma_start3A_167 = arith.constant 0 : i32
        %dma_start3A_168 = arith.constant 0 : i32
        %dma_start3A_169 = tpu.memref_slice %arg9[%dma_start3A_167, %dma_start3A_168] : memref<125x128xf32, #tpu.memory_space<vmem>> -> memref<80x128xf32, #tpu.memory_space<vmem>>
        tpu.enqueue_dma source(%dma_start3A_169 : memref<80x128xf32, #tpu.memory_space<vmem>>) target(%dma_start3A_166 : memref<80x128xf32, #tpu.memory_space<hbm>>) target_semaphore(%run_scoped3A : memref<!tpu.dma_semaphore, #tpu.memory_space<semaphore_mem>>)
        %dma_wait3A = arith.constant 0 : i32
        %dma_wait3A_170 = arith.constant 0 : i32
        %dma_wait3A_171 = tpu.memref_slice %arg9[%dma_wait3A, %dma_wait3A_170] : memref<125x128xf32, #tpu.memory_space<vmem>> -> memref<80x128xf32, #tpu.memory_space<vmem>>
        %dma_wait3A_172 = arith.constant 0 : i32
        %dma_wait3A_173 = tpu.memref_slice %arg6[%add3A_160, %dma_wait3A_172] : memref<10240x128xf32, #tpu.memory_space<hbm>> -> memref<80x128xf32, #tpu.memory_space<hbm>>
        %dma_wait3A_174 = arith.constant 0 : i32
        %dma_wait3A_175 = tpu.memref_slice %arg6[%add3A_160, %dma_wait3A_174] : memref<10240x128xf32, #tpu.memory_space<hbm>> -> memref<80x128xf32, #tpu.memory_space<hbm>>
        %dma_wait3A_176 = arith.constant 0 : i32
        %dma_wait3A_177 = arith.constant 0 : i32
        %dma_wait3A_178 = tpu.memref_slice %arg9[%dma_wait3A_176, %dma_wait3A_177] : memref<125x128xf32, #tpu.memory_space<vmem>> -> memref<80x128xf32, #tpu.memory_space<vmem>>
        tpu.wait_dma2 semaphore(%run_scoped3A : memref<!tpu.dma_semaphore, #tpu.memory_space<semaphore_mem>>) src(%dma_wait3A_178 : memref<80x128xf32, #tpu.memory_space<vmem>>) dst(%dma_wait3A_175 : memref<80x128xf32, #tpu.memory_space<hbm>>)
        tpu.yield
      }) : () -> ()
    } else {
    }
    %mul3A_129 = arith.constant 640 : i32
    %mul3A_130 = arith.muli %arg1, %mul3A_129 : i32
    %add3A_131 = arith.constant 480 : i32
    %add3A_132 = arith.addi %mul3A_130, %add3A_131 : i32
    "tpu.region"() ({
      %run_scoped3A = tpu.sem_alloc : memref<!tpu.dma_semaphore, #tpu.memory_space<semaphore_mem>>
      %dma_start3A = arith.constant 0 : i32
      %dma_start3A_157 = arith.constant 0 : i32
      %dma_start3A_158 = tpu.memref_slice %arg9[%dma_start3A, %dma_start3A_157] : memref<125x128xf32, #tpu.memory_space<vmem>> -> memref<80x128xf32, #tpu.memory_space<vmem>>
      %dma_start3A_159 = arith.constant 0 : i32
      %dma_start3A_160 = tpu.memref_slice %arg11[%add3A_132, %dma_start3A_159] : memref<10240x128xf32, #tpu.memory_space<vmem_shared>> -> memref<80x128xf32, #tpu.memory_space<vmem_shared>>
      %dma_start3A_161 = arith.constant 0 : i32
      %dma_start3A_162 = arith.constant 0 : i32
      %dma_start3A_163 = tpu.memref_slice %arg9[%dma_start3A_161, %dma_start3A_162] : memref<125x128xf32, #tpu.memory_space<vmem>> -> memref<80x128xf32, #tpu.memory_space<vmem>>
      %dma_start3A_164 = arith.constant 0 : i32
      %dma_start3A_165 = tpu.memref_slice %arg11[%add3A_132, %dma_start3A_164] : memref<10240x128xf32, #tpu.memory_space<vmem_shared>> -> memref<80x128xf32, #tpu.memory_space<vmem_shared>>
      tpu.enqueue_dma source(%dma_start3A_165 : memref<80x128xf32, #tpu.memory_space<vmem_shared>>) target(%dma_start3A_163 : memref<80x128xf32, #tpu.memory_space<vmem>>) target_semaphore(%run_scoped3A : memref<!tpu.dma_semaphore, #tpu.memory_space<semaphore_mem>>)
      %dma_wait3A = arith.constant 0 : i32
      %dma_wait3A_166 = arith.constant 0 : i32
      %dma_wait3A_167 = tpu.memref_slice %arg9[%dma_wait3A, %dma_wait3A_166] : memref<125x128xf32, #tpu.memory_space<vmem>> -> memref<80x128xf32, #tpu.memory_space<vmem>>
      %dma_wait3A_168 = arith.constant 0 : i32
      %dma_wait3A_169 = tpu.memref_slice %arg11[%add3A_132, %dma_wait3A_168] : memref<10240x128xf32, #tpu.memory_space<vmem_shared>> -> memref<80x128xf32, #tpu.memory_space<vmem_shared>>
      %dma_wait3A_170 = arith.constant 0 : i32
      %dma_wait3A_171 = arith.constant 0 : i32
      %dma_wait3A_172 = tpu.memref_slice %arg9[%dma_wait3A_170, %dma_wait3A_171] : memref<125x128xf32, #tpu.memory_space<vmem>> -> memref<80x128xf32, #tpu.memory_space<vmem>>
      %dma_wait3A_173 = arith.constant 0 : i32
      %dma_wait3A_174 = tpu.memref_slice %arg11[%add3A_132, %dma_wait3A_173] : memref<10240x128xf32, #tpu.memory_space<vmem_shared>> -> memref<80x128xf32, #tpu.memory_space<vmem_shared>>
      tpu.wait_dma2 semaphore(%run_scoped3A : memref<!tpu.dma_semaphore, #tpu.memory_space<semaphore_mem>>) src(%dma_wait3A_174 : memref<80x128xf32, #tpu.memory_space<vmem_shared>>) dst(%dma_wait3A_172 : memref<80x128xf32, #tpu.memory_space<vmem>>)
      tpu.yield
    }) : () -> ()
    %eq3A_133 = arith.constant 0 : i32
    %eq3A_134 = arith.cmpi eq, %arg0, %eq3A_133 : i32
    %convert_element_type3A_135 = arith.extui %eq3A_134 : i1 to i32
    %cond3A_136 = arith.constant 0 : i32
    %cond3A_137 = arith.cmpi ne, %convert_element_type3A_135, %cond3A_136 : i32
    scf.if %cond3A_137 {
      %mul3A_157 = arith.constant 640 : i32
      %mul3A_158 = arith.muli %arg1, %mul3A_157 : i32
      %add3A_159 = arith.constant 480 : i32
      %add3A_160 = arith.addi %mul3A_158, %add3A_159 : i32
      "tpu.region"() ({
        %run_scoped3A = tpu.sem_alloc : memref<!tpu.dma_semaphore, #tpu.memory_space<semaphore_mem>>
        %dma_start3A = arith.constant 0 : i32
        %dma_start3A_161 = arith.constant 0 : i32
        %dma_start3A_162 = tpu.memref_slice %arg9[%dma_start3A, %dma_start3A_161] : memref<125x128xf32, #tpu.memory_space<vmem>> -> memref<80x128xf32, #tpu.memory_space<vmem>>
        %dma_start3A_163 = arith.constant 0 : i32
        %dma_start3A_164 = tpu.memref_slice %arg5[%add3A_160, %dma_start3A_163] : memref<10240x128xf32, #tpu.memory_space<hbm>> -> memref<80x128xf32, #tpu.memory_space<hbm>>
        %dma_start3A_165 = arith.constant 0 : i32
        %dma_start3A_166 = tpu.memref_slice %arg5[%add3A_160, %dma_start3A_165] : memref<10240x128xf32, #tpu.memory_space<hbm>> -> memref<80x128xf32, #tpu.memory_space<hbm>>
        %dma_start3A_167 = arith.constant 0 : i32
        %dma_start3A_168 = arith.constant 0 : i32
        %dma_start3A_169 = tpu.memref_slice %arg9[%dma_start3A_167, %dma_start3A_168] : memref<125x128xf32, #tpu.memory_space<vmem>> -> memref<80x128xf32, #tpu.memory_space<vmem>>
        tpu.enqueue_dma source(%dma_start3A_169 : memref<80x128xf32, #tpu.memory_space<vmem>>) target(%dma_start3A_166 : memref<80x128xf32, #tpu.memory_space<hbm>>) target_semaphore(%run_scoped3A : memref<!tpu.dma_semaphore, #tpu.memory_space<semaphore_mem>>)
        %dma_wait3A = arith.constant 0 : i32
        %dma_wait3A_170 = arith.constant 0 : i32
        %dma_wait3A_171 = tpu.memref_slice %arg9[%dma_wait3A, %dma_wait3A_170] : memref<125x128xf32, #tpu.memory_space<vmem>> -> memref<80x128xf32, #tpu.memory_space<vmem>>
        %dma_wait3A_172 = arith.constant 0 : i32
        %dma_wait3A_173 = tpu.memref_slice %arg5[%add3A_160, %dma_wait3A_172] : memref<10240x128xf32, #tpu.memory_space<hbm>> -> memref<80x128xf32, #tpu.memory_space<hbm>>
        %dma_wait3A_174 = arith.constant 0 : i32
        %dma_wait3A_175 = tpu.memref_slice %arg5[%add3A_160, %dma_wait3A_174] : memref<10240x128xf32, #tpu.memory_space<hbm>> -> memref<80x128xf32, #tpu.memory_space<hbm>>
        %dma_wait3A_176 = arith.constant 0 : i32
        %dma_wait3A_177 = arith.constant 0 : i32
        %dma_wait3A_178 = tpu.memref_slice %arg9[%dma_wait3A_176, %dma_wait3A_177] : memref<125x128xf32, #tpu.memory_space<vmem>> -> memref<80x128xf32, #tpu.memory_space<vmem>>
        tpu.wait_dma2 semaphore(%run_scoped3A : memref<!tpu.dma_semaphore, #tpu.memory_space<semaphore_mem>>) src(%dma_wait3A_178 : memref<80x128xf32, #tpu.memory_space<vmem>>) dst(%dma_wait3A_175 : memref<80x128xf32, #tpu.memory_space<hbm>>)
        tpu.yield
      }) : () -> ()
    } else {
    }
    %eq3A_138 = arith.constant 1 : i32
    %eq3A_139 = arith.cmpi eq, %arg0, %eq3A_138 : i32
    %convert_element_type3A_140 = arith.extui %eq3A_139 : i1 to i32
    %cond3A_141 = arith.constant 0 : i32
    %cond3A_142 = arith.cmpi ne, %convert_element_type3A_140, %cond3A_141 : i32
    scf.if %cond3A_142 {
      %mul3A_157 = arith.constant 640 : i32
      %mul3A_158 = arith.muli %arg1, %mul3A_157 : i32
      %add3A_159 = arith.constant 480 : i32
      %add3A_160 = arith.addi %mul3A_158, %add3A_159 : i32
      "tpu.region"() ({
        %run_scoped3A = tpu.sem_alloc : memref<!tpu.dma_semaphore, #tpu.memory_space<semaphore_mem>>
        %dma_start3A = arith.constant 0 : i32
        %dma_start3A_161 = arith.constant 0 : i32
        %dma_start3A_162 = tpu.memref_slice %arg9[%dma_start3A, %dma_start3A_161] : memref<125x128xf32, #tpu.memory_space<vmem>> -> memref<80x128xf32, #tpu.memory_space<vmem>>
        %dma_start3A_163 = arith.constant 0 : i32
        %dma_start3A_164 = tpu.memref_slice %arg6[%add3A_160, %dma_start3A_163] : memref<10240x128xf32, #tpu.memory_space<hbm>> -> memref<80x128xf32, #tpu.memory_space<hbm>>
        %dma_start3A_165 = arith.constant 0 : i32
        %dma_start3A_166 = tpu.memref_slice %arg6[%add3A_160, %dma_start3A_165] : memref<10240x128xf32, #tpu.memory_space<hbm>> -> memref<80x128xf32, #tpu.memory_space<hbm>>
        %dma_start3A_167 = arith.constant 0 : i32
        %dma_start3A_168 = arith.constant 0 : i32
        %dma_start3A_169 = tpu.memref_slice %arg9[%dma_start3A_167, %dma_start3A_168] : memref<125x128xf32, #tpu.memory_space<vmem>> -> memref<80x128xf32, #tpu.memory_space<vmem>>
        tpu.enqueue_dma source(%dma_start3A_169 : memref<80x128xf32, #tpu.memory_space<vmem>>) target(%dma_start3A_166 : memref<80x128xf32, #tpu.memory_space<hbm>>) target_semaphore(%run_scoped3A : memref<!tpu.dma_semaphore, #tpu.memory_space<semaphore_mem>>)
        %dma_wait3A = arith.constant 0 : i32
        %dma_wait3A_170 = arith.constant 0 : i32
        %dma_wait3A_171 = tpu.memref_slice %arg9[%dma_wait3A, %dma_wait3A_170] : memref<125x128xf32, #tpu.memory_space<vmem>> -> memref<80x128xf32, #tpu.memory_space<vmem>>
        %dma_wait3A_172 = arith.constant 0 : i32
        %dma_wait3A_173 = tpu.memref_slice %arg6[%add3A_160, %dma_wait3A_172] : memref<10240x128xf32, #tpu.memory_space<hbm>> -> memref<80x128xf32, #tpu.memory_space<hbm>>
        %dma_wait3A_174 = arith.constant 0 : i32
        %dma_wait3A_175 = tpu.memref_slice %arg6[%add3A_160, %dma_wait3A_174] : memref<10240x128xf32, #tpu.memory_space<hbm>> -> memref<80x128xf32, #tpu.memory_space<hbm>>
        %dma_wait3A_176 = arith.constant 0 : i32
        %dma_wait3A_177 = arith.constant 0 : i32
        %dma_wait3A_178 = tpu.memref_slice %arg9[%dma_wait3A_176, %dma_wait3A_177] : memref<125x128xf32, #tpu.memory_space<vmem>> -> memref<80x128xf32, #tpu.memory_space<vmem>>
        tpu.wait_dma2 semaphore(%run_scoped3A : memref<!tpu.dma_semaphore, #tpu.memory_space<semaphore_mem>>) src(%dma_wait3A_178 : memref<80x128xf32, #tpu.memory_space<vmem>>) dst(%dma_wait3A_175 : memref<80x128xf32, #tpu.memory_space<hbm>>)
        tpu.yield
      }) : () -> ()
    } else {
    }
    %mul3A_143 = arith.constant 640 : i32
    %mul3A_144 = arith.muli %arg1, %mul3A_143 : i32
    %add3A_145 = arith.constant 560 : i32
    %add3A_146 = arith.addi %mul3A_144, %add3A_145 : i32
    "tpu.region"() ({
      %run_scoped3A = tpu.sem_alloc : memref<!tpu.dma_semaphore, #tpu.memory_space<semaphore_mem>>
      %dma_start3A = arith.constant 0 : i32
      %dma_start3A_157 = arith.constant 0 : i32
      %dma_start3A_158 = tpu.memref_slice %arg9[%dma_start3A, %dma_start3A_157] : memref<125x128xf32, #tpu.memory_space<vmem>> -> memref<80x128xf32, #tpu.memory_space<vmem>>
      %dma_start3A_159 = arith.constant 0 : i32
      %dma_start3A_160 = tpu.memref_slice %arg11[%add3A_146, %dma_start3A_159] : memref<10240x128xf32, #tpu.memory_space<vmem_shared>> -> memref<80x128xf32, #tpu.memory_space<vmem_shared>>
      %dma_start3A_161 = arith.constant 0 : i32
      %dma_start3A_162 = arith.constant 0 : i32
      %dma_start3A_163 = tpu.memref_slice %arg9[%dma_start3A_161, %dma_start3A_162] : memref<125x128xf32, #tpu.memory_space<vmem>> -> memref<80x128xf32, #tpu.memory_space<vmem>>
      %dma_start3A_164 = arith.constant 0 : i32
      %dma_start3A_165 = tpu.memref_slice %arg11[%add3A_146, %dma_start3A_164] : memref<10240x128xf32, #tpu.memory_space<vmem_shared>> -> memref<80x128xf32, #tpu.memory_space<vmem_shared>>
      tpu.enqueue_dma source(%dma_start3A_165 : memref<80x128xf32, #tpu.memory_space<vmem_shared>>) target(%dma_start3A_163 : memref<80x128xf32, #tpu.memory_space<vmem>>) target_semaphore(%run_scoped3A : memref<!tpu.dma_semaphore, #tpu.memory_space<semaphore_mem>>)
      %dma_wait3A = arith.constant 0 : i32
      %dma_wait3A_166 = arith.constant 0 : i32
      %dma_wait3A_167 = tpu.memref_slice %arg9[%dma_wait3A, %dma_wait3A_166] : memref<125x128xf32, #tpu.memory_space<vmem>> -> memref<80x128xf32, #tpu.memory_space<vmem>>
      %dma_wait3A_168 = arith.constant 0 : i32
      %dma_wait3A_169 = tpu.memref_slice %arg11[%add3A_146, %dma_wait3A_168] : memref<10240x128xf32, #tpu.memory_space<vmem_shared>> -> memref<80x128xf32, #tpu.memory_space<vmem_shared>>
      %dma_wait3A_170 = arith.constant 0 : i32
      %dma_wait3A_171 = arith.constant 0 : i32
      %dma_wait3A_172 = tpu.memref_slice %arg9[%dma_wait3A_170, %dma_wait3A_171] : memref<125x128xf32, #tpu.memory_space<vmem>> -> memref<80x128xf32, #tpu.memory_space<vmem>>
      %dma_wait3A_173 = arith.constant 0 : i32
      %dma_wait3A_174 = tpu.memref_slice %arg11[%add3A_146, %dma_wait3A_173] : memref<10240x128xf32, #tpu.memory_space<vmem_shared>> -> memref<80x128xf32, #tpu.memory_space<vmem_shared>>
      tpu.wait_dma2 semaphore(%run_scoped3A : memref<!tpu.dma_semaphore, #tpu.memory_space<semaphore_mem>>) src(%dma_wait3A_174 : memref<80x128xf32, #tpu.memory_space<vmem_shared>>) dst(%dma_wait3A_172 : memref<80x128xf32, #tpu.memory_space<vmem>>)
      tpu.yield
    }) : () -> ()
    %eq3A_147 = arith.constant 0 : i32
    %eq3A_148 = arith.cmpi eq, %arg0, %eq3A_147 : i32
    %convert_element_type3A_149 = arith.extui %eq3A_148 : i1 to i32
    %cond3A_150 = arith.constant 0 : i32
    %cond3A_151 = arith.cmpi ne, %convert_element_type3A_149, %cond3A_150 : i32
    scf.if %cond3A_151 {
      %mul3A_157 = arith.constant 640 : i32
      %mul3A_158 = arith.muli %arg1, %mul3A_157 : i32
      %add3A_159 = arith.constant 560 : i32
      %add3A_160 = arith.addi %mul3A_158, %add3A_159 : i32
      "tpu.region"() ({
        %run_scoped3A = tpu.sem_alloc : memref<!tpu.dma_semaphore, #tpu.memory_space<semaphore_mem>>
        %dma_start3A = arith.constant 0 : i32
        %dma_start3A_161 = arith.constant 0 : i32
        %dma_start3A_162 = tpu.memref_slice %arg9[%dma_start3A, %dma_start3A_161] : memref<125x128xf32, #tpu.memory_space<vmem>> -> memref<80x128xf32, #tpu.memory_space<vmem>>
        %dma_start3A_163 = arith.constant 0 : i32
        %dma_start3A_164 = tpu.memref_slice %arg5[%add3A_160, %dma_start3A_163] : memref<10240x128xf32, #tpu.memory_space<hbm>> -> memref<80x128xf32, #tpu.memory_space<hbm>>
        %dma_start3A_165 = arith.constant 0 : i32
        %dma_start3A_166 = tpu.memref_slice %arg5[%add3A_160, %dma_start3A_165] : memref<10240x128xf32, #tpu.memory_space<hbm>> -> memref<80x128xf32, #tpu.memory_space<hbm>>
        %dma_start3A_167 = arith.constant 0 : i32
        %dma_start3A_168 = arith.constant 0 : i32
        %dma_start3A_169 = tpu.memref_slice %arg9[%dma_start3A_167, %dma_start3A_168] : memref<125x128xf32, #tpu.memory_space<vmem>> -> memref<80x128xf32, #tpu.memory_space<vmem>>
        tpu.enqueue_dma source(%dma_start3A_169 : memref<80x128xf32, #tpu.memory_space<vmem>>) target(%dma_start3A_166 : memref<80x128xf32, #tpu.memory_space<hbm>>) target_semaphore(%run_scoped3A : memref<!tpu.dma_semaphore, #tpu.memory_space<semaphore_mem>>)
        %dma_wait3A = arith.constant 0 : i32
        %dma_wait3A_170 = arith.constant 0 : i32
        %dma_wait3A_171 = tpu.memref_slice %arg9[%dma_wait3A, %dma_wait3A_170] : memref<125x128xf32, #tpu.memory_space<vmem>> -> memref<80x128xf32, #tpu.memory_space<vmem>>
        %dma_wait3A_172 = arith.constant 0 : i32
        %dma_wait3A_173 = tpu.memref_slice %arg5[%add3A_160, %dma_wait3A_172] : memref<10240x128xf32, #tpu.memory_space<hbm>> -> memref<80x128xf32, #tpu.memory_space<hbm>>
        %dma_wait3A_174 = arith.constant 0 : i32
        %dma_wait3A_175 = tpu.memref_slice %arg5[%add3A_160, %dma_wait3A_174] : memref<10240x128xf32, #tpu.memory_space<hbm>> -> memref<80x128xf32, #tpu.memory_space<hbm>>
        %dma_wait3A_176 = arith.constant 0 : i32
        %dma_wait3A_177 = arith.constant 0 : i32
        %dma_wait3A_178 = tpu.memref_slice %arg9[%dma_wait3A_176, %dma_wait3A_177] : memref<125x128xf32, #tpu.memory_space<vmem>> -> memref<80x128xf32, #tpu.memory_space<vmem>>
        tpu.wait_dma2 semaphore(%run_scoped3A : memref<!tpu.dma_semaphore, #tpu.memory_space<semaphore_mem>>) src(%dma_wait3A_178 : memref<80x128xf32, #tpu.memory_space<vmem>>) dst(%dma_wait3A_175 : memref<80x128xf32, #tpu.memory_space<hbm>>)
        tpu.yield
      }) : () -> ()
    } else {
    }
    %eq3A_152 = arith.constant 1 : i32
    %eq3A_153 = arith.cmpi eq, %arg0, %eq3A_152 : i32
    %convert_element_type3A_154 = arith.extui %eq3A_153 : i1 to i32
    %cond3A_155 = arith.constant 0 : i32
    %cond3A_156 = arith.cmpi ne, %convert_element_type3A_154, %cond3A_155 : i32
    scf.if %cond3A_156 {
      %mul3A_157 = arith.constant 640 : i32
      %mul3A_158 = arith.muli %arg1, %mul3A_157 : i32
      %add3A_159 = arith.constant 560 : i32
      %add3A_160 = arith.addi %mul3A_158, %add3A_159 : i32
      "tpu.region"() ({
        %run_scoped3A = tpu.sem_alloc : memref<!tpu.dma_semaphore, #tpu.memory_space<semaphore_mem>>
        %dma_start3A = arith.constant 0 : i32
        %dma_start3A_161 = arith.constant 0 : i32
        %dma_start3A_162 = tpu.memref_slice %arg9[%dma_start3A, %dma_start3A_161] : memref<125x128xf32, #tpu.memory_space<vmem>> -> memref<80x128xf32, #tpu.memory_space<vmem>>
        %dma_start3A_163 = arith.constant 0 : i32
        %dma_start3A_164 = tpu.memref_slice %arg6[%add3A_160, %dma_start3A_163] : memref<10240x128xf32, #tpu.memory_space<hbm>> -> memref<80x128xf32, #tpu.memory_space<hbm>>
        %dma_start3A_165 = arith.constant 0 : i32
        %dma_start3A_166 = tpu.memref_slice %arg6[%add3A_160, %dma_start3A_165] : memref<10240x128xf32, #tpu.memory_space<hbm>> -> memref<80x128xf32, #tpu.memory_space<hbm>>
        %dma_start3A_167 = arith.constant 0 : i32
        %dma_start3A_168 = arith.constant 0 : i32
        %dma_start3A_169 = tpu.memref_slice %arg9[%dma_start3A_167, %dma_start3A_168] : memref<125x128xf32, #tpu.memory_space<vmem>> -> memref<80x128xf32, #tpu.memory_space<vmem>>
        tpu.enqueue_dma source(%dma_start3A_169 : memref<80x128xf32, #tpu.memory_space<vmem>>) target(%dma_start3A_166 : memref<80x128xf32, #tpu.memory_space<hbm>>) target_semaphore(%run_scoped3A : memref<!tpu.dma_semaphore, #tpu.memory_space<semaphore_mem>>)
        %dma_wait3A = arith.constant 0 : i32
        %dma_wait3A_170 = arith.constant 0 : i32
        %dma_wait3A_171 = tpu.memref_slice %arg9[%dma_wait3A, %dma_wait3A_170] : memref<125x128xf32, #tpu.memory_space<vmem>> -> memref<80x128xf32, #tpu.memory_space<vmem>>
        %dma_wait3A_172 = arith.constant 0 : i32
        %dma_wait3A_173 = tpu.memref_slice %arg6[%add3A_160, %dma_wait3A_172] : memref<10240x128xf32, #tpu.memory_space<hbm>> -> memref<80x128xf32, #tpu.memory_space<hbm>>
        %dma_wait3A_174 = arith.constant 0 : i32
        %dma_wait3A_175 = tpu.memref_slice %arg6[%add3A_160, %dma_wait3A_174] : memref<10240x128xf32, #tpu.memory_space<hbm>> -> memref<80x128xf32, #tpu.memory_space<hbm>>
        %dma_wait3A_176 = arith.constant 0 : i32
        %dma_wait3A_177 = arith.constant 0 : i32
        %dma_wait3A_178 = tpu.memref_slice %arg9[%dma_wait3A_176, %dma_wait3A_177] : memref<125x128xf32, #tpu.memory_space<vmem>> -> memref<80x128xf32, #tpu.memory_space<vmem>>
        tpu.wait_dma2 semaphore(%run_scoped3A : memref<!tpu.dma_semaphore, #tpu.memory_space<semaphore_mem>>) src(%dma_wait3A_178 : memref<80x128xf32, #tpu.memory_space<vmem>>) dst(%dma_wait3A_175 : memref<80x128xf32, #tpu.memory_space<hbm>>)
        tpu.yield
      }) : () -> ()
    } else {
    }
    return
  }
}

#map = affine_map<(d0, d1) -> (0, 0)>
#map1 = affine_map<(d0, d1) -> (0, 0, 0)>
module attributes {stable_mosaic.version = 14 : i64} {
  func.func @_edge_kernel(%arg0: i32, %arg1: i32, %arg2: memref<10000x128xf32, #tpu.memory_space<hbm>>, %arg3: memref<32x80x125xi32, #tpu.memory_space<hbm>>, %arg4: memref<32x80x125xi32, #tpu.memory_space<hbm>>, %arg5: memref<10240x128xf32, #tpu.memory_space<hbm>>, %arg6: memref<10240x128xf32, #tpu.memory_space<hbm>>, %arg7: memref<16x125xi32, #tpu.memory_space<vmem>>, %arg8: memref<16x125xi32, #tpu.memory_space<vmem>>, %arg9: memref<125x128xf32, #tpu.memory_space<vmem>>, %arg10: memref<125x128xf32, #tpu.memory_space<vmem>>, %arg11: memref<10240x128xf32, #tpu.memory_space<vmem_shared>>, %arg12: memref<!tpu.dma_semaphore, #tpu.memory_space<semaphore_mem>>, %arg13: memref<!tpu.dma_semaphore, #tpu.memory_space<semaphore_mem>>, %arg14: memref<!tpu.dma_semaphore, #tpu.memory_space<semaphore_mem>>, %arg15: memref<!tpu.dma_semaphore, #tpu.memory_space<semaphore_mem>>) attributes {dimension_semantics = [#tpu.dimension_semantics<core_parallel>, #tpu.dimension_semantics<subcore_parallel>], iteration_bounds = array<i64: 2, 16>, scalar_prefetch = 0 : i64, scratch_operands = 9 : i64, tpu.core_type = #tpu.core_type<sc_vector_subcore>, window_params = [{transform_indices = #map}, {transform_indices = #map1}, {transform_indices = #map1}, {transform_indices = #map}, {transform_indices = #map}]} {
    %mul3A = arith.constant 16 : i32
    %mul3A_0 = arith.muli %arg0, %mul3A : i32
    %add3A = arith.addi %mul3A_0, %arg1 : i32
    %broadcast_in_dim3A = arith.constant 0.000000e+00 : f32
    %broadcast_in_dim3A_1 = vector.broadcast %broadcast_in_dim3A : f32 to vector<16xf32>
    %scan3A = arith.constant 0 : i32
    %scan3A_2 = arith.constant 0 : i32
    %scan3A_3 = arith.constant 125 : i32
    %scan3A_4 = arith.addi %scan3A_2, %scan3A_3 : i32
    %scan3A_5 = arith.constant 1 : i32
    %scan3A_6 = scf.for %scan3A_157 = %scan3A_2 to %scan3A_4 step %scan3A_5 iter_args(%scan3A_158 = %scan3A) -> (i32)  : i32 {
      %swap3A = arith.index_cast %scan3A_157 : i32 to index
      %swap3A_159 = arith.constant 0 : index
      %swap3A_160 = tpu.vector_load %arg9[%swap3A, %swap3A_159] {strides = array<i32>} : memref<125x128xf32, #tpu.memory_space<vmem>>, vector<1x16xf32>,
      %swap3A_161 = vector.shape_cast %swap3A_160 : vector<1x16xf32> to vector<16xf32>
      %swap3A_162 = vector.shape_cast %broadcast_in_dim3A_1 : vector<16xf32> to vector<1x16xf32>
      tpu.vector_store %arg9[%swap3A, %swap3A_159], %swap3A_162 {strides = array<i32>} : memref<125x128xf32, #tpu.memory_space<vmem>>, vector<1x16xf32>,
      %swap3A_163 = arith.index_cast %scan3A_157 : i32 to index
      %swap3A_164 = arith.constant 16 : index
      %swap3A_165 = tpu.vector_load %arg9[%swap3A_163, %swap3A_164] {strides = array<i32>} : memref<125x128xf32, #tpu.memory_space<vmem>>, vector<1x16xf32>,
      %swap3A_166 = vector.shape_cast %swap3A_165 : vector<1x16xf32> to vector<16xf32>
      %swap3A_167 = vector.shape_cast %broadcast_in_dim3A_1 : vector<16xf32> to vector<1x16xf32>
      tpu.vector_store %arg9[%swap3A_163, %swap3A_164], %swap3A_167 {strides = array<i32>} : memref<125x128xf32, #tpu.memory_space<vmem>>, vector<1x16xf32>,
      %swap3A_168 = arith.index_cast %scan3A_157 : i32 to index
      %swap3A_169 = arith.constant 32 : index
      %swap3A_170 = tpu.vector_load %arg9[%swap3A_168, %swap3A_169] {strides = array<i32>} : memref<125x128xf32, #tpu.memory_space<vmem>>, vector<1x16xf32>,
      %swap3A_171 = vector.shape_cast %swap3A_170 : vector<1x16xf32> to vector<16xf32>
      %swap3A_172 = vector.shape_cast %broadcast_in_dim3A_1 : vector<16xf32> to vector<1x16xf32>
      tpu.vector_store %arg9[%swap3A_168, %swap3A_169], %swap3A_172 {strides = array<i32>} : memref<125x128xf32, #tpu.memory_space<vmem>>, vector<1x16xf32>,
      %swap3A_173 = arith.index_cast %scan3A_157 : i32 to index
      %swap3A_174 = arith.constant 48 : index
      %swap3A_175 = tpu.vector_load %arg9[%swap3A_173, %swap3A_174] {strides = array<i32>} : memref<125x128xf32, #tpu.memory_space<vmem>>, vector<1x16xf32>,
      %swap3A_176 = vector.shape_cast %swap3A_175 : vector<1x16xf32> to vector<16xf32>
      %swap3A_177 = vector.shape_cast %broadcast_in_dim3A_1 : vector<16xf32> to vector<1x16xf32>
      tpu.vector_store %arg9[%swap3A_173, %swap3A_174], %swap3A_177 {strides = array<i32>} : memref<125x128xf32, #tpu.memory_space<vmem>>, vector<1x16xf32>,
      %swap3A_178 = arith.index_cast %scan3A_157 : i32 to index
      %swap3A_179 = arith.constant 64 : index
      %swap3A_180 = tpu.vector_load %arg9[%swap3A_178, %swap3A_179] {strides = array<i32>} : memref<125x128xf32, #tpu.memory_space<vmem>>, vector<1x16xf32>,
      %swap3A_181 = vector.shape_cast %swap3A_180 : vector<1x16xf32> to vector<16xf32>
      %swap3A_182 = vector.shape_cast %broadcast_in_dim3A_1 : vector<16xf32> to vector<1x16xf32>
      tpu.vector_store %arg9[%swap3A_178, %swap3A_179], %swap3A_182 {strides = array<i32>} : memref<125x128xf32, #tpu.memory_space<vmem>>, vector<1x16xf32>,
      %swap3A_183 = arith.index_cast %scan3A_157 : i32 to index
      %swap3A_184 = arith.constant 80 : index
      %swap3A_185 = tpu.vector_load %arg9[%swap3A_183, %swap3A_184] {strides = array<i32>} : memref<125x128xf32, #tpu.memory_space<vmem>>, vector<1x16xf32>,
      %swap3A_186 = vector.shape_cast %swap3A_185 : vector<1x16xf32> to vector<16xf32>
      %swap3A_187 = vector.shape_cast %broadcast_in_dim3A_1 : vector<16xf32> to vector<1x16xf32>
      tpu.vector_store %arg9[%swap3A_183, %swap3A_184], %swap3A_187 {strides = array<i32>} : memref<125x128xf32, #tpu.memory_space<vmem>>, vector<1x16xf32>,
      %swap3A_188 = arith.index_cast %scan3A_157 : i32 to index
      %swap3A_189 = arith.constant 96 : index
      %swap3A_190 = tpu.vector_load %arg9[%swap3A_188, %swap3A_189] {strides = array<i32>} : memref<125x128xf32, #tpu.memory_space<vmem>>, vector<1x16xf32>,
      %swap3A_191 = vector.shape_cast %swap3A_190 : vector<1x16xf32> to vector<16xf32>
      %swap3A_192 = vector.shape_cast %broadcast_in_dim3A_1 : vector<16xf32> to vector<1x16xf32>
      tpu.vector_store %arg9[%swap3A_188, %swap3A_189], %swap3A_192 {strides = array<i32>} : memref<125x128xf32, #tpu.memory_space<vmem>>, vector<1x16xf32>,
      %swap3A_193 = arith.index_cast %scan3A_157 : i32 to index
      %swap3A_194 = arith.constant 112 : index
      %swap3A_195 = tpu.vector_load %arg9[%swap3A_193, %swap3A_194] {strides = array<i32>} : memref<125x128xf32, #tpu.memory_space<vmem>>, vector<1x16xf32>,
      %swap3A_196 = vector.shape_cast %swap3A_195 : vector<1x16xf32> to vector<16xf32>
      %swap3A_197 = vector.shape_cast %broadcast_in_dim3A_1 : vector<16xf32> to vector<1x16xf32>
      tpu.vector_store %arg9[%swap3A_193, %swap3A_194], %swap3A_197 {strides = array<i32>} : memref<125x128xf32, #tpu.memory_space<vmem>>, vector<1x16xf32>,
      %scan3A_198 = arith.constant 0 : i32
      scf.yield %scan3A_198 : i32
    }
    %scan3A_7 = arith.constant 125 : i32
    %mul3A_8 = arith.constant 640 : i32
    %mul3A_9 = arith.muli %arg1, %mul3A_8 : i32
    %add3A_10 = arith.constant 0 : i32
    %add3A_11 = arith.addi %mul3A_9, %add3A_10 : i32
    "tpu.region"() ({
      %run_scoped3A = tpu.sem_alloc : memref<!tpu.dma_semaphore, #tpu.memory_space<semaphore_mem>>
      %dma_start3A = arith.constant 0 : i32
      %dma_start3A_157 = arith.constant 0 : i32
      %dma_start3A_158 = tpu.memref_slice %arg9[%dma_start3A, %dma_start3A_157] : memref<125x128xf32, #tpu.memory_space<vmem>> -> memref<80x128xf32, #tpu.memory_space<vmem>>
      %dma_start3A_159 = arith.constant 0 : i32
      %dma_start3A_160 = tpu.memref_slice %arg11[%add3A_11, %dma_start3A_159] : memref<10240x128xf32, #tpu.memory_space<vmem_shared>> -> memref<80x128xf32, #tpu.memory_space<vmem_shared>>
      %dma_start3A_161 = arith.constant 0 : i32
      %dma_start3A_162 = tpu.memref_slice %arg11[%add3A_11, %dma_start3A_161] : memref<10240x128xf32, #tpu.memory_space<vmem_shared>> -> memref<80x128xf32, #tpu.memory_space<vmem_shared>>
      %dma_start3A_163 = arith.constant 0 : i32
      %dma_start3A_164 = arith.constant 0 : i32
      %dma_start3A_165 = tpu.memref_slice %arg9[%dma_start3A_163, %dma_start3A_164] : memref<125x128xf32, #tpu.memory_space<vmem>> -> memref<80x128xf32, #tpu.memory_space<vmem>>
      tpu.enqueue_dma source(%dma_start3A_165 : memref<80x128xf32, #tpu.memory_space<vmem>>) target(%dma_start3A_162 : memref<80x128xf32, #tpu.memory_space<vmem_shared>>) target_semaphore(%run_scoped3A : memref<!tpu.dma_semaphore, #tpu.memory_space<semaphore_mem>>)
      %dma_wait3A = arith.constant 0 : i32
      %dma_wait3A_166 = arith.constant 0 : i32
      %dma_wait3A_167 = tpu.memref_slice %arg9[%dma_wait3A, %dma_wait3A_166] : memref<125x128xf32, #tpu.memory_space<vmem>> -> memref<80x128xf32, #tpu.memory_space<vmem>>
      %dma_wait3A_168 = arith.constant 0 : i32
      %dma_wait3A_169 = tpu.memref_slice %arg11[%add3A_11, %dma_wait3A_168] : memref<10240x128xf32, #tpu.memory_space<vmem_shared>> -> memref<80x128xf32, #tpu.memory_space<vmem_shared>>
      %dma_wait3A_170 = arith.constant 0 : i32
      %dma_wait3A_171 = tpu.memref_slice %arg11[%add3A_11, %dma_wait3A_170] : memref<10240x128xf32, #tpu.memory_space<vmem_shared>> -> memref<80x128xf32, #tpu.memory_space<vmem_shared>>
      %dma_wait3A_172 = arith.constant 0 : i32
      %dma_wait3A_173 = arith.constant 0 : i32
      %dma_wait3A_174 = tpu.memref_slice %arg9[%dma_wait3A_172, %dma_wait3A_173] : memref<125x128xf32, #tpu.memory_space<vmem>> -> memref<80x128xf32, #tpu.memory_space<vmem>>
      tpu.wait_dma2 semaphore(%run_scoped3A : memref<!tpu.dma_semaphore, #tpu.memory_space<semaphore_mem>>) src(%dma_wait3A_174 : memref<80x128xf32, #tpu.memory_space<vmem>>) dst(%dma_wait3A_171 : memref<80x128xf32, #tpu.memory_space<vmem_shared>>)
      tpu.yield
    }) : () -> ()
    %mul3A_12 = arith.constant 640 : i32
    %mul3A_13 = arith.muli %arg1, %mul3A_12 : i32
    %add3A_14 = arith.constant 80 : i32
    %add3A_15 = arith.addi %mul3A_13, %add3A_14 : i32
    "tpu.region"() ({
      %run_scoped3A = tpu.sem_alloc : memref<!tpu.dma_semaphore, #tpu.memory_space<semaphore_mem>>
      %dma_start3A = arith.constant 0 : i32
      %dma_start3A_157 = arith.constant 0 : i32
      %dma_start3A_158 = tpu.memref_slice %arg9[%dma_start3A, %dma_start3A_157] : memref<125x128xf32, #tpu.memory_space<vmem>> -> memref<80x128xf32, #tpu.memory_space<vmem>>
      %dma_start3A_159 = arith.constant 0 : i32
      %dma_start3A_160 = tpu.memref_slice %arg11[%add3A_15, %dma_start3A_159] : memref<10240x128xf32, #tpu.memory_space<vmem_shared>> -> memref<80x128xf32, #tpu.memory_space<vmem_shared>>
      %dma_start3A_161 = arith.constant 0 : i32
      %dma_start3A_162 = tpu.memref_slice %arg11[%add3A_15, %dma_start3A_161] : memref<10240x128xf32, #tpu.memory_space<vmem_shared>> -> memref<80x128xf32, #tpu.memory_space<vmem_shared>>
      %dma_start3A_163 = arith.constant 0 : i32
      %dma_start3A_164 = arith.constant 0 : i32
      %dma_start3A_165 = tpu.memref_slice %arg9[%dma_start3A_163, %dma_start3A_164] : memref<125x128xf32, #tpu.memory_space<vmem>> -> memref<80x128xf32, #tpu.memory_space<vmem>>
      tpu.enqueue_dma source(%dma_start3A_165 : memref<80x128xf32, #tpu.memory_space<vmem>>) target(%dma_start3A_162 : memref<80x128xf32, #tpu.memory_space<vmem_shared>>) target_semaphore(%run_scoped3A : memref<!tpu.dma_semaphore, #tpu.memory_space<semaphore_mem>>)
      %dma_wait3A = arith.constant 0 : i32
      %dma_wait3A_166 = arith.constant 0 : i32
      %dma_wait3A_167 = tpu.memref_slice %arg9[%dma_wait3A, %dma_wait3A_166] : memref<125x128xf32, #tpu.memory_space<vmem>> -> memref<80x128xf32, #tpu.memory_space<vmem>>
      %dma_wait3A_168 = arith.constant 0 : i32
      %dma_wait3A_169 = tpu.memref_slice %arg11[%add3A_15, %dma_wait3A_168] : memref<10240x128xf32, #tpu.memory_space<vmem_shared>> -> memref<80x128xf32, #tpu.memory_space<vmem_shared>>
      %dma_wait3A_170 = arith.constant 0 : i32
      %dma_wait3A_171 = tpu.memref_slice %arg11[%add3A_15, %dma_wait3A_170] : memref<10240x128xf32, #tpu.memory_space<vmem_shared>> -> memref<80x128xf32, #tpu.memory_space<vmem_shared>>
      %dma_wait3A_172 = arith.constant 0 : i32
      %dma_wait3A_173 = arith.constant 0 : i32
      %dma_wait3A_174 = tpu.memref_slice %arg9[%dma_wait3A_172, %dma_wait3A_173] : memref<125x128xf32, #tpu.memory_space<vmem>> -> memref<80x128xf32, #tpu.memory_space<vmem>>
      tpu.wait_dma2 semaphore(%run_scoped3A : memref<!tpu.dma_semaphore, #tpu.memory_space<semaphore_mem>>) src(%dma_wait3A_174 : memref<80x128xf32, #tpu.memory_space<vmem>>) dst(%dma_wait3A_171 : memref<80x128xf32, #tpu.memory_space<vmem_shared>>)
      tpu.yield
    }) : () -> ()
    %mul3A_16 = arith.constant 640 : i32
    %mul3A_17 = arith.muli %arg1, %mul3A_16 : i32
    %add3A_18 = arith.constant 160 : i32
    %add3A_19 = arith.addi %mul3A_17, %add3A_18 : i32
    "tpu.region"() ({
      %run_scoped3A = tpu.sem_alloc : memref<!tpu.dma_semaphore, #tpu.memory_space<semaphore_mem>>
      %dma_start3A = arith.constant 0 : i32
      %dma_start3A_157 = arith.constant 0 : i32
      %dma_start3A_158 = tpu.memref_slice %arg9[%dma_start3A, %dma_start3A_157] : memref<125x128xf32, #tpu.memory_space<vmem>> -> memref<80x128xf32, #tpu.memory_space<vmem>>
      %dma_start3A_159 = arith.constant 0 : i32
      %dma_start3A_160 = tpu.memref_slice %arg11[%add3A_19, %dma_start3A_159] : memref<10240x128xf32, #tpu.memory_space<vmem_shared>> -> memref<80x128xf32, #tpu.memory_space<vmem_shared>>
      %dma_start3A_161 = arith.constant 0 : i32
      %dma_start3A_162 = tpu.memref_slice %arg11[%add3A_19, %dma_start3A_161] : memref<10240x128xf32, #tpu.memory_space<vmem_shared>> -> memref<80x128xf32, #tpu.memory_space<vmem_shared>>
      %dma_start3A_163 = arith.constant 0 : i32
      %dma_start3A_164 = arith.constant 0 : i32
      %dma_start3A_165 = tpu.memref_slice %arg9[%dma_start3A_163, %dma_start3A_164] : memref<125x128xf32, #tpu.memory_space<vmem>> -> memref<80x128xf32, #tpu.memory_space<vmem>>
      tpu.enqueue_dma source(%dma_start3A_165 : memref<80x128xf32, #tpu.memory_space<vmem>>) target(%dma_start3A_162 : memref<80x128xf32, #tpu.memory_space<vmem_shared>>) target_semaphore(%run_scoped3A : memref<!tpu.dma_semaphore, #tpu.memory_space<semaphore_mem>>)
      %dma_wait3A = arith.constant 0 : i32
      %dma_wait3A_166 = arith.constant 0 : i32
      %dma_wait3A_167 = tpu.memref_slice %arg9[%dma_wait3A, %dma_wait3A_166] : memref<125x128xf32, #tpu.memory_space<vmem>> -> memref<80x128xf32, #tpu.memory_space<vmem>>
      %dma_wait3A_168 = arith.constant 0 : i32
      %dma_wait3A_169 = tpu.memref_slice %arg11[%add3A_19, %dma_wait3A_168] : memref<10240x128xf32, #tpu.memory_space<vmem_shared>> -> memref<80x128xf32, #tpu.memory_space<vmem_shared>>
      %dma_wait3A_170 = arith.constant 0 : i32
      %dma_wait3A_171 = tpu.memref_slice %arg11[%add3A_19, %dma_wait3A_170] : memref<10240x128xf32, #tpu.memory_space<vmem_shared>> -> memref<80x128xf32, #tpu.memory_space<vmem_shared>>
      %dma_wait3A_172 = arith.constant 0 : i32
      %dma_wait3A_173 = arith.constant 0 : i32
      %dma_wait3A_174 = tpu.memref_slice %arg9[%dma_wait3A_172, %dma_wait3A_173] : memref<125x128xf32, #tpu.memory_space<vmem>> -> memref<80x128xf32, #tpu.memory_space<vmem>>
      tpu.wait_dma2 semaphore(%run_scoped3A : memref<!tpu.dma_semaphore, #tpu.memory_space<semaphore_mem>>) src(%dma_wait3A_174 : memref<80x128xf32, #tpu.memory_space<vmem>>) dst(%dma_wait3A_171 : memref<80x128xf32, #tpu.memory_space<vmem_shared>>)
      tpu.yield
    }) : () -> ()
    %mul3A_20 = arith.constant 640 : i32
    %mul3A_21 = arith.muli %arg1, %mul3A_20 : i32
    %add3A_22 = arith.constant 240 : i32
    %add3A_23 = arith.addi %mul3A_21, %add3A_22 : i32
    "tpu.region"() ({
      %run_scoped3A = tpu.sem_alloc : memref<!tpu.dma_semaphore, #tpu.memory_space<semaphore_mem>>
      %dma_start3A = arith.constant 0 : i32
      %dma_start3A_157 = arith.constant 0 : i32
      %dma_start3A_158 = tpu.memref_slice %arg9[%dma_start3A, %dma_start3A_157] : memref<125x128xf32, #tpu.memory_space<vmem>> -> memref<80x128xf32, #tpu.memory_space<vmem>>
      %dma_start3A_159 = arith.constant 0 : i32
      %dma_start3A_160 = tpu.memref_slice %arg11[%add3A_23, %dma_start3A_159] : memref<10240x128xf32, #tpu.memory_space<vmem_shared>> -> memref<80x128xf32, #tpu.memory_space<vmem_shared>>
      %dma_start3A_161 = arith.constant 0 : i32
      %dma_start3A_162 = tpu.memref_slice %arg11[%add3A_23, %dma_start3A_161] : memref<10240x128xf32, #tpu.memory_space<vmem_shared>> -> memref<80x128xf32, #tpu.memory_space<vmem_shared>>
      %dma_start3A_163 = arith.constant 0 : i32
      %dma_start3A_164 = arith.constant 0 : i32
      %dma_start3A_165 = tpu.memref_slice %arg9[%dma_start3A_163, %dma_start3A_164] : memref<125x128xf32, #tpu.memory_space<vmem>> -> memref<80x128xf32, #tpu.memory_space<vmem>>
      tpu.enqueue_dma source(%dma_start3A_165 : memref<80x128xf32, #tpu.memory_space<vmem>>) target(%dma_start3A_162 : memref<80x128xf32, #tpu.memory_space<vmem_shared>>) target_semaphore(%run_scoped3A : memref<!tpu.dma_semaphore, #tpu.memory_space<semaphore_mem>>)
      %dma_wait3A = arith.constant 0 : i32
      %dma_wait3A_166 = arith.constant 0 : i32
      %dma_wait3A_167 = tpu.memref_slice %arg9[%dma_wait3A, %dma_wait3A_166] : memref<125x128xf32, #tpu.memory_space<vmem>> -> memref<80x128xf32, #tpu.memory_space<vmem>>
      %dma_wait3A_168 = arith.constant 0 : i32
      %dma_wait3A_169 = tpu.memref_slice %arg11[%add3A_23, %dma_wait3A_168] : memref<10240x128xf32, #tpu.memory_space<vmem_shared>> -> memref<80x128xf32, #tpu.memory_space<vmem_shared>>
      %dma_wait3A_170 = arith.constant 0 : i32
      %dma_wait3A_171 = tpu.memref_slice %arg11[%add3A_23, %dma_wait3A_170] : memref<10240x128xf32, #tpu.memory_space<vmem_shared>> -> memref<80x128xf32, #tpu.memory_space<vmem_shared>>
      %dma_wait3A_172 = arith.constant 0 : i32
      %dma_wait3A_173 = arith.constant 0 : i32
      %dma_wait3A_174 = tpu.memref_slice %arg9[%dma_wait3A_172, %dma_wait3A_173] : memref<125x128xf32, #tpu.memory_space<vmem>> -> memref<80x128xf32, #tpu.memory_space<vmem>>
      tpu.wait_dma2 semaphore(%run_scoped3A : memref<!tpu.dma_semaphore, #tpu.memory_space<semaphore_mem>>) src(%dma_wait3A_174 : memref<80x128xf32, #tpu.memory_space<vmem>>) dst(%dma_wait3A_171 : memref<80x128xf32, #tpu.memory_space<vmem_shared>>)
      tpu.yield
    }) : () -> ()
    %mul3A_24 = arith.constant 640 : i32
    %mul3A_25 = arith.muli %arg1, %mul3A_24 : i32
    %add3A_26 = arith.constant 320 : i32
    %add3A_27 = arith.addi %mul3A_25, %add3A_26 : i32
    "tpu.region"() ({
      %run_scoped3A = tpu.sem_alloc : memref<!tpu.dma_semaphore, #tpu.memory_space<semaphore_mem>>
      %dma_start3A = arith.constant 0 : i32
      %dma_start3A_157 = arith.constant 0 : i32
      %dma_start3A_158 = tpu.memref_slice %arg9[%dma_start3A, %dma_start3A_157] : memref<125x128xf32, #tpu.memory_space<vmem>> -> memref<80x128xf32, #tpu.memory_space<vmem>>
      %dma_start3A_159 = arith.constant 0 : i32
      %dma_start3A_160 = tpu.memref_slice %arg11[%add3A_27, %dma_start3A_159] : memref<10240x128xf32, #tpu.memory_space<vmem_shared>> -> memref<80x128xf32, #tpu.memory_space<vmem_shared>>
      %dma_start3A_161 = arith.constant 0 : i32
      %dma_start3A_162 = tpu.memref_slice %arg11[%add3A_27, %dma_start3A_161] : memref<10240x128xf32, #tpu.memory_space<vmem_shared>> -> memref<80x128xf32, #tpu.memory_space<vmem_shared>>
      %dma_start3A_163 = arith.constant 0 : i32
      %dma_start3A_164 = arith.constant 0 : i32
      %dma_start3A_165 = tpu.memref_slice %arg9[%dma_start3A_163, %dma_start3A_164] : memref<125x128xf32, #tpu.memory_space<vmem>> -> memref<80x128xf32, #tpu.memory_space<vmem>>
      tpu.enqueue_dma source(%dma_start3A_165 : memref<80x128xf32, #tpu.memory_space<vmem>>) target(%dma_start3A_162 : memref<80x128xf32, #tpu.memory_space<vmem_shared>>) target_semaphore(%run_scoped3A : memref<!tpu.dma_semaphore, #tpu.memory_space<semaphore_mem>>)
      %dma_wait3A = arith.constant 0 : i32
      %dma_wait3A_166 = arith.constant 0 : i32
      %dma_wait3A_167 = tpu.memref_slice %arg9[%dma_wait3A, %dma_wait3A_166] : memref<125x128xf32, #tpu.memory_space<vmem>> -> memref<80x128xf32, #tpu.memory_space<vmem>>
      %dma_wait3A_168 = arith.constant 0 : i32
      %dma_wait3A_169 = tpu.memref_slice %arg11[%add3A_27, %dma_wait3A_168] : memref<10240x128xf32, #tpu.memory_space<vmem_shared>> -> memref<80x128xf32, #tpu.memory_space<vmem_shared>>
      %dma_wait3A_170 = arith.constant 0 : i32
      %dma_wait3A_171 = tpu.memref_slice %arg11[%add3A_27, %dma_wait3A_170] : memref<10240x128xf32, #tpu.memory_space<vmem_shared>> -> memref<80x128xf32, #tpu.memory_space<vmem_shared>>
      %dma_wait3A_172 = arith.constant 0 : i32
      %dma_wait3A_173 = arith.constant 0 : i32
      %dma_wait3A_174 = tpu.memref_slice %arg9[%dma_wait3A_172, %dma_wait3A_173] : memref<125x128xf32, #tpu.memory_space<vmem>> -> memref<80x128xf32, #tpu.memory_space<vmem>>
      tpu.wait_dma2 semaphore(%run_scoped3A : memref<!tpu.dma_semaphore, #tpu.memory_space<semaphore_mem>>) src(%dma_wait3A_174 : memref<80x128xf32, #tpu.memory_space<vmem>>) dst(%dma_wait3A_171 : memref<80x128xf32, #tpu.memory_space<vmem_shared>>)
      tpu.yield
    }) : () -> ()
    %mul3A_28 = arith.constant 640 : i32
    %mul3A_29 = arith.muli %arg1, %mul3A_28 : i32
    %add3A_30 = arith.constant 400 : i32
    %add3A_31 = arith.addi %mul3A_29, %add3A_30 : i32
    "tpu.region"() ({
      %run_scoped3A = tpu.sem_alloc : memref<!tpu.dma_semaphore, #tpu.memory_space<semaphore_mem>>
      %dma_start3A = arith.constant 0 : i32
      %dma_start3A_157 = arith.constant 0 : i32
      %dma_start3A_158 = tpu.memref_slice %arg9[%dma_start3A, %dma_start3A_157] : memref<125x128xf32, #tpu.memory_space<vmem>> -> memref<80x128xf32, #tpu.memory_space<vmem>>
      %dma_start3A_159 = arith.constant 0 : i32
      %dma_start3A_160 = tpu.memref_slice %arg11[%add3A_31, %dma_start3A_159] : memref<10240x128xf32, #tpu.memory_space<vmem_shared>> -> memref<80x128xf32, #tpu.memory_space<vmem_shared>>
      %dma_start3A_161 = arith.constant 0 : i32
      %dma_start3A_162 = tpu.memref_slice %arg11[%add3A_31, %dma_start3A_161] : memref<10240x128xf32, #tpu.memory_space<vmem_shared>> -> memref<80x128xf32, #tpu.memory_space<vmem_shared>>
      %dma_start3A_163 = arith.constant 0 : i32
      %dma_start3A_164 = arith.constant 0 : i32
      %dma_start3A_165 = tpu.memref_slice %arg9[%dma_start3A_163, %dma_start3A_164] : memref<125x128xf32, #tpu.memory_space<vmem>> -> memref<80x128xf32, #tpu.memory_space<vmem>>
      tpu.enqueue_dma source(%dma_start3A_165 : memref<80x128xf32, #tpu.memory_space<vmem>>) target(%dma_start3A_162 : memref<80x128xf32, #tpu.memory_space<vmem_shared>>) target_semaphore(%run_scoped3A : memref<!tpu.dma_semaphore, #tpu.memory_space<semaphore_mem>>)
      %dma_wait3A = arith.constant 0 : i32
      %dma_wait3A_166 = arith.constant 0 : i32
      %dma_wait3A_167 = tpu.memref_slice %arg9[%dma_wait3A, %dma_wait3A_166] : memref<125x128xf32, #tpu.memory_space<vmem>> -> memref<80x128xf32, #tpu.memory_space<vmem>>
      %dma_wait3A_168 = arith.constant 0 : i32
      %dma_wait3A_169 = tpu.memref_slice %arg11[%add3A_31, %dma_wait3A_168] : memref<10240x128xf32, #tpu.memory_space<vmem_shared>> -> memref<80x128xf32, #tpu.memory_space<vmem_shared>>
      %dma_wait3A_170 = arith.constant 0 : i32
      %dma_wait3A_171 = tpu.memref_slice %arg11[%add3A_31, %dma_wait3A_170] : memref<10240x128xf32, #tpu.memory_space<vmem_shared>> -> memref<80x128xf32, #tpu.memory_space<vmem_shared>>
      %dma_wait3A_172 = arith.constant 0 : i32
      %dma_wait3A_173 = arith.constant 0 : i32
      %dma_wait3A_174 = tpu.memref_slice %arg9[%dma_wait3A_172, %dma_wait3A_173] : memref<125x128xf32, #tpu.memory_space<vmem>> -> memref<80x128xf32, #tpu.memory_space<vmem>>
      tpu.wait_dma2 semaphore(%run_scoped3A : memref<!tpu.dma_semaphore, #tpu.memory_space<semaphore_mem>>) src(%dma_wait3A_174 : memref<80x128xf32, #tpu.memory_space<vmem>>) dst(%dma_wait3A_171 : memref<80x128xf32, #tpu.memory_space<vmem_shared>>)
      tpu.yield
    }) : () -> ()
    %mul3A_32 = arith.constant 640 : i32
    %mul3A_33 = arith.muli %arg1, %mul3A_32 : i32
    %add3A_34 = arith.constant 480 : i32
    %add3A_35 = arith.addi %mul3A_33, %add3A_34 : i32
    "tpu.region"() ({
      %run_scoped3A = tpu.sem_alloc : memref<!tpu.dma_semaphore, #tpu.memory_space<semaphore_mem>>
      %dma_start3A = arith.constant 0 : i32
      %dma_start3A_157 = arith.constant 0 : i32
      %dma_start3A_158 = tpu.memref_slice %arg9[%dma_start3A, %dma_start3A_157] : memref<125x128xf32, #tpu.memory_space<vmem>> -> memref<80x128xf32, #tpu.memory_space<vmem>>
      %dma_start3A_159 = arith.constant 0 : i32
      %dma_start3A_160 = tpu.memref_slice %arg11[%add3A_35, %dma_start3A_159] : memref<10240x128xf32, #tpu.memory_space<vmem_shared>> -> memref<80x128xf32, #tpu.memory_space<vmem_shared>>
      %dma_start3A_161 = arith.constant 0 : i32
      %dma_start3A_162 = tpu.memref_slice %arg11[%add3A_35, %dma_start3A_161] : memref<10240x128xf32, #tpu.memory_space<vmem_shared>> -> memref<80x128xf32, #tpu.memory_space<vmem_shared>>
      %dma_start3A_163 = arith.constant 0 : i32
      %dma_start3A_164 = arith.constant 0 : i32
      %dma_start3A_165 = tpu.memref_slice %arg9[%dma_start3A_163, %dma_start3A_164] : memref<125x128xf32, #tpu.memory_space<vmem>> -> memref<80x128xf32, #tpu.memory_space<vmem>>
      tpu.enqueue_dma source(%dma_start3A_165 : memref<80x128xf32, #tpu.memory_space<vmem>>) target(%dma_start3A_162 : memref<80x128xf32, #tpu.memory_space<vmem_shared>>) target_semaphore(%run_scoped3A : memref<!tpu.dma_semaphore, #tpu.memory_space<semaphore_mem>>)
      %dma_wait3A = arith.constant 0 : i32
      %dma_wait3A_166 = arith.constant 0 : i32
      %dma_wait3A_167 = tpu.memref_slice %arg9[%dma_wait3A, %dma_wait3A_166] : memref<125x128xf32, #tpu.memory_space<vmem>> -> memref<80x128xf32, #tpu.memory_space<vmem>>
      %dma_wait3A_168 = arith.constant 0 : i32
      %dma_wait3A_169 = tpu.memref_slice %arg11[%add3A_35, %dma_wait3A_168] : memref<10240x128xf32, #tpu.memory_space<vmem_shared>> -> memref<80x128xf32, #tpu.memory_space<vmem_shared>>
      %dma_wait3A_170 = arith.constant 0 : i32
      %dma_wait3A_171 = tpu.memref_slice %arg11[%add3A_35, %dma_wait3A_170] : memref<10240x128xf32, #tpu.memory_space<vmem_shared>> -> memref<80x128xf32, #tpu.memory_space<vmem_shared>>
      %dma_wait3A_172 = arith.constant 0 : i32
      %dma_wait3A_173 = arith.constant 0 : i32
      %dma_wait3A_174 = tpu.memref_slice %arg9[%dma_wait3A_172, %dma_wait3A_173] : memref<125x128xf32, #tpu.memory_space<vmem>> -> memref<80x128xf32, #tpu.memory_space<vmem>>
      tpu.wait_dma2 semaphore(%run_scoped3A : memref<!tpu.dma_semaphore, #tpu.memory_space<semaphore_mem>>) src(%dma_wait3A_174 : memref<80x128xf32, #tpu.memory_space<vmem>>) dst(%dma_wait3A_171 : memref<80x128xf32, #tpu.memory_space<vmem_shared>>)
      tpu.yield
    }) : () -> ()
    %mul3A_36 = arith.constant 640 : i32
    %mul3A_37 = arith.muli %arg1, %mul3A_36 : i32
    %add3A_38 = arith.constant 560 : i32
    %add3A_39 = arith.addi %mul3A_37, %add3A_38 : i32
    "tpu.region"() ({
      %run_scoped3A = tpu.sem_alloc : memref<!tpu.dma_semaphore, #tpu.memory_space<semaphore_mem>>
      %dma_start3A = arith.constant 0 : i32
      %dma_start3A_157 = arith.constant 0 : i32
      %dma_start3A_158 = tpu.memref_slice %arg9[%dma_start3A, %dma_start3A_157] : memref<125x128xf32, #tpu.memory_space<vmem>> -> memref<80x128xf32, #tpu.memory_space<vmem>>
      %dma_start3A_159 = arith.constant 0 : i32
      %dma_start3A_160 = tpu.memref_slice %arg11[%add3A_39, %dma_start3A_159] : memref<10240x128xf32, #tpu.memory_space<vmem_shared>> -> memref<80x128xf32, #tpu.memory_space<vmem_shared>>
      %dma_start3A_161 = arith.constant 0 : i32
      %dma_start3A_162 = tpu.memref_slice %arg11[%add3A_39, %dma_start3A_161] : memref<10240x128xf32, #tpu.memory_space<vmem_shared>> -> memref<80x128xf32, #tpu.memory_space<vmem_shared>>
      %dma_start3A_163 = arith.constant 0 : i32
      %dma_start3A_164 = arith.constant 0 : i32
      %dma_start3A_165 = tpu.memref_slice %arg9[%dma_start3A_163, %dma_start3A_164] : memref<125x128xf32, #tpu.memory_space<vmem>> -> memref<80x128xf32, #tpu.memory_space<vmem>>
      tpu.enqueue_dma source(%dma_start3A_165 : memref<80x128xf32, #tpu.memory_space<vmem>>) target(%dma_start3A_162 : memref<80x128xf32, #tpu.memory_space<vmem_shared>>) target_semaphore(%run_scoped3A : memref<!tpu.dma_semaphore, #tpu.memory_space<semaphore_mem>>)
      %dma_wait3A = arith.constant 0 : i32
      %dma_wait3A_166 = arith.constant 0 : i32
      %dma_wait3A_167 = tpu.memref_slice %arg9[%dma_wait3A, %dma_wait3A_166] : memref<125x128xf32, #tpu.memory_space<vmem>> -> memref<80x128xf32, #tpu.memory_space<vmem>>
      %dma_wait3A_168 = arith.constant 0 : i32
      %dma_wait3A_169 = tpu.memref_slice %arg11[%add3A_39, %dma_wait3A_168] : memref<10240x128xf32, #tpu.memory_space<vmem_shared>> -> memref<80x128xf32, #tpu.memory_space<vmem_shared>>
      %dma_wait3A_170 = arith.constant 0 : i32
      %dma_wait3A_171 = tpu.memref_slice %arg11[%add3A_39, %dma_wait3A_170] : memref<10240x128xf32, #tpu.memory_space<vmem_shared>> -> memref<80x128xf32, #tpu.memory_space<vmem_shared>>
      %dma_wait3A_172 = arith.constant 0 : i32
      %dma_wait3A_173 = arith.constant 0 : i32
      %dma_wait3A_174 = tpu.memref_slice %arg9[%dma_wait3A_172, %dma_wait3A_173] : memref<125x128xf32, #tpu.memory_space<vmem>> -> memref<80x128xf32, #tpu.memory_space<vmem>>
      tpu.wait_dma2 semaphore(%run_scoped3A : memref<!tpu.dma_semaphore, #tpu.memory_space<semaphore_mem>>) src(%dma_wait3A_174 : memref<80x128xf32, #tpu.memory_space<vmem>>) dst(%dma_wait3A_171 : memref<80x128xf32, #tpu.memory_space<vmem_shared>>)
      tpu.yield
    }) : () -> ()
    %barrier3A = arith.constant 0 : index
    tpu.barrier barrier_id(%barrier3A)
    %scan3A_40 = arith.constant 0 : i32
    %scan3A_41 = arith.constant 0 : i32
    %scan3A_42 = arith.constant 5 : i32
    %scan3A_43 = arith.addi %scan3A_41, %scan3A_42 : i32
    %scan3A_44 = arith.constant 1 : i32
    %scan3A_45 = scf.for %scan3A_157 = %scan3A_41 to %scan3A_43 step %scan3A_44 iter_args(%scan3A_158 = %scan3A_40) -> (i32)  : i32 {
      %mul3A_159 = arith.constant 16 : i32
      %mul3A_160 = arith.muli %scan3A_157, %mul3A_159 : i32
      "tpu.region"() ({
        %run_scoped3A = tpu.sem_alloc : memref<!tpu.dma_semaphore, #tpu.memory_space<semaphore_mem>>
        %dma_start3A_184 = arith.constant 0 : i32
        %dma_start3A_185 = tpu.memref_slice %arg3[%add3A, %mul3A_160, %dma_start3A_184] : memref<32x80x125xi32, #tpu.memory_space<hbm>> -> memref<1x16x125xi32, #tpu.memory_space<hbm>>
        %dma_start3A_186 = tpu.memref_squeeze %dma_start3A_185 : memref<1x16x125xi32, #tpu.memory_space<hbm>> -> memref<16x125xi32, #tpu.memory_space<hbm>>
        %dma_start3A_187 = arith.constant 0 : i32
        %dma_start3A_188 = tpu.memref_slice %arg3[%add3A, %mul3A_160, %dma_start3A_187] : memref<32x80x125xi32, #tpu.memory_space<hbm>> -> memref<1x16x125xi32, #tpu.memory_space<hbm>>
        %dma_start3A_189 = tpu.memref_squeeze %dma_start3A_188 : memref<1x16x125xi32, #tpu.memory_space<hbm>> -> memref<16x125xi32, #tpu.memory_space<hbm>>
        tpu.enqueue_dma source(%dma_start3A_189 : memref<16x125xi32, #tpu.memory_space<hbm>>) target(%arg7 : memref<16x125xi32, #tpu.memory_space<vmem>>) target_semaphore(%run_scoped3A : memref<!tpu.dma_semaphore, #tpu.memory_space<semaphore_mem>>)
        %dma_wait3A = arith.constant 0 : i32
        %dma_wait3A_190 = tpu.memref_slice %arg3[%add3A, %mul3A_160, %dma_wait3A] : memref<32x80x125xi32, #tpu.memory_space<hbm>> -> memref<1x16x125xi32, #tpu.memory_space<hbm>>
        %dma_wait3A_191 = tpu.memref_squeeze %dma_wait3A_190 : memref<1x16x125xi32, #tpu.memory_space<hbm>> -> memref<16x125xi32, #tpu.memory_space<hbm>>
        %dma_wait3A_192 = arith.constant 0 : i32
        %dma_wait3A_193 = tpu.memref_slice %arg3[%add3A, %mul3A_160, %dma_wait3A_192] : memref<32x80x125xi32, #tpu.memory_space<hbm>> -> memref<1x16x125xi32, #tpu.memory_space<hbm>>
        %dma_wait3A_194 = tpu.memref_squeeze %dma_wait3A_193 : memref<1x16x125xi32, #tpu.memory_space<hbm>> -> memref<16x125xi32, #tpu.memory_space<hbm>>
        tpu.wait_dma2 semaphore(%run_scoped3A : memref<!tpu.dma_semaphore, #tpu.memory_space<semaphore_mem>>) src(%dma_wait3A_194 : memref<16x125xi32, #tpu.memory_space<hbm>>) dst(%arg7 : memref<16x125xi32, #tpu.memory_space<vmem>>)
        tpu.yield
      }) : () -> ()
      %mul3A_161 = arith.constant 16 : i32
      %mul3A_162 = arith.muli %scan3A_157, %mul3A_161 : i32
      "tpu.region"() ({
        %run_scoped3A = tpu.sem_alloc : memref<!tpu.dma_semaphore, #tpu.memory_space<semaphore_mem>>
        %dma_start3A_184 = arith.constant 0 : i32
        %dma_start3A_185 = tpu.memref_slice %arg4[%add3A, %mul3A_162, %dma_start3A_184] : memref<32x80x125xi32, #tpu.memory_space<hbm>> -> memref<1x16x125xi32, #tpu.memory_space<hbm>>
        %dma_start3A_186 = tpu.memref_squeeze %dma_start3A_185 : memref<1x16x125xi32, #tpu.memory_space<hbm>> -> memref<16x125xi32, #tpu.memory_space<hbm>>
        %dma_start3A_187 = arith.constant 0 : i32
        %dma_start3A_188 = tpu.memref_slice %arg4[%add3A, %mul3A_162, %dma_start3A_187] : memref<32x80x125xi32, #tpu.memory_space<hbm>> -> memref<1x16x125xi32, #tpu.memory_space<hbm>>
        %dma_start3A_189 = tpu.memref_squeeze %dma_start3A_188 : memref<1x16x125xi32, #tpu.memory_space<hbm>> -> memref<16x125xi32, #tpu.memory_space<hbm>>
        tpu.enqueue_dma source(%dma_start3A_189 : memref<16x125xi32, #tpu.memory_space<hbm>>) target(%arg8 : memref<16x125xi32, #tpu.memory_space<vmem>>) target_semaphore(%run_scoped3A : memref<!tpu.dma_semaphore, #tpu.memory_space<semaphore_mem>>)
        %dma_wait3A = arith.constant 0 : i32
        %dma_wait3A_190 = tpu.memref_slice %arg4[%add3A, %mul3A_162, %dma_wait3A] : memref<32x80x125xi32, #tpu.memory_space<hbm>> -> memref<1x16x125xi32, #tpu.memory_space<hbm>>
        %dma_wait3A_191 = tpu.memref_squeeze %dma_wait3A_190 : memref<1x16x125xi32, #tpu.memory_space<hbm>> -> memref<16x125xi32, #tpu.memory_space<hbm>>
        %dma_wait3A_192 = arith.constant 0 : i32
        %dma_wait3A_193 = tpu.memref_slice %arg4[%add3A, %mul3A_162, %dma_wait3A_192] : memref<32x80x125xi32, #tpu.memory_space<hbm>> -> memref<1x16x125xi32, #tpu.memory_space<hbm>>
        %dma_wait3A_194 = tpu.memref_squeeze %dma_wait3A_193 : memref<1x16x125xi32, #tpu.memory_space<hbm>> -> memref<16x125xi32, #tpu.memory_space<hbm>>
        tpu.wait_dma2 semaphore(%run_scoped3A : memref<!tpu.dma_semaphore, #tpu.memory_space<semaphore_mem>>) src(%dma_wait3A_194 : memref<16x125xi32, #tpu.memory_space<hbm>>) dst(%arg8 : memref<16x125xi32, #tpu.memory_space<vmem>>)
        tpu.yield
      }) : () -> ()
      %dma_start3A = arith.constant 0 : i32
      %dma_start3A_163 = arith.constant 0 : i32
      %dma_start3A_164 = tpu.memref_slice %arg7[%dma_start3A, %dma_start3A_163] : memref<16x125xi32, #tpu.memory_space<vmem>> -> memref<1x125xi32, #tpu.memory_space<vmem>>
      %dma_start3A_165 = tpu.memref_squeeze %dma_start3A_164 : memref<1x125xi32, #tpu.memory_space<vmem>> -> memref<125xi32, #tpu.memory_space<vmem>>
      %dma_start3A_166 = arith.constant 0 : i32
      %dma_start3A_167 = arith.constant 0 : i32
      %dma_start3A_168 = tpu.memref_slice %arg2[%dma_start3A_166, %dma_start3A_167] : memref<10000x128xf32, #tpu.memory_space<hbm>> -> memref<10000x128xf32, #tpu.memory_space<hbm>>
      tpu.enqueue_indirect_dma source(%dma_start3A_168 : memref<10000x128xf32, #tpu.memory_space<hbm>>) target(%arg9 : memref<125x128xf32, #tpu.memory_space<vmem>>) offsets(%dma_start3A_165 : memref<125xi32, #tpu.memory_space<vmem>>) semaphore(%arg12 : memref<!tpu.dma_semaphore, #tpu.memory_space<semaphore_mem>>)
      %dma_start3A_169 = arith.constant 1 : i32
      %dma_start3A_170 = arith.constant 0 : i32
      %dma_start3A_171 = tpu.memref_slice %arg7[%dma_start3A_169, %dma_start3A_170] : memref<16x125xi32, #tpu.memory_space<vmem>> -> memref<1x125xi32, #tpu.memory_space<vmem>>
      %dma_start3A_172 = tpu.memref_squeeze %dma_start3A_171 : memref<1x125xi32, #tpu.memory_space<vmem>> -> memref<125xi32, #tpu.memory_space<vmem>>
      %dma_start3A_173 = arith.constant 0 : i32
      %dma_start3A_174 = arith.constant 0 : i32
      %dma_start3A_175 = tpu.memref_slice %arg2[%dma_start3A_173, %dma_start3A_174] : memref<10000x128xf32, #tpu.memory_space<hbm>> -> memref<10000x128xf32, #tpu.memory_space<hbm>>
      tpu.enqueue_indirect_dma source(%dma_start3A_175 : memref<10000x128xf32, #tpu.memory_space<hbm>>) target(%arg10 : memref<125x128xf32, #tpu.memory_space<vmem>>) offsets(%dma_start3A_172 : memref<125xi32, #tpu.memory_space<vmem>>) semaphore(%arg13 : memref<!tpu.dma_semaphore, #tpu.memory_space<semaphore_mem>>)
      %scan3A_176 = arith.constant 0 : i32
      %scan3A_177 = arith.constant 0 : i32
      %scan3A_178 = arith.constant 8 : i32
      %scan3A_179 = arith.addi %scan3A_177, %scan3A_178 : i32
      %scan3A_180 = arith.constant 1 : i32
      %scan3A_181 = scf.for %scan3A_184 = %scan3A_177 to %scan3A_179 step %scan3A_180 iter_args(%scan3A_185 = %scan3A_176) -> (i32)  : i32 {
        %mul3A_186 = arith.constant 2 : i32
        %mul3A_187 = arith.muli %mul3A_186, %scan3A_184 : i32
        %add3A_188 = arith.constant 1 : i32
        %add3A_189 = arith.addi %mul3A_187, %add3A_188 : i32
        %dma_wait3A = arith.constant 0 : i32
        %dma_wait3A_190 = tpu.memref_slice %arg7[%mul3A_187, %dma_wait3A] : memref<16x125xi32, #tpu.memory_space<vmem>> -> memref<1x125xi32, #tpu.memory_space<vmem>>
        %dma_wait3A_191 = tpu.memref_squeeze %dma_wait3A_190 : memref<1x125xi32, #tpu.memory_space<vmem>> -> memref<125xi32, #tpu.memory_space<vmem>>
        %dma_wait3A_192 = arith.constant 0 : i32
        %dma_wait3A_193 = arith.constant 0 : i32
        %dma_wait3A_194 = tpu.memref_slice %arg2[%dma_wait3A_192, %dma_wait3A_193] : memref<10000x128xf32, #tpu.memory_space<hbm>> -> memref<10000x128xf32, #tpu.memory_space<hbm>>
        tpu.wait_indirect_dma semaphore(%arg12 : memref<!tpu.dma_semaphore, #tpu.memory_space<semaphore_mem>>) src(%dma_wait3A_194 : memref<10000x128xf32, #tpu.memory_space<hbm>>) dst(%arg9 : memref<125x128xf32, #tpu.memory_space<vmem>>)
        %dma_start3A_195 = arith.constant 0 : i32
        %dma_start3A_196 = tpu.memref_slice %arg8[%mul3A_187, %dma_start3A_195] : memref<16x125xi32, #tpu.memory_space<vmem>> -> memref<1x125xi32, #tpu.memory_space<vmem>>
        %dma_start3A_197 = tpu.memref_squeeze %dma_start3A_196 : memref<1x125xi32, #tpu.memory_space<vmem>> -> memref<125xi32, #tpu.memory_space<vmem>>
        %dma_start3A_198 = arith.constant 0 : i32
        %dma_start3A_199 = arith.constant 0 : i32
        %dma_start3A_200 = tpu.memref_slice %arg11[%dma_start3A_198, %dma_start3A_199] : memref<10240x128xf32, #tpu.memory_space<vmem_shared>> -> memref<10240x128xf32, #tpu.memory_space<vmem_shared>>
        tpu.enqueue_indirect_dma source(%arg9 : memref<125x128xf32, #tpu.memory_space<vmem>>) target(%dma_start3A_200 : memref<10240x128xf32, #tpu.memory_space<vmem_shared>>) offsets(%dma_start3A_197 : memref<125xi32, #tpu.memory_space<vmem>>) semaphore(%arg14 : memref<!tpu.dma_semaphore, #tpu.memory_space<semaphore_mem>>) {add = true}
        %dma_wait3A_201 = arith.constant 0 : i32
        %dma_wait3A_202 = tpu.memref_slice %arg7[%add3A_189, %dma_wait3A_201] : memref<16x125xi32, #tpu.memory_space<vmem>> -> memref<1x125xi32, #tpu.memory_space<vmem>>
        %dma_wait3A_203 = tpu.memref_squeeze %dma_wait3A_202 : memref<1x125xi32, #tpu.memory_space<vmem>> -> memref<125xi32, #tpu.memory_space<vmem>>
        %dma_wait3A_204 = arith.constant 0 : i32
        %dma_wait3A_205 = arith.constant 0 : i32
        %dma_wait3A_206 = tpu.memref_slice %arg2[%dma_wait3A_204, %dma_wait3A_205] : memref<10000x128xf32, #tpu.memory_space<hbm>> -> memref<10000x128xf32, #tpu.memory_space<hbm>>
        tpu.wait_indirect_dma semaphore(%arg13 : memref<!tpu.dma_semaphore, #tpu.memory_space<semaphore_mem>>) src(%dma_wait3A_206 : memref<10000x128xf32, #tpu.memory_space<hbm>>) dst(%arg10 : memref<125x128xf32, #tpu.memory_space<vmem>>)
        %dma_start3A_207 = arith.constant 0 : i32
        %dma_start3A_208 = tpu.memref_slice %arg8[%add3A_189, %dma_start3A_207] : memref<16x125xi32, #tpu.memory_space<vmem>> -> memref<1x125xi32, #tpu.memory_space<vmem>>
        %dma_start3A_209 = tpu.memref_squeeze %dma_start3A_208 : memref<1x125xi32, #tpu.memory_space<vmem>> -> memref<125xi32, #tpu.memory_space<vmem>>
        %dma_start3A_210 = arith.constant 0 : i32
        %dma_start3A_211 = arith.constant 0 : i32
        %dma_start3A_212 = tpu.memref_slice %arg11[%dma_start3A_210, %dma_start3A_211] : memref<10240x128xf32, #tpu.memory_space<vmem_shared>> -> memref<10240x128xf32, #tpu.memory_space<vmem_shared>>
        tpu.enqueue_indirect_dma source(%arg10 : memref<125x128xf32, #tpu.memory_space<vmem>>) target(%dma_start3A_212 : memref<10240x128xf32, #tpu.memory_space<vmem_shared>>) offsets(%dma_start3A_209 : memref<125xi32, #tpu.memory_space<vmem>>) semaphore(%arg15 : memref<!tpu.dma_semaphore, #tpu.memory_space<semaphore_mem>>) {add = true}
        %dma_wait3A_213 = arith.constant 0 : i32
        %dma_wait3A_214 = tpu.memref_slice %arg8[%mul3A_187, %dma_wait3A_213] : memref<16x125xi32, #tpu.memory_space<vmem>> -> memref<1x125xi32, #tpu.memory_space<vmem>>
        %dma_wait3A_215 = tpu.memref_squeeze %dma_wait3A_214 : memref<1x125xi32, #tpu.memory_space<vmem>> -> memref<125xi32, #tpu.memory_space<vmem>>
        %dma_wait3A_216 = arith.constant 0 : i32
        %dma_wait3A_217 = arith.constant 0 : i32
        %dma_wait3A_218 = tpu.memref_slice %arg11[%dma_wait3A_216, %dma_wait3A_217] : memref<10240x128xf32, #tpu.memory_space<vmem_shared>> -> memref<10240x128xf32, #tpu.memory_space<vmem_shared>>
        tpu.wait_indirect_dma semaphore(%arg14 : memref<!tpu.dma_semaphore, #tpu.memory_space<semaphore_mem>>) src(%arg9 : memref<125x128xf32, #tpu.memory_space<vmem>>) dst(%dma_wait3A_218 : memref<10240x128xf32, #tpu.memory_space<vmem_shared>>)
        %lt3A = arith.constant 7 : i32
        %lt3A_219 = arith.cmpi slt, %scan3A_184, %lt3A : i32
        %convert_element_type3A_220 = arith.extui %lt3A_219 : i1 to i32
        %cond3A_221 = arith.constant 0 : i32
        %cond3A_222 = arith.cmpi ne, %convert_element_type3A_220, %cond3A_221 : i32
        scf.if %cond3A_222 {
          %add3A_235 = arith.constant 2 : i32
          %add3A_236 = arith.addi %mul3A_187, %add3A_235 : i32
          %dma_start3A_237 = arith.constant 0 : i32
          %dma_start3A_238 = tpu.memref_slice %arg7[%add3A_236, %dma_start3A_237] : memref<16x125xi32, #tpu.memory_space<vmem>> -> memref<1x125xi32, #tpu.memory_space<vmem>>
          %dma_start3A_239 = tpu.memref_squeeze %dma_start3A_238 : memref<1x125xi32, #tpu.memory_space<vmem>> -> memref<125xi32, #tpu.memory_space<vmem>>
          %dma_start3A_240 = arith.constant 0 : i32
          %dma_start3A_241 = arith.constant 0 : i32
          %dma_start3A_242 = tpu.memref_slice %arg2[%dma_start3A_240, %dma_start3A_241] : memref<10000x128xf32, #tpu.memory_space<hbm>> -> memref<10000x128xf32, #tpu.memory_space<hbm>>
          tpu.enqueue_indirect_dma source(%dma_start3A_242 : memref<10000x128xf32, #tpu.memory_space<hbm>>) target(%arg9 : memref<125x128xf32, #tpu.memory_space<vmem>>) offsets(%dma_start3A_239 : memref<125xi32, #tpu.memory_space<vmem>>) semaphore(%arg12 : memref<!tpu.dma_semaphore, #tpu.memory_space<semaphore_mem>>)
        } else {
        }
        %dma_wait3A_223 = arith.constant 0 : i32
        %dma_wait3A_224 = tpu.memref_slice %arg8[%add3A_189, %dma_wait3A_223] : memref<16x125xi32, #tpu.memory_space<vmem>> -> memref<1x125xi32, #tpu.memory_space<vmem>>
        %dma_wait3A_225 = tpu.memref_squeeze %dma_wait3A_224 : memref<1x125xi32, #tpu.memory_space<vmem>> -> memref<125xi32, #tpu.memory_space<vmem>>
        %dma_wait3A_226 = arith.constant 0 : i32
        %dma_wait3A_227 = arith.constant 0 : i32
        %dma_wait3A_228 = tpu.memref_slice %arg11[%dma_wait3A_226, %dma_wait3A_227] : memref<10240x128xf32, #tpu.memory_space<vmem_shared>> -> memref<10240x128xf32, #tpu.memory_space<vmem_shared>>
        tpu.wait_indirect_dma semaphore(%arg15 : memref<!tpu.dma_semaphore, #tpu.memory_space<semaphore_mem>>) src(%arg10 : memref<125x128xf32, #tpu.memory_space<vmem>>) dst(%dma_wait3A_228 : memref<10240x128xf32, #tpu.memory_space<vmem_shared>>)
        %lt3A_229 = arith.constant 7 : i32
        %lt3A_230 = arith.cmpi slt, %scan3A_184, %lt3A_229 : i32
        %convert_element_type3A_231 = arith.extui %lt3A_230 : i1 to i32
        %cond3A_232 = arith.constant 0 : i32
        %cond3A_233 = arith.cmpi ne, %convert_element_type3A_231, %cond3A_232 : i32
        scf.if %cond3A_233 {
          %add3A_235 = arith.constant 2 : i32
          %add3A_236 = arith.addi %add3A_189, %add3A_235 : i32
          %dma_start3A_237 = arith.constant 0 : i32
          %dma_start3A_238 = tpu.memref_slice %arg7[%add3A_236, %dma_start3A_237] : memref<16x125xi32, #tpu.memory_space<vmem>> -> memref<1x125xi32, #tpu.memory_space<vmem>>
          %dma_start3A_239 = tpu.memref_squeeze %dma_start3A_238 : memref<1x125xi32, #tpu.memory_space<vmem>> -> memref<125xi32, #tpu.memory_space<vmem>>
          %dma_start3A_240 = arith.constant 0 : i32
          %dma_start3A_241 = arith.constant 0 : i32
          %dma_start3A_242 = tpu.memref_slice %arg2[%dma_start3A_240, %dma_start3A_241] : memref<10000x128xf32, #tpu.memory_space<hbm>> -> memref<10000x128xf32, #tpu.memory_space<hbm>>
          tpu.enqueue_indirect_dma source(%dma_start3A_242 : memref<10000x128xf32, #tpu.memory_space<hbm>>) target(%arg10 : memref<125x128xf32, #tpu.memory_space<vmem>>) offsets(%dma_start3A_239 : memref<125xi32, #tpu.memory_space<vmem>>) semaphore(%arg13 : memref<!tpu.dma_semaphore, #tpu.memory_space<semaphore_mem>>)
        } else {
        }
        %scan3A_234 = arith.constant 0 : i32
        scf.yield %scan3A_234 : i32
      }
      %scan3A_182 = arith.constant 8 : i32
      %scan3A_183 = arith.constant 0 : i32
      scf.yield %scan3A_183 : i32
    }
    %scan3A_46 = arith.constant 5 : i32
    %barrier3A_47 = arith.constant 0 : index
    tpu.barrier barrier_id(%barrier3A_47)
    %mul3A_48 = arith.constant 640 : i32
    %mul3A_49 = arith.muli %arg1, %mul3A_48 : i32
    %add3A_50 = arith.constant 0 : i32
    %add3A_51 = arith.addi %mul3A_49, %add3A_50 : i32
    "tpu.region"() ({
      %run_scoped3A = tpu.sem_alloc : memref<!tpu.dma_semaphore, #tpu.memory_space<semaphore_mem>>
      %dma_start3A = arith.constant 0 : i32
      %dma_start3A_157 = arith.constant 0 : i32
      %dma_start3A_158 = tpu.memref_slice %arg9[%dma_start3A, %dma_start3A_157] : memref<125x128xf32, #tpu.memory_space<vmem>> -> memref<80x128xf32, #tpu.memory_space<vmem>>
      %dma_start3A_159 = arith.constant 0 : i32
      %dma_start3A_160 = tpu.memref_slice %arg11[%add3A_51, %dma_start3A_159] : memref<10240x128xf32, #tpu.memory_space<vmem_shared>> -> memref<80x128xf32, #tpu.memory_space<vmem_shared>>
      %dma_start3A_161 = arith.constant 0 : i32
      %dma_start3A_162 = arith.constant 0 : i32
      %dma_start3A_163 = tpu.memref_slice %arg9[%dma_start3A_161, %dma_start3A_162] : memref<125x128xf32, #tpu.memory_space<vmem>> -> memref<80x128xf32, #tpu.memory_space<vmem>>
      %dma_start3A_164 = arith.constant 0 : i32
      %dma_start3A_165 = tpu.memref_slice %arg11[%add3A_51, %dma_start3A_164] : memref<10240x128xf32, #tpu.memory_space<vmem_shared>> -> memref<80x128xf32, #tpu.memory_space<vmem_shared>>
      tpu.enqueue_dma source(%dma_start3A_165 : memref<80x128xf32, #tpu.memory_space<vmem_shared>>) target(%dma_start3A_163 : memref<80x128xf32, #tpu.memory_space<vmem>>) target_semaphore(%run_scoped3A : memref<!tpu.dma_semaphore, #tpu.memory_space<semaphore_mem>>)
      %dma_wait3A = arith.constant 0 : i32
      %dma_wait3A_166 = arith.constant 0 : i32
      %dma_wait3A_167 = tpu.memref_slice %arg9[%dma_wait3A, %dma_wait3A_166] : memref<125x128xf32, #tpu.memory_space<vmem>> -> memref<80x128xf32, #tpu.memory_space<vmem>>
      %dma_wait3A_168 = arith.constant 0 : i32
      %dma_wait3A_169 = tpu.memref_slice %arg11[%add3A_51, %dma_wait3A_168] : memref<10240x128xf32, #tpu.memory_space<vmem_shared>> -> memref<80x128xf32, #tpu.memory_space<vmem_shared>>
      %dma_wait3A_170 = arith.constant 0 : i32
      %dma_wait3A_171 = arith.constant 0 : i32
      %dma_wait3A_172 = tpu.memref_slice %arg9[%dma_wait3A_170, %dma_wait3A_171] : memref<125x128xf32, #tpu.memory_space<vmem>> -> memref<80x128xf32, #tpu.memory_space<vmem>>
      %dma_wait3A_173 = arith.constant 0 : i32
      %dma_wait3A_174 = tpu.memref_slice %arg11[%add3A_51, %dma_wait3A_173] : memref<10240x128xf32, #tpu.memory_space<vmem_shared>> -> memref<80x128xf32, #tpu.memory_space<vmem_shared>>
      tpu.wait_dma2 semaphore(%run_scoped3A : memref<!tpu.dma_semaphore, #tpu.memory_space<semaphore_mem>>) src(%dma_wait3A_174 : memref<80x128xf32, #tpu.memory_space<vmem_shared>>) dst(%dma_wait3A_172 : memref<80x128xf32, #tpu.memory_space<vmem>>)
      tpu.yield
    }) : () -> ()
    %eq3A = arith.constant 0 : i32
    %eq3A_52 = arith.cmpi eq, %arg0, %eq3A : i32
    %convert_element_type3A = arith.extui %eq3A_52 : i1 to i32
    %cond3A = arith.constant 0 : i32
    %cond3A_53 = arith.cmpi ne, %convert_element_type3A, %cond3A : i32
    scf.if %cond3A_53 {
      %mul3A_157 = arith.constant 640 : i32
      %mul3A_158 = arith.muli %arg1, %mul3A_157 : i32
      %add3A_159 = arith.constant 0 : i32
      %add3A_160 = arith.addi %mul3A_158, %add3A_159 : i32
      "tpu.region"() ({
        %run_scoped3A = tpu.sem_alloc : memref<!tpu.dma_semaphore, #tpu.memory_space<semaphore_mem>>
        %dma_start3A = arith.constant 0 : i32
        %dma_start3A_161 = arith.constant 0 : i32
        %dma_start3A_162 = tpu.memref_slice %arg9[%dma_start3A, %dma_start3A_161] : memref<125x128xf32, #tpu.memory_space<vmem>> -> memref<80x128xf32, #tpu.memory_space<vmem>>
        %dma_start3A_163 = arith.constant 0 : i32
        %dma_start3A_164 = tpu.memref_slice %arg5[%add3A_160, %dma_start3A_163] : memref<10240x128xf32, #tpu.memory_space<hbm>> -> memref<80x128xf32, #tpu.memory_space<hbm>>
        %dma_start3A_165 = arith.constant 0 : i32
        %dma_start3A_166 = tpu.memref_slice %arg5[%add3A_160, %dma_start3A_165] : memref<10240x128xf32, #tpu.memory_space<hbm>> -> memref<80x128xf32, #tpu.memory_space<hbm>>
        %dma_start3A_167 = arith.constant 0 : i32
        %dma_start3A_168 = arith.constant 0 : i32
        %dma_start3A_169 = tpu.memref_slice %arg9[%dma_start3A_167, %dma_start3A_168] : memref<125x128xf32, #tpu.memory_space<vmem>> -> memref<80x128xf32, #tpu.memory_space<vmem>>
        tpu.enqueue_dma source(%dma_start3A_169 : memref<80x128xf32, #tpu.memory_space<vmem>>) target(%dma_start3A_166 : memref<80x128xf32, #tpu.memory_space<hbm>>) target_semaphore(%run_scoped3A : memref<!tpu.dma_semaphore, #tpu.memory_space<semaphore_mem>>)
        %dma_wait3A = arith.constant 0 : i32
        %dma_wait3A_170 = arith.constant 0 : i32
        %dma_wait3A_171 = tpu.memref_slice %arg9[%dma_wait3A, %dma_wait3A_170] : memref<125x128xf32, #tpu.memory_space<vmem>> -> memref<80x128xf32, #tpu.memory_space<vmem>>
        %dma_wait3A_172 = arith.constant 0 : i32
        %dma_wait3A_173 = tpu.memref_slice %arg5[%add3A_160, %dma_wait3A_172] : memref<10240x128xf32, #tpu.memory_space<hbm>> -> memref<80x128xf32, #tpu.memory_space<hbm>>
        %dma_wait3A_174 = arith.constant 0 : i32
        %dma_wait3A_175 = tpu.memref_slice %arg5[%add3A_160, %dma_wait3A_174] : memref<10240x128xf32, #tpu.memory_space<hbm>> -> memref<80x128xf32, #tpu.memory_space<hbm>>
        %dma_wait3A_176 = arith.constant 0 : i32
        %dma_wait3A_177 = arith.constant 0 : i32
        %dma_wait3A_178 = tpu.memref_slice %arg9[%dma_wait3A_176, %dma_wait3A_177] : memref<125x128xf32, #tpu.memory_space<vmem>> -> memref<80x128xf32, #tpu.memory_space<vmem>>
        tpu.wait_dma2 semaphore(%run_scoped3A : memref<!tpu.dma_semaphore, #tpu.memory_space<semaphore_mem>>) src(%dma_wait3A_178 : memref<80x128xf32, #tpu.memory_space<vmem>>) dst(%dma_wait3A_175 : memref<80x128xf32, #tpu.memory_space<hbm>>)
        tpu.yield
      }) : () -> ()
    } else {
    }
    %eq3A_54 = arith.constant 1 : i32
    %eq3A_55 = arith.cmpi eq, %arg0, %eq3A_54 : i32
    %convert_element_type3A_56 = arith.extui %eq3A_55 : i1 to i32
    %cond3A_57 = arith.constant 0 : i32
    %cond3A_58 = arith.cmpi ne, %convert_element_type3A_56, %cond3A_57 : i32
    scf.if %cond3A_58 {
      %mul3A_157 = arith.constant 640 : i32
      %mul3A_158 = arith.muli %arg1, %mul3A_157 : i32
      %add3A_159 = arith.constant 0 : i32
      %add3A_160 = arith.addi %mul3A_158, %add3A_159 : i32
      "tpu.region"() ({
        %run_scoped3A = tpu.sem_alloc : memref<!tpu.dma_semaphore, #tpu.memory_space<semaphore_mem>>
        %dma_start3A = arith.constant 0 : i32
        %dma_start3A_161 = arith.constant 0 : i32
        %dma_start3A_162 = tpu.memref_slice %arg9[%dma_start3A, %dma_start3A_161] : memref<125x128xf32, #tpu.memory_space<vmem>> -> memref<80x128xf32, #tpu.memory_space<vmem>>
        %dma_start3A_163 = arith.constant 0 : i32
        %dma_start3A_164 = tpu.memref_slice %arg6[%add3A_160, %dma_start3A_163] : memref<10240x128xf32, #tpu.memory_space<hbm>> -> memref<80x128xf32, #tpu.memory_space<hbm>>
        %dma_start3A_165 = arith.constant 0 : i32
        %dma_start3A_166 = tpu.memref_slice %arg6[%add3A_160, %dma_start3A_165] : memref<10240x128xf32, #tpu.memory_space<hbm>> -> memref<80x128xf32, #tpu.memory_space<hbm>>
        %dma_start3A_167 = arith.constant 0 : i32
        %dma_start3A_168 = arith.constant 0 : i32
        %dma_start3A_169 = tpu.memref_slice %arg9[%dma_start3A_167, %dma_start3A_168] : memref<125x128xf32, #tpu.memory_space<vmem>> -> memref<80x128xf32, #tpu.memory_space<vmem>>
        tpu.enqueue_dma source(%dma_start3A_169 : memref<80x128xf32, #tpu.memory_space<vmem>>) target(%dma_start3A_166 : memref<80x128xf32, #tpu.memory_space<hbm>>) target_semaphore(%run_scoped3A : memref<!tpu.dma_semaphore, #tpu.memory_space<semaphore_mem>>)
        %dma_wait3A = arith.constant 0 : i32
        %dma_wait3A_170 = arith.constant 0 : i32
        %dma_wait3A_171 = tpu.memref_slice %arg9[%dma_wait3A, %dma_wait3A_170] : memref<125x128xf32, #tpu.memory_space<vmem>> -> memref<80x128xf32, #tpu.memory_space<vmem>>
        %dma_wait3A_172 = arith.constant 0 : i32
        %dma_wait3A_173 = tpu.memref_slice %arg6[%add3A_160, %dma_wait3A_172] : memref<10240x128xf32, #tpu.memory_space<hbm>> -> memref<80x128xf32, #tpu.memory_space<hbm>>
        %dma_wait3A_174 = arith.constant 0 : i32
        %dma_wait3A_175 = tpu.memref_slice %arg6[%add3A_160, %dma_wait3A_174] : memref<10240x128xf32, #tpu.memory_space<hbm>> -> memref<80x128xf32, #tpu.memory_space<hbm>>
        %dma_wait3A_176 = arith.constant 0 : i32
        %dma_wait3A_177 = arith.constant 0 : i32
        %dma_wait3A_178 = tpu.memref_slice %arg9[%dma_wait3A_176, %dma_wait3A_177] : memref<125x128xf32, #tpu.memory_space<vmem>> -> memref<80x128xf32, #tpu.memory_space<vmem>>
        tpu.wait_dma2 semaphore(%run_scoped3A : memref<!tpu.dma_semaphore, #tpu.memory_space<semaphore_mem>>) src(%dma_wait3A_178 : memref<80x128xf32, #tpu.memory_space<vmem>>) dst(%dma_wait3A_175 : memref<80x128xf32, #tpu.memory_space<hbm>>)
        tpu.yield
      }) : () -> ()
    } else {
    }
    %mul3A_59 = arith.constant 640 : i32
    %mul3A_60 = arith.muli %arg1, %mul3A_59 : i32
    %add3A_61 = arith.constant 80 : i32
    %add3A_62 = arith.addi %mul3A_60, %add3A_61 : i32
    "tpu.region"() ({
      %run_scoped3A = tpu.sem_alloc : memref<!tpu.dma_semaphore, #tpu.memory_space<semaphore_mem>>
      %dma_start3A = arith.constant 0 : i32
      %dma_start3A_157 = arith.constant 0 : i32
      %dma_start3A_158 = tpu.memref_slice %arg9[%dma_start3A, %dma_start3A_157] : memref<125x128xf32, #tpu.memory_space<vmem>> -> memref<80x128xf32, #tpu.memory_space<vmem>>
      %dma_start3A_159 = arith.constant 0 : i32
      %dma_start3A_160 = tpu.memref_slice %arg11[%add3A_62, %dma_start3A_159] : memref<10240x128xf32, #tpu.memory_space<vmem_shared>> -> memref<80x128xf32, #tpu.memory_space<vmem_shared>>
      %dma_start3A_161 = arith.constant 0 : i32
      %dma_start3A_162 = arith.constant 0 : i32
      %dma_start3A_163 = tpu.memref_slice %arg9[%dma_start3A_161, %dma_start3A_162] : memref<125x128xf32, #tpu.memory_space<vmem>> -> memref<80x128xf32, #tpu.memory_space<vmem>>
      %dma_start3A_164 = arith.constant 0 : i32
      %dma_start3A_165 = tpu.memref_slice %arg11[%add3A_62, %dma_start3A_164] : memref<10240x128xf32, #tpu.memory_space<vmem_shared>> -> memref<80x128xf32, #tpu.memory_space<vmem_shared>>
      tpu.enqueue_dma source(%dma_start3A_165 : memref<80x128xf32, #tpu.memory_space<vmem_shared>>) target(%dma_start3A_163 : memref<80x128xf32, #tpu.memory_space<vmem>>) target_semaphore(%run_scoped3A : memref<!tpu.dma_semaphore, #tpu.memory_space<semaphore_mem>>)
      %dma_wait3A = arith.constant 0 : i32
      %dma_wait3A_166 = arith.constant 0 : i32
      %dma_wait3A_167 = tpu.memref_slice %arg9[%dma_wait3A, %dma_wait3A_166] : memref<125x128xf32, #tpu.memory_space<vmem>> -> memref<80x128xf32, #tpu.memory_space<vmem>>
      %dma_wait3A_168 = arith.constant 0 : i32
      %dma_wait3A_169 = tpu.memref_slice %arg11[%add3A_62, %dma_wait3A_168] : memref<10240x128xf32, #tpu.memory_space<vmem_shared>> -> memref<80x128xf32, #tpu.memory_space<vmem_shared>>
      %dma_wait3A_170 = arith.constant 0 : i32
      %dma_wait3A_171 = arith.constant 0 : i32
      %dma_wait3A_172 = tpu.memref_slice %arg9[%dma_wait3A_170, %dma_wait3A_171] : memref<125x128xf32, #tpu.memory_space<vmem>> -> memref<80x128xf32, #tpu.memory_space<vmem>>
      %dma_wait3A_173 = arith.constant 0 : i32
      %dma_wait3A_174 = tpu.memref_slice %arg11[%add3A_62, %dma_wait3A_173] : memref<10240x128xf32, #tpu.memory_space<vmem_shared>> -> memref<80x128xf32, #tpu.memory_space<vmem_shared>>
      tpu.wait_dma2 semaphore(%run_scoped3A : memref<!tpu.dma_semaphore, #tpu.memory_space<semaphore_mem>>) src(%dma_wait3A_174 : memref<80x128xf32, #tpu.memory_space<vmem_shared>>) dst(%dma_wait3A_172 : memref<80x128xf32, #tpu.memory_space<vmem>>)
      tpu.yield
    }) : () -> ()
    %eq3A_63 = arith.constant 0 : i32
    %eq3A_64 = arith.cmpi eq, %arg0, %eq3A_63 : i32
    %convert_element_type3A_65 = arith.extui %eq3A_64 : i1 to i32
    %cond3A_66 = arith.constant 0 : i32
    %cond3A_67 = arith.cmpi ne, %convert_element_type3A_65, %cond3A_66 : i32
    scf.if %cond3A_67 {
      %mul3A_157 = arith.constant 640 : i32
      %mul3A_158 = arith.muli %arg1, %mul3A_157 : i32
      %add3A_159 = arith.constant 80 : i32
      %add3A_160 = arith.addi %mul3A_158, %add3A_159 : i32
      "tpu.region"() ({
        %run_scoped3A = tpu.sem_alloc : memref<!tpu.dma_semaphore, #tpu.memory_space<semaphore_mem>>
        %dma_start3A = arith.constant 0 : i32
        %dma_start3A_161 = arith.constant 0 : i32
        %dma_start3A_162 = tpu.memref_slice %arg9[%dma_start3A, %dma_start3A_161] : memref<125x128xf32, #tpu.memory_space<vmem>> -> memref<80x128xf32, #tpu.memory_space<vmem>>
        %dma_start3A_163 = arith.constant 0 : i32
        %dma_start3A_164 = tpu.memref_slice %arg5[%add3A_160, %dma_start3A_163] : memref<10240x128xf32, #tpu.memory_space<hbm>> -> memref<80x128xf32, #tpu.memory_space<hbm>>
        %dma_start3A_165 = arith.constant 0 : i32
        %dma_start3A_166 = tpu.memref_slice %arg5[%add3A_160, %dma_start3A_165] : memref<10240x128xf32, #tpu.memory_space<hbm>> -> memref<80x128xf32, #tpu.memory_space<hbm>>
        %dma_start3A_167 = arith.constant 0 : i32
        %dma_start3A_168 = arith.constant 0 : i32
        %dma_start3A_169 = tpu.memref_slice %arg9[%dma_start3A_167, %dma_start3A_168] : memref<125x128xf32, #tpu.memory_space<vmem>> -> memref<80x128xf32, #tpu.memory_space<vmem>>
        tpu.enqueue_dma source(%dma_start3A_169 : memref<80x128xf32, #tpu.memory_space<vmem>>) target(%dma_start3A_166 : memref<80x128xf32, #tpu.memory_space<hbm>>) target_semaphore(%run_scoped3A : memref<!tpu.dma_semaphore, #tpu.memory_space<semaphore_mem>>)
        %dma_wait3A = arith.constant 0 : i32
        %dma_wait3A_170 = arith.constant 0 : i32
        %dma_wait3A_171 = tpu.memref_slice %arg9[%dma_wait3A, %dma_wait3A_170] : memref<125x128xf32, #tpu.memory_space<vmem>> -> memref<80x128xf32, #tpu.memory_space<vmem>>
        %dma_wait3A_172 = arith.constant 0 : i32
        %dma_wait3A_173 = tpu.memref_slice %arg5[%add3A_160, %dma_wait3A_172] : memref<10240x128xf32, #tpu.memory_space<hbm>> -> memref<80x128xf32, #tpu.memory_space<hbm>>
        %dma_wait3A_174 = arith.constant 0 : i32
        %dma_wait3A_175 = tpu.memref_slice %arg5[%add3A_160, %dma_wait3A_174] : memref<10240x128xf32, #tpu.memory_space<hbm>> -> memref<80x128xf32, #tpu.memory_space<hbm>>
        %dma_wait3A_176 = arith.constant 0 : i32
        %dma_wait3A_177 = arith.constant 0 : i32
        %dma_wait3A_178 = tpu.memref_slice %arg9[%dma_wait3A_176, %dma_wait3A_177] : memref<125x128xf32, #tpu.memory_space<vmem>> -> memref<80x128xf32, #tpu.memory_space<vmem>>
        tpu.wait_dma2 semaphore(%run_scoped3A : memref<!tpu.dma_semaphore, #tpu.memory_space<semaphore_mem>>) src(%dma_wait3A_178 : memref<80x128xf32, #tpu.memory_space<vmem>>) dst(%dma_wait3A_175 : memref<80x128xf32, #tpu.memory_space<hbm>>)
        tpu.yield
      }) : () -> ()
    } else {
    }
    %eq3A_68 = arith.constant 1 : i32
    %eq3A_69 = arith.cmpi eq, %arg0, %eq3A_68 : i32
    %convert_element_type3A_70 = arith.extui %eq3A_69 : i1 to i32
    %cond3A_71 = arith.constant 0 : i32
    %cond3A_72 = arith.cmpi ne, %convert_element_type3A_70, %cond3A_71 : i32
    scf.if %cond3A_72 {
      %mul3A_157 = arith.constant 640 : i32
      %mul3A_158 = arith.muli %arg1, %mul3A_157 : i32
      %add3A_159 = arith.constant 80 : i32
      %add3A_160 = arith.addi %mul3A_158, %add3A_159 : i32
      "tpu.region"() ({
        %run_scoped3A = tpu.sem_alloc : memref<!tpu.dma_semaphore, #tpu.memory_space<semaphore_mem>>
        %dma_start3A = arith.constant 0 : i32
        %dma_start3A_161 = arith.constant 0 : i32
        %dma_start3A_162 = tpu.memref_slice %arg9[%dma_start3A, %dma_start3A_161] : memref<125x128xf32, #tpu.memory_space<vmem>> -> memref<80x128xf32, #tpu.memory_space<vmem>>
        %dma_start3A_163 = arith.constant 0 : i32
        %dma_start3A_164 = tpu.memref_slice %arg6[%add3A_160, %dma_start3A_163] : memref<10240x128xf32, #tpu.memory_space<hbm>> -> memref<80x128xf32, #tpu.memory_space<hbm>>
        %dma_start3A_165 = arith.constant 0 : i32
        %dma_start3A_166 = tpu.memref_slice %arg6[%add3A_160, %dma_start3A_165] : memref<10240x128xf32, #tpu.memory_space<hbm>> -> memref<80x128xf32, #tpu.memory_space<hbm>>
        %dma_start3A_167 = arith.constant 0 : i32
        %dma_start3A_168 = arith.constant 0 : i32
        %dma_start3A_169 = tpu.memref_slice %arg9[%dma_start3A_167, %dma_start3A_168] : memref<125x128xf32, #tpu.memory_space<vmem>> -> memref<80x128xf32, #tpu.memory_space<vmem>>
        tpu.enqueue_dma source(%dma_start3A_169 : memref<80x128xf32, #tpu.memory_space<vmem>>) target(%dma_start3A_166 : memref<80x128xf32, #tpu.memory_space<hbm>>) target_semaphore(%run_scoped3A : memref<!tpu.dma_semaphore, #tpu.memory_space<semaphore_mem>>)
        %dma_wait3A = arith.constant 0 : i32
        %dma_wait3A_170 = arith.constant 0 : i32
        %dma_wait3A_171 = tpu.memref_slice %arg9[%dma_wait3A, %dma_wait3A_170] : memref<125x128xf32, #tpu.memory_space<vmem>> -> memref<80x128xf32, #tpu.memory_space<vmem>>
        %dma_wait3A_172 = arith.constant 0 : i32
        %dma_wait3A_173 = tpu.memref_slice %arg6[%add3A_160, %dma_wait3A_172] : memref<10240x128xf32, #tpu.memory_space<hbm>> -> memref<80x128xf32, #tpu.memory_space<hbm>>
        %dma_wait3A_174 = arith.constant 0 : i32
        %dma_wait3A_175 = tpu.memref_slice %arg6[%add3A_160, %dma_wait3A_174] : memref<10240x128xf32, #tpu.memory_space<hbm>> -> memref<80x128xf32, #tpu.memory_space<hbm>>
        %dma_wait3A_176 = arith.constant 0 : i32
        %dma_wait3A_177 = arith.constant 0 : i32
        %dma_wait3A_178 = tpu.memref_slice %arg9[%dma_wait3A_176, %dma_wait3A_177] : memref<125x128xf32, #tpu.memory_space<vmem>> -> memref<80x128xf32, #tpu.memory_space<vmem>>
        tpu.wait_dma2 semaphore(%run_scoped3A : memref<!tpu.dma_semaphore, #tpu.memory_space<semaphore_mem>>) src(%dma_wait3A_178 : memref<80x128xf32, #tpu.memory_space<vmem>>) dst(%dma_wait3A_175 : memref<80x128xf32, #tpu.memory_space<hbm>>)
        tpu.yield
      }) : () -> ()
    } else {
    }
    %mul3A_73 = arith.constant 640 : i32
    %mul3A_74 = arith.muli %arg1, %mul3A_73 : i32
    %add3A_75 = arith.constant 160 : i32
    %add3A_76 = arith.addi %mul3A_74, %add3A_75 : i32
    "tpu.region"() ({
      %run_scoped3A = tpu.sem_alloc : memref<!tpu.dma_semaphore, #tpu.memory_space<semaphore_mem>>
      %dma_start3A = arith.constant 0 : i32
      %dma_start3A_157 = arith.constant 0 : i32
      %dma_start3A_158 = tpu.memref_slice %arg9[%dma_start3A, %dma_start3A_157] : memref<125x128xf32, #tpu.memory_space<vmem>> -> memref<80x128xf32, #tpu.memory_space<vmem>>
      %dma_start3A_159 = arith.constant 0 : i32
      %dma_start3A_160 = tpu.memref_slice %arg11[%add3A_76, %dma_start3A_159] : memref<10240x128xf32, #tpu.memory_space<vmem_shared>> -> memref<80x128xf32, #tpu.memory_space<vmem_shared>>
      %dma_start3A_161 = arith.constant 0 : i32
      %dma_start3A_162 = arith.constant 0 : i32
      %dma_start3A_163 = tpu.memref_slice %arg9[%dma_start3A_161, %dma_start3A_162] : memref<125x128xf32, #tpu.memory_space<vmem>> -> memref<80x128xf32, #tpu.memory_space<vmem>>
      %dma_start3A_164 = arith.constant 0 : i32
      %dma_start3A_165 = tpu.memref_slice %arg11[%add3A_76, %dma_start3A_164] : memref<10240x128xf32, #tpu.memory_space<vmem_shared>> -> memref<80x128xf32, #tpu.memory_space<vmem_shared>>
      tpu.enqueue_dma source(%dma_start3A_165 : memref<80x128xf32, #tpu.memory_space<vmem_shared>>) target(%dma_start3A_163 : memref<80x128xf32, #tpu.memory_space<vmem>>) target_semaphore(%run_scoped3A : memref<!tpu.dma_semaphore, #tpu.memory_space<semaphore_mem>>)
      %dma_wait3A = arith.constant 0 : i32
      %dma_wait3A_166 = arith.constant 0 : i32
      %dma_wait3A_167 = tpu.memref_slice %arg9[%dma_wait3A, %dma_wait3A_166] : memref<125x128xf32, #tpu.memory_space<vmem>> -> memref<80x128xf32, #tpu.memory_space<vmem>>
      %dma_wait3A_168 = arith.constant 0 : i32
      %dma_wait3A_169 = tpu.memref_slice %arg11[%add3A_76, %dma_wait3A_168] : memref<10240x128xf32, #tpu.memory_space<vmem_shared>> -> memref<80x128xf32, #tpu.memory_space<vmem_shared>>
      %dma_wait3A_170 = arith.constant 0 : i32
      %dma_wait3A_171 = arith.constant 0 : i32
      %dma_wait3A_172 = tpu.memref_slice %arg9[%dma_wait3A_170, %dma_wait3A_171] : memref<125x128xf32, #tpu.memory_space<vmem>> -> memref<80x128xf32, #tpu.memory_space<vmem>>
      %dma_wait3A_173 = arith.constant 0 : i32
      %dma_wait3A_174 = tpu.memref_slice %arg11[%add3A_76, %dma_wait3A_173] : memref<10240x128xf32, #tpu.memory_space<vmem_shared>> -> memref<80x128xf32, #tpu.memory_space<vmem_shared>>
      tpu.wait_dma2 semaphore(%run_scoped3A : memref<!tpu.dma_semaphore, #tpu.memory_space<semaphore_mem>>) src(%dma_wait3A_174 : memref<80x128xf32, #tpu.memory_space<vmem_shared>>) dst(%dma_wait3A_172 : memref<80x128xf32, #tpu.memory_space<vmem>>)
      tpu.yield
    }) : () -> ()
    %eq3A_77 = arith.constant 0 : i32
    %eq3A_78 = arith.cmpi eq, %arg0, %eq3A_77 : i32
    %convert_element_type3A_79 = arith.extui %eq3A_78 : i1 to i32
    %cond3A_80 = arith.constant 0 : i32
    %cond3A_81 = arith.cmpi ne, %convert_element_type3A_79, %cond3A_80 : i32
    scf.if %cond3A_81 {
      %mul3A_157 = arith.constant 640 : i32
      %mul3A_158 = arith.muli %arg1, %mul3A_157 : i32
      %add3A_159 = arith.constant 160 : i32
      %add3A_160 = arith.addi %mul3A_158, %add3A_159 : i32
      "tpu.region"() ({
        %run_scoped3A = tpu.sem_alloc : memref<!tpu.dma_semaphore, #tpu.memory_space<semaphore_mem>>
        %dma_start3A = arith.constant 0 : i32
        %dma_start3A_161 = arith.constant 0 : i32
        %dma_start3A_162 = tpu.memref_slice %arg9[%dma_start3A, %dma_start3A_161] : memref<125x128xf32, #tpu.memory_space<vmem>> -> memref<80x128xf32, #tpu.memory_space<vmem>>
        %dma_start3A_163 = arith.constant 0 : i32
        %dma_start3A_164 = tpu.memref_slice %arg5[%add3A_160, %dma_start3A_163] : memref<10240x128xf32, #tpu.memory_space<hbm>> -> memref<80x128xf32, #tpu.memory_space<hbm>>
        %dma_start3A_165 = arith.constant 0 : i32
        %dma_start3A_166 = tpu.memref_slice %arg5[%add3A_160, %dma_start3A_165] : memref<10240x128xf32, #tpu.memory_space<hbm>> -> memref<80x128xf32, #tpu.memory_space<hbm>>
        %dma_start3A_167 = arith.constant 0 : i32
        %dma_start3A_168 = arith.constant 0 : i32
        %dma_start3A_169 = tpu.memref_slice %arg9[%dma_start3A_167, %dma_start3A_168] : memref<125x128xf32, #tpu.memory_space<vmem>> -> memref<80x128xf32, #tpu.memory_space<vmem>>
        tpu.enqueue_dma source(%dma_start3A_169 : memref<80x128xf32, #tpu.memory_space<vmem>>) target(%dma_start3A_166 : memref<80x128xf32, #tpu.memory_space<hbm>>) target_semaphore(%run_scoped3A : memref<!tpu.dma_semaphore, #tpu.memory_space<semaphore_mem>>)
        %dma_wait3A = arith.constant 0 : i32
        %dma_wait3A_170 = arith.constant 0 : i32
        %dma_wait3A_171 = tpu.memref_slice %arg9[%dma_wait3A, %dma_wait3A_170] : memref<125x128xf32, #tpu.memory_space<vmem>> -> memref<80x128xf32, #tpu.memory_space<vmem>>
        %dma_wait3A_172 = arith.constant 0 : i32
        %dma_wait3A_173 = tpu.memref_slice %arg5[%add3A_160, %dma_wait3A_172] : memref<10240x128xf32, #tpu.memory_space<hbm>> -> memref<80x128xf32, #tpu.memory_space<hbm>>
        %dma_wait3A_174 = arith.constant 0 : i32
        %dma_wait3A_175 = tpu.memref_slice %arg5[%add3A_160, %dma_wait3A_174] : memref<10240x128xf32, #tpu.memory_space<hbm>> -> memref<80x128xf32, #tpu.memory_space<hbm>>
        %dma_wait3A_176 = arith.constant 0 : i32
        %dma_wait3A_177 = arith.constant 0 : i32
        %dma_wait3A_178 = tpu.memref_slice %arg9[%dma_wait3A_176, %dma_wait3A_177] : memref<125x128xf32, #tpu.memory_space<vmem>> -> memref<80x128xf32, #tpu.memory_space<vmem>>
        tpu.wait_dma2 semaphore(%run_scoped3A : memref<!tpu.dma_semaphore, #tpu.memory_space<semaphore_mem>>) src(%dma_wait3A_178 : memref<80x128xf32, #tpu.memory_space<vmem>>) dst(%dma_wait3A_175 : memref<80x128xf32, #tpu.memory_space<hbm>>)
        tpu.yield
      }) : () -> ()
    } else {
    }
    %eq3A_82 = arith.constant 1 : i32
    %eq3A_83 = arith.cmpi eq, %arg0, %eq3A_82 : i32
    %convert_element_type3A_84 = arith.extui %eq3A_83 : i1 to i32
    %cond3A_85 = arith.constant 0 : i32
    %cond3A_86 = arith.cmpi ne, %convert_element_type3A_84, %cond3A_85 : i32
    scf.if %cond3A_86 {
      %mul3A_157 = arith.constant 640 : i32
      %mul3A_158 = arith.muli %arg1, %mul3A_157 : i32
      %add3A_159 = arith.constant 160 : i32
      %add3A_160 = arith.addi %mul3A_158, %add3A_159 : i32
      "tpu.region"() ({
        %run_scoped3A = tpu.sem_alloc : memref<!tpu.dma_semaphore, #tpu.memory_space<semaphore_mem>>
        %dma_start3A = arith.constant 0 : i32
        %dma_start3A_161 = arith.constant 0 : i32
        %dma_start3A_162 = tpu.memref_slice %arg9[%dma_start3A, %dma_start3A_161] : memref<125x128xf32, #tpu.memory_space<vmem>> -> memref<80x128xf32, #tpu.memory_space<vmem>>
        %dma_start3A_163 = arith.constant 0 : i32
        %dma_start3A_164 = tpu.memref_slice %arg6[%add3A_160, %dma_start3A_163] : memref<10240x128xf32, #tpu.memory_space<hbm>> -> memref<80x128xf32, #tpu.memory_space<hbm>>
        %dma_start3A_165 = arith.constant 0 : i32
        %dma_start3A_166 = tpu.memref_slice %arg6[%add3A_160, %dma_start3A_165] : memref<10240x128xf32, #tpu.memory_space<hbm>> -> memref<80x128xf32, #tpu.memory_space<hbm>>
        %dma_start3A_167 = arith.constant 0 : i32
        %dma_start3A_168 = arith.constant 0 : i32
        %dma_start3A_169 = tpu.memref_slice %arg9[%dma_start3A_167, %dma_start3A_168] : memref<125x128xf32, #tpu.memory_space<vmem>> -> memref<80x128xf32, #tpu.memory_space<vmem>>
        tpu.enqueue_dma source(%dma_start3A_169 : memref<80x128xf32, #tpu.memory_space<vmem>>) target(%dma_start3A_166 : memref<80x128xf32, #tpu.memory_space<hbm>>) target_semaphore(%run_scoped3A : memref<!tpu.dma_semaphore, #tpu.memory_space<semaphore_mem>>)
        %dma_wait3A = arith.constant 0 : i32
        %dma_wait3A_170 = arith.constant 0 : i32
        %dma_wait3A_171 = tpu.memref_slice %arg9[%dma_wait3A, %dma_wait3A_170] : memref<125x128xf32, #tpu.memory_space<vmem>> -> memref<80x128xf32, #tpu.memory_space<vmem>>
        %dma_wait3A_172 = arith.constant 0 : i32
        %dma_wait3A_173 = tpu.memref_slice %arg6[%add3A_160, %dma_wait3A_172] : memref<10240x128xf32, #tpu.memory_space<hbm>> -> memref<80x128xf32, #tpu.memory_space<hbm>>
        %dma_wait3A_174 = arith.constant 0 : i32
        %dma_wait3A_175 = tpu.memref_slice %arg6[%add3A_160, %dma_wait3A_174] : memref<10240x128xf32, #tpu.memory_space<hbm>> -> memref<80x128xf32, #tpu.memory_space<hbm>>
        %dma_wait3A_176 = arith.constant 0 : i32
        %dma_wait3A_177 = arith.constant 0 : i32
        %dma_wait3A_178 = tpu.memref_slice %arg9[%dma_wait3A_176, %dma_wait3A_177] : memref<125x128xf32, #tpu.memory_space<vmem>> -> memref<80x128xf32, #tpu.memory_space<vmem>>
        tpu.wait_dma2 semaphore(%run_scoped3A : memref<!tpu.dma_semaphore, #tpu.memory_space<semaphore_mem>>) src(%dma_wait3A_178 : memref<80x128xf32, #tpu.memory_space<vmem>>) dst(%dma_wait3A_175 : memref<80x128xf32, #tpu.memory_space<hbm>>)
        tpu.yield
      }) : () -> ()
    } else {
    }
    %mul3A_87 = arith.constant 640 : i32
    %mul3A_88 = arith.muli %arg1, %mul3A_87 : i32
    %add3A_89 = arith.constant 240 : i32
    %add3A_90 = arith.addi %mul3A_88, %add3A_89 : i32
    "tpu.region"() ({
      %run_scoped3A = tpu.sem_alloc : memref<!tpu.dma_semaphore, #tpu.memory_space<semaphore_mem>>
      %dma_start3A = arith.constant 0 : i32
      %dma_start3A_157 = arith.constant 0 : i32
      %dma_start3A_158 = tpu.memref_slice %arg9[%dma_start3A, %dma_start3A_157] : memref<125x128xf32, #tpu.memory_space<vmem>> -> memref<80x128xf32, #tpu.memory_space<vmem>>
      %dma_start3A_159 = arith.constant 0 : i32
      %dma_start3A_160 = tpu.memref_slice %arg11[%add3A_90, %dma_start3A_159] : memref<10240x128xf32, #tpu.memory_space<vmem_shared>> -> memref<80x128xf32, #tpu.memory_space<vmem_shared>>
      %dma_start3A_161 = arith.constant 0 : i32
      %dma_start3A_162 = arith.constant 0 : i32
      %dma_start3A_163 = tpu.memref_slice %arg9[%dma_start3A_161, %dma_start3A_162] : memref<125x128xf32, #tpu.memory_space<vmem>> -> memref<80x128xf32, #tpu.memory_space<vmem>>
      %dma_start3A_164 = arith.constant 0 : i32
      %dma_start3A_165 = tpu.memref_slice %arg11[%add3A_90, %dma_start3A_164] : memref<10240x128xf32, #tpu.memory_space<vmem_shared>> -> memref<80x128xf32, #tpu.memory_space<vmem_shared>>
      tpu.enqueue_dma source(%dma_start3A_165 : memref<80x128xf32, #tpu.memory_space<vmem_shared>>) target(%dma_start3A_163 : memref<80x128xf32, #tpu.memory_space<vmem>>) target_semaphore(%run_scoped3A : memref<!tpu.dma_semaphore, #tpu.memory_space<semaphore_mem>>)
      %dma_wait3A = arith.constant 0 : i32
      %dma_wait3A_166 = arith.constant 0 : i32
      %dma_wait3A_167 = tpu.memref_slice %arg9[%dma_wait3A, %dma_wait3A_166] : memref<125x128xf32, #tpu.memory_space<vmem>> -> memref<80x128xf32, #tpu.memory_space<vmem>>
      %dma_wait3A_168 = arith.constant 0 : i32
      %dma_wait3A_169 = tpu.memref_slice %arg11[%add3A_90, %dma_wait3A_168] : memref<10240x128xf32, #tpu.memory_space<vmem_shared>> -> memref<80x128xf32, #tpu.memory_space<vmem_shared>>
      %dma_wait3A_170 = arith.constant 0 : i32
      %dma_wait3A_171 = arith.constant 0 : i32
      %dma_wait3A_172 = tpu.memref_slice %arg9[%dma_wait3A_170, %dma_wait3A_171] : memref<125x128xf32, #tpu.memory_space<vmem>> -> memref<80x128xf32, #tpu.memory_space<vmem>>
      %dma_wait3A_173 = arith.constant 0 : i32
      %dma_wait3A_174 = tpu.memref_slice %arg11[%add3A_90, %dma_wait3A_173] : memref<10240x128xf32, #tpu.memory_space<vmem_shared>> -> memref<80x128xf32, #tpu.memory_space<vmem_shared>>
      tpu.wait_dma2 semaphore(%run_scoped3A : memref<!tpu.dma_semaphore, #tpu.memory_space<semaphore_mem>>) src(%dma_wait3A_174 : memref<80x128xf32, #tpu.memory_space<vmem_shared>>) dst(%dma_wait3A_172 : memref<80x128xf32, #tpu.memory_space<vmem>>)
      tpu.yield
    }) : () -> ()
    %eq3A_91 = arith.constant 0 : i32
    %eq3A_92 = arith.cmpi eq, %arg0, %eq3A_91 : i32
    %convert_element_type3A_93 = arith.extui %eq3A_92 : i1 to i32
    %cond3A_94 = arith.constant 0 : i32
    %cond3A_95 = arith.cmpi ne, %convert_element_type3A_93, %cond3A_94 : i32
    scf.if %cond3A_95 {
      %mul3A_157 = arith.constant 640 : i32
      %mul3A_158 = arith.muli %arg1, %mul3A_157 : i32
      %add3A_159 = arith.constant 240 : i32
      %add3A_160 = arith.addi %mul3A_158, %add3A_159 : i32
      "tpu.region"() ({
        %run_scoped3A = tpu.sem_alloc : memref<!tpu.dma_semaphore, #tpu.memory_space<semaphore_mem>>
        %dma_start3A = arith.constant 0 : i32
        %dma_start3A_161 = arith.constant 0 : i32
        %dma_start3A_162 = tpu.memref_slice %arg9[%dma_start3A, %dma_start3A_161] : memref<125x128xf32, #tpu.memory_space<vmem>> -> memref<80x128xf32, #tpu.memory_space<vmem>>
        %dma_start3A_163 = arith.constant 0 : i32
        %dma_start3A_164 = tpu.memref_slice %arg5[%add3A_160, %dma_start3A_163] : memref<10240x128xf32, #tpu.memory_space<hbm>> -> memref<80x128xf32, #tpu.memory_space<hbm>>
        %dma_start3A_165 = arith.constant 0 : i32
        %dma_start3A_166 = tpu.memref_slice %arg5[%add3A_160, %dma_start3A_165] : memref<10240x128xf32, #tpu.memory_space<hbm>> -> memref<80x128xf32, #tpu.memory_space<hbm>>
        %dma_start3A_167 = arith.constant 0 : i32
        %dma_start3A_168 = arith.constant 0 : i32
        %dma_start3A_169 = tpu.memref_slice %arg9[%dma_start3A_167, %dma_start3A_168] : memref<125x128xf32, #tpu.memory_space<vmem>> -> memref<80x128xf32, #tpu.memory_space<vmem>>
        tpu.enqueue_dma source(%dma_start3A_169 : memref<80x128xf32, #tpu.memory_space<vmem>>) target(%dma_start3A_166 : memref<80x128xf32, #tpu.memory_space<hbm>>) target_semaphore(%run_scoped3A : memref<!tpu.dma_semaphore, #tpu.memory_space<semaphore_mem>>)
        %dma_wait3A = arith.constant 0 : i32
        %dma_wait3A_170 = arith.constant 0 : i32
        %dma_wait3A_171 = tpu.memref_slice %arg9[%dma_wait3A, %dma_wait3A_170] : memref<125x128xf32, #tpu.memory_space<vmem>> -> memref<80x128xf32, #tpu.memory_space<vmem>>
        %dma_wait3A_172 = arith.constant 0 : i32
        %dma_wait3A_173 = tpu.memref_slice %arg5[%add3A_160, %dma_wait3A_172] : memref<10240x128xf32, #tpu.memory_space<hbm>> -> memref<80x128xf32, #tpu.memory_space<hbm>>
        %dma_wait3A_174 = arith.constant 0 : i32
        %dma_wait3A_175 = tpu.memref_slice %arg5[%add3A_160, %dma_wait3A_174] : memref<10240x128xf32, #tpu.memory_space<hbm>> -> memref<80x128xf32, #tpu.memory_space<hbm>>
        %dma_wait3A_176 = arith.constant 0 : i32
        %dma_wait3A_177 = arith.constant 0 : i32
        %dma_wait3A_178 = tpu.memref_slice %arg9[%dma_wait3A_176, %dma_wait3A_177] : memref<125x128xf32, #tpu.memory_space<vmem>> -> memref<80x128xf32, #tpu.memory_space<vmem>>
        tpu.wait_dma2 semaphore(%run_scoped3A : memref<!tpu.dma_semaphore, #tpu.memory_space<semaphore_mem>>) src(%dma_wait3A_178 : memref<80x128xf32, #tpu.memory_space<vmem>>) dst(%dma_wait3A_175 : memref<80x128xf32, #tpu.memory_space<hbm>>)
        tpu.yield
      }) : () -> ()
    } else {
    }
    %eq3A_96 = arith.constant 1 : i32
    %eq3A_97 = arith.cmpi eq, %arg0, %eq3A_96 : i32
    %convert_element_type3A_98 = arith.extui %eq3A_97 : i1 to i32
    %cond3A_99 = arith.constant 0 : i32
    %cond3A_100 = arith.cmpi ne, %convert_element_type3A_98, %cond3A_99 : i32
    scf.if %cond3A_100 {
      %mul3A_157 = arith.constant 640 : i32
      %mul3A_158 = arith.muli %arg1, %mul3A_157 : i32
      %add3A_159 = arith.constant 240 : i32
      %add3A_160 = arith.addi %mul3A_158, %add3A_159 : i32
      "tpu.region"() ({
        %run_scoped3A = tpu.sem_alloc : memref<!tpu.dma_semaphore, #tpu.memory_space<semaphore_mem>>
        %dma_start3A = arith.constant 0 : i32
        %dma_start3A_161 = arith.constant 0 : i32
        %dma_start3A_162 = tpu.memref_slice %arg9[%dma_start3A, %dma_start3A_161] : memref<125x128xf32, #tpu.memory_space<vmem>> -> memref<80x128xf32, #tpu.memory_space<vmem>>
        %dma_start3A_163 = arith.constant 0 : i32
        %dma_start3A_164 = tpu.memref_slice %arg6[%add3A_160, %dma_start3A_163] : memref<10240x128xf32, #tpu.memory_space<hbm>> -> memref<80x128xf32, #tpu.memory_space<hbm>>
        %dma_start3A_165 = arith.constant 0 : i32
        %dma_start3A_166 = tpu.memref_slice %arg6[%add3A_160, %dma_start3A_165] : memref<10240x128xf32, #tpu.memory_space<hbm>> -> memref<80x128xf32, #tpu.memory_space<hbm>>
        %dma_start3A_167 = arith.constant 0 : i32
        %dma_start3A_168 = arith.constant 0 : i32
        %dma_start3A_169 = tpu.memref_slice %arg9[%dma_start3A_167, %dma_start3A_168] : memref<125x128xf32, #tpu.memory_space<vmem>> -> memref<80x128xf32, #tpu.memory_space<vmem>>
        tpu.enqueue_dma source(%dma_start3A_169 : memref<80x128xf32, #tpu.memory_space<vmem>>) target(%dma_start3A_166 : memref<80x128xf32, #tpu.memory_space<hbm>>) target_semaphore(%run_scoped3A : memref<!tpu.dma_semaphore, #tpu.memory_space<semaphore_mem>>)
        %dma_wait3A = arith.constant 0 : i32
        %dma_wait3A_170 = arith.constant 0 : i32
        %dma_wait3A_171 = tpu.memref_slice %arg9[%dma_wait3A, %dma_wait3A_170] : memref<125x128xf32, #tpu.memory_space<vmem>> -> memref<80x128xf32, #tpu.memory_space<vmem>>
        %dma_wait3A_172 = arith.constant 0 : i32
        %dma_wait3A_173 = tpu.memref_slice %arg6[%add3A_160, %dma_wait3A_172] : memref<10240x128xf32, #tpu.memory_space<hbm>> -> memref<80x128xf32, #tpu.memory_space<hbm>>
        %dma_wait3A_174 = arith.constant 0 : i32
        %dma_wait3A_175 = tpu.memref_slice %arg6[%add3A_160, %dma_wait3A_174] : memref<10240x128xf32, #tpu.memory_space<hbm>> -> memref<80x128xf32, #tpu.memory_space<hbm>>
        %dma_wait3A_176 = arith.constant 0 : i32
        %dma_wait3A_177 = arith.constant 0 : i32
        %dma_wait3A_178 = tpu.memref_slice %arg9[%dma_wait3A_176, %dma_wait3A_177] : memref<125x128xf32, #tpu.memory_space<vmem>> -> memref<80x128xf32, #tpu.memory_space<vmem>>
        tpu.wait_dma2 semaphore(%run_scoped3A : memref<!tpu.dma_semaphore, #tpu.memory_space<semaphore_mem>>) src(%dma_wait3A_178 : memref<80x128xf32, #tpu.memory_space<vmem>>) dst(%dma_wait3A_175 : memref<80x128xf32, #tpu.memory_space<hbm>>)
        tpu.yield
      }) : () -> ()
    } else {
    }
    %mul3A_101 = arith.constant 640 : i32
    %mul3A_102 = arith.muli %arg1, %mul3A_101 : i32
    %add3A_103 = arith.constant 320 : i32
    %add3A_104 = arith.addi %mul3A_102, %add3A_103 : i32
    "tpu.region"() ({
      %run_scoped3A = tpu.sem_alloc : memref<!tpu.dma_semaphore, #tpu.memory_space<semaphore_mem>>
      %dma_start3A = arith.constant 0 : i32
      %dma_start3A_157 = arith.constant 0 : i32
      %dma_start3A_158 = tpu.memref_slice %arg9[%dma_start3A, %dma_start3A_157] : memref<125x128xf32, #tpu.memory_space<vmem>> -> memref<80x128xf32, #tpu.memory_space<vmem>>
      %dma_start3A_159 = arith.constant 0 : i32
      %dma_start3A_160 = tpu.memref_slice %arg11[%add3A_104, %dma_start3A_159] : memref<10240x128xf32, #tpu.memory_space<vmem_shared>> -> memref<80x128xf32, #tpu.memory_space<vmem_shared>>
      %dma_start3A_161 = arith.constant 0 : i32
      %dma_start3A_162 = arith.constant 0 : i32
      %dma_start3A_163 = tpu.memref_slice %arg9[%dma_start3A_161, %dma_start3A_162] : memref<125x128xf32, #tpu.memory_space<vmem>> -> memref<80x128xf32, #tpu.memory_space<vmem>>
      %dma_start3A_164 = arith.constant 0 : i32
      %dma_start3A_165 = tpu.memref_slice %arg11[%add3A_104, %dma_start3A_164] : memref<10240x128xf32, #tpu.memory_space<vmem_shared>> -> memref<80x128xf32, #tpu.memory_space<vmem_shared>>
      tpu.enqueue_dma source(%dma_start3A_165 : memref<80x128xf32, #tpu.memory_space<vmem_shared>>) target(%dma_start3A_163 : memref<80x128xf32, #tpu.memory_space<vmem>>) target_semaphore(%run_scoped3A : memref<!tpu.dma_semaphore, #tpu.memory_space<semaphore_mem>>)
      %dma_wait3A = arith.constant 0 : i32
      %dma_wait3A_166 = arith.constant 0 : i32
      %dma_wait3A_167 = tpu.memref_slice %arg9[%dma_wait3A, %dma_wait3A_166] : memref<125x128xf32, #tpu.memory_space<vmem>> -> memref<80x128xf32, #tpu.memory_space<vmem>>
      %dma_wait3A_168 = arith.constant 0 : i32
      %dma_wait3A_169 = tpu.memref_slice %arg11[%add3A_104, %dma_wait3A_168] : memref<10240x128xf32, #tpu.memory_space<vmem_shared>> -> memref<80x128xf32, #tpu.memory_space<vmem_shared>>
      %dma_wait3A_170 = arith.constant 0 : i32
      %dma_wait3A_171 = arith.constant 0 : i32
      %dma_wait3A_172 = tpu.memref_slice %arg9[%dma_wait3A_170, %dma_wait3A_171] : memref<125x128xf32, #tpu.memory_space<vmem>> -> memref<80x128xf32, #tpu.memory_space<vmem>>
      %dma_wait3A_173 = arith.constant 0 : i32
      %dma_wait3A_174 = tpu.memref_slice %arg11[%add3A_104, %dma_wait3A_173] : memref<10240x128xf32, #tpu.memory_space<vmem_shared>> -> memref<80x128xf32, #tpu.memory_space<vmem_shared>>
      tpu.wait_dma2 semaphore(%run_scoped3A : memref<!tpu.dma_semaphore, #tpu.memory_space<semaphore_mem>>) src(%dma_wait3A_174 : memref<80x128xf32, #tpu.memory_space<vmem_shared>>) dst(%dma_wait3A_172 : memref<80x128xf32, #tpu.memory_space<vmem>>)
      tpu.yield
    }) : () -> ()
    %eq3A_105 = arith.constant 0 : i32
    %eq3A_106 = arith.cmpi eq, %arg0, %eq3A_105 : i32
    %convert_element_type3A_107 = arith.extui %eq3A_106 : i1 to i32
    %cond3A_108 = arith.constant 0 : i32
    %cond3A_109 = arith.cmpi ne, %convert_element_type3A_107, %cond3A_108 : i32
    scf.if %cond3A_109 {
      %mul3A_157 = arith.constant 640 : i32
      %mul3A_158 = arith.muli %arg1, %mul3A_157 : i32
      %add3A_159 = arith.constant 320 : i32
      %add3A_160 = arith.addi %mul3A_158, %add3A_159 : i32
      "tpu.region"() ({
        %run_scoped3A = tpu.sem_alloc : memref<!tpu.dma_semaphore, #tpu.memory_space<semaphore_mem>>
        %dma_start3A = arith.constant 0 : i32
        %dma_start3A_161 = arith.constant 0 : i32
        %dma_start3A_162 = tpu.memref_slice %arg9[%dma_start3A, %dma_start3A_161] : memref<125x128xf32, #tpu.memory_space<vmem>> -> memref<80x128xf32, #tpu.memory_space<vmem>>
        %dma_start3A_163 = arith.constant 0 : i32
        %dma_start3A_164 = tpu.memref_slice %arg5[%add3A_160, %dma_start3A_163] : memref<10240x128xf32, #tpu.memory_space<hbm>> -> memref<80x128xf32, #tpu.memory_space<hbm>>
        %dma_start3A_165 = arith.constant 0 : i32
        %dma_start3A_166 = tpu.memref_slice %arg5[%add3A_160, %dma_start3A_165] : memref<10240x128xf32, #tpu.memory_space<hbm>> -> memref<80x128xf32, #tpu.memory_space<hbm>>
        %dma_start3A_167 = arith.constant 0 : i32
        %dma_start3A_168 = arith.constant 0 : i32
        %dma_start3A_169 = tpu.memref_slice %arg9[%dma_start3A_167, %dma_start3A_168] : memref<125x128xf32, #tpu.memory_space<vmem>> -> memref<80x128xf32, #tpu.memory_space<vmem>>
        tpu.enqueue_dma source(%dma_start3A_169 : memref<80x128xf32, #tpu.memory_space<vmem>>) target(%dma_start3A_166 : memref<80x128xf32, #tpu.memory_space<hbm>>) target_semaphore(%run_scoped3A : memref<!tpu.dma_semaphore, #tpu.memory_space<semaphore_mem>>)
        %dma_wait3A = arith.constant 0 : i32
        %dma_wait3A_170 = arith.constant 0 : i32
        %dma_wait3A_171 = tpu.memref_slice %arg9[%dma_wait3A, %dma_wait3A_170] : memref<125x128xf32, #tpu.memory_space<vmem>> -> memref<80x128xf32, #tpu.memory_space<vmem>>
        %dma_wait3A_172 = arith.constant 0 : i32
        %dma_wait3A_173 = tpu.memref_slice %arg5[%add3A_160, %dma_wait3A_172] : memref<10240x128xf32, #tpu.memory_space<hbm>> -> memref<80x128xf32, #tpu.memory_space<hbm>>
        %dma_wait3A_174 = arith.constant 0 : i32
        %dma_wait3A_175 = tpu.memref_slice %arg5[%add3A_160, %dma_wait3A_174] : memref<10240x128xf32, #tpu.memory_space<hbm>> -> memref<80x128xf32, #tpu.memory_space<hbm>>
        %dma_wait3A_176 = arith.constant 0 : i32
        %dma_wait3A_177 = arith.constant 0 : i32
        %dma_wait3A_178 = tpu.memref_slice %arg9[%dma_wait3A_176, %dma_wait3A_177] : memref<125x128xf32, #tpu.memory_space<vmem>> -> memref<80x128xf32, #tpu.memory_space<vmem>>
        tpu.wait_dma2 semaphore(%run_scoped3A : memref<!tpu.dma_semaphore, #tpu.memory_space<semaphore_mem>>) src(%dma_wait3A_178 : memref<80x128xf32, #tpu.memory_space<vmem>>) dst(%dma_wait3A_175 : memref<80x128xf32, #tpu.memory_space<hbm>>)
        tpu.yield
      }) : () -> ()
    } else {
    }
    %eq3A_110 = arith.constant 1 : i32
    %eq3A_111 = arith.cmpi eq, %arg0, %eq3A_110 : i32
    %convert_element_type3A_112 = arith.extui %eq3A_111 : i1 to i32
    %cond3A_113 = arith.constant 0 : i32
    %cond3A_114 = arith.cmpi ne, %convert_element_type3A_112, %cond3A_113 : i32
    scf.if %cond3A_114 {
      %mul3A_157 = arith.constant 640 : i32
      %mul3A_158 = arith.muli %arg1, %mul3A_157 : i32
      %add3A_159 = arith.constant 320 : i32
      %add3A_160 = arith.addi %mul3A_158, %add3A_159 : i32
      "tpu.region"() ({
        %run_scoped3A = tpu.sem_alloc : memref<!tpu.dma_semaphore, #tpu.memory_space<semaphore_mem>>
        %dma_start3A = arith.constant 0 : i32
        %dma_start3A_161 = arith.constant 0 : i32
        %dma_start3A_162 = tpu.memref_slice %arg9[%dma_start3A, %dma_start3A_161] : memref<125x128xf32, #tpu.memory_space<vmem>> -> memref<80x128xf32, #tpu.memory_space<vmem>>
        %dma_start3A_163 = arith.constant 0 : i32
        %dma_start3A_164 = tpu.memref_slice %arg6[%add3A_160, %dma_start3A_163] : memref<10240x128xf32, #tpu.memory_space<hbm>> -> memref<80x128xf32, #tpu.memory_space<hbm>>
        %dma_start3A_165 = arith.constant 0 : i32
        %dma_start3A_166 = tpu.memref_slice %arg6[%add3A_160, %dma_start3A_165] : memref<10240x128xf32, #tpu.memory_space<hbm>> -> memref<80x128xf32, #tpu.memory_space<hbm>>
        %dma_start3A_167 = arith.constant 0 : i32
        %dma_start3A_168 = arith.constant 0 : i32
        %dma_start3A_169 = tpu.memref_slice %arg9[%dma_start3A_167, %dma_start3A_168] : memref<125x128xf32, #tpu.memory_space<vmem>> -> memref<80x128xf32, #tpu.memory_space<vmem>>
        tpu.enqueue_dma source(%dma_start3A_169 : memref<80x128xf32, #tpu.memory_space<vmem>>) target(%dma_start3A_166 : memref<80x128xf32, #tpu.memory_space<hbm>>) target_semaphore(%run_scoped3A : memref<!tpu.dma_semaphore, #tpu.memory_space<semaphore_mem>>)
        %dma_wait3A = arith.constant 0 : i32
        %dma_wait3A_170 = arith.constant 0 : i32
        %dma_wait3A_171 = tpu.memref_slice %arg9[%dma_wait3A, %dma_wait3A_170] : memref<125x128xf32, #tpu.memory_space<vmem>> -> memref<80x128xf32, #tpu.memory_space<vmem>>
        %dma_wait3A_172 = arith.constant 0 : i32
        %dma_wait3A_173 = tpu.memref_slice %arg6[%add3A_160, %dma_wait3A_172] : memref<10240x128xf32, #tpu.memory_space<hbm>> -> memref<80x128xf32, #tpu.memory_space<hbm>>
        %dma_wait3A_174 = arith.constant 0 : i32
        %dma_wait3A_175 = tpu.memref_slice %arg6[%add3A_160, %dma_wait3A_174] : memref<10240x128xf32, #tpu.memory_space<hbm>> -> memref<80x128xf32, #tpu.memory_space<hbm>>
        %dma_wait3A_176 = arith.constant 0 : i32
        %dma_wait3A_177 = arith.constant 0 : i32
        %dma_wait3A_178 = tpu.memref_slice %arg9[%dma_wait3A_176, %dma_wait3A_177] : memref<125x128xf32, #tpu.memory_space<vmem>> -> memref<80x128xf32, #tpu.memory_space<vmem>>
        tpu.wait_dma2 semaphore(%run_scoped3A : memref<!tpu.dma_semaphore, #tpu.memory_space<semaphore_mem>>) src(%dma_wait3A_178 : memref<80x128xf32, #tpu.memory_space<vmem>>) dst(%dma_wait3A_175 : memref<80x128xf32, #tpu.memory_space<hbm>>)
        tpu.yield
      }) : () -> ()
    } else {
    }
    %mul3A_115 = arith.constant 640 : i32
    %mul3A_116 = arith.muli %arg1, %mul3A_115 : i32
    %add3A_117 = arith.constant 400 : i32
    %add3A_118 = arith.addi %mul3A_116, %add3A_117 : i32
    "tpu.region"() ({
      %run_scoped3A = tpu.sem_alloc : memref<!tpu.dma_semaphore, #tpu.memory_space<semaphore_mem>>
      %dma_start3A = arith.constant 0 : i32
      %dma_start3A_157 = arith.constant 0 : i32
      %dma_start3A_158 = tpu.memref_slice %arg9[%dma_start3A, %dma_start3A_157] : memref<125x128xf32, #tpu.memory_space<vmem>> -> memref<80x128xf32, #tpu.memory_space<vmem>>
      %dma_start3A_159 = arith.constant 0 : i32
      %dma_start3A_160 = tpu.memref_slice %arg11[%add3A_118, %dma_start3A_159] : memref<10240x128xf32, #tpu.memory_space<vmem_shared>> -> memref<80x128xf32, #tpu.memory_space<vmem_shared>>
      %dma_start3A_161 = arith.constant 0 : i32
      %dma_start3A_162 = arith.constant 0 : i32
      %dma_start3A_163 = tpu.memref_slice %arg9[%dma_start3A_161, %dma_start3A_162] : memref<125x128xf32, #tpu.memory_space<vmem>> -> memref<80x128xf32, #tpu.memory_space<vmem>>
      %dma_start3A_164 = arith.constant 0 : i32
      %dma_start3A_165 = tpu.memref_slice %arg11[%add3A_118, %dma_start3A_164] : memref<10240x128xf32, #tpu.memory_space<vmem_shared>> -> memref<80x128xf32, #tpu.memory_space<vmem_shared>>
      tpu.enqueue_dma source(%dma_start3A_165 : memref<80x128xf32, #tpu.memory_space<vmem_shared>>) target(%dma_start3A_163 : memref<80x128xf32, #tpu.memory_space<vmem>>) target_semaphore(%run_scoped3A : memref<!tpu.dma_semaphore, #tpu.memory_space<semaphore_mem>>)
      %dma_wait3A = arith.constant 0 : i32
      %dma_wait3A_166 = arith.constant 0 : i32
      %dma_wait3A_167 = tpu.memref_slice %arg9[%dma_wait3A, %dma_wait3A_166] : memref<125x128xf32, #tpu.memory_space<vmem>> -> memref<80x128xf32, #tpu.memory_space<vmem>>
      %dma_wait3A_168 = arith.constant 0 : i32
      %dma_wait3A_169 = tpu.memref_slice %arg11[%add3A_118, %dma_wait3A_168] : memref<10240x128xf32, #tpu.memory_space<vmem_shared>> -> memref<80x128xf32, #tpu.memory_space<vmem_shared>>
      %dma_wait3A_170 = arith.constant 0 : i32
      %dma_wait3A_171 = arith.constant 0 : i32
      %dma_wait3A_172 = tpu.memref_slice %arg9[%dma_wait3A_170, %dma_wait3A_171] : memref<125x128xf32, #tpu.memory_space<vmem>> -> memref<80x128xf32, #tpu.memory_space<vmem>>
      %dma_wait3A_173 = arith.constant 0 : i32
      %dma_wait3A_174 = tpu.memref_slice %arg11[%add3A_118, %dma_wait3A_173] : memref<10240x128xf32, #tpu.memory_space<vmem_shared>> -> memref<80x128xf32, #tpu.memory_space<vmem_shared>>
      tpu.wait_dma2 semaphore(%run_scoped3A : memref<!tpu.dma_semaphore, #tpu.memory_space<semaphore_mem>>) src(%dma_wait3A_174 : memref<80x128xf32, #tpu.memory_space<vmem_shared>>) dst(%dma_wait3A_172 : memref<80x128xf32, #tpu.memory_space<vmem>>)
      tpu.yield
    }) : () -> ()
    %eq3A_119 = arith.constant 0 : i32
    %eq3A_120 = arith.cmpi eq, %arg0, %eq3A_119 : i32
    %convert_element_type3A_121 = arith.extui %eq3A_120 : i1 to i32
    %cond3A_122 = arith.constant 0 : i32
    %cond3A_123 = arith.cmpi ne, %convert_element_type3A_121, %cond3A_122 : i32
    scf.if %cond3A_123 {
      %mul3A_157 = arith.constant 640 : i32
      %mul3A_158 = arith.muli %arg1, %mul3A_157 : i32
      %add3A_159 = arith.constant 400 : i32
      %add3A_160 = arith.addi %mul3A_158, %add3A_159 : i32
      "tpu.region"() ({
        %run_scoped3A = tpu.sem_alloc : memref<!tpu.dma_semaphore, #tpu.memory_space<semaphore_mem>>
        %dma_start3A = arith.constant 0 : i32
        %dma_start3A_161 = arith.constant 0 : i32
        %dma_start3A_162 = tpu.memref_slice %arg9[%dma_start3A, %dma_start3A_161] : memref<125x128xf32, #tpu.memory_space<vmem>> -> memref<80x128xf32, #tpu.memory_space<vmem>>
        %dma_start3A_163 = arith.constant 0 : i32
        %dma_start3A_164 = tpu.memref_slice %arg5[%add3A_160, %dma_start3A_163] : memref<10240x128xf32, #tpu.memory_space<hbm>> -> memref<80x128xf32, #tpu.memory_space<hbm>>
        %dma_start3A_165 = arith.constant 0 : i32
        %dma_start3A_166 = tpu.memref_slice %arg5[%add3A_160, %dma_start3A_165] : memref<10240x128xf32, #tpu.memory_space<hbm>> -> memref<80x128xf32, #tpu.memory_space<hbm>>
        %dma_start3A_167 = arith.constant 0 : i32
        %dma_start3A_168 = arith.constant 0 : i32
        %dma_start3A_169 = tpu.memref_slice %arg9[%dma_start3A_167, %dma_start3A_168] : memref<125x128xf32, #tpu.memory_space<vmem>> -> memref<80x128xf32, #tpu.memory_space<vmem>>
        tpu.enqueue_dma source(%dma_start3A_169 : memref<80x128xf32, #tpu.memory_space<vmem>>) target(%dma_start3A_166 : memref<80x128xf32, #tpu.memory_space<hbm>>) target_semaphore(%run_scoped3A : memref<!tpu.dma_semaphore, #tpu.memory_space<semaphore_mem>>)
        %dma_wait3A = arith.constant 0 : i32
        %dma_wait3A_170 = arith.constant 0 : i32
        %dma_wait3A_171 = tpu.memref_slice %arg9[%dma_wait3A, %dma_wait3A_170] : memref<125x128xf32, #tpu.memory_space<vmem>> -> memref<80x128xf32, #tpu.memory_space<vmem>>
        %dma_wait3A_172 = arith.constant 0 : i32
        %dma_wait3A_173 = tpu.memref_slice %arg5[%add3A_160, %dma_wait3A_172] : memref<10240x128xf32, #tpu.memory_space<hbm>> -> memref<80x128xf32, #tpu.memory_space<hbm>>
        %dma_wait3A_174 = arith.constant 0 : i32
        %dma_wait3A_175 = tpu.memref_slice %arg5[%add3A_160, %dma_wait3A_174] : memref<10240x128xf32, #tpu.memory_space<hbm>> -> memref<80x128xf32, #tpu.memory_space<hbm>>
        %dma_wait3A_176 = arith.constant 0 : i32
        %dma_wait3A_177 = arith.constant 0 : i32
        %dma_wait3A_178 = tpu.memref_slice %arg9[%dma_wait3A_176, %dma_wait3A_177] : memref<125x128xf32, #tpu.memory_space<vmem>> -> memref<80x128xf32, #tpu.memory_space<vmem>>
        tpu.wait_dma2 semaphore(%run_scoped3A : memref<!tpu.dma_semaphore, #tpu.memory_space<semaphore_mem>>) src(%dma_wait3A_178 : memref<80x128xf32, #tpu.memory_space<vmem>>) dst(%dma_wait3A_175 : memref<80x128xf32, #tpu.memory_space<hbm>>)
        tpu.yield
      }) : () -> ()
    } else {
    }
    %eq3A_124 = arith.constant 1 : i32
    %eq3A_125 = arith.cmpi eq, %arg0, %eq3A_124 : i32
    %convert_element_type3A_126 = arith.extui %eq3A_125 : i1 to i32
    %cond3A_127 = arith.constant 0 : i32
    %cond3A_128 = arith.cmpi ne, %convert_element_type3A_126, %cond3A_127 : i32
    scf.if %cond3A_128 {
      %mul3A_157 = arith.constant 640 : i32
      %mul3A_158 = arith.muli %arg1, %mul3A_157 : i32
      %add3A_159 = arith.constant 400 : i32
      %add3A_160 = arith.addi %mul3A_158, %add3A_159 : i32
      "tpu.region"() ({
        %run_scoped3A = tpu.sem_alloc : memref<!tpu.dma_semaphore, #tpu.memory_space<semaphore_mem>>
        %dma_start3A = arith.constant 0 : i32
        %dma_start3A_161 = arith.constant 0 : i32
        %dma_start3A_162 = tpu.memref_slice %arg9[%dma_start3A, %dma_start3A_161] : memref<125x128xf32, #tpu.memory_space<vmem>> -> memref<80x128xf32, #tpu.memory_space<vmem>>
        %dma_start3A_163 = arith.constant 0 : i32
        %dma_start3A_164 = tpu.memref_slice %arg6[%add3A_160, %dma_start3A_163] : memref<10240x128xf32, #tpu.memory_space<hbm>> -> memref<80x128xf32, #tpu.memory_space<hbm>>
        %dma_start3A_165 = arith.constant 0 : i32
        %dma_start3A_166 = tpu.memref_slice %arg6[%add3A_160, %dma_start3A_165] : memref<10240x128xf32, #tpu.memory_space<hbm>> -> memref<80x128xf32, #tpu.memory_space<hbm>>
        %dma_start3A_167 = arith.constant 0 : i32
        %dma_start3A_168 = arith.constant 0 : i32
        %dma_start3A_169 = tpu.memref_slice %arg9[%dma_start3A_167, %dma_start3A_168] : memref<125x128xf32, #tpu.memory_space<vmem>> -> memref<80x128xf32, #tpu.memory_space<vmem>>
        tpu.enqueue_dma source(%dma_start3A_169 : memref<80x128xf32, #tpu.memory_space<vmem>>) target(%dma_start3A_166 : memref<80x128xf32, #tpu.memory_space<hbm>>) target_semaphore(%run_scoped3A : memref<!tpu.dma_semaphore, #tpu.memory_space<semaphore_mem>>)
        %dma_wait3A = arith.constant 0 : i32
        %dma_wait3A_170 = arith.constant 0 : i32
        %dma_wait3A_171 = tpu.memref_slice %arg9[%dma_wait3A, %dma_wait3A_170] : memref<125x128xf32, #tpu.memory_space<vmem>> -> memref<80x128xf32, #tpu.memory_space<vmem>>
        %dma_wait3A_172 = arith.constant 0 : i32
        %dma_wait3A_173 = tpu.memref_slice %arg6[%add3A_160, %dma_wait3A_172] : memref<10240x128xf32, #tpu.memory_space<hbm>> -> memref<80x128xf32, #tpu.memory_space<hbm>>
        %dma_wait3A_174 = arith.constant 0 : i32
        %dma_wait3A_175 = tpu.memref_slice %arg6[%add3A_160, %dma_wait3A_174] : memref<10240x128xf32, #tpu.memory_space<hbm>> -> memref<80x128xf32, #tpu.memory_space<hbm>>
        %dma_wait3A_176 = arith.constant 0 : i32
        %dma_wait3A_177 = arith.constant 0 : i32
        %dma_wait3A_178 = tpu.memref_slice %arg9[%dma_wait3A_176, %dma_wait3A_177] : memref<125x128xf32, #tpu.memory_space<vmem>> -> memref<80x128xf32, #tpu.memory_space<vmem>>
        tpu.wait_dma2 semaphore(%run_scoped3A : memref<!tpu.dma_semaphore, #tpu.memory_space<semaphore_mem>>) src(%dma_wait3A_178 : memref<80x128xf32, #tpu.memory_space<vmem>>) dst(%dma_wait3A_175 : memref<80x128xf32, #tpu.memory_space<hbm>>)
        tpu.yield
      }) : () -> ()
    } else {
    }
    %mul3A_129 = arith.constant 640 : i32
    %mul3A_130 = arith.muli %arg1, %mul3A_129 : i32
    %add3A_131 = arith.constant 480 : i32
    %add3A_132 = arith.addi %mul3A_130, %add3A_131 : i32
    "tpu.region"() ({
      %run_scoped3A = tpu.sem_alloc : memref<!tpu.dma_semaphore, #tpu.memory_space<semaphore_mem>>
      %dma_start3A = arith.constant 0 : i32
      %dma_start3A_157 = arith.constant 0 : i32
      %dma_start3A_158 = tpu.memref_slice %arg9[%dma_start3A, %dma_start3A_157] : memref<125x128xf32, #tpu.memory_space<vmem>> -> memref<80x128xf32, #tpu.memory_space<vmem>>
      %dma_start3A_159 = arith.constant 0 : i32
      %dma_start3A_160 = tpu.memref_slice %arg11[%add3A_132, %dma_start3A_159] : memref<10240x128xf32, #tpu.memory_space<vmem_shared>> -> memref<80x128xf32, #tpu.memory_space<vmem_shared>>
      %dma_start3A_161 = arith.constant 0 : i32
      %dma_start3A_162 = arith.constant 0 : i32
      %dma_start3A_163 = tpu.memref_slice %arg9[%dma_start3A_161, %dma_start3A_162] : memref<125x128xf32, #tpu.memory_space<vmem>> -> memref<80x128xf32, #tpu.memory_space<vmem>>
      %dma_start3A_164 = arith.constant 0 : i32
      %dma_start3A_165 = tpu.memref_slice %arg11[%add3A_132, %dma_start3A_164] : memref<10240x128xf32, #tpu.memory_space<vmem_shared>> -> memref<80x128xf32, #tpu.memory_space<vmem_shared>>
      tpu.enqueue_dma source(%dma_start3A_165 : memref<80x128xf32, #tpu.memory_space<vmem_shared>>) target(%dma_start3A_163 : memref<80x128xf32, #tpu.memory_space<vmem>>) target_semaphore(%run_scoped3A : memref<!tpu.dma_semaphore, #tpu.memory_space<semaphore_mem>>)
      %dma_wait3A = arith.constant 0 : i32
      %dma_wait3A_166 = arith.constant 0 : i32
      %dma_wait3A_167 = tpu.memref_slice %arg9[%dma_wait3A, %dma_wait3A_166] : memref<125x128xf32, #tpu.memory_space<vmem>> -> memref<80x128xf32, #tpu.memory_space<vmem>>
      %dma_wait3A_168 = arith.constant 0 : i32
      %dma_wait3A_169 = tpu.memref_slice %arg11[%add3A_132, %dma_wait3A_168] : memref<10240x128xf32, #tpu.memory_space<vmem_shared>> -> memref<80x128xf32, #tpu.memory_space<vmem_shared>>
      %dma_wait3A_170 = arith.constant 0 : i32
      %dma_wait3A_171 = arith.constant 0 : i32
      %dma_wait3A_172 = tpu.memref_slice %arg9[%dma_wait3A_170, %dma_wait3A_171] : memref<125x128xf32, #tpu.memory_space<vmem>> -> memref<80x128xf32, #tpu.memory_space<vmem>>
      %dma_wait3A_173 = arith.constant 0 : i32
      %dma_wait3A_174 = tpu.memref_slice %arg11[%add3A_132, %dma_wait3A_173] : memref<10240x128xf32, #tpu.memory_space<vmem_shared>> -> memref<80x128xf32, #tpu.memory_space<vmem_shared>>
      tpu.wait_dma2 semaphore(%run_scoped3A : memref<!tpu.dma_semaphore, #tpu.memory_space<semaphore_mem>>) src(%dma_wait3A_174 : memref<80x128xf32, #tpu.memory_space<vmem_shared>>) dst(%dma_wait3A_172 : memref<80x128xf32, #tpu.memory_space<vmem>>)
      tpu.yield
    }) : () -> ()
    %eq3A_133 = arith.constant 0 : i32
    %eq3A_134 = arith.cmpi eq, %arg0, %eq3A_133 : i32
    %convert_element_type3A_135 = arith.extui %eq3A_134 : i1 to i32
    %cond3A_136 = arith.constant 0 : i32
    %cond3A_137 = arith.cmpi ne, %convert_element_type3A_135, %cond3A_136 : i32
    scf.if %cond3A_137 {
      %mul3A_157 = arith.constant 640 : i32
      %mul3A_158 = arith.muli %arg1, %mul3A_157 : i32
      %add3A_159 = arith.constant 480 : i32
      %add3A_160 = arith.addi %mul3A_158, %add3A_159 : i32
      "tpu.region"() ({
        %run_scoped3A = tpu.sem_alloc : memref<!tpu.dma_semaphore, #tpu.memory_space<semaphore_mem>>
        %dma_start3A = arith.constant 0 : i32
        %dma_start3A_161 = arith.constant 0 : i32
        %dma_start3A_162 = tpu.memref_slice %arg9[%dma_start3A, %dma_start3A_161] : memref<125x128xf32, #tpu.memory_space<vmem>> -> memref<80x128xf32, #tpu.memory_space<vmem>>
        %dma_start3A_163 = arith.constant 0 : i32
        %dma_start3A_164 = tpu.memref_slice %arg5[%add3A_160, %dma_start3A_163] : memref<10240x128xf32, #tpu.memory_space<hbm>> -> memref<80x128xf32, #tpu.memory_space<hbm>>
        %dma_start3A_165 = arith.constant 0 : i32
        %dma_start3A_166 = tpu.memref_slice %arg5[%add3A_160, %dma_start3A_165] : memref<10240x128xf32, #tpu.memory_space<hbm>> -> memref<80x128xf32, #tpu.memory_space<hbm>>
        %dma_start3A_167 = arith.constant 0 : i32
        %dma_start3A_168 = arith.constant 0 : i32
        %dma_start3A_169 = tpu.memref_slice %arg9[%dma_start3A_167, %dma_start3A_168] : memref<125x128xf32, #tpu.memory_space<vmem>> -> memref<80x128xf32, #tpu.memory_space<vmem>>
        tpu.enqueue_dma source(%dma_start3A_169 : memref<80x128xf32, #tpu.memory_space<vmem>>) target(%dma_start3A_166 : memref<80x128xf32, #tpu.memory_space<hbm>>) target_semaphore(%run_scoped3A : memref<!tpu.dma_semaphore, #tpu.memory_space<semaphore_mem>>)
        %dma_wait3A = arith.constant 0 : i32
        %dma_wait3A_170 = arith.constant 0 : i32
        %dma_wait3A_171 = tpu.memref_slice %arg9[%dma_wait3A, %dma_wait3A_170] : memref<125x128xf32, #tpu.memory_space<vmem>> -> memref<80x128xf32, #tpu.memory_space<vmem>>
        %dma_wait3A_172 = arith.constant 0 : i32
        %dma_wait3A_173 = tpu.memref_slice %arg5[%add3A_160, %dma_wait3A_172] : memref<10240x128xf32, #tpu.memory_space<hbm>> -> memref<80x128xf32, #tpu.memory_space<hbm>>
        %dma_wait3A_174 = arith.constant 0 : i32
        %dma_wait3A_175 = tpu.memref_slice %arg5[%add3A_160, %dma_wait3A_174] : memref<10240x128xf32, #tpu.memory_space<hbm>> -> memref<80x128xf32, #tpu.memory_space<hbm>>
        %dma_wait3A_176 = arith.constant 0 : i32
        %dma_wait3A_177 = arith.constant 0 : i32
        %dma_wait3A_178 = tpu.memref_slice %arg9[%dma_wait3A_176, %dma_wait3A_177] : memref<125x128xf32, #tpu.memory_space<vmem>> -> memref<80x128xf32, #tpu.memory_space<vmem>>
        tpu.wait_dma2 semaphore(%run_scoped3A : memref<!tpu.dma_semaphore, #tpu.memory_space<semaphore_mem>>) src(%dma_wait3A_178 : memref<80x128xf32, #tpu.memory_space<vmem>>) dst(%dma_wait3A_175 : memref<80x128xf32, #tpu.memory_space<hbm>>)
        tpu.yield
      }) : () -> ()
    } else {
    }
    %eq3A_138 = arith.constant 1 : i32
    %eq3A_139 = arith.cmpi eq, %arg0, %eq3A_138 : i32
    %convert_element_type3A_140 = arith.extui %eq3A_139 : i1 to i32
    %cond3A_141 = arith.constant 0 : i32
    %cond3A_142 = arith.cmpi ne, %convert_element_type3A_140, %cond3A_141 : i32
    scf.if %cond3A_142 {
      %mul3A_157 = arith.constant 640 : i32
      %mul3A_158 = arith.muli %arg1, %mul3A_157 : i32
      %add3A_159 = arith.constant 480 : i32
      %add3A_160 = arith.addi %mul3A_158, %add3A_159 : i32
      "tpu.region"() ({
        %run_scoped3A = tpu.sem_alloc : memref<!tpu.dma_semaphore, #tpu.memory_space<semaphore_mem>>
        %dma_start3A = arith.constant 0 : i32
        %dma_start3A_161 = arith.constant 0 : i32
        %dma_start3A_162 = tpu.memref_slice %arg9[%dma_start3A, %dma_start3A_161] : memref<125x128xf32, #tpu.memory_space<vmem>> -> memref<80x128xf32, #tpu.memory_space<vmem>>
        %dma_start3A_163 = arith.constant 0 : i32
        %dma_start3A_164 = tpu.memref_slice %arg6[%add3A_160, %dma_start3A_163] : memref<10240x128xf32, #tpu.memory_space<hbm>> -> memref<80x128xf32, #tpu.memory_space<hbm>>
        %dma_start3A_165 = arith.constant 0 : i32
        %dma_start3A_166 = tpu.memref_slice %arg6[%add3A_160, %dma_start3A_165] : memref<10240x128xf32, #tpu.memory_space<hbm>> -> memref<80x128xf32, #tpu.memory_space<hbm>>
        %dma_start3A_167 = arith.constant 0 : i32
        %dma_start3A_168 = arith.constant 0 : i32
        %dma_start3A_169 = tpu.memref_slice %arg9[%dma_start3A_167, %dma_start3A_168] : memref<125x128xf32, #tpu.memory_space<vmem>> -> memref<80x128xf32, #tpu.memory_space<vmem>>
        tpu.enqueue_dma source(%dma_start3A_169 : memref<80x128xf32, #tpu.memory_space<vmem>>) target(%dma_start3A_166 : memref<80x128xf32, #tpu.memory_space<hbm>>) target_semaphore(%run_scoped3A : memref<!tpu.dma_semaphore, #tpu.memory_space<semaphore_mem>>)
        %dma_wait3A = arith.constant 0 : i32
        %dma_wait3A_170 = arith.constant 0 : i32
        %dma_wait3A_171 = tpu.memref_slice %arg9[%dma_wait3A, %dma_wait3A_170] : memref<125x128xf32, #tpu.memory_space<vmem>> -> memref<80x128xf32, #tpu.memory_space<vmem>>
        %dma_wait3A_172 = arith.constant 0 : i32
        %dma_wait3A_173 = tpu.memref_slice %arg6[%add3A_160, %dma_wait3A_172] : memref<10240x128xf32, #tpu.memory_space<hbm>> -> memref<80x128xf32, #tpu.memory_space<hbm>>
        %dma_wait3A_174 = arith.constant 0 : i32
        %dma_wait3A_175 = tpu.memref_slice %arg6[%add3A_160, %dma_wait3A_174] : memref<10240x128xf32, #tpu.memory_space<hbm>> -> memref<80x128xf32, #tpu.memory_space<hbm>>
        %dma_wait3A_176 = arith.constant 0 : i32
        %dma_wait3A_177 = arith.constant 0 : i32
        %dma_wait3A_178 = tpu.memref_slice %arg9[%dma_wait3A_176, %dma_wait3A_177] : memref<125x128xf32, #tpu.memory_space<vmem>> -> memref<80x128xf32, #tpu.memory_space<vmem>>
        tpu.wait_dma2 semaphore(%run_scoped3A : memref<!tpu.dma_semaphore, #tpu.memory_space<semaphore_mem>>) src(%dma_wait3A_178 : memref<80x128xf32, #tpu.memory_space<vmem>>) dst(%dma_wait3A_175 : memref<80x128xf32, #tpu.memory_space<hbm>>)
        tpu.yield
      }) : () -> ()
    } else {
    }
    %mul3A_143 = arith.constant 640 : i32
    %mul3A_144 = arith.muli %arg1, %mul3A_143 : i32
    %add3A_145 = arith.constant 560 : i32
    %add3A_146 = arith.addi %mul3A_144, %add3A_145 : i32
    "tpu.region"() ({
      %run_scoped3A = tpu.sem_alloc : memref<!tpu.dma_semaphore, #tpu.memory_space<semaphore_mem>>
      %dma_start3A = arith.constant 0 : i32
      %dma_start3A_157 = arith.constant 0 : i32
      %dma_start3A_158 = tpu.memref_slice %arg9[%dma_start3A, %dma_start3A_157] : memref<125x128xf32, #tpu.memory_space<vmem>> -> memref<80x128xf32, #tpu.memory_space<vmem>>
      %dma_start3A_159 = arith.constant 0 : i32
      %dma_start3A_160 = tpu.memref_slice %arg11[%add3A_146, %dma_start3A_159] : memref<10240x128xf32, #tpu.memory_space<vmem_shared>> -> memref<80x128xf32, #tpu.memory_space<vmem_shared>>
      %dma_start3A_161 = arith.constant 0 : i32
      %dma_start3A_162 = arith.constant 0 : i32
      %dma_start3A_163 = tpu.memref_slice %arg9[%dma_start3A_161, %dma_start3A_162] : memref<125x128xf32, #tpu.memory_space<vmem>> -> memref<80x128xf32, #tpu.memory_space<vmem>>
      %dma_start3A_164 = arith.constant 0 : i32
      %dma_start3A_165 = tpu.memref_slice %arg11[%add3A_146, %dma_start3A_164] : memref<10240x128xf32, #tpu.memory_space<vmem_shared>> -> memref<80x128xf32, #tpu.memory_space<vmem_shared>>
      tpu.enqueue_dma source(%dma_start3A_165 : memref<80x128xf32, #tpu.memory_space<vmem_shared>>) target(%dma_start3A_163 : memref<80x128xf32, #tpu.memory_space<vmem>>) target_semaphore(%run_scoped3A : memref<!tpu.dma_semaphore, #tpu.memory_space<semaphore_mem>>)
      %dma_wait3A = arith.constant 0 : i32
      %dma_wait3A_166 = arith.constant 0 : i32
      %dma_wait3A_167 = tpu.memref_slice %arg9[%dma_wait3A, %dma_wait3A_166] : memref<125x128xf32, #tpu.memory_space<vmem>> -> memref<80x128xf32, #tpu.memory_space<vmem>>
      %dma_wait3A_168 = arith.constant 0 : i32
      %dma_wait3A_169 = tpu.memref_slice %arg11[%add3A_146, %dma_wait3A_168] : memref<10240x128xf32, #tpu.memory_space<vmem_shared>> -> memref<80x128xf32, #tpu.memory_space<vmem_shared>>
      %dma_wait3A_170 = arith.constant 0 : i32
      %dma_wait3A_171 = arith.constant 0 : i32
      %dma_wait3A_172 = tpu.memref_slice %arg9[%dma_wait3A_170, %dma_wait3A_171] : memref<125x128xf32, #tpu.memory_space<vmem>> -> memref<80x128xf32, #tpu.memory_space<vmem>>
      %dma_wait3A_173 = arith.constant 0 : i32
      %dma_wait3A_174 = tpu.memref_slice %arg11[%add3A_146, %dma_wait3A_173] : memref<10240x128xf32, #tpu.memory_space<vmem_shared>> -> memref<80x128xf32, #tpu.memory_space<vmem_shared>>
      tpu.wait_dma2 semaphore(%run_scoped3A : memref<!tpu.dma_semaphore, #tpu.memory_space<semaphore_mem>>) src(%dma_wait3A_174 : memref<80x128xf32, #tpu.memory_space<vmem_shared>>) dst(%dma_wait3A_172 : memref<80x128xf32, #tpu.memory_space<vmem>>)
      tpu.yield
    }) : () -> ()
    %eq3A_147 = arith.constant 0 : i32
    %eq3A_148 = arith.cmpi eq, %arg0, %eq3A_147 : i32
    %convert_element_type3A_149 = arith.extui %eq3A_148 : i1 to i32
    %cond3A_150 = arith.constant 0 : i32
    %cond3A_151 = arith.cmpi ne, %convert_element_type3A_149, %cond3A_150 : i32
    scf.if %cond3A_151 {
      %mul3A_157 = arith.constant 640 : i32
      %mul3A_158 = arith.muli %arg1, %mul3A_157 : i32
      %add3A_159 = arith.constant 560 : i32
      %add3A_160 = arith.addi %mul3A_158, %add3A_159 : i32
      "tpu.region"() ({
        %run_scoped3A = tpu.sem_alloc : memref<!tpu.dma_semaphore, #tpu.memory_space<semaphore_mem>>
        %dma_start3A = arith.constant 0 : i32
        %dma_start3A_161 = arith.constant 0 : i32
        %dma_start3A_162 = tpu.memref_slice %arg9[%dma_start3A, %dma_start3A_161] : memref<125x128xf32, #tpu.memory_space<vmem>> -> memref<80x128xf32, #tpu.memory_space<vmem>>
        %dma_start3A_163 = arith.constant 0 : i32
        %dma_start3A_164 = tpu.memref_slice %arg5[%add3A_160, %dma_start3A_163] : memref<10240x128xf32, #tpu.memory_space<hbm>> -> memref<80x128xf32, #tpu.memory_space<hbm>>
        %dma_start3A_165 = arith.constant 0 : i32
        %dma_start3A_166 = tpu.memref_slice %arg5[%add3A_160, %dma_start3A_165] : memref<10240x128xf32, #tpu.memory_space<hbm>> -> memref<80x128xf32, #tpu.memory_space<hbm>>
        %dma_start3A_167 = arith.constant 0 : i32
        %dma_start3A_168 = arith.constant 0 : i32
        %dma_start3A_169 = tpu.memref_slice %arg9[%dma_start3A_167, %dma_start3A_168] : memref<125x128xf32, #tpu.memory_space<vmem>> -> memref<80x128xf32, #tpu.memory_space<vmem>>
        tpu.enqueue_dma source(%dma_start3A_169 : memref<80x128xf32, #tpu.memory_space<vmem>>) target(%dma_start3A_166 : memref<80x128xf32, #tpu.memory_space<hbm>>) target_semaphore(%run_scoped3A : memref<!tpu.dma_semaphore, #tpu.memory_space<semaphore_mem>>)
        %dma_wait3A = arith.constant 0 : i32
        %dma_wait3A_170 = arith.constant 0 : i32
        %dma_wait3A_171 = tpu.memref_slice %arg9[%dma_wait3A, %dma_wait3A_170] : memref<125x128xf32, #tpu.memory_space<vmem>> -> memref<80x128xf32, #tpu.memory_space<vmem>>
        %dma_wait3A_172 = arith.constant 0 : i32
        %dma_wait3A_173 = tpu.memref_slice %arg5[%add3A_160, %dma_wait3A_172] : memref<10240x128xf32, #tpu.memory_space<hbm>> -> memref<80x128xf32, #tpu.memory_space<hbm>>
        %dma_wait3A_174 = arith.constant 0 : i32
        %dma_wait3A_175 = tpu.memref_slice %arg5[%add3A_160, %dma_wait3A_174] : memref<10240x128xf32, #tpu.memory_space<hbm>> -> memref<80x128xf32, #tpu.memory_space<hbm>>
        %dma_wait3A_176 = arith.constant 0 : i32
        %dma_wait3A_177 = arith.constant 0 : i32
        %dma_wait3A_178 = tpu.memref_slice %arg9[%dma_wait3A_176, %dma_wait3A_177] : memref<125x128xf32, #tpu.memory_space<vmem>> -> memref<80x128xf32, #tpu.memory_space<vmem>>
        tpu.wait_dma2 semaphore(%run_scoped3A : memref<!tpu.dma_semaphore, #tpu.memory_space<semaphore_mem>>) src(%dma_wait3A_178 : memref<80x128xf32, #tpu.memory_space<vmem>>) dst(%dma_wait3A_175 : memref<80x128xf32, #tpu.memory_space<hbm>>)
        tpu.yield
      }) : () -> ()
    } else {
    }
    %eq3A_152 = arith.constant 1 : i32
    %eq3A_153 = arith.cmpi eq, %arg0, %eq3A_152 : i32
    %convert_element_type3A_154 = arith.extui %eq3A_153 : i1 to i32
    %cond3A_155 = arith.constant 0 : i32
    %cond3A_156 = arith.cmpi ne, %convert_element_type3A_154, %cond3A_155 : i32
    scf.if %cond3A_156 {
      %mul3A_157 = arith.constant 640 : i32
      %mul3A_158 = arith.muli %arg1, %mul3A_157 : i32
      %add3A_159 = arith.constant 560 : i32
      %add3A_160 = arith.addi %mul3A_158, %add3A_159 : i32
      "tpu.region"() ({
        %run_scoped3A = tpu.sem_alloc : memref<!tpu.dma_semaphore, #tpu.memory_space<semaphore_mem>>
        %dma_start3A = arith.constant 0 : i32
        %dma_start3A_161 = arith.constant 0 : i32
        %dma_start3A_162 = tpu.memref_slice %arg9[%dma_start3A, %dma_start3A_161] : memref<125x128xf32, #tpu.memory_space<vmem>> -> memref<80x128xf32, #tpu.memory_space<vmem>>
        %dma_start3A_163 = arith.constant 0 : i32
        %dma_start3A_164 = tpu.memref_slice %arg6[%add3A_160, %dma_start3A_163] : memref<10240x128xf32, #tpu.memory_space<hbm>> -> memref<80x128xf32, #tpu.memory_space<hbm>>
        %dma_start3A_165 = arith.constant 0 : i32
        %dma_start3A_166 = tpu.memref_slice %arg6[%add3A_160, %dma_start3A_165] : memref<10240x128xf32, #tpu.memory_space<hbm>> -> memref<80x128xf32, #tpu.memory_space<hbm>>
        %dma_start3A_167 = arith.constant 0 : i32
        %dma_start3A_168 = arith.constant 0 : i32
        %dma_start3A_169 = tpu.memref_slice %arg9[%dma_start3A_167, %dma_start3A_168] : memref<125x128xf32, #tpu.memory_space<vmem>> -> memref<80x128xf32, #tpu.memory_space<vmem>>
        tpu.enqueue_dma source(%dma_start3A_169 : memref<80x128xf32, #tpu.memory_space<vmem>>) target(%dma_start3A_166 : memref<80x128xf32, #tpu.memory_space<hbm>>) target_semaphore(%run_scoped3A : memref<!tpu.dma_semaphore, #tpu.memory_space<semaphore_mem>>)
        %dma_wait3A = arith.constant 0 : i32
        %dma_wait3A_170 = arith.constant 0 : i32
        %dma_wait3A_171 = tpu.memref_slice %arg9[%dma_wait3A, %dma_wait3A_170] : memref<125x128xf32, #tpu.memory_space<vmem>> -> memref<80x128xf32, #tpu.memory_space<vmem>>
        %dma_wait3A_172 = arith.constant 0 : i32
        %dma_wait3A_173 = tpu.memref_slice %arg6[%add3A_160, %dma_wait3A_172] : memref<10240x128xf32, #tpu.memory_space<hbm>> -> memref<80x128xf32, #tpu.memory_space<hbm>>
        %dma_wait3A_174 = arith.constant 0 : i32
        %dma_wait3A_175 = tpu.memref_slice %arg6[%add3A_160, %dma_wait3A_174] : memref<10240x128xf32, #tpu.memory_space<hbm>> -> memref<80x128xf32, #tpu.memory_space<hbm>>
        %dma_wait3A_176 = arith.constant 0 : i32
        %dma_wait3A_177 = arith.constant 0 : i32
        %dma_wait3A_178 = tpu.memref_slice %arg9[%dma_wait3A_176, %dma_wait3A_177] : memref<125x128xf32, #tpu.memory_space<vmem>> -> memref<80x128xf32, #tpu.memory_space<vmem>>
        tpu.wait_dma2 semaphore(%run_scoped3A : memref<!tpu.dma_semaphore, #tpu.memory_space<semaphore_mem>>) src(%dma_wait3A_178 : memref<80x128xf32, #tpu.memory_space<vmem>>) dst(%dma_wait3A_175 : memref<80x128xf32, #tpu.memory_space<hbm>>)
        tpu.yield
      }) : () -> ()
    } else {
    }
    return
  }
}

module attributes {stable_mosaic.version = 14 : i64} {
  func.func @_mm_scale_body(%arg0: i32, %arg1: memref<1024x128xf32, #tpu.memory_space<vmem>>, %arg2: memref<128x128xf32, #tpu.memory_space<vmem>>, %arg3: memref<1024x1xf32, #tpu.memory_space<vmem>>, %arg4: memref<1024x1xf32, #tpu.memory_space<vmem>>, %arg5: memref<1024x128xf32, #tpu.memory_space<vmem>>, %arg6: memref<1024x1xf32, #tpu.memory_space<vmem>>) attributes {dimension_semantics = [#tpu.dimension_semantics<arbitrary>], iteration_bounds = array<i64: 10>, scalar_prefetch = 0 : i64, scratch_operands = 0 : i64, tpu.core_type = #tpu.core_type<tc>, window_params = [{transform_indices = @transform_0, window_bounds = array<i64: 1024, 128>}, {pipeline_mode = #tpu.pipeline_mode<synchronous>, transform_indices = @transform_1, window_bounds = array<i64: 128, 128>}, {transform_indices = @transform_2, window_bounds = array<i64: 1024, 1>}, {transform_indices = @transform_3, window_bounds = array<i64: 1024, 1>}, {transform_indices = @transform_4, window_bounds = array<i64: 1024, 128>}, {transform_indices = @transform_5, window_bounds = array<i64: 1024, 1>}]} {
    %get3A = arith.constant 0 : index
    %get3A_0 = arith.constant 0 : index
    %get3A_1 = vector.load %arg3[%get3A, %get3A_0] : memref<1024x1xf32, #tpu.memory_space<vmem>>, vector<1024x1xf32>
    %get3A_2 = arith.constant 0 : index
    %get3A_3 = arith.constant 0 : index
    %get3A_4 = vector.load %arg4[%get3A_2, %get3A_3] : memref<1024x1xf32, #tpu.memory_space<vmem>>, vector<1024x1xf32>
    %add3A = arith.addf %get3A_1, %get3A_4 : vector<1024x1xf32>
    %add3A_5 = arith.constant 1.000000e+00 : f32
    %add3A_6 = vector.broadcast %add3A_5 : f32 to vector<1024x1xf32>
    %add3A_7 = arith.addf %add3A, %add3A_6 : vector<1024x1xf32>
    %rsqrt3A = math.rsqrt %add3A_7 : vector<1024x1xf32>
    %get3A_8 = arith.constant 0 : index
    %get3A_9 = arith.constant 0 : index
    %get3A_10 = vector.load %arg1[%get3A_8, %get3A_9] : memref<1024x128xf32, #tpu.memory_space<vmem>>, vector<1024x128xf32>
    %get3A_11 = arith.constant 0 : index
    %get3A_12 = arith.constant 0 : index
    %get3A_13 = vector.load %arg2[%get3A_11, %get3A_12] : memref<128x128xf32, #tpu.memory_space<vmem>>, vector<128x128xf32>
    %dot_general3A = arith.constant dense<0.000000e+00> : vector<1024x128xf32>
    %dot_general3A_14 = tpu.matmul %get3A_10, %get3A_13, %dot_general3A {dimension_numbers = #tpu.dot_dimension_numbers<[1], [0], [0], [1], [0, 0, 1, 1], [], []>, transpose_lhs_hint = false} : vector<1024x128xf32>, vector<128x128xf32>, vector<1024x128xf32> -> vector<1024x128xf32>
    %mul3A = vector.broadcast %rsqrt3A : vector<1024x1xf32> to vector<1024x128xf32>
    %mul3A_15 = arith.mulf %dot_general3A_14, %mul3A : vector<1024x128xf32>
    %swap3A = arith.constant 0 : index
    %swap3A_16 = arith.constant 0 : index
    %swap3A_17 = vector.load %arg5[%swap3A, %swap3A_16] : memref<1024x128xf32, #tpu.memory_space<vmem>>, vector<1024x128xf32>
    tpu.vector_store %arg5[%swap3A, %swap3A_16], %mul3A_15 {strides = array<i32>} : memref<1024x128xf32, #tpu.memory_space<vmem>>, vector<1024x128xf32>,
    %swap3A_18 = arith.constant 0 : index
    %swap3A_19 = arith.constant 0 : index
    %swap3A_20 = vector.load %arg6[%swap3A_18, %swap3A_19] : memref<1024x1xf32, #tpu.memory_space<vmem>>, vector<1024x1xf32>
    tpu.vector_store %arg6[%swap3A_18, %swap3A_19], %rsqrt3A {strides = array<i32>} : memref<1024x1xf32, #tpu.memory_space<vmem>>, vector<1024x1xf32>,
    return
  }
  func.func @transform_0(%arg0: i32) -> (i32, i32) {
    %c0_i32 = arith.constant 0 : i32
    %c0_i32_0 = arith.constant 0 : i32
    return %arg0, %c0_i32 : i32, i32
  }
  func.func @transform_1(%arg0: i32) -> (i32, i32) {
    %c0_i32 = arith.constant 0 : i32
    %c0_i32_0 = arith.constant 0 : i32
    %c0_i32_1 = arith.constant 0 : i32
    return %c0_i32, %c0_i32_0 : i32, i32
  }
  func.func @transform_2(%arg0: i32) -> (i32, i32) {
    %c0_i32 = arith.constant 0 : i32
    %c0_i32_0 = arith.constant 0 : i32
    return %arg0, %c0_i32 : i32, i32
  }
  func.func @transform_3(%arg0: i32) -> (i32, i32) {
    %c0_i32 = arith.constant 0 : i32
    %c0_i32_0 = arith.constant 0 : i32
    return %arg0, %c0_i32 : i32, i32
  }
  func.func @transform_4(%arg0: i32) -> (i32, i32) {
    %c0_i32 = arith.constant 0 : i32
    %c0_i32_0 = arith.constant 0 : i32
    return %arg0, %c0_i32 : i32, i32
  }
  func.func @transform_5(%arg0: i32) -> (i32, i32) {
    %c0_i32 = arith.constant 0 : i32
    %c0_i32_0 = arith.constant 0 : i32
    return %arg0, %c0_i32 : i32, i32
  }
}

module attributes {stable_mosaic.version = 14 : i64} {
  func.func @_mid_body(%arg0: i32, %arg1: memref<1024x128xf32, #tpu.memory_space<vmem>>, %arg2: memref<1024x128xf32, #tpu.memory_space<vmem>>, %arg3: memref<1024x128xf32, #tpu.memory_space<vmem>>, %arg4: memref<1024x1xf32, #tpu.memory_space<vmem>>, %arg5: memref<128xf32, #tpu.memory_space<vmem>>, %arg6: memref<128xf32, #tpu.memory_space<vmem>>, %arg7: memref<128xf32, #tpu.memory_space<vmem>>, %arg8: memref<128x128xf32, #tpu.memory_space<vmem>>, %arg9: memref<1024x128xf32, #tpu.memory_space<vmem>>) attributes {dimension_semantics = [#tpu.dimension_semantics<arbitrary>], iteration_bounds = array<i64: 10>, scalar_prefetch = 0 : i64, scratch_operands = 0 : i64, tpu.core_type = #tpu.core_type<tc>, window_params = [{transform_indices = @transform_0, window_bounds = array<i64: 1024, 128>}, {transform_indices = @transform_1, window_bounds = array<i64: 1024, 128>}, {transform_indices = @transform_2, window_bounds = array<i64: 1024, 128>}, {transform_indices = @transform_3, window_bounds = array<i64: 1024, 1>}, {pipeline_mode = #tpu.pipeline_mode<synchronous>, transform_indices = @transform_4, window_bounds = array<i64: 128>}, {pipeline_mode = #tpu.pipeline_mode<synchronous>, transform_indices = @transform_5, window_bounds = array<i64: 128>}, {pipeline_mode = #tpu.pipeline_mode<synchronous>, transform_indices = @transform_6, window_bounds = array<i64: 128>}, {pipeline_mode = #tpu.pipeline_mode<synchronous>, transform_indices = @transform_7, window_bounds = array<i64: 128, 128>}, {transform_indices = @transform_8, window_bounds = array<i64: 1024, 128>}]} {
    %get3A = arith.constant 0 : index
    %get3A_0 = arith.constant 0 : index
    %get3A_1 = vector.load %arg1[%get3A, %get3A_0] : memref<1024x128xf32, #tpu.memory_space<vmem>>, vector<1024x128xf32>
    %get3A_2 = arith.constant 0 : index
    %get3A_3 = arith.constant 0 : index
    %get3A_4 = vector.load %arg2[%get3A_2, %get3A_3] : memref<1024x128xf32, #tpu.memory_space<vmem>>, vector<1024x128xf32>
    %add3A = arith.addf %get3A_1, %get3A_4 : vector<1024x128xf32>
    %get3A_5 = arith.constant 0 : index
    %get3A_6 = arith.constant 0 : index
    %get3A_7 = vector.load %arg3[%get3A_5, %get3A_6] : memref<1024x128xf32, #tpu.memory_space<vmem>>, vector<1024x128xf32>
    %add3A_8 = arith.addf %add3A, %get3A_7 : vector<1024x128xf32>
    %get3A_9 = arith.constant 0 : index
    %get3A_10 = arith.constant 0 : index
    %get3A_11 = vector.load %arg4[%get3A_9, %get3A_10] : memref<1024x1xf32, #tpu.memory_space<vmem>>, vector<1024x1xf32>
    %mul3A = vector.broadcast %get3A_11 : vector<1024x1xf32> to vector<1024x128xf32>
    %mul3A_12 = arith.mulf %add3A_8, %mul3A : vector<1024x128xf32>
    %get3A_13 = arith.constant 0 : index
    %get3A_14 = vector.load %arg5[%get3A_13] : memref<128xf32, #tpu.memory_space<vmem>>, vector<128xf32>
    %broadcast_in_dim3A = vector.shape_cast %get3A_14 : vector<128xf32> to vector<1x128xf32>
    %add3A_15 = vector.broadcast %broadcast_in_dim3A : vector<1x128xf32> to vector<1024x128xf32>
    %add3A_16 = arith.addf %mul3A_12, %add3A_15 : vector<1024x128xf32>
    %reduce_sum3A = arith.constant dense<0.000000e+00> : vector<1024xf32>
    %reduce_sum3A_17 = vector.multi_reduction <add>, %add3A_16, %reduce_sum3A [1] : vector<1024x128xf32> to vector<1024xf32>
    %broadcast_in_dim3A_18 = vector.shape_cast %reduce_sum3A_17 : vector<1024xf32> to vector<1024x1xf32>
    %div3A = arith.constant 1.280000e+02 : f32
    %div3A_19 = vector.broadcast %div3A : f32 to vector<1024x1xf32>
    %div3A_20 = arith.divf %broadcast_in_dim3A_18, %div3A_19 : vector<1024x1xf32>
    %sub3A = vector.broadcast %div3A_20 : vector<1024x1xf32> to vector<1024x128xf32>
    %sub3A_21 = arith.subf %add3A_16, %sub3A : vector<1024x128xf32>
    %mul3A_22 = arith.mulf %sub3A_21, %sub3A_21 : vector<1024x128xf32>
    %reduce_sum3A_23 = arith.constant dense<0.000000e+00> : vector<1024xf32>
    %reduce_sum3A_24 = vector.multi_reduction <add>, %mul3A_22, %reduce_sum3A_23 [1] : vector<1024x128xf32> to vector<1024xf32>
    %broadcast_in_dim3A_25 = vector.shape_cast %reduce_sum3A_24 : vector<1024xf32> to vector<1024x1xf32>
    %div3A_26 = arith.constant 1.280000e+02 : f32
    %div3A_27 = vector.broadcast %div3A_26 : f32 to vector<1024x1xf32>
    %div3A_28 = arith.divf %broadcast_in_dim3A_25, %div3A_27 : vector<1024x1xf32>
    %add3A_29 = arith.constant 9.99999974E-6 : f32
    %add3A_30 = vector.broadcast %add3A_29 : f32 to vector<1024x1xf32>
    %add3A_31 = arith.addf %div3A_28, %add3A_30 : vector<1024x1xf32>
    %rsqrt3A = math.rsqrt %add3A_31 : vector<1024x1xf32>
    %mul3A_32 = vector.broadcast %rsqrt3A : vector<1024x1xf32> to vector<1024x128xf32>
    %mul3A_33 = arith.mulf %sub3A_21, %mul3A_32 : vector<1024x128xf32>
    %get3A_34 = arith.constant 0 : index
    %get3A_35 = vector.load %arg6[%get3A_34] : memref<128xf32, #tpu.memory_space<vmem>>, vector<128xf32>
    %broadcast_in_dim3A_36 = vector.shape_cast %get3A_35 : vector<128xf32> to vector<1x128xf32>
    %mul3A_37 = vector.broadcast %broadcast_in_dim3A_36 : vector<1x128xf32> to vector<1024x128xf32>
    %mul3A_38 = arith.mulf %mul3A_33, %mul3A_37 : vector<1024x128xf32>
    %get3A_39 = arith.constant 0 : index
    %get3A_40 = vector.load %arg7[%get3A_39] : memref<128xf32, #tpu.memory_space<vmem>>, vector<128xf32>
    %broadcast_in_dim3A_41 = vector.shape_cast %get3A_40 : vector<128xf32> to vector<1x128xf32>
    %add3A_42 = vector.broadcast %broadcast_in_dim3A_41 : vector<1x128xf32> to vector<1024x128xf32>
    %add3A_43 = arith.addf %mul3A_38, %add3A_42 : vector<1024x128xf32>
    %max3A = arith.constant 0.000000e+00 : f32
    %max3A_44 = vector.broadcast %max3A : f32 to vector<1024x128xf32>
    %max3A_45 = arith.maximumf %add3A_43, %max3A_44 : vector<1024x128xf32>
    %get3A_46 = arith.constant 0 : index
    %get3A_47 = arith.constant 0 : index
    %get3A_48 = vector.load %arg8[%get3A_46, %get3A_47] : memref<128x128xf32, #tpu.memory_space<vmem>>, vector<128x128xf32>
    %dot_general3A = arith.constant dense<0.000000e+00> : vector<1024x128xf32>
    %dot_general3A_49 = tpu.matmul %max3A_45, %get3A_48, %dot_general3A {dimension_numbers = #tpu.dot_dimension_numbers<[1], [0], [0], [1], [0, 0, 1, 1], [], []>, transpose_lhs_hint = false} : vector<1024x128xf32>, vector<128x128xf32>, vector<1024x128xf32> -> vector<1024x128xf32>
    %get3A_50 = arith.constant 0 : index
    %get3A_51 = arith.constant 0 : index
    %get3A_52 = vector.load %arg4[%get3A_50, %get3A_51] : memref<1024x1xf32, #tpu.memory_space<vmem>>, vector<1024x1xf32>
    %mul3A_53 = vector.broadcast %get3A_52 : vector<1024x1xf32> to vector<1024x128xf32>
    %mul3A_54 = arith.mulf %dot_general3A_49, %mul3A_53 : vector<1024x128xf32>
    %swap3A = arith.constant 0 : index
    %swap3A_55 = arith.constant 0 : index
    %swap3A_56 = vector.load %arg9[%swap3A, %swap3A_55] : memref<1024x128xf32, #tpu.memory_space<vmem>>, vector<1024x128xf32>
    tpu.vector_store %arg9[%swap3A, %swap3A_55], %mul3A_54 {strides = array<i32>} : memref<1024x128xf32, #tpu.memory_space<vmem>>, vector<1024x128xf32>,
    return
  }
  func.func @transform_0(%arg0: i32) -> (i32, i32) {
    %c0_i32 = arith.constant 0 : i32
    %c0_i32_0 = arith.constant 0 : i32
    return %arg0, %c0_i32 : i32, i32
  }
  func.func @transform_1(%arg0: i32) -> (i32, i32) {
    %c0_i32 = arith.constant 0 : i32
    %c0_i32_0 = arith.constant 0 : i32
    return %arg0, %c0_i32 : i32, i32
  }
  func.func @transform_2(%arg0: i32) -> (i32, i32) {
    %c0_i32 = arith.constant 0 : i32
    %c0_i32_0 = arith.constant 0 : i32
    return %arg0, %c0_i32 : i32, i32
  }
  func.func @transform_3(%arg0: i32) -> (i32, i32) {
    %c0_i32 = arith.constant 0 : i32
    %c0_i32_0 = arith.constant 0 : i32
    return %arg0, %c0_i32 : i32, i32
  }
  func.func @transform_4(%arg0: i32) -> i32 {
    %c0_i32 = arith.constant 0 : i32
    %c0_i32_0 = arith.constant 0 : i32
    return %c0_i32 : i32
  }
  func.func @transform_5(%arg0: i32) -> i32 {
    %c0_i32 = arith.constant 0 : i32
    %c0_i32_0 = arith.constant 0 : i32
    return %c0_i32 : i32
  }
  func.func @transform_6(%arg0: i32) -> i32 {
    %c0_i32 = arith.constant 0 : i32
    %c0_i32_0 = arith.constant 0 : i32
    return %c0_i32 : i32
  }
  func.func @transform_7(%arg0: i32) -> (i32, i32) {
    %c0_i32 = arith.constant 0 : i32
    %c0_i32_0 = arith.constant 0 : i32
    %c0_i32_1 = arith.constant 0 : i32
    return %c0_i32, %c0_i32_0 : i32, i32
  }
  func.func @transform_8(%arg0: i32) -> (i32, i32) {
    %c0_i32 = arith.constant 0 : i32
    %c0_i32_0 = arith.constant 0 : i32
    return %arg0, %c0_i32 : i32, i32
  }
}

module attributes {stable_mosaic.version = 14 : i64} {
  func.func @_final_body(%arg0: i32, %arg1: memref<1024x128xf32, #tpu.memory_space<vmem>>, %arg2: memref<1024x128xf32, #tpu.memory_space<vmem>>, %arg3: memref<1024x128xf32, #tpu.memory_space<vmem>>, %arg4: memref<1024x1xf32, #tpu.memory_space<vmem>>, %arg5: memref<128xf32, #tpu.memory_space<vmem>>, %arg6: memref<128xf32, #tpu.memory_space<vmem>>, %arg7: memref<128xf32, #tpu.memory_space<vmem>>, %arg8: memref<1024x128xf32, #tpu.memory_space<vmem>>) attributes {dimension_semantics = [#tpu.dimension_semantics<arbitrary>], iteration_bounds = array<i64: 10>, scalar_prefetch = 0 : i64, scratch_operands = 0 : i64, tpu.core_type = #tpu.core_type<tc>, window_params = [{transform_indices = @transform_0, window_bounds = array<i64: 1024, 128>}, {transform_indices = @transform_1, window_bounds = array<i64: 1024, 128>}, {transform_indices = @transform_2, window_bounds = array<i64: 1024, 128>}, {transform_indices = @transform_3, window_bounds = array<i64: 1024, 1>}, {pipeline_mode = #tpu.pipeline_mode<synchronous>, transform_indices = @transform_4, window_bounds = array<i64: 128>}, {pipeline_mode = #tpu.pipeline_mode<synchronous>, transform_indices = @transform_5, window_bounds = array<i64: 128>}, {pipeline_mode = #tpu.pipeline_mode<synchronous>, transform_indices = @transform_6, window_bounds = array<i64: 128>}, {transform_indices = @transform_7, window_bounds = array<i64: 1024, 128>}]} {
    %get3A = arith.constant 0 : index
    %get3A_0 = arith.constant 0 : index
    %get3A_1 = vector.load %arg1[%get3A, %get3A_0] : memref<1024x128xf32, #tpu.memory_space<vmem>>, vector<1024x128xf32>
    %get3A_2 = arith.constant 0 : index
    %get3A_3 = arith.constant 0 : index
    %get3A_4 = vector.load %arg2[%get3A_2, %get3A_3] : memref<1024x128xf32, #tpu.memory_space<vmem>>, vector<1024x128xf32>
    %add3A = arith.addf %get3A_1, %get3A_4 : vector<1024x128xf32>
    %get3A_5 = arith.constant 0 : index
    %get3A_6 = arith.constant 0 : index
    %get3A_7 = vector.load %arg3[%get3A_5, %get3A_6] : memref<1024x128xf32, #tpu.memory_space<vmem>>, vector<1024x128xf32>
    %add3A_8 = arith.addf %add3A, %get3A_7 : vector<1024x128xf32>
    %get3A_9 = arith.constant 0 : index
    %get3A_10 = arith.constant 0 : index
    %get3A_11 = vector.load %arg4[%get3A_9, %get3A_10] : memref<1024x1xf32, #tpu.memory_space<vmem>>, vector<1024x1xf32>
    %mul3A = vector.broadcast %get3A_11 : vector<1024x1xf32> to vector<1024x128xf32>
    %mul3A_12 = arith.mulf %add3A_8, %mul3A : vector<1024x128xf32>
    %get3A_13 = arith.constant 0 : index
    %get3A_14 = vector.load %arg5[%get3A_13] : memref<128xf32, #tpu.memory_space<vmem>>, vector<128xf32>
    %broadcast_in_dim3A = vector.shape_cast %get3A_14 : vector<128xf32> to vector<1x128xf32>
    %add3A_15 = vector.broadcast %broadcast_in_dim3A : vector<1x128xf32> to vector<1024x128xf32>
    %add3A_16 = arith.addf %mul3A_12, %add3A_15 : vector<1024x128xf32>
    %reduce_sum3A = arith.constant dense<0.000000e+00> : vector<1024xf32>
    %reduce_sum3A_17 = vector.multi_reduction <add>, %add3A_16, %reduce_sum3A [1] : vector<1024x128xf32> to vector<1024xf32>
    %broadcast_in_dim3A_18 = vector.shape_cast %reduce_sum3A_17 : vector<1024xf32> to vector<1024x1xf32>
    %div3A = arith.constant 1.280000e+02 : f32
    %div3A_19 = vector.broadcast %div3A : f32 to vector<1024x1xf32>
    %div3A_20 = arith.divf %broadcast_in_dim3A_18, %div3A_19 : vector<1024x1xf32>
    %sub3A = vector.broadcast %div3A_20 : vector<1024x1xf32> to vector<1024x128xf32>
    %sub3A_21 = arith.subf %add3A_16, %sub3A : vector<1024x128xf32>
    %mul3A_22 = arith.mulf %sub3A_21, %sub3A_21 : vector<1024x128xf32>
    %reduce_sum3A_23 = arith.constant dense<0.000000e+00> : vector<1024xf32>
    %reduce_sum3A_24 = vector.multi_reduction <add>, %mul3A_22, %reduce_sum3A_23 [1] : vector<1024x128xf32> to vector<1024xf32>
    %broadcast_in_dim3A_25 = vector.shape_cast %reduce_sum3A_24 : vector<1024xf32> to vector<1024x1xf32>
    %div3A_26 = arith.constant 1.280000e+02 : f32
    %div3A_27 = vector.broadcast %div3A_26 : f32 to vector<1024x1xf32>
    %div3A_28 = arith.divf %broadcast_in_dim3A_25, %div3A_27 : vector<1024x1xf32>
    %add3A_29 = arith.constant 9.99999974E-6 : f32
    %add3A_30 = vector.broadcast %add3A_29 : f32 to vector<1024x1xf32>
    %add3A_31 = arith.addf %div3A_28, %add3A_30 : vector<1024x1xf32>
    %rsqrt3A = math.rsqrt %add3A_31 : vector<1024x1xf32>
    %mul3A_32 = vector.broadcast %rsqrt3A : vector<1024x1xf32> to vector<1024x128xf32>
    %mul3A_33 = arith.mulf %sub3A_21, %mul3A_32 : vector<1024x128xf32>
    %get3A_34 = arith.constant 0 : index
    %get3A_35 = vector.load %arg6[%get3A_34] : memref<128xf32, #tpu.memory_space<vmem>>, vector<128xf32>
    %broadcast_in_dim3A_36 = vector.shape_cast %get3A_35 : vector<128xf32> to vector<1x128xf32>
    %mul3A_37 = vector.broadcast %broadcast_in_dim3A_36 : vector<1x128xf32> to vector<1024x128xf32>
    %mul3A_38 = arith.mulf %mul3A_33, %mul3A_37 : vector<1024x128xf32>
    %get3A_39 = arith.constant 0 : index
    %get3A_40 = vector.load %arg7[%get3A_39] : memref<128xf32, #tpu.memory_space<vmem>>, vector<128xf32>
    %broadcast_in_dim3A_41 = vector.shape_cast %get3A_40 : vector<128xf32> to vector<1x128xf32>
    %add3A_42 = vector.broadcast %broadcast_in_dim3A_41 : vector<1x128xf32> to vector<1024x128xf32>
    %add3A_43 = arith.addf %mul3A_38, %add3A_42 : vector<1024x128xf32>
    %max3A = arith.constant 0.000000e+00 : f32
    %max3A_44 = vector.broadcast %max3A : f32 to vector<1024x128xf32>
    %max3A_45 = arith.maximumf %add3A_43, %max3A_44 : vector<1024x128xf32>
    %swap3A = arith.constant 0 : index
    %swap3A_46 = arith.constant 0 : index
    %swap3A_47 = vector.load %arg8[%swap3A, %swap3A_46] : memref<1024x128xf32, #tpu.memory_space<vmem>>, vector<1024x128xf32>
    tpu.vector_store %arg8[%swap3A, %swap3A_46], %max3A_45 {strides = array<i32>} : memref<1024x128xf32, #tpu.memory_space<vmem>>, vector<1024x128xf32>,
    return
  }
  func.func @transform_0(%arg0: i32) -> (i32, i32) {
    %c0_i32 = arith.constant 0 : i32
    %c0_i32_0 = arith.constant 0 : i32
    return %arg0, %c0_i32 : i32, i32
  }
  func.func @transform_1(%arg0: i32) -> (i32, i32) {
    %c0_i32 = arith.constant 0 : i32
    %c0_i32_0 = arith.constant 0 : i32
    return %arg0, %c0_i32 : i32, i32
  }
  func.func @transform_2(%arg0: i32) -> (i32, i32) {
    %c0_i32 = arith.constant 0 : i32
    %c0_i32_0 = arith.constant 0 : i32
    return %arg0, %c0_i32 : i32, i32
  }
  func.func @transform_3(%arg0: i32) -> (i32, i32) {
    %c0_i32 = arith.constant 0 : i32
    %c0_i32_0 = arith.constant 0 : i32
    return %arg0, %c0_i32 : i32, i32
  }
  func.func @transform_4(%arg0: i32) -> i32 {
    %c0_i32 = arith.constant 0 : i32
    %c0_i32_0 = arith.constant 0 : i32
    return %c0_i32 : i32
  }
  func.func @transform_5(%arg0: i32) -> i32 {
    %c0_i32 = arith.constant 0 : i32
    %c0_i32_0 = arith.constant 0 : i32
    return %c0_i32 : i32
  }
  func.func @transform_6(%arg0: i32) -> i32 {
    %c0_i32 = arith.constant 0 : i32
    %c0_i32_0 = arith.constant 0 : i32
    return %c0_i32 : i32
  }
  func.func @transform_7(%arg0: i32) -> (i32, i32) {
    %c0_i32 = arith.constant 0 : i32
    %c0_i32_0 = arith.constant 0 : i32
    return %arg0, %c0_i32 : i32, i32
  }
}

</mosaic_0001>

<sc_bundles>
// kernel: kernel.11.cloned.1.call-start
scs
__scs_entry_jumppad:
0x0: {  	(pc) =	sbr.rel $0x88, $3  }
0x1: {  	(tag) =	ssettag $0x0;
	lr =	simm.s32 $0x1  }
0x2: {  	[smem:$0x3F97] =	sst lr;
	_ =	strace $0xD0000000  }
0x3: {  	_ = 	snop  }
0x4: {  	_ = 	snop  }
0x5: {  	_ = 	snop  }
0x6: {  	_ = 	snop  }
0x7: {  	_ = 	snop  }
__scs_overlays_trampoline_lowered:
0x8: {  	[smem:$0x3FA6] =	sst s0  }
0x9: {  	[smem:$0x3FA7] =	sst s1  }
0xa: {  	[smem:$0x3FA8] =	sst s2  }
0xb: {  	[smem:$0x3FA9] =	sst s3  }
0xc: {  	[smem:$0x3FAA] =	sst s4  }
0xd: {  	[smem:$0x3FAB] =	sst s5  }
0xe: {  	[smem:$0x3FAC] =	sst s6  }
0xf: {  	[smem:$0x3FAD] =	sst s7  }
0x10: {  	[smem:$0x3FAE] =	sst s8  }
0x11: {  	[smem:$0x3FAF] =	sst s9;
	s0 =	simm.s32 @!p0 $0x0  }
0x12: {  	s1 =	sld [smem:$0x3F95];
	s0 =	simm.s32 @p0 $0x1  }
0x13: {  	[smem:$0x3FB0] =	sst s0;
	s0 =	simm.s32 @!p1 $0x0  }
0x14: {  	s2 =	sld [smem:$0x3F94];
	s0 =	simm.s32 @p1 $0x1  }
0x15: {  	[smem:$0x3FB1] =	sst s0;
	s0 =	simm.s32 @!p2 $0x0  }
0x16: {  	s3 =	sld [smem:$0x3FDB];
	s0 =	simm.s32 @p2 $0x1  }
0x17: {  	s4 =	simm.s32 $0x1BF5;
	[smem:$0x3FB3] =	sst s0  }
0x18: {  	s0 =	sld [smem:$0x3F96];
	_ =	swait.ge [sflag:s4], $0x0  }
0x19: {  	s7 =	sld [smem:$0x3F97]  }
0x1a: {  	s8 =	sadd.s32 $0xFFFFE003, lr  }
0x1b: {  	s9 =	sadd.s32 $0xFFFFFEF7, lr;
	s5 =	simm.s32 $0xFFFFFFFF;
	p2 =	slt.u32 s8, $0xFFFFF086  }
0x1c: {  	p1 =	slt.u32 s9, $0xF7A;
	s5 =	simm.s32 @!p2 $0x0  }
0x1d: {  	s5 =	simm.s32 @p1 $0x1;
	p0 =	seq.s32 s7, s2  }
0x1e: {  	s7 =	smul.u32 @!p0 $0xF7A, s2;
	p2 =	seq.s32 @!p0 s5, $0x0  }
0x1f: {  	s9 =	smul.u32 $0xF7A, s1;
	s8 =	simm.s32 @!p0 $0x1BF5;
	p2 =	por !p2, p0  }
0x20: {  	[sflag:s8] =	ssyncset.s32 @!p0 $0xFFFFF086;
	s6 =	sadd.s32 @!p0 s3, s7;
	s7 =	simm.s32 @!p0 $0x108  }
0x21: {  	s3 =	sadd.s32 s3, s9;
	s6 =	sadd.s32 @!p0 $0x88, s6;
	s7 =	simm.s32 @p2 $0x1082  }
0x22: {  	[simem:s7], [sflag:s8] =	dma.local @!p0 [hbm:s6], $0xF7A  }
0x23: {  	s9 =	sor.u32 $0xD0000000, s2;
	s6 =	simm.s32 $0x108;
	_ =	swait.ge @!p0 [sflag:s8], $0x0  }
0x24: {  	s3 =	sadd.s32 $0x88, s3;
	s6 =	simm.s32 @!p1 $0x1082;
	[sflag:s4] =	ssyncset.s32 $0xFFFFF086  }
0x25: {  	[simem:s6], [sflag:s4] =	dma.local [hbm:s3], $0xF7A  }
0x26: {  	[smem:$0x3F97] =	sst s1;
	(tag) =	ssettag s2;
	_ =	strace s9  }
0x27: {  	s1 =	sld [smem:$0x3FA7]  }
0x28: {  	s2 =	sld [smem:$0x3FA8]  }
0x29: {  	s4 =	sld [smem:$0x3FAA]  }
0x2a: {  	p0 =	seq.s32 s5, $0x0;
	s5 =	sld [smem:$0x3FAB]  }
0x2b: {  	s6 =	sld [smem:$0x3FAC]  }
0x2c: {  	s7 =	sld [smem:$0x3FAD]  }
0x2d: {  	s3 =	simm.s32 $0x108;
	s8 =	sld [smem:$0x3FAE]  }
0x2e: {  	s3 =	simm.s32 @!p0 $0x1082;
	s9 =	sld [smem:$0x3FAF]  }
0x2f: {  	lr =	sadd.s32 s0, s3;
	s0 =	sld [smem:$0x3FA6]  }
0x30: {  	s3 =	sld [smem:$0x3FA9]  }
0x31: {  	[smem:$0x3FB2] =	sst s10  }
0x32: {  	s10 =	sld [smem:$0x3FB0];
	_ =	sdelay $0x3  }
0x33: {  	p0 =	seq.s32 s10, $0x1;
	s10 =	sld [smem:$0x3FB2];
	_ =	sdelay $0x3  }
0x34: {  	[smem:$0x3FB2] =	sst s10  }
0x35: {  	s10 =	sld [smem:$0x3FB1];
	_ =	sdelay $0x3  }
0x36: {  	p1 =	seq.s32 s10, $0x1;
	s10 =	sld [smem:$0x3FB2];
	_ =	sdelay $0x3  }
0x37: {  	[smem:$0x3FB2] =	sst s10  }
0x38: {  	s10 =	sld [smem:$0x3FB3]  }
0x39: {  	_ = 	snop;
	(pc) =	sbr.ind lr, $3  }
0x3a: {  	_ = 	snop  }
0x3b: {  	_ = 	snop  }
0x3c: {  	p2 =	seq.s32 s10, $0x1;
	s10 =	sld [smem:$0x3FB2]  }
0x3d: {  	_ =	shalt  }
0x3e: {  	_ =	shalt  }
0x3f: {  	_ =	shalt  }
0x40: {  	_ =	shalt  }
0x41: {  	_ =	shalt  }
0x42: {  	_ =	shalt  }
0x43: {  	_ =	shalt  }
0x44: {  	_ =	shalt  }
0x45: {  	_ =	shalt  }
0x46: {  	_ =	shalt  }
0x47: {  	_ =	shalt  }
0x48: {  	_ =	shalt  }
0x49: {  	_ =	shalt  }
0x4a: {  	_ =	shalt  }
0x4b: {  	_ =	shalt  }
0x4c: {  	_ =	shalt  }
0x4d: {  	_ =	shalt  }
0x4e: {  	_ =	shalt  }
0x4f: {  	_ =	shalt  }
0x50: {  	_ =	shalt  }
0x51: {  	_ =	shalt  }
0x52: {  	_ =	shalt  }
0x53: {  	_ =	shalt  }
0x54: {  	_ =	shalt  }
0x55: {  	_ =	shalt  }
0x56: {  	_ =	shalt  }
0x57: {  	_ =	shalt  }
0x58: {  	_ =	shalt  }
0x59: {  	_ =	shalt  }
0x5a: {  	_ =	shalt  }
0x5b: {  	_ =	shalt  }
0x5c: {  	_ =	shalt  }
0x5d: {  	_ =	shalt  }
0x5e: {  	_ =	shalt  }
0x5f: {  	_ =	shalt  }
0x60: {  	_ =	shalt  }
0x61: {  	_ =	shalt  }
0x62: {  	_ =	shalt  }
0x63: {  	_ =	shalt  }
0x64: {  	_ =	shalt  }
0x65: {  	_ =	shalt  }
0x66: {  	_ =	shalt  }
0x67: {  	_ =	shalt  }
0x68: {  	_ =	shalt  }
0x69: {  	_ =	shalt  }
0x6a: {  	_ =	shalt  }
0x6b: {  	_ =	shalt  }
0x6c: {  	_ =	shalt  }
0x6d: {  	_ =	shalt  }
0x6e: {  	_ =	shalt  }
0x6f: {  	_ =	shalt  }
0x70: {  	_ =	shalt  }
0x71: {  	_ =	shalt  }
0x72: {  	_ =	shalt  }
0x73: {  	_ =	shalt  }
0x74: {  	_ =	shalt  }
0x75: {  	_ =	shalt  }
0x76: {  	_ =	shalt  }
0x77: {  	_ =	shalt  }
0x78: {  	_ =	shalt  }
0x79: {  	_ =	shalt  }
0x7a: {  	_ =	shalt  }
0x7b: {  	_ =	shalt  }
0x7c: {  	_ =	shalt  }
0x7d: {  	_ =	shalt  }
0x7e: {  	_ =	shalt  }
0x7f: {  	_ =	shalt  }
0x80: {  	_ =	shalt  }
0x81: {  	_ =	shalt  }
0x82: {  	_ =	shalt  }
0x83: {  	_ =	shalt  }
0x84: {  	_ =	shalt  }
0x85: {  	_ =	shalt  }
0x86: {  	_ =	shalt  }
0x87: {  	_ =	shalt  }
.Lfunc_end0:
.L_simem_size_0:
called_computation.1_lowered:
.L_overlay_start_0:
0x88: {  	s2 =	sld [smem:$0x3FD9]  }
0x89: {  	s3 =	sld [smem:$0x3FFE];
	_ =	sdelay $0x1  }
0x8a: {  	s1 =	srdreg.scid  }
0x8b: {  	s0 =	sand.u32 $0x1, s1  }
0x8c: {  	s17 =	sshll.u32 s0, $0xA;
	s2 =	sadd.s32 s3, s2  }
0x8d: {  	s2 =	sadd.s32 s2, s17  }
0x8e: {  	[smem:$0x3FBE] =	sst s2  }
0x8f: {  	_ = 	snop  }
0x90: {  	s2 =	sld [smem:$0x3FD0];
	(tm) =	ssettm $0x1  }
0x91: {  	s18 =	sld [smem:$0x3FFB];
	_ =	sdelay $0x3  }
0x92: {  	_ =	strace s18  }
0x93: {  	s3 =	sld [smem:$0x3FFC];
	_ =	sdelay $0x3  }
0x94: {  	_ =	strace s3  }
0x95: {  	s3 =	sld [smem:$0x3FFD];
	_ =	sdelay $0x3  }
0x96: {  	_ =	strace s3  }
0x97: {  	_ =	strace $0x8FFFFFFF  }
0x98: {  	s19 =	sld [smem:$0x3FDB];
	_ =	sdelay $0x1  }
0x99: {  	s4 =	simm.s32 $_scs_section_size  }
0x9a: {  	s5 =	simm.s32 $_size__tile_overlayer_lowered;
	s6 =	simm.s32 $_tile_overlayer_lowered  }
0x9b: {  	s22 =	simm.s32 $0x1BFF;
	s21 =	sshll.u32 s6, $0x1;
	s3 =	sadd.s32 s4, s19  }
0x9c: {  	s7 =	simm.s32 $0x0;
	s20 =	sshll.u32 s5, $0x1;
	s5 =	sadd.s32 s21, s3  }
0x9d: {  	[timem:s7], [sflag:s22] =	dma.local [hbm:s5], s20  }
0x9e: {  	_ =	swait.ge [sflag:s22], s20  }
0x9f: {  	s4 =	ssub.s32 $0x0, s20;
	[sflag:s22] =	ssyncset.done $0x0  }
0xa0: {  	[sflag:s22] =	ssyncadd.s32 s4;
	_ =	sdelay $0x1  }
0xa1: {  	s23 =	simm.s32 $0x1B8B  }
0xa2: {  	_ =	swait.ge [sflag:s23], $0x1  }
0xa3: {  	[sflag:s23] =	ssyncset.done $0x0  }
0xa4: {  	s25 =	simm.s32 $0x1B8E;
	s24 =	sld [smem:$0x3FFE];
	[sflag:s23] =	ssyncadd.s32 $0xFFFFFFFF  }
0xa5: {  	s26 =	simm.s32 $execute0_lowered;
	[smem:$0x3FD2] =	sst s25  }
0xa6: {  	s5 =	sshll.u32 s26, $0x1;
	_ =	strace $0x80000049;
	[dreg:$0x1] =	wrdreg $0xFFFFFFFF  }
0xa7: {  	s28 =	simm.s32 $_size_execute0_lowered;
	s3 =	sadd.s32 s3, s5;
	[dreg:$0x0] =	wrdreg $0x0  }
0xa8: {  	s5 =	sshll.u32 s28, $0x1;
	[dreg:$0x2] =	wrdreg s3  }
0xa9: {  	[dreg:$0x3] =	wrdreg s5  }
0xaa: {  	[dreg:$0x4] =	wrdreg $0xC0  }
0xab: {  	_ =	task [dreg:s7], $0x5FFFF  }
0xac: {  	[dreg:$0x1] =	wrdreg $0xFFFFFFFF  }
0xad: {  	[dreg:$0x0] =	wrdreg $0x60  }
0xae: {  	[dreg:$0x2] =	wrdreg s2  }
0xaf: {  	[dreg:$0x3] =	wrdreg s24  }
0xb0: {  	[dreg:$0x4] =	wrdreg $0x90000  }
0xb1: {  	[dreg:$0x5] =	wrdreg $0x9  }
0xb2: {  	_ =	task.clear_ibuf [dreg:s7], $0x6FFFF;
	_ =	strace $0x90000049  }
0xb3: {  	s29 =	simm.s32 $0x9;
	_ =	strace $0x8000004B  }
0xb4: {  	_ =	swait.ge [sflag:s29], $0x1  }
0xb5: {  	[sflag:s29] =	ssyncadd.s32 $0xFFFFFFFF  }
0xb6: {  	_ =	strace $0x9000004B  }
0xb7: {  	_ =	sfence  }
0xb8: {  	s30 =	sld [smem:$0x0];
	_ =	sdelay $0x2  }
0xb9: {  	s31 =	sshll.u32 s1, $0xD;
	s1 =	sshrl.u32 s1, $0x2  }
0xba: {  	s3 =	sand.u32 $0x4000, s31;
	s1 =	sadd.s32 s1, s30  }
0xbb: {  	s0 =	sor.u32 s3, s0;
	s1 =	sshll.u32 s1, $0x11  }
0xbc: {  	s0 =	sor.u32 s1, s0  }
0xbd: {  	s0 =	sadd.s32 $0x8F2B, s0  }
0xbe: {  	[sflag:s0] =	ssyncadd.remote.s32 $0x1  }
0xbf: {  	_ =	sfence.sel $0xFFFF  }
0xc0: {  	[dreg:$0x0] =	wrdreg $0xFFFFFFFF;
	(pc) =	sbr.abs _section_cstart, $3  }
0xc1: {  	[dreg:$0x1] =	wrdreg $0xFFFFFFFF  }
0xc2: {  	_ =	task.clear_ibuf [dreg:s7], $0x2FFFF;
	_ =	strace $0x9FFFFFFF  }
0xc3: {  	(tm) =	ssettm $0x7FFFFFFF  }
tec
execute0_lowered:
.L_overlay_start_1:
0x0: {  	(tag) =	ssettag $0x1  }
0x1: {  	s1 =	rddreg [dreg:$0x0]  }
0x2: {  	s0 =	rddreg [dreg:$0x1]  }
0x3: {  	s2 =	srdreg.scid;
	s9 =	stileid.u32  }
0x4: {  	s3 =	rddreg [dreg:$0x2];
	s5 =	smul.u32 $0x2800, s9  }
0x5: {  	s4 =	simm.s32 $0x0;
	s28 =	simm.s32 $0x1;
	s7 =	smul.u32 $0x280, s9  }
0x6: {  	s2 =	sand.u32 $0x1, s2;
	[smem:$0x7FF] =	sst s4;
	s9 =	smul.u32 $0x50000, s9  }
0x7: {  	s29 =	simm.s32 $0x2;
	_ =	strace $0x8000004A;
	s8 =	ssub.s32 $0x2, s2  }
0x8: {  	s10 =	sshrl.u32 s8, $0x1;
	s11 =	sor.u32 $0x50, s7;
	s9 =	sshrl.u32 s9, $0x2  }
0x9: {  	s20 =	sadd.s32 $0xA0, s7;
	s12 =	sadd.s32 $0xF0, s7;
	s13 =	sadd.s32 $0x140, s7  }
0xa: {  	s24 =	sadd.s32 $0x190, s7;
	s15 =	sadd.s32 $0x1E0, s7;
	s7 =	sadd.s32 $0x230, s7  }
0xb: {  	s8 =	ssub.s32 s8, s10;
	s18 =	sshll.u32 s11, $0x7;
	s9 =	sadd.s32 s9, s3  }
0xc: {  	s21 =	sshll.u32 s20, $0x7;
	[dreg:$0x15] =	wrdreg s9;
	s19 =	sadd.s32 s18, s3  }
0xd: {  	s14 =	sshll.u32 s13, $0x7;
	s10 =	sadd.s32 s21, s3;
	[dreg:$0x16] =	wrdreg s19  }
0xe: {  	s25 =	sshll.u32 s24, $0x7;
	s23 =	sadd.s32 s14, s3;
	[dreg:$0x17] =	wrdreg s10  }
0xf: {  	s16 =	sshll.u32 s7, $0x7;
	s14 =	sadd.s32 s25, s3;
	[dreg:$0x19] =	wrdreg s23  }
0x10: {  	s30 =	simm.s32 $0x3;
	s17 =	sadd.s32 s16, s3;
	[dreg:$0x1a] =	wrdreg s14  }
0x11: {  	s31 =	simm.s32 $0x4;
	s8 =	smax.u32 s8, $0x1;
	[dreg:$0x1c] =	wrdreg s17  }
0x12: {  	s22 =	sshll.u32 s12, $0x7;
	s25 =	simm.s32 $0x180;
	[dreg:$0x1d] =	wrdreg s8  }
0x13: {  	s26 =	sshll.u32 s15, $0x7;
	s10 =	sadd.s32 s22, s3;
	[dreg:$0x9] =	wrdreg s25  }
0x14: {  	s6 =	smul.u32 $0x28000, s2;
	s14 =	sadd.s32 s26, s3;
	[dreg:$0x18] =	wrdreg s10  }
0x15: {  	p0 =	seq.s32 s2, $0x0;
	s22 =	simm.s32 $0x80;
	[dreg:$0x1b] =	wrdreg s14  }
0x16: {  	s6 =	sadd.s32 s5, s6;
	s23 =	simm.s32 $0x880;
	[dreg:$0x6] =	wrdreg s22  }
0x17: {  	s7 =	sshll.u32 s7, $0x4;
	s26 =	simm.s32 $0x900;
	[dreg:$0x7] =	wrdreg s23  }
0x18: {  	s6 =	sshrl.u32 s6, $0x3;
	s17 =	simm.s32 $0xA00;
	[dreg:$0xa] =	wrdreg s26  }
0x19: {  	s6 =	sadd.s32 s6, s0;
	s25 =	simm.s32 $0xB80;
	[dreg:$0xe] =	wrdreg s17  }
0x1a: {  	s18 =	sshll.u32 s11, $0x4;
	s21 =	sadd.s32 $0x5200, s6;
	[dreg:$0x13] =	wrdreg s25  }
0x1b: {  	s9 =	sshll.u32 s20, $0x4;
	s6 =	sadd.s32 $0xF200, s6;
	[dreg:$0x4] =	wrdreg s21  }
0x1c: {  	s10 =	sshll.u32 s24, $0x4;
	s24 =	simm.s32 $0x100;
	[dreg:$0x5] =	wrdreg s6  }
0x1d: {  	s14 =	sshll.u32 s15, $0x4;
	s15 =	simm.s32 $0x280;
	[dreg:$0x8] =	wrdreg s24  }
0x1e: {  	s20 =	sshll.u32 s13, $0x4;
	s23 =	simm.s32 $0x380;
	[dreg:$0xd] =	wrdreg s15  }
0x1f: {  	s8 =	simm.s32 $0x40400;
	s26 =	simm.s32 $0x400;
	[dreg:$0x11] =	wrdreg s23  }
0x20: {  	s8 =	simm.s32 @!p0 $0x68400;
	s6 =	simm.s32 $0x980;
	[dreg:$0x14] =	wrdreg s26  }
0x21: {  	s0 =	sadd.s32 s8, s0;
	s8 =	simm.s32 $0x200;
	[dreg:$0xb] =	wrdreg s6  }
0x22: {  	s19 =	sshll.u32 s12, $0x4;
	s21 =	simm.s32 $0x300;
	[dreg:$0xc] =	wrdreg s8  }
0x23: {  	s25 =	simm.s32 $0x7D;
	s24 =	simm.s32 $0xB00;
	[dreg:$0x10] =	wrdreg s21  }
0x24: {  	s17 =	simm.s32 $0xD80;
	s5 =	sadd.s32 s0, s5;
	[dreg:$0x12] =	wrdreg s24  }
0x25: {  	s23 =	simm.s32 $0x5;
	s2 =	sadd.s32 s0, s18;
	[dreg:$0x1e] =	wrdreg s5  }
0x26: {  	s26 =	simm.s32 $0x5000;
	s13 =	sadd.s32 s0, s9;
	[dreg:$0x1f] =	wrdreg s2  }
0x27: {  	s15 =	simm.s32 $0x580;
	s16 =	sadd.s32 s0, s19;
	[smem:$0x7F8] =	sst s13  }
0x28: {  	s18 =	sadd.s32 s0, s20;
	s19 =	simm.s32 $0xA80;
	[smem:$0x7F9] =	sst s16  }
0x29: {  	s20 =	sadd.s32 s0, s10;
	s22 =	sadd.s32 s0, s14;
	[smem:$0x7FA] =	sst s18  }
0x2a: {  	s0 =	sadd.s32 s0, s7;
	s24 =	simm.s32 $0x800;
	[smem:$0x7FB] =	sst s20  }
0x2b: {  	s14 =	simm.s32 $0x500;
	s21 =	simm.s32 $0xE80;
	[dreg:$0xf] =	wrdreg s19  }
0x2c: {  	s6 =	simm.s32 $0x780;
	s7 =	simm.s32 $0xF00;
	[smem:$0x7FC] =	sst s22  }
0x2d: {  	s8 =	simm.s32 $0xF80;
	s10 =	simm.s32 $0x0;
	[smem:$0x7FD] =	sst s0  }
0x2e: {  	s22 =	simm.s32 $0x1000;
	s2 =	simm.s32 $0x480;
	s0 =	simm.s32 $0xC00  }
0x2f: {  	s13 =	simm.s32 $0xC80;
	s16 =	simm.s32 $0xD00;
	s18 =	simm.s32 $0x600  }
0x30: {  	v0 =	vimm.f32 $0.0e+00;
	s19 =	simm.s32 $0x680;
	s20 =	simm.s32 $0xE00;
	s5 =	simm.s32 $0x700  }
.LBB2_1:
0x31: {  	[smem:$0x7F7] =	sst s10;
	s10 =	simm.s32 $0x0;
	s11 =	simm.s32 $0x200  }
.LBB2_2:
0x32: {  	p0 =	sne.s32 s11, $0xF800;
	[tilespmem:s10+$0x1070] =	vst v0  }
0x33: {  	[tilespmem:s10+$0x1000] =	vst v0  }
0x34: {  	[tilespmem:s10+$0x1010] =	vst v0  }
.Ltmp0:
0x35: {  	[tilespmem:s10+$0x1020] =	vst v0;
	(pc) =	sbr.rel @p0 .LBB2_2-.Ltmp0, $4  }
0x36: {  	[tilespmem:s10+$0x1030] =	vst v0  }
0x37: {  	[tilespmem:s10+$0x1040] =	vst v0  }
0x38: {  	[tilespmem:s10+$0x1050] =	vst v0  }
0x39: {  	[tilespmem:s10+$0x1060] =	vst v0;
	s10 =	sshra.s32 s11, $0x2;
	s11 =	sadd.s32 $0x200, s11  }
0x3a: {  	[tilespmem:s10+$0x1070] =	vst v0  }
0x3b: {  	[tilespmem:s10+$0x1000] =	vst v0  }
0x3c: {  	[tilespmem:s10+$0x1010] =	vst v0  }
0x3d: {  	[tilespmem:s10+$0x1020] =	vst v0  }
0x3e: {  	[tilespmem:s10+$0x1030] =	vst v0  }
0x3f: {  	[tilespmem:s10+$0x1040] =	vst v0  }
0x40: {  	[tilespmem:s10+$0x1050] =	vst v0  }
0x41: {  	[tilespmem:s10+$0x1060] =	vst v0;
	s9 =	rddreg [dreg:$0x15]  }
0x42: {  	[spmem:s9] =	stream.linear.scatter [tilespmem:s22], [sflag:$0x5], $0x2800, $0x38;
	[tilespmem:$0x1D000] =	vst v63  }
0x43: {  	_ =	swait.ge [sflag:s23], $0x2800  }
0x44: {  	[sflag:s23] =	ssyncset.done $0x0  }
0x45: {  	s10 =	rddreg [dreg:$0x16];
	[sflag:s23] =	ssyncadd.s32 $0xFFFFD800  }
0x46: {  	[spmem:s10] =	stream.linear.scatter [tilespmem:s22], [sflag:$0x5], $0x2800, $0x38;
	[tilespmem:$0x1D000] =	vst v63  }
0x47: {  	_ =	swait.ge [sflag:s23], $0x2800  }
0x48: {  	[sflag:s23] =	ssyncset.done $0x0  }
0x49: {  	s11 =	rddreg [dreg:$0x17];
	[sflag:s23] =	ssyncadd.s32 $0xFFFFD800  }
0x4a: {  	[spmem:s11] =	stream.linear.scatter [tilespmem:s22], [sflag:$0x5], $0x2800, $0x38;
	[tilespmem:$0x1D000] =	vst v63  }
0x4b: {  	_ =	swait.ge [sflag:s23], $0x2800  }
0x4c: {  	[sflag:s23] =	ssyncset.done $0x0  }
0x4d: {  	s12 =	rddreg [dreg:$0x18];
	[sflag:s23] =	ssyncadd.s32 $0xFFFFD800  }
0x4e: {  	[spmem:s12] =	stream.linear.scatter [tilespmem:s22], [sflag:$0x5], $0x2800, $0x38;
	[tilespmem:$0x1D000] =	vst v63  }
0x4f: {  	_ =	swait.ge [sflag:s23], $0x2800  }
0x50: {  	[sflag:s23] =	ssyncset.done $0x0  }
0x51: {  	s10 =	rddreg [dreg:$0x19];
	[sflag:s23] =	ssyncadd.s32 $0xFFFFD800  }
0x52: {  	[spmem:s10] =	stream.linear.scatter [tilespmem:s22], [sflag:$0x5], $0x2800, $0x38;
	[tilespmem:$0x1D000] =	vst v63  }
0x53: {  	_ =	swait.ge [sflag:s23], $0x2800  }
0x54: {  	[sflag:s23] =	ssyncset.done $0x0  }
0x55: {  	s11 =	rddreg [dreg:$0x1a];
	[sflag:s23] =	ssyncadd.s32 $0xFFFFD800  }
0x56: {  	[spmem:s11] =	stream.linear.scatter [tilespmem:s22], [sflag:$0x5], $0x2800, $0x38;
	[tilespmem:$0x1D000] =	vst v63  }
0x57: {  	_ =	swait.ge [sflag:s23], $0x2800  }
0x58: {  	[sflag:s23] =	ssyncset.done $0x0  }
0x59: {  	s12 =	rddreg [dreg:$0x1b];
	[sflag:s23] =	ssyncadd.s32 $0xFFFFD800  }
0x5a: {  	[spmem:s12] =	stream.linear.scatter [tilespmem:s22], [sflag:$0x5], $0x2800, $0x38;
	[tilespmem:$0x1D000] =	vst v63  }
0x5b: {  	_ =	swait.ge [sflag:s23], $0x2800  }
0x5c: {  	[sflag:s23] =	ssyncset.done $0x0  }
0x5d: {  	s10 =	rddreg [dreg:$0x1c];
	[sflag:s23] =	ssyncadd.s32 $0xFFFFD800  }
0x5e: {  	[spmem:s10] =	stream.linear.scatter [tilespmem:s22], [sflag:$0x5], $0x2800, $0x38;
	[tilespmem:$0x1D000] =	vst v63  }
0x5f: {  	_ =	swait.ge [sflag:s23], $0x2800  }
0x60: {  	[sflag:s23] =	ssyncset.done $0x0  }
0x61: {  	[sflag:s23] =	ssyncadd.s32 $0xFFFFD800  }
0x62: {  	[bflag:$0x0] =	sbarrier.arrive $0xFFFF  }
0x63: {  	s11 =	rddreg [dreg:$0x5]  }
0x64: {  	s10 =	sadd.s32 $0x0, s11  }
0x65: {  	[tilespmem:s4], [sflag:$0x5] =	stream.linear.gather [hbm4b:s10+s4], $0x800, $0x38;
	[tilespmem:$0x1D000] =	vst v63  }
0x66: {  	_ =	swait.ge [sflag:s23], $0x800  }
0x67: {  	s12 =	rddreg [dreg:$0x4];
	[sflag:s23] =	ssyncset.done $0x0  }
0x68: {  	[sflag:s23] =	ssyncadd.s32 $0xFFFFF800;
	s10 =	sadd.s32 $0x0, s12  }
0x69: {  	[tilespmem:s24], [sflag:$0x5] =	stream.linear.gather [hbm4b:s10+s4], $0x800, $0x38;
	[tilespmem:$0x1D000] =	vst v63  }
0x6a: {  	_ =	swait.ge [sflag:s23], $0x800  }
0x6b: {  	[sflag:s23] =	ssyncset.done $0x0  }
0x6c: {  	[sflag:s23] =	ssyncadd.s32 $0xFFFFF800  }
0x6d: {  	[tilespmem:s22], [sflag:$0x1] =	stream.indirect.gather [hbm4b:s1+s25], $0x80, s4, s25, $0xb8;
	[tilespmem:$0x1D000] =	vst v63  }
0x6e: {  	s9 =	rddreg [dreg:$0x6]  }
0x6f: {  	[tilespmem:s26], [sflag:$0x2] =	stream.indirect.gather [hbm4b:s1+s25], $0x80, s9, s25, $0xb8;
	[tilespmem:$0x1D000] =	vst v63  }
0x70: {  	_ =	swait.ge [sflag:s28], $0x3E80  }
0x71: {  	[sflag:s28] =	ssyncset.done $0x0  }
0x72: {  	[sflag:s28] =	ssyncadd.s32 $0xFFFFC180  }
0x73: {  	[spmem:s3] =	stream.indirect.scatter.add.f32 [tilespmem:s22], [sflag:$0x3], $0x80, s24, s25, $0xb8;
	[tilespmem:$0x1D000] =	vst v63  }
0x74: {  	_ =	swait.ge [sflag:s29], $0x3E80  }
0x75: {  	[sflag:s29] =	ssyncset.done $0x0  }
0x76: {  	s11 =	rddreg [dreg:$0x7];
	[sflag:s29] =	ssyncadd.s32 $0xFFFFC180  }
0x77: {  	[spmem:s3] =	stream.indirect.scatter.add.f32 [tilespmem:s26], [sflag:$0x4], $0x80, s11, s25, $0xb8;
	[tilespmem:$0x1D000] =	vst v63  }
0x78: {  	_ =	swait.ge [sflag:s30], $0x3E80  }
0x79: {  	[sflag:s30] =	ssyncset.done $0x0  }
0x7a: {  	s12 =	rddreg [dreg:$0x8];
	[sflag:s30] =	ssyncadd.s32 $0xFFFFC180  }
0x7b: {  	[tilespmem:s22], [sflag:$0x1] =	stream.indirect.gather [hbm4b:s1+s25], $0x80, s12, s25, $0xb8;
	[tilespmem:$0x1D000] =	vst v63  }
0x7c: {  	_ =	swait.ge [sflag:s31], $0x3E80  }
0x7d: {  	[sflag:s31] =	ssyncset.done $0x0  }
0x7e: {  	s9 =	rddreg [dreg:$0x9];
	[sflag:s31] =	ssyncadd.s32 $0xFFFFC180  }
0x7f: {  	[tilespmem:s26], [sflag:$0x2] =	stream.indirect.gather [hbm4b:s1+s25], $0x80, s9, s25, $0xb8;
	[tilespmem:$0x1D000] =	vst v63  }
0x80: {  	_ =	swait.ge [sflag:s28], $0x3E80  }
0x81: {  	[sflag:s28] =	ssyncset.done $0x0  }
0x82: {  	s11 =	rddreg [dreg:$0xa];
	[sflag:s28] =	ssyncadd.s32 $0xFFFFC180  }
0x83: {  	[spmem:s3] =	stream.indirect.scatter.add.f32 [tilespmem:s22], [sflag:$0x3], $0x80, s11, s25, $0xb8;
	[tilespmem:$0x1D000] =	vst v63  }
0x84: {  	_ =	swait.ge [sflag:s29], $0x3E80  }
0x85: {  	[sflag:s29] =	ssyncset.done $0x0  }
0x86: {  	s12 =	rddreg [dreg:$0xb];
	[sflag:s29] =	ssyncadd.s32 $0xFFFFC180  }
0x87: {  	[spmem:s3] =	stream.indirect.scatter.add.f32 [tilespmem:s26], [sflag:$0x4], $0x80, s12, s25, $0xb8;
	[tilespmem:$0x1D000] =	vst v63  }
0x88: {  	_ =	swait.ge [sflag:s30], $0x3E80  }
0x89: {  	[sflag:s30] =	ssyncset.done $0x0  }
0x8a: {  	s9 =	rddreg [dreg:$0xc];
	[sflag:s30] =	ssyncadd.s32 $0xFFFFC180  }
0x8b: {  	[tilespmem:s22], [sflag:$0x1] =	stream.indirect.gather [hbm4b:s1+s25], $0x80, s9, s25, $0xb8;
	[tilespmem:$0x1D000] =	vst v63  }
0x8c: {  	_ =	swait.ge [sflag:s31], $0x3E80  }
0x8d: {  	[sflag:s31] =	ssyncset.done $0x0  }
0x8e: {  	s11 =	rddreg [dreg:$0xd];
	[sflag:s31] =	ssyncadd.s32 $0xFFFFC180  }
0x8f: {  	[tilespmem:s26], [sflag:$0x2] =	stream.indirect.gather [hbm4b:s1+s25], $0x80, s11, s25, $0xb8;
	[tilespmem:$0x1D000] =	vst v63  }
0x90: {  	_ =	swait.ge [sflag:s28], $0x3E80  }
0x91: {  	[sflag:s28] =	ssyncset.done $0x0  }
0x92: {  	s12 =	rddreg [dreg:$0xe];
	[sflag:s28] =	ssyncadd.s32 $0xFFFFC180  }
0x93: {  	[spmem:s3] =	stream.indirect.scatter.add.f32 [tilespmem:s22], [sflag:$0x3], $0x80, s12, s25, $0xb8;
	[tilespmem:$0x1D000] =	vst v63  }
0x94: {  	_ =	swait.ge [sflag:s29], $0x3E80  }
0x95: {  	[sflag:s29] =	ssyncset.done $0x0  }
0x96: {  	s9 =	rddreg [dreg:$0xf];
	[sflag:s29] =	ssyncadd.s32 $0xFFFFC180  }
0x97: {  	[spmem:s3] =	stream.indirect.scatter.add.f32 [tilespmem:s26], [sflag:$0x4], $0x80, s9, s25, $0xb8;
	[tilespmem:$0x1D000] =	vst v63  }
0x98: {  	_ =	swait.ge [sflag:s30], $0x3E80  }
0x99: {  	[sflag:s30] =	ssyncset.done $0x0  }
0x9a: {  	s11 =	rddreg [dreg:$0x10];
	[sflag:s30] =	ssyncadd.s32 $0xFFFFC180  }
0x9b: {  	[tilespmem:s22], [sflag:$0x1] =	stream.indirect.gather [hbm4b:s1+s25], $0x80, s11, s25, $0xb8;
	[tilespmem:$0x1D000] =	vst v63  }
0x9c: {  	_ =	swait.ge [sflag:s31], $0x3E80  }
0x9d: {  	[sflag:s31] =	ssyncset.done $0x0  }
0x9e: {  	s12 =	rddreg [dreg:$0x11];
	[sflag:s31] =	ssyncadd.s32 $0xFFFFC180  }
0x9f: {  	[tilespmem:s26], [sflag:$0x2] =	stream.indirect.gather [hbm4b:s1+s25], $0x80, s12, s25, $0xb8;
	[tilespmem:$0x1D000] =	vst v63  }
0xa0: {  	_ =	swait.ge [sflag:s28], $0x3E80  }
0xa1: {  	[sflag:s28] =	ssyncset.done $0x0  }
0xa2: {  	s9 =	rddreg [dreg:$0x12];
	[sflag:s28] =	ssyncadd.s32 $0xFFFFC180  }
0xa3: {  	[spmem:s3] =	stream.indirect.scatter.add.f32 [tilespmem:s22], [sflag:$0x3], $0x80, s9, s25, $0xb8;
	[tilespmem:$0x1D000] =	vst v63  }
0xa4: {  	_ =	swait.ge [sflag:s29], $0x3E80  }
0xa5: {  	[sflag:s29] =	ssyncset.done $0x0  }
0xa6: {  	s11 =	rddreg [dreg:$0x13];
	[sflag:s29] =	ssyncadd.s32 $0xFFFFC180  }
0xa7: {  	[spmem:s3] =	stream.indirect.scatter.add.f32 [tilespmem:s26], [sflag:$0x4], $0x80, s11, s25, $0xb8;
	[tilespmem:$0x1D000] =	vst v63  }
0xa8: {  	_ =	swait.ge [sflag:s30], $0x3E80  }
0xa9: {  	[sflag:s30] =	ssyncset.done $0x0  }
0xaa: {  	s12 =	rddreg [dreg:$0x14];
	[sflag:s30] =	ssyncadd.s32 $0xFFFFC180  }
0xab: {  	[tilespmem:s22], [sflag:$0x1] =	stream.indirect.gather [hbm4b:s1+s25], $0x80, s12, s25, $0xb8;
	[tilespmem:$0x1D000] =	vst v63  }
0xac: {  	_ =	swait.ge [sflag:s31], $0x3E80  }
0xad: {  	[sflag:s31] =	ssyncset.done $0x0  }
0xae: {  	[sflag:s31] =	ssyncadd.s32 $0xFFFFC180  }
0xaf: {  	[tilespmem:s26], [sflag:$0x2] =	stream.indirect.gather [hbm4b:s1+s25], $0x80, s2, s25, $0xb8;
	[tilespmem:$0x1D000] =	vst v63  }
0xb0: {  	_ =	swait.ge [sflag:s28], $0x3E80  }
0xb1: {  	[sflag:s28] =	ssyncset.done $0x0  }
0xb2: {  	[sflag:s28] =	ssyncadd.s32 $0xFFFFC180  }
0xb3: {  	[spmem:s3] =	stream.indirect.scatter.add.f32 [tilespmem:s22], [sflag:$0x3], $0x80, s0, s25, $0xb8;
	[tilespmem:$0x1D000] =	vst v63  }
0xb4: {  	_ =	swait.ge [sflag:s29], $0x3E80  }
0xb5: {  	[sflag:s29] =	ssyncset.done $0x0  }
0xb6: {  	[sflag:s29] =	ssyncadd.s32 $0xFFFFC180  }
0xb7: {  	[spmem:s3] =	stream.indirect.scatter.add.f32 [tilespmem:s26], [sflag:$0x4], $0x80, s13, s25, $0xb8;
	[tilespmem:$0x1D000] =	vst v63  }
0xb8: {  	_ =	swait.ge [sflag:s30], $0x3E80  }
0xb9: {  	[sflag:s30] =	ssyncset.done $0x0  }
0xba: {  	[sflag:s30] =	ssyncadd.s32 $0xFFFFC180  }
0xbb: {  	[tilespmem:s22], [sflag:$0x1] =	stream.indirect.gather [hbm4b:s1+s25], $0x80, s14, s25, $0xb8;
	[tilespmem:$0x1D000] =	vst v63  }
0xbc: {  	_ =	swait.ge [sflag:s31], $0x3E80  }
0xbd: {  	[sflag:s31] =	ssyncset.done $0x0  }
0xbe: {  	[sflag:s31] =	ssyncadd.s32 $0xFFFFC180  }
0xbf: {  	[tilespmem:s26], [sflag:$0x2] =	stream.indirect.gather [hbm4b:s1+s25], $0x80, s15, s25, $0xb8;
	[tilespmem:$0x1D000] =	vst v63  }
0xc0: {  	_ =	swait.ge [sflag:s28], $0x3E80  }
0xc1: {  	[sflag:s28] =	ssyncset.done $0x0  }
0xc2: {  	[sflag:s28] =	ssyncadd.s32 $0xFFFFC180  }
0xc3: {  	[spmem:s3] =	stream.indirect.scatter.add.f32 [tilespmem:s22], [sflag:$0x3], $0x80, s16, s25, $0xb8;
	[tilespmem:$0x1D000] =	vst v63  }
0xc4: {  	_ =	swait.ge [sflag:s29], $0x3E80  }
0xc5: {  	[sflag:s29] =	ssyncset.done $0x0  }
0xc6: {  	[sflag:s29] =	ssyncadd.s32 $0xFFFFC180  }
0xc7: {  	[spmem:s3] =	stream.indirect.scatter.add.f32 [tilespmem:s26], [sflag:$0x4], $0x80, s17, s25, $0xb8;
	[tilespmem:$0x1D000] =	vst v63  }
0xc8: {  	_ =	swait.ge [sflag:s30], $0x3E80  }
0xc9: {  	[sflag:s30] =	ssyncset.done $0x0  }
0xca: {  	[sflag:s30] =	ssyncadd.s32 $0xFFFFC180  }
0xcb: {  	[tilespmem:s22], [sflag:$0x1] =	stream.indirect.gather [hbm4b:s1+s25], $0x80, s18, s25, $0xb8;
	[tilespmem:$0x1D000] =	vst v63  }
0xcc: {  	_ =	swait.ge [sflag:s31], $0x3E80  }
0xcd: {  	[sflag:s31] =	ssyncset.done $0x0  }
0xce: {  	[sflag:s31] =	ssyncadd.s32 $0xFFFFC180  }
0xcf: {  	[tilespmem:s26], [sflag:$0x2] =	stream.indirect.gather [hbm4b:s1+s25], $0x80, s19, s25, $0xb8;
	[tilespmem:$0x1D000] =	vst v63  }
0xd0: {  	_ =	swait.ge [sflag:s28], $0x3E80  }
0xd1: {  	[sflag:s28] =	ssyncset.done $0x0  }
0xd2: {  	[sflag:s28] =	ssyncadd.s32 $0xFFFFC180  }
0xd3: {  	[spmem:s3] =	stream.indirect.scatter.add.f32 [tilespmem:s22], [sflag:$0x3], $0x80, s20, s25, $0xb8;
	[tilespmem:$0x1D000] =	vst v63  }
0xd4: {  	_ =	swait.ge [sflag:s29], $0x3E80  }
0xd5: {  	[sflag:s29] =	ssyncset.done $0x0  }
0xd6: {  	[sflag:s29] =	ssyncadd.s32 $0xFFFFC180  }
0xd7: {  	[spmem:s3] =	stream.indirect.scatter.add.f32 [tilespmem:s26], [sflag:$0x4], $0x80, s21, s25, $0xb8;
	[tilespmem:$0x1D000] =	vst v63  }
0xd8: {  	_ =	swait.ge [sflag:s30], $0x3E80  }
0xd9: {  	[sflag:s30] =	ssyncset.done $0x0  }
0xda: {  	[sflag:s30] =	ssyncadd.s32 $0xFFFFC180  }
0xdb: {  	[tilespmem:s22], [sflag:$0x1] =	stream.indirect.gather [hbm4b:s1+s25], $0x80, s5, s25, $0xb8;
	[tilespmem:$0x1D000] =	vst v63  }
0xdc: {  	_ =	swait.ge [sflag:s31], $0x3E80  }
0xdd: {  	[sflag:s31] =	ssyncset.done $0x0  }
0xde: {  	[sflag:s31] =	ssyncadd.s32 $0xFFFFC180  }
0xdf: {  	[tilespmem:s26], [sflag:$0x2] =	stream.indirect.gather [hbm4b:s1+s25], $0x80, s6, s25, $0xb8;
	[tilespmem:$0x1D000] =	vst v63  }
0xe0: {  	_ =	swait.ge [sflag:s28], $0x3E80  }
0xe1: {  	[sflag:s28] =	ssyncset.done $0x0  }
0xe2: {  	[sflag:s28] =	ssyncadd.s32 $0xFFFFC180  }
0xe3: {  	[spmem:s3] =	stream.indirect.scatter.add.f32 [tilespmem:s22], [sflag:$0x3], $0x80, s7, s25, $0xb8;
	[tilespmem:$0x1D000] =	vst v63  }
0xe4: {  	_ =	swait.ge [sflag:s29], $0x3E80  }
0xe5: {  	[sflag:s29] =	ssyncset.done $0x0  }
0xe6: {  	[sflag:s29] =	ssyncadd.s32 $0xFFFFC180  }
0xe7: {  	[spmem:s3] =	stream.indirect.scatter.add.f32 [tilespmem:s26], [sflag:$0x4], $0x80, s8, s25, $0xb8;
	[tilespmem:$0x1D000] =	vst v63  }
0xe8: {  	_ =	swait.ge [sflag:s30], $0x3E80  }
0xe9: {  	[sflag:s30] =	ssyncset.done $0x0  }
0xea: {  	[sflag:s30] =	ssyncadd.s32 $0xFFFFC180  }
0xeb: {  	s10 =	simm.s32 $0x100;
	_ =	swait.ge [sflag:s31], $0x3E80  }
0xec: {  	s11 =	simm.s32 $0x200;
	s12 =	rddreg [dreg:$0x5];
	[sflag:s31] =	ssyncset.done $0x0  }
.LBB2_4:
0xed: {  	[sflag:s31] =	ssyncadd.s32 $0xFFFFC180;
	s12 =	sadd.s32 s10, s12  }
0xee: {  	[tilespmem:s4], [sflag:$0x5] =	stream.linear.gather [hbm4b:s12+s4], $0x800, $0x38;
	[tilespmem:$0x1D000] =	vst v63  }
0xef: {  	_ =	swait.ge [sflag:s23], $0x800  }
0xf0: {  	s12 =	rddreg [dreg:$0x4];
	[sflag:s23] =	ssyncset.done $0x0  }
0xf1: {  	[sflag:s23] =	ssyncadd.s32 $0xFFFFF800;
	s12 =	sadd.s32 s10, s12  }
0xf2: {  	[tilespmem:s24], [sflag:$0x5] =	stream.linear.gather [hbm4b:s12+s4], $0x800, $0x38;
	[tilespmem:$0x1D000] =	vst v63  }
0xf3: {  	_ =	swait.ge [sflag:s23], $0x800  }
0xf4: {  	[sflag:s23] =	ssyncset.done $0x0  }
0xf5: {  	[sflag:s23] =	ssyncadd.s32 $0xFFFFF800  }
0xf6: {  	[tilespmem:s22], [sflag:$0x1] =	stream.indirect.gather [hbm4b:s1+s25], $0x80, s4, s25, $0xb8;
	[tilespmem:$0x1D000] =	vst v63  }
0xf7: {  	s12 =	rddreg [dreg:$0x6]  }
0xf8: {  	[tilespmem:s26], [sflag:$0x2] =	stream.indirect.gather [hbm4b:s1+s25], $0x80, s12, s25, $0xb8;
	[tilespmem:$0x1D000] =	vst v63  }
0xf9: {  	_ =	swait.ge [sflag:s28], $0x3E80  }
0xfa: {  	[sflag:s28] =	ssyncset.done $0x0  }
0xfb: {  	[sflag:s28] =	ssyncadd.s32 $0xFFFFC180  }
0xfc: {  	[spmem:s3] =	stream.indirect.scatter.add.f32 [tilespmem:s22], [sflag:$0x3], $0x80, s24, s25, $0xb8;
	[tilespmem:$0x1D000] =	vst v63  }
0xfd: {  	_ =	swait.ge [sflag:s29], $0x3E80  }
0xfe: {  	[sflag:s29] =	ssyncset.done $0x0  }
0xff: {  	s12 =	rddreg [dreg:$0x7];
	[sflag:s29] =	ssyncadd.s32 $0xFFFFC180  }
0x100: {  	[spmem:s3] =	stream.indirect.scatter.add.f32 [tilespmem:s26], [sflag:$0x4], $0x80, s12, s25, $0xb8;
	[tilespmem:$0x1D000] =	vst v63  }
0x101: {  	_ =	swait.ge [sflag:s30], $0x3E80  }
0x102: {  	[sflag:s30] =	ssyncset.done $0x0  }
0x103: {  	s12 =	rddreg [dreg:$0x8];
	[sflag:s30] =	ssyncadd.s32 $0xFFFFC180  }
0x104: {  	[tilespmem:s22], [sflag:$0x1] =	stream.indirect.gather [hbm4b:s1+s25], $0x80, s12, s25, $0xb8;
	[tilespmem:$0x1D000] =	vst v63  }
0x105: {  	_ =	swait.ge [sflag:s31], $0x3E80  }
0x106: {  	[sflag:s31] =	ssyncset.done $0x0  }
0x107: {  	s12 =	rddreg [dreg:$0x9];
	[sflag:s31] =	ssyncadd.s32 $0xFFFFC180  }
0x108: {  	[tilespmem:s26], [sflag:$0x2] =	stream.indirect.gather [hbm4b:s1+s25], $0x80, s12, s25, $0xb8;
	[tilespmem:$0x1D000] =	vst v63  }
0x109: {  	_ =	swait.ge [sflag:s28], $0x3E80  }
0x10a: {  	[sflag:s28] =	ssyncset.done $0x0  }
0x10b: {  	s12 =	rddreg [dreg:$0xa];
	[sflag:s28] =	ssyncadd.s32 $0xFFFFC180  }
0x10c: {  	[spmem:s3] =	stream.indirect.scatter.add.f32 [tilespmem:s22], [sflag:$0x3], $0x80, s12, s25, $0xb8;
	[tilespmem:$0x1D000] =	vst v63  }
0x10d: {  	_ =	swait.ge [sflag:s29], $0x3E80  }
0x10e: {  	[sflag:s29] =	ssyncset.done $0x0  }
0x10f: {  	s12 =	rddreg [dreg:$0xb];
	[sflag:s29] =	ssyncadd.s32 $0xFFFFC180  }
0x110: {  	[spmem:s3] =	stream.indirect.scatter.add.f32 [tilespmem:s26], [sflag:$0x4], $0x80, s12, s25, $0xb8;
	[tilespmem:$0x1D000] =	vst v63  }
0x111: {  	_ =	swait.ge [sflag:s30], $0x3E80  }
0x112: {  	[sflag:s30] =	ssyncset.done $0x0  }
0x113: {  	s12 =	rddreg [dreg:$0xc];
	[sflag:s30] =	ssyncadd.s32 $0xFFFFC180  }
0x114: {  	[tilespmem:s22], [sflag:$0x1] =	stream.indirect.gather [hbm4b:s1+s25], $0x80, s12, s25, $0xb8;
	[tilespmem:$0x1D000] =	vst v63  }
0x115: {  	_ =	swait.ge [sflag:s31], $0x3E80  }
0x116: {  	[sflag:s31] =	ssyncset.done $0x0  }
0x117: {  	s12 =	rddreg [dreg:$0xd];
	[sflag:s31] =	ssyncadd.s32 $0xFFFFC180  }
0x118: {  	[tilespmem:s26], [sflag:$0x2] =	stream.indirect.gather [hbm4b:s1+s25], $0x80, s12, s25, $0xb8;
	[tilespmem:$0x1D000] =	vst v63  }
0x119: {  	_ =	swait.ge [sflag:s28], $0x3E80  }
0x11a: {  	[sflag:s28] =	ssyncset.done $0x0  }
0x11b: {  	s12 =	rddreg [dreg:$0xe];
	[sflag:s28] =	ssyncadd.s32 $0xFFFFC180  }
0x11c: {  	[spmem:s3] =	stream.indirect.scatter.add.f32 [tilespmem:s22], [sflag:$0x3], $0x80, s12, s25, $0xb8;
	[tilespmem:$0x1D000] =	vst v63  }
0x11d: {  	_ =	swait.ge [sflag:s29], $0x3E80  }
0x11e: {  	[sflag:s29] =	ssyncset.done $0x0  }
0x11f: {  	s12 =	rddreg [dreg:$0xf];
	[sflag:s29] =	ssyncadd.s32 $0xFFFFC180  }
0x120: {  	[spmem:s3] =	stream.indirect.scatter.add.f32 [tilespmem:s26], [sflag:$0x4], $0x80, s12, s25, $0xb8;
	[tilespmem:$0x1D000] =	vst v63  }
0x121: {  	_ =	swait.ge [sflag:s30], $0x3E80  }
0x122: {  	[sflag:s30] =	ssyncset.done $0x0  }
0x123: {  	s12 =	rddreg [dreg:$0x10];
	[sflag:s30] =	ssyncadd.s32 $0xFFFFC180  }
0x124: {  	[tilespmem:s22], [sflag:$0x1] =	stream.indirect.gather [hbm4b:s1+s25], $0x80, s12, s25, $0xb8;
	[tilespmem:$0x1D000] =	vst v63  }
0x125: {  	_ =	swait.ge [sflag:s31], $0x3E80  }
0x126: {  	[sflag:s31] =	ssyncset.done $0x0  }
0x127: {  	s12 =	rddreg [dreg:$0x11];
	[sflag:s31] =	ssyncadd.s32 $0xFFFFC180  }
0x128: {  	[tilespmem:s26], [sflag:$0x2] =	stream.indirect.gather [hbm4b:s1+s25], $0x80, s12, s25, $0xb8;
	[tilespmem:$0x1D000] =	vst v63  }
0x129: {  	_ =	swait.ge [sflag:s28], $0x3E80  }
0x12a: {  	[sflag:s28] =	ssyncset.done $0x0  }
0x12b: {  	s12 =	rddreg [dreg:$0x12];
	[sflag:s28] =	ssyncadd.s32 $0xFFFFC180  }
0x12c: {  	[spmem:s3] =	stream.indirect.scatter.add.f32 [tilespmem:s22], [sflag:$0x3], $0x80, s12, s25, $0xb8;
	[tilespmem:$0x1D000] =	vst v63  }
0x12d: {  	_ =	swait.ge [sflag:s29], $0x3E80  }
0x12e: {  	[sflag:s29] =	ssyncset.done $0x0  }
0x12f: {  	s12 =	rddreg [dreg:$0x13];
	[sflag:s29] =	ssyncadd.s32 $0xFFFFC180  }
0x130: {  	[spmem:s3] =	stream.indirect.scatter.add.f32 [tilespmem:s26], [sflag:$0x4], $0x80, s12, s25, $0xb8;
	[tilespmem:$0x1D000] =	vst v63  }
0x131: {  	_ =	swait.ge [sflag:s30], $0x3E80  }
0x132: {  	[sflag:s30] =	ssyncset.done $0x0  }
0x133: {  	s12 =	rddreg [dreg:$0x14];
	[sflag:s30] =	ssyncadd.s32 $0xFFFFC180  }
0x134: {  	[tilespmem:s22], [sflag:$0x1] =	stream.indirect.gather [hbm4b:s1+s25], $0x80, s12, s25, $0xb8;
	[tilespmem:$0x1D000] =	vst v63  }
0x135: {  	_ =	swait.ge [sflag:s31], $0x3E80  }
0x136: {  	[sflag:s31] =	ssyncset.done $0x0  }
0x137: {  	[sflag:s31] =	ssyncadd.s32 $0xFFFFC180  }
0x138: {  	[tilespmem:s26], [sflag:$0x2] =	stream.indirect.gather [hbm4b:s1+s25], $0x80, s2, s25, $0xb8;
	[tilespmem:$0x1D000] =	vst v63  }
0x139: {  	_ =	swait.ge [sflag:s28], $0x3E80  }
0x13a: {  	[sflag:s28] =	ssyncset.done $0x0  }
0x13b: {  	[sflag:s28] =	ssyncadd.s32 $0xFFFFC180  }
0x13c: {  	[spmem:s3] =	stream.indirect.scatter.add.f32 [tilespmem:s22], [sflag:$0x3], $0x80, s0, s25, $0xb8;
	[tilespmem:$0x1D000] =	vst v63  }
0x13d: {  	_ =	swait.ge [sflag:s29], $0x3E80  }
0x13e: {  	[sflag:s29] =	ssyncset.done $0x0  }
0x13f: {  	[sflag:s29] =	ssyncadd.s32 $0xFFFFC180  }
0x140: {  	[spmem:s3] =	stream.indirect.scatter.add.f32 [tilespmem:s26], [sflag:$0x4], $0x80, s13, s25, $0xb8;
	[tilespmem:$0x1D000] =	vst v63  }
0x141: {  	_ =	swait.ge [sflag:s30], $0x3E80  }
0x142: {  	[sflag:s30] =	ssyncset.done $0x0  }
0x143: {  	[sflag:s30] =	ssyncadd.s32 $0xFFFFC180  }
0x144: {  	[tilespmem:s22], [sflag:$0x1] =	stream.indirect.gather [hbm4b:s1+s25], $0x80, s14, s25, $0xb8;
	[tilespmem:$0x1D000] =	vst v63  }
0x145: {  	_ =	swait.ge [sflag:s31], $0x3E80  }
0x146: {  	[sflag:s31] =	ssyncset.done $0x0  }
0x147: {  	[sflag:s31] =	ssyncadd.s32 $0xFFFFC180  }
0x148: {  	[tilespmem:s26], [sflag:$0x2] =	stream.indirect.gather [hbm4b:s1+s25], $0x80, s15, s25, $0xb8;
	[tilespmem:$0x1D000] =	vst v63  }
0x149: {  	_ =	swait.ge [sflag:s28], $0x3E80  }
0x14a: {  	[sflag:s28] =	ssyncset.done $0x0  }
0x14b: {  	[sflag:s28] =	ssyncadd.s32 $0xFFFFC180  }
0x14c: {  	[spmem:s3] =	stream.indirect.scatter.add.f32 [tilespmem:s22], [sflag:$0x3], $0x80, s16, s25, $0xb8;
	[tilespmem:$0x1D000] =	vst v63  }
0x14d: {  	_ =	swait.ge [sflag:s29], $0x3E80  }
0x14e: {  	[sflag:s29] =	ssyncset.done $0x0  }
0x14f: {  	[sflag:s29] =	ssyncadd.s32 $0xFFFFC180  }
0x150: {  	[spmem:s3] =	stream.indirect.scatter.add.f32 [tilespmem:s26], [sflag:$0x4], $0x80, s17, s25, $0xb8;
	[tilespmem:$0x1D000] =	vst v63  }
0x151: {  	_ =	swait.ge [sflag:s30], $0x3E80  }
0x152: {  	[sflag:s30] =	ssyncset.done $0x0  }
0x153: {  	[sflag:s30] =	ssyncadd.s32 $0xFFFFC180  }
0x154: {  	[tilespmem:s22], [sflag:$0x1] =	stream.indirect.gather [hbm4b:s1+s25], $0x80, s18, s25, $0xb8;
	[tilespmem:$0x1D000] =	vst v63  }
0x155: {  	_ =	swait.ge [sflag:s31], $0x3E80  }
0x156: {  	[sflag:s31] =	ssyncset.done $0x0  }
0x157: {  	[sflag:s31] =	ssyncadd.s32 $0xFFFFC180  }
0x158: {  	[tilespmem:s26], [sflag:$0x2] =	stream.indirect.gather [hbm4b:s1+s25], $0x80, s19, s25, $0xb8;
	[tilespmem:$0x1D000] =	vst v63  }
0x159: {  	_ =	swait.ge [sflag:s28], $0x3E80  }
0x15a: {  	[sflag:s28] =	ssyncset.done $0x0  }
0x15b: {  	[sflag:s28] =	ssyncadd.s32 $0xFFFFC180  }
0x15c: {  	[spmem:s3] =	stream.indirect.scatter.add.f32 [tilespmem:s22], [sflag:$0x3], $0x80, s20, s25, $0xb8;
	[tilespmem:$0x1D000] =	vst v63  }
0x15d: {  	_ =	swait.ge [sflag:s29], $0x3E80  }
0x15e: {  	[sflag:s29] =	ssyncset.done $0x0  }
0x15f: {  	[sflag:s29] =	ssyncadd.s32 $0xFFFFC180  }
0x160: {  	[spmem:s3] =	stream.indirect.scatter.add.f32 [tilespmem:s26], [sflag:$0x4], $0x80, s21, s25, $0xb8;
	[tilespmem:$0x1D000] =	vst v63  }
0x161: {  	_ =	swait.ge [sflag:s30], $0x3E80  }
0x162: {  	[sflag:s30] =	ssyncset.done $0x0  }
0x163: {  	[sflag:s30] =	ssyncadd.s32 $0xFFFFC180  }
0x164: {  	[tilespmem:s22], [sflag:$0x1] =	stream.indirect.gather [hbm4b:s1+s25], $0x80, s5, s25, $0xb8;
	[tilespmem:$0x1D000] =	vst v63  }
0x165: {  	_ =	swait.ge [sflag:s31], $0x3E80  }
0x166: {  	[sflag:s31] =	ssyncset.done $0x0  }
0x167: {  	[sflag:s31] =	ssyncadd.s32 $0xFFFFC180  }
0x168: {  	[tilespmem:s26], [sflag:$0x2] =	stream.indirect.gather [hbm4b:s1+s25], $0x80, s6, s25, $0xb8;
	[tilespmem:$0x1D000] =	vst v63  }
0x169: {  	_ =	swait.ge [sflag:s28], $0x3E80  }
0x16a: {  	[sflag:s28] =	ssyncset.done $0x0  }
0x16b: {  	[sflag:s28] =	ssyncadd.s32 $0xFFFFC180  }
0x16c: {  	[spmem:s3] =	stream.indirect.scatter.add.f32 [tilespmem:s22], [sflag:$0x3], $0x80, s7, s25, $0xb8;
	[tilespmem:$0x1D000] =	vst v63  }
0x16d: {  	_ =	swait.ge [sflag:s29], $0x3E80  }
0x16e: {  	[sflag:s29] =	ssyncset.done $0x0  }
0x16f: {  	p0 =	sne.s32 s11, $0x400;
	[sflag:s29] =	ssyncadd.s32 $0xFFFFC180  }
0x170: {  	[spmem:s3] =	stream.indirect.scatter.add.f32 [tilespmem:s26], [sflag:$0x4], $0x80, s8, s25, $0xb8;
	[tilespmem:$0x1D000] =	vst v63  }
.Ltmp1:
0x171: {  	_ =	swait.ge [sflag:s30], $0x3E80;
	(pc) =	sbr.rel @p0 .LBB2_4-.Ltmp1, $4  }
0x172: {  	[sflag:s30] =	ssyncset.done $0x0  }
0x173: {  	[sflag:s30] =	ssyncadd.s32 $0xFFFFC180  }
0x174: {  	s9 =	smov.u32 s11;
	s11 =	sadd.s32 $0x100, s11;
	_ =	swait.ge [sflag:s31], $0x3E80  }
0x175: {  	s10 =	smov.u32 s9;
	s12 =	rddreg [dreg:$0x5];
	[sflag:s31] =	ssyncset.done $0x0  }
0x176: {  	[sflag:s31] =	ssyncadd.s32 $0xFFFFC180;
	s9 =	sadd.s32 s10, s12  }
0x177: {  	[tilespmem:s4], [sflag:$0x5] =	stream.linear.gather [hbm4b:s9+s4], $0x800, $0x38;
	[tilespmem:$0x1D000] =	vst v63  }
0x178: {  	_ =	swait.ge [sflag:s23], $0x800  }
0x179: {  	s12 =	rddreg [dreg:$0x4];
	[sflag:s23] =	ssyncset.done $0x0  }
0x17a: {  	s9 =	sadd.s32 s10, s12;
	[sflag:s23] =	ssyncadd.s32 $0xFFFFF800  }
0x17b: {  	[tilespmem:s24], [sflag:$0x5] =	stream.linear.gather [hbm4b:s9+s4], $0x800, $0x38;
	[tilespmem:$0x1D000] =	vst v63  }
0x17c: {  	_ =	swait.ge [sflag:s23], $0x800  }
0x17d: {  	[sflag:s23] =	ssyncset.done $0x0  }
0x17e: {  	[sflag:s23] =	ssyncadd.s32 $0xFFFFF800  }
0x17f: {  	[tilespmem:s22], [sflag:$0x1] =	stream.indirect.gather [hbm4b:s1+s25], $0x80, s4, s25, $0xb8;
	[tilespmem:$0x1D000] =	vst v63  }
0x180: {  	s10 =	rddreg [dreg:$0x6]  }
0x181: {  	[tilespmem:s26], [sflag:$0x2] =	stream.indirect.gather [hbm4b:s1+s25], $0x80, s10, s25, $0xb8;
	[tilespmem:$0x1D000] =	vst v63  }
0x182: {  	_ =	swait.ge [sflag:s28], $0x3E80  }
0x183: {  	[sflag:s28] =	ssyncset.done $0x0  }
0x184: {  	[sflag:s28] =	ssyncadd.s32 $0xFFFFC180  }
0x185: {  	[spmem:s3] =	stream.indirect.scatter.add.f32 [tilespmem:s22], [sflag:$0x3], $0x80, s24, s25, $0xb8;
	[tilespmem:$0x1D000] =	vst v63  }
0x186: {  	_ =	swait.ge [sflag:s29], $0x3E80  }
0x187: {  	[sflag:s29] =	ssyncset.done $0x0  }
0x188: {  	s11 =	rddreg [dreg:$0x7];
	[sflag:s29] =	ssyncadd.s32 $0xFFFFC180  }
0x189: {  	[spmem:s3] =	stream.indirect.scatter.add.f32 [tilespmem:s26], [sflag:$0x4], $0x80, s11, s25, $0xb8;
	[tilespmem:$0x1D000] =	vst v63  }
0x18a: {  	_ =	swait.ge [sflag:s30], $0x3E80  }
0x18b: {  	[sflag:s30] =	ssyncset.done $0x0  }
0x18c: {  	s12 =	rddreg [dreg:$0x8];
	[sflag:s30] =	ssyncadd.s32 $0xFFFFC180  }
0x18d: {  	[tilespmem:s22], [sflag:$0x1] =	stream.indirect.gather [hbm4b:s1+s25], $0x80, s12, s25, $0xb8;
	[tilespmem:$0x1D000] =	vst v63  }
0x18e: {  	_ =	swait.ge [sflag:s31], $0x3E80  }
0x18f: {  	[sflag:s31] =	ssyncset.done $0x0  }
0x190: {  	s10 =	rddreg [dreg:$0x9];
	[sflag:s31] =	ssyncadd.s32 $0xFFFFC180  }
0x191: {  	[tilespmem:s26], [sflag:$0x2] =	stream.indirect.gather [hbm4b:s1+s25], $0x80, s10, s25, $0xb8;
	[tilespmem:$0x1D000] =	vst v63  }
0x192: {  	_ =	swait.ge [sflag:s28], $0x3E80  }
0x193: {  	[sflag:s28] =	ssyncset.done $0x0  }
0x194: {  	s11 =	rddreg [dreg:$0xa];
	[sflag:s28] =	ssyncadd.s32 $0xFFFFC180  }
0x195: {  	[spmem:s3] =	stream.indirect.scatter.add.f32 [tilespmem:s22], [sflag:$0x3], $0x80, s11, s25, $0xb8;
	[tilespmem:$0x1D000] =	vst v63  }
0x196: {  	_ =	swait.ge [sflag:s29], $0x3E80  }
0x197: {  	[sflag:s29] =	ssyncset.done $0x0  }
0x198: {  	s12 =	rddreg [dreg:$0xb];
	[sflag:s29] =	ssyncadd.s32 $0xFFFFC180  }
0x199: {  	[spmem:s3] =	stream.indirect.scatter.add.f32 [tilespmem:s26], [sflag:$0x4], $0x80, s12, s25, $0xb8;
	[tilespmem:$0x1D000] =	vst v63  }
0x19a: {  	_ =	swait.ge [sflag:s30], $0x3E80  }
0x19b: {  	[sflag:s30] =	ssyncset.done $0x0  }
0x19c: {  	s10 =	rddreg [dreg:$0xc];
	[sflag:s30] =	ssyncadd.s32 $0xFFFFC180  }
0x19d: {  	[tilespmem:s22], [sflag:$0x1] =	stream.indirect.gather [hbm4b:s1+s25], $0x80, s10, s25, $0xb8;
	[tilespmem:$0x1D000] =	vst v63  }
0x19e: {  	_ =	swait.ge [sflag:s31], $0x3E80  }
0x19f: {  	[sflag:s31] =	ssyncset.done $0x0  }
0x1a0: {  	s11 =	rddreg [dreg:$0xd];
	[sflag:s31] =	ssyncadd.s32 $0xFFFFC180  }
0x1a1: {  	[tilespmem:s26], [sflag:$0x2] =	stream.indirect.gather [hbm4b:s1+s25], $0x80, s11, s25, $0xb8;
	[tilespmem:$0x1D000] =	vst v63  }
0x1a2: {  	_ =	swait.ge [sflag:s28], $0x3E80  }
0x1a3: {  	[sflag:s28] =	ssyncset.done $0x0  }
0x1a4: {  	s12 =	rddreg [dreg:$0xe];
	[sflag:s28] =	ssyncadd.s32 $0xFFFFC180  }
0x1a5: {  	[spmem:s3] =	stream.indirect.scatter.add.f32 [tilespmem:s22], [sflag:$0x3], $0x80, s12, s25, $0xb8;
	[tilespmem:$0x1D000] =	vst v63  }
0x1a6: {  	_ =	swait.ge [sflag:s29], $0x3E80  }
0x1a7: {  	[sflag:s29] =	ssyncset.done $0x0  }
0x1a8: {  	s10 =	rddreg [dreg:$0xf];
	[sflag:s29] =	ssyncadd.s32 $0xFFFFC180  }
0x1a9: {  	[spmem:s3] =	stream.indirect.scatter.add.f32 [tilespmem:s26], [sflag:$0x4], $0x80, s10, s25, $0xb8;
	[tilespmem:$0x1D000] =	vst v63  }
0x1aa: {  	_ =	swait.ge [sflag:s30], $0x3E80  }
0x1ab: {  	[sflag:s30] =	ssyncset.done $0x0  }
0x1ac: {  	s11 =	rddreg [dreg:$0x10];
	[sflag:s30] =	ssyncadd.s32 $0xFFFFC180  }
0x1ad: {  	[tilespmem:s22], [sflag:$0x1] =	stream.indirect.gather [hbm4b:s1+s25], $0x80, s11, s25, $0xb8;
	[tilespmem:$0x1D000] =	vst v63  }
0x1ae: {  	_ =	swait.ge [sflag:s31], $0x3E80  }
0x1af: {  	[sflag:s31] =	ssyncset.done $0x0  }
0x1b0: {  	s12 =	rddreg [dreg:$0x11];
	[sflag:s31] =	ssyncadd.s32 $0xFFFFC180  }
0x1b1: {  	[tilespmem:s26], [sflag:$0x2] =	stream.indirect.gather [hbm4b:s1+s25], $0x80, s12, s25, $0xb8;
	[tilespmem:$0x1D000] =	vst v63  }
0x1b2: {  	_ =	swait.ge [sflag:s28], $0x3E80  }
0x1b3: {  	[sflag:s28] =	ssyncset.done $0x0  }
0x1b4: {  	s10 =	rddreg [dreg:$0x12];
	[sflag:s28] =	ssyncadd.s32 $0xFFFFC180  }
0x1b5: {  	[spmem:s3] =	stream.indirect.scatter.add.f32 [tilespmem:s22], [sflag:$0x3], $0x80, s10, s25, $0xb8;
	[tilespmem:$0x1D000] =	vst v63  }
0x1b6: {  	_ =	swait.ge [sflag:s29], $0x3E80  }
0x1b7: {  	[sflag:s29] =	ssyncset.done $0x0  }
0x1b8: {  	s11 =	rddreg [dreg:$0x13];
	[sflag:s29] =	ssyncadd.s32 $0xFFFFC180  }
0x1b9: {  	[spmem:s3] =	stream.indirect.scatter.add.f32 [tilespmem:s26], [sflag:$0x4], $0x80, s11, s25, $0xb8;
	[tilespmem:$0x1D000] =	vst v63  }
0x1ba: {  	_ =	swait.ge [sflag:s30], $0x3E80  }
0x1bb: {  	[sflag:s30] =	ssyncset.done $0x0  }
0x1bc: {  	s12 =	rddreg [dreg:$0x14];
	[sflag:s30] =	ssyncadd.s32 $0xFFFFC180  }
0x1bd: {  	[tilespmem:s22], [sflag:$0x1] =	stream.indirect.gather [hbm4b:s1+s25], $0x80, s12, s25, $0xb8;
	[tilespmem:$0x1D000] =	vst v63  }
0x1be: {  	_ =	swait.ge [sflag:s31], $0x3E80  }
0x1bf: {  	[sflag:s31] =	ssyncset.done $0x0  }
0x1c0: {  	[sflag:s31] =	ssyncadd.s32 $0xFFFFC180  }
0x1c1: {  	[tilespmem:s26], [sflag:$0x2] =	stream.indirect.gather [hbm4b:s1+s25], $0x80, s2, s25, $0xb8;
	[tilespmem:$0x1D000] =	vst v63  }
0x1c2: {  	_ =	swait.ge [sflag:s28], $0x3E80  }
0x1c3: {  	[sflag:s28] =	ssyncset.done $0x0  }
0x1c4: {  	[sflag:s28] =	ssyncadd.s32 $0xFFFFC180  }
0x1c5: {  	[spmem:s3] =	stream.indirect.scatter.add.f32 [tilespmem:s22], [sflag:$0x3], $0x80, s0, s25, $0xb8;
	[tilespmem:$0x1D000] =	vst v63  }
0x1c6: {  	_ =	swait.ge [sflag:s29], $0x3E80  }
0x1c7: {  	[sflag:s29] =	ssyncset.done $0x0  }
0x1c8: {  	[sflag:s29] =	ssyncadd.s32 $0xFFFFC180  }
0x1c9: {  	[spmem:s3] =	stream.indirect.scatter.add.f32 [tilespmem:s26], [sflag:$0x4], $0x80, s13, s25, $0xb8;
	[tilespmem:$0x1D000] =	vst v63  }
0x1ca: {  	_ =	swait.ge [sflag:s30], $0x3E80  }
0x1cb: {  	[sflag:s30] =	ssyncset.done $0x0  }
0x1cc: {  	[sflag:s30] =	ssyncadd.s32 $0xFFFFC180  }
0x1cd: {  	[tilespmem:s22], [sflag:$0x1] =	stream.indirect.gather [hbm4b:s1+s25], $0x80, s14, s25, $0xb8;
	[tilespmem:$0x1D000] =	vst v63  }
0x1ce: {  	_ =	swait.ge [sflag:s31], $0x3E80  }
0x1cf: {  	[sflag:s31] =	ssyncset.done $0x0  }
0x1d0: {  	[sflag:s31] =	ssyncadd.s32 $0xFFFFC180  }
0x1d1: {  	[tilespmem:s26], [sflag:$0x2] =	stream.indirect.gather [hbm4b:s1+s25], $0x80, s15, s25, $0xb8;
	[tilespmem:$0x1D000] =	vst v63  }
0x1d2: {  	_ =	swait.ge [sflag:s28], $0x3E80  }
0x1d3: {  	[sflag:s28] =	ssyncset.done $0x0  }
0x1d4: {  	[sflag:s28] =	ssyncadd.s32 $0xFFFFC180  }
0x1d5: {  	[spmem:s3] =	stream.indirect.scatter.add.f32 [tilespmem:s22], [sflag:$0x3], $0x80, s16, s25, $0xb8;
	[tilespmem:$0x1D000] =	vst v63  }
0x1d6: {  	_ =	swait.ge [sflag:s29], $0x3E80  }
0x1d7: {  	[sflag:s29] =	ssyncset.done $0x0  }
0x1d8: {  	[sflag:s29] =	ssyncadd.s32 $0xFFFFC180  }
0x1d9: {  	[spmem:s3] =	stream.indirect.scatter.add.f32 [tilespmem:s26], [sflag:$0x4], $0x80, s17, s25, $0xb8;
	[tilespmem:$0x1D000] =	vst v63  }
0x1da: {  	_ =	swait.ge [sflag:s30], $0x3E80  }
0x1db: {  	[sflag:s30] =	ssyncset.done $0x0  }
0x1dc: {  	[sflag:s30] =	ssyncadd.s32 $0xFFFFC180  }
0x1dd: {  	[tilespmem:s22], [sflag:$0x1] =	stream.indirect.gather [hbm4b:s1+s25], $0x80, s18, s25, $0xb8;
	[tilespmem:$0x1D000] =	vst v63  }
0x1de: {  	_ =	swait.ge [sflag:s31], $0x3E80  }
0x1df: {  	[sflag:s31] =	ssyncset.done $0x0  }
0x1e0: {  	[sflag:s31] =	ssyncadd.s32 $0xFFFFC180  }
0x1e1: {  	[tilespmem:s26], [sflag:$0x2] =	stream.indirect.gather [hbm4b:s1+s25], $0x80, s19, s25, $0xb8;
	[tilespmem:$0x1D000] =	vst v63  }
0x1e2: {  	_ =	swait.ge [sflag:s28], $0x3E80  }
0x1e3: {  	[sflag:s28] =	ssyncset.done $0x0  }
0x1e4: {  	[sflag:s28] =	ssyncadd.s32 $0xFFFFC180  }
0x1e5: {  	[spmem:s3] =	stream.indirect.scatter.add.f32 [tilespmem:s22], [sflag:$0x3], $0x80, s20, s25, $0xb8;
	[tilespmem:$0x1D000] =	vst v63  }
0x1e6: {  	_ =	swait.ge [sflag:s29], $0x3E80  }
0x1e7: {  	[sflag:s29] =	ssyncset.done $0x0  }
0x1e8: {  	[sflag:s29] =	ssyncadd.s32 $0xFFFFC180  }
0x1e9: {  	[spmem:s3] =	stream.indirect.scatter.add.f32 [tilespmem:s26], [sflag:$0x4], $0x80, s21, s25, $0xb8;
	[tilespmem:$0x1D000] =	vst v63  }
0x1ea: {  	_ =	swait.ge [sflag:s30], $0x3E80  }
0x1eb: {  	[sflag:s30] =	ssyncset.done $0x0  }
0x1ec: {  	[sflag:s30] =	ssyncadd.s32 $0xFFFFC180  }
0x1ed: {  	[tilespmem:s22], [sflag:$0x1] =	stream.indirect.gather [hbm4b:s1+s25], $0x80, s5, s25, $0xb8;
	[tilespmem:$0x1D000] =	vst v63  }
0x1ee: {  	_ =	swait.ge [sflag:s31], $0x3E80  }
0x1ef: {  	[sflag:s31] =	ssyncset.done $0x0  }
0x1f0: {  	[sflag:s31] =	ssyncadd.s32 $0xFFFFC180  }
0x1f1: {  	[tilespmem:s26], [sflag:$0x2] =	stream.indirect.gather [hbm4b:s1+s25], $0x80, s6, s25, $0xb8;
	[tilespmem:$0x1D000] =	vst v63  }
0x1f2: {  	_ =	swait.ge [sflag:s28], $0x3E80  }
0x1f3: {  	[sflag:s28] =	ssyncset.done $0x0  }
0x1f4: {  	[sflag:s28] =	ssyncadd.s32 $0xFFFFC180  }
0x1f5: {  	[spmem:s3] =	stream.indirect.scatter.add.f32 [tilespmem:s22], [sflag:$0x3], $0x80, s7, s25, $0xb8;
	[tilespmem:$0x1D000] =	vst v63  }
0x1f6: {  	_ =	swait.ge [sflag:s29], $0x3E80  }
0x1f7: {  	[sflag:s29] =	ssyncset.done $0x0  }
0x1f8: {  	[sflag:s29] =	ssyncadd.s32 $0xFFFFC180  }
0x1f9: {  	[spmem:s3] =	stream.indirect.scatter.add.f32 [tilespmem:s26], [sflag:$0x4], $0x80, s8, s25, $0xb8;
	[tilespmem:$0x1D000] =	vst v63  }
0x1fa: {  	_ =	swait.ge [sflag:s30], $0x3E80  }
0x1fb: {  	[sflag:s30] =	ssyncset.done $0x0  }
0x1fc: {  	[sflag:s30] =	ssyncadd.s32 $0xFFFFC180  }
0x1fd: {  	_ =	swait.ge [sflag:s31], $0x3E80  }
0x1fe: {  	[sflag:s31] =	ssyncset.done $0x0  }
0x1ff: {  	[sflag:s31] =	ssyncadd.s32 $0xFFFFC180  }
0x200: {  	[bflag:$0x0] =	sbarrier.arrive $0xFFFF  }
0x201: {  	s10 =	rddreg [dreg:$0x15]  }
0x202: {  	[tilespmem:s22], [sflag:$0x5] =	stream.linear.gather [spmem:s10], $0x2800, $0x38;
	[tilespmem:$0x1D000] =	vst v63  }
0x203: {  	_ =	swait.ge [sflag:s23], $0x2800  }
0x204: {  	[sflag:s23] =	ssyncset.done $0x0  }
0x205: {  	s11 =	rddreg [dreg:$0x1e];
	[sflag:s23] =	ssyncadd.s32 $0xFFFFD800  }
0x206: {  	[hbm4b:s11+s4] =	stream.linear.scatter [tilespmem:s22], [sflag:$0x5], $0x2800, $0x38;
	[tilespmem:$0x1D000] =	vst v63  }
0x207: {  	_ =	swait.ge [sflag:s23], $0x2800  }
0x208: {  	[sflag:s23] =	ssyncset.done $0x0  }
0x209: {  	s12 =	rddreg [dreg:$0x16];
	[sflag:s23] =	ssyncadd.s32 $0xFFFFD800  }
0x20a: {  	[tilespmem:s22], [sflag:$0x5] =	stream.linear.gather [spmem:s12], $0x2800, $0x38;
	[tilespmem:$0x1D000] =	vst v63  }
0x20b: {  	_ =	swait.ge [sflag:s23], $0x2800  }
0x20c: {  	[sflag:s23] =	ssyncset.done $0x0  }
0x20d: {  	s10 =	rddreg [dreg:$0x1f];
	[sflag:s23] =	ssyncadd.s32 $0xFFFFD800  }
0x20e: {  	[hbm4b:s10+s4] =	stream.linear.scatter [tilespmem:s22], [sflag:$0x5], $0x2800, $0x38;
	[tilespmem:$0x1D000] =	vst v63  }
0x20f: {  	_ =	swait.ge [sflag:s23], $0x2800  }
0x210: {  	[sflag:s23] =	ssyncset.done $0x0  }
0x211: {  	s11 =	rddreg [dreg:$0x17];
	[sflag:s23] =	ssyncadd.s32 $0xFFFFD800  }
0x212: {  	[tilespmem:s22], [sflag:$0x5] =	stream.linear.gather [spmem:s11], $0x2800, $0x38;
	[tilespmem:$0x1D000] =	vst v63  }
0x213: {  	_ =	swait.ge [sflag:s23], $0x2800  }
0x214: {  	s12 =	sld [smem:$0x7F8]  }
0x215: {  	[sflag:s23] =	ssyncset.done $0x0  }
0x216: {  	[sflag:s23] =	ssyncadd.s32 $0xFFFFD800  }
0x217: {  	[hbm4b:s12+s4] =	stream.linear.scatter [tilespmem:s22], [sflag:$0x5], $0x2800, $0x38;
	[tilespmem:$0x1D000] =	vst v63  }
0x218: {  	_ =	swait.ge [sflag:s23], $0x2800  }
0x219: {  	[sflag:s23] =	ssyncset.done $0x0  }
0x21a: {  	s10 =	rddreg [dreg:$0x18];
	[sflag:s23] =	ssyncadd.s32 $0xFFFFD800  }
0x21b: {  	[tilespmem:s22], [sflag:$0x5] =	stream.linear.gather [spmem:s10], $0x2800, $0x38;
	[tilespmem:$0x1D000] =	vst v63  }
0x21c: {  	_ =	swait.ge [sflag:s23], $0x2800  }
0x21d: {  	s11 =	sld [smem:$0x7F9]  }
0x21e: {  	[sflag:s23] =	ssyncset.done $0x0  }
0x21f: {  	[sflag:s23] =	ssyncadd.s32 $0xFFFFD800  }
0x220: {  	[hbm4b:s11+s4] =	stream.linear.scatter [tilespmem:s22], [sflag:$0x5], $0x2800, $0x38;
	[tilespmem:$0x1D000] =	vst v63  }
0x221: {  	_ =	swait.ge [sflag:s23], $0x2800  }
0x222: {  	[sflag:s23] =	ssyncset.done $0x0  }
0x223: {  	s12 =	rddreg [dreg:$0x19];
	[sflag:s23] =	ssyncadd.s32 $0xFFFFD800  }
0x224: {  	[tilespmem:s22], [sflag:$0x5] =	stream.linear.gather [spmem:s12], $0x2800, $0x38;
	[tilespmem:$0x1D000] =	vst v63  }
0x225: {  	_ =	swait.ge [sflag:s23], $0x2800  }
0x226: {  	s10 =	sld [smem:$0x7FA]  }
0x227: {  	[sflag:s23] =	ssyncset.done $0x0  }
0x228: {  	[sflag:s23] =	ssyncadd.s32 $0xFFFFD800  }
0x229: {  	[hbm4b:s10+s4] =	stream.linear.scatter [tilespmem:s22], [sflag:$0x5], $0x2800, $0x38;
	[tilespmem:$0x1D000] =	vst v63  }
0x22a: {  	_ =	swait.ge [sflag:s23], $0x2800  }
0x22b: {  	[sflag:s23] =	ssyncset.done $0x0  }
0x22c: {  	s11 =	rddreg [dreg:$0x1a];
	[sflag:s23] =	ssyncadd.s32 $0xFFFFD800  }
0x22d: {  	[tilespmem:s22], [sflag:$0x5] =	stream.linear.gather [spmem:s11], $0x2800, $0x38;
	[tilespmem:$0x1D000] =	vst v63  }
0x22e: {  	_ =	swait.ge [sflag:s23], $0x2800  }
0x22f: {  	s12 =	sld [smem:$0x7FB]  }
0x230: {  	[sflag:s23] =	ssyncset.done $0x0  }
0x231: {  	[sflag:s23] =	ssyncadd.s32 $0xFFFFD800  }
0x232: {  	[hbm4b:s12+s4] =	stream.linear.scatter [tilespmem:s22], [sflag:$0x5], $0x2800, $0x38;
	[tilespmem:$0x1D000] =	vst v63  }
0x233: {  	_ =	swait.ge [sflag:s23], $0x2800  }
0x234: {  	[sflag:s23] =	ssyncset.done $0x0  }
0x235: {  	s10 =	rddreg [dreg:$0x1b];
	[sflag:s23] =	ssyncadd.s32 $0xFFFFD800  }
0x236: {  	[tilespmem:s22], [sflag:$0x5] =	stream.linear.gather [spmem:s10], $0x2800, $0x38;
	[tilespmem:$0x1D000] =	vst v63  }
0x237: {  	_ =	swait.ge [sflag:s23], $0x2800  }
0x238: {  	s11 =	sld [smem:$0x7FC]  }
0x239: {  	[sflag:s23] =	ssyncset.done $0x0  }
0x23a: {  	[sflag:s23] =	ssyncadd.s32 $0xFFFFD800  }
0x23b: {  	[hbm4b:s11+s4] =	stream.linear.scatter [tilespmem:s22], [sflag:$0x5], $0x2800, $0x38;
	[tilespmem:$0x1D000] =	vst v63  }
0x23c: {  	_ =	swait.ge [sflag:s23], $0x2800  }
0x23d: {  	[sflag:s23] =	ssyncset.done $0x0  }
0x23e: {  	s12 =	rddreg [dreg:$0x1c];
	[sflag:s23] =	ssyncadd.s32 $0xFFFFD800  }
0x23f: {  	[tilespmem:s22], [sflag:$0x5] =	stream.linear.gather [spmem:s12], $0x2800, $0x38;
	[tilespmem:$0x1D000] =	vst v63  }
0x240: {  	_ =	swait.ge [sflag:s23], $0x2800  }
0x241: {  	s10 =	sld [smem:$0x7FD]  }
0x242: {  	[sflag:s23] =	ssyncset.done $0x0  }
0x243: {  	[sflag:s23] =	ssyncadd.s32 $0xFFFFD800  }
0x244: {  	[hbm4b:s10+s4] =	stream.linear.scatter [tilespmem:s22], [sflag:$0x5], $0x2800, $0x38;
	[tilespmem:$0x1D000] =	vst v63  }
0x245: {  	_ =	swait.ge [sflag:s23], $0x2800  }
0x246: {  	s11 =	sld [smem:$0x7F7];
	_ =	sdelay $0x2  }
0x247: {  	s12 =	rddreg [dreg:$0x1d];
	s10 =	sadd.s32 $0x1, s11  }
0x248: {  	p0 =	sne.s32 s10, s12  }
.Ltmp2:
0x249: {  	_ = 	snop;
	(pc) =	sbr.rel @p0 .LBB2_1-.Ltmp2, $3  }
0x24a: {  	_ =	sdelay $0x1  }
0x24b: {  	[sflag:s23] =	ssyncset.done $0x0  }
0x24c: {  	[sflag:s23] =	ssyncadd.s32 $0xFFFFD800  }
0x24d: {  	_ =	sfence.sel $0x180000  }
0x24e: {  	[bflag:$0x0] =	sbarrier.arrive $0xFFFF  }
0x24f: {  	_ =	strace $0x9000004A  }
0x250: {  	s0 =	stileid.u32;
	[bflag:$0x2] =	sbarrier.arrive $0xFFFF  }
0x251: {  	p0 =	sne.s32 s0, $0x0;
	s0 =	rddreg [dreg:$0x3]  }
0x252: {  	s0 =	sadd.s32 @!p0 $0x100000, s0  }
0x253: {  	[sflag:s0] =	ssyncadd.tile.s32 @!p0 $0x1;
	_ =	shalt  }
.Lfunc_end2:
_tile_overlayer_lowered:
.L_overlay_start_2:
0x254: {  	(tag) =	ssettag $0x2  }
0x255: {  	s0 =	rddreg [dreg:$0x0];
	s2 =	stileid.u32  }
0x256: {  	s1 =	rddreg [dreg:$0x1];
	p0 =	sne.s32 s2, $0x0  }
0x257: {  	s3 =	rddreg [dreg:$0x2];
	[bflag:$0x3] =	sbarrier.arrive $0xFFFF;
	s2 =	simm.s32 @!p0 $0x1C05  }
0x258: {  	[timem:s3], [sflag:s2] =	dma.local @!p0 [hbm:s0], s1  }
0x259: {  	s0 =	simm.s32 @!p0 $0x5  }
0x25a: {  	_ =	swait.ge @!p0 [sflag:s0], s1  }
0x25b: {  	s1 =	ssub.s32 @!p0 $0x0, s1;
	[sflag:s0] =	ssyncset.done @!p0 $0x0  }
0x25c: {  	[sflag:s0] =	ssyncadd.s32 @!p0 s1  }
0x25d: {  	[bflag:$0x3] =	sbarrier.arrive $0xFFFF  }
0x25e: {  	_ =	shalt  }

// kernel: kernel.14.cloned.1.call-start
scs
__scs_entry_jumppad:
0x0: {  	(pc) =	sbr.rel $0x88, $3  }
0x1: {  	(tag) =	ssettag $0x0;
	lr =	simm.s32 $0x1  }
0x2: {  	[smem:$0x3F97] =	sst lr;
	_ =	strace $0xD0000000  }
0x3: {  	_ = 	snop  }
0x4: {  	_ = 	snop  }
0x5: {  	_ = 	snop  }
0x6: {  	_ = 	snop  }
0x7: {  	_ = 	snop  }
__scs_overlays_trampoline_lowered:
0x8: {  	[smem:$0x3FA6] =	sst s0  }
0x9: {  	[smem:$0x3FA7] =	sst s1  }
0xa: {  	[smem:$0x3FA8] =	sst s2  }
0xb: {  	[smem:$0x3FA9] =	sst s3  }
0xc: {  	[smem:$0x3FAA] =	sst s4  }
0xd: {  	[smem:$0x3FAB] =	sst s5  }
0xe: {  	[smem:$0x3FAC] =	sst s6  }
0xf: {  	[smem:$0x3FAD] =	sst s7  }
0x10: {  	[smem:$0x3FAE] =	sst s8  }
0x11: {  	[smem:$0x3FAF] =	sst s9;
	s0 =	simm.s32 @!p0 $0x0  }
0x12: {  	s1 =	sld [smem:$0x3F95];
	s0 =	simm.s32 @p0 $0x1  }
0x13: {  	[smem:$0x3FB0] =	sst s0;
	s0 =	simm.s32 @!p1 $0x0  }
0x14: {  	s2 =	sld [smem:$0x3F94];
	s0 =	simm.s32 @p1 $0x1  }
0x15: {  	[smem:$0x3FB1] =	sst s0;
	s0 =	simm.s32 @!p2 $0x0  }
0x16: {  	s3 =	sld [smem:$0x3FDB];
	s0 =	simm.s32 @p2 $0x1  }
0x17: {  	s4 =	simm.s32 $0x1BF5;
	[smem:$0x3FB3] =	sst s0  }
0x18: {  	s0 =	sld [smem:$0x3F96];
	_ =	swait.ge [sflag:s4], $0x0  }
0x19: {  	s7 =	sld [smem:$0x3F97]  }
0x1a: {  	s8 =	sadd.s32 $0xFFFFE003, lr  }
0x1b: {  	s9 =	sadd.s32 $0xFFFFFEF7, lr;
	s5 =	simm.s32 $0xFFFFFFFF;
	p2 =	slt.u32 s8, $0xFFFFF086  }
0x1c: {  	p1 =	slt.u32 s9, $0xF7A;
	s5 =	simm.s32 @!p2 $0x0  }
0x1d: {  	s5 =	simm.s32 @p1 $0x1;
	p0 =	seq.s32 s7, s2  }
0x1e: {  	s7 =	smul.u32 @!p0 $0xF7A, s2;
	p2 =	seq.s32 @!p0 s5, $0x0  }
0x1f: {  	s9 =	smul.u32 $0xF7A, s1;
	s8 =	simm.s32 @!p0 $0x1BF5;
	p2 =	por !p2, p0  }
0x20: {  	[sflag:s8] =	ssyncset.s32 @!p0 $0xFFFFF086;
	s6 =	sadd.s32 @!p0 s3, s7;
	s7 =	simm.s32 @!p0 $0x108  }
0x21: {  	s3 =	sadd.s32 s3, s9;
	s6 =	sadd.s32 @!p0 $0x88, s6;
	s7 =	simm.s32 @p2 $0x1082  }
0x22: {  	[simem:s7], [sflag:s8] =	dma.local @!p0 [hbm:s6], $0xF7A  }
0x23: {  	s9 =	sor.u32 $0xD0000000, s2;
	s6 =	simm.s32 $0x108;
	_ =	swait.ge @!p0 [sflag:s8], $0x0  }
0x24: {  	s3 =	sadd.s32 $0x88, s3;
	s6 =	simm.s32 @!p1 $0x1082;
	[sflag:s4] =	ssyncset.s32 $0xFFFFF086  }
0x25: {  	[simem:s6], [sflag:s4] =	dma.local [hbm:s3], $0xF7A  }
0x26: {  	[smem:$0x3F97] =	sst s1;
	(tag) =	ssettag s2;
	_ =	strace s9  }
0x27: {  	s1 =	sld [smem:$0x3FA7]  }
0x28: {  	s2 =	sld [smem:$0x3FA8]  }
0x29: {  	s4 =	sld [smem:$0x3FAA]  }
0x2a: {  	p0 =	seq.s32 s5, $0x0;
	s5 =	sld [smem:$0x3FAB]  }
0x2b: {  	s6 =	sld [smem:$0x3FAC]  }
0x2c: {  	s7 =	sld [smem:$0x3FAD]  }
0x2d: {  	s3 =	simm.s32 $0x108;
	s8 =	sld [smem:$0x3FAE]  }
0x2e: {  	s3 =	simm.s32 @!p0 $0x1082;
	s9 =	sld [smem:$0x3FAF]  }
0x2f: {  	lr =	sadd.s32 s0, s3;
	s0 =	sld [smem:$0x3FA6]  }
0x30: {  	s3 =	sld [smem:$0x3FA9]  }
0x31: {  	[smem:$0x3FB2] =	sst s10  }
0x32: {  	s10 =	sld [smem:$0x3FB0];
	_ =	sdelay $0x3  }
0x33: {  	p0 =	seq.s32 s10, $0x1;
	s10 =	sld [smem:$0x3FB2];
	_ =	sdelay $0x3  }
0x34: {  	[smem:$0x3FB2] =	sst s10  }
0x35: {  	s10 =	sld [smem:$0x3FB1];
	_ =	sdelay $0x3  }
0x36: {  	p1 =	seq.s32 s10, $0x1;
	s10 =	sld [smem:$0x3FB2];
	_ =	sdelay $0x3  }
0x37: {  	[smem:$0x3FB2] =	sst s10  }
0x38: {  	s10 =	sld [smem:$0x3FB3]  }
0x39: {  	_ = 	snop;
	(pc) =	sbr.ind lr, $3  }
0x3a: {  	_ = 	snop  }
0x3b: {  	_ = 	snop  }
0x3c: {  	p2 =	seq.s32 s10, $0x1;
	s10 =	sld [smem:$0x3FB2]  }
0x3d: {  	_ =	shalt  }
0x3e: {  	_ =	shalt  }
0x3f: {  	_ =	shalt  }
0x40: {  	_ =	shalt  }
0x41: {  	_ =	shalt  }
0x42: {  	_ =	shalt  }
0x43: {  	_ =	shalt  }
0x44: {  	_ =	shalt  }
0x45: {  	_ =	shalt  }
0x46: {  	_ =	shalt  }
0x47: {  	_ =	shalt  }
0x48: {  	_ =	shalt  }
0x49: {  	_ =	shalt  }
0x4a: {  	_ =	shalt  }
0x4b: {  	_ =	shalt  }
0x4c: {  	_ =	shalt  }
0x4d: {  	_ =	shalt  }
0x4e: {  	_ =	shalt  }
0x4f: {  	_ =	shalt  }
0x50: {  	_ =	shalt  }
0x51: {  	_ =	shalt  }
0x52: {  	_ =	shalt  }
0x53: {  	_ =	shalt  }
0x54: {  	_ =	shalt  }
0x55: {  	_ =	shalt  }
0x56: {  	_ =	shalt  }
0x57: {  	_ =	shalt  }
0x58: {  	_ =	shalt  }
0x59: {  	_ =	shalt  }
0x5a: {  	_ =	shalt  }
0x5b: {  	_ =	shalt  }
0x5c: {  	_ =	shalt  }
0x5d: {  	_ =	shalt  }
0x5e: {  	_ =	shalt  }
0x5f: {  	_ =	shalt  }
0x60: {  	_ =	shalt  }
0x61: {  	_ =	shalt  }
0x62: {  	_ =	shalt  }
0x63: {  	_ =	shalt  }
0x64: {  	_ =	shalt  }
0x65: {  	_ =	shalt  }
0x66: {  	_ =	shalt  }
0x67: {  	_ =	shalt  }
0x68: {  	_ =	shalt  }
0x69: {  	_ =	shalt  }
0x6a: {  	_ =	shalt  }
0x6b: {  	_ =	shalt  }
0x6c: {  	_ =	shalt  }
0x6d: {  	_ =	shalt  }
0x6e: {  	_ =	shalt  }
0x6f: {  	_ =	shalt  }
0x70: {  	_ =	shalt  }
0x71: {  	_ =	shalt  }
0x72: {  	_ =	shalt  }
0x73: {  	_ =	shalt  }
0x74: {  	_ =	shalt  }
0x75: {  	_ =	shalt  }
0x76: {  	_ =	shalt  }
0x77: {  	_ =	shalt  }
0x78: {  	_ =	shalt  }
0x79: {  	_ =	shalt  }
0x7a: {  	_ =	shalt  }
0x7b: {  	_ =	shalt  }
0x7c: {  	_ =	shalt  }
0x7d: {  	_ =	shalt  }
0x7e: {  	_ =	shalt  }
0x7f: {  	_ =	shalt  }
0x80: {  	_ =	shalt  }
0x81: {  	_ =	shalt  }
0x82: {  	_ =	shalt  }
0x83: {  	_ =	shalt  }
0x84: {  	_ =	shalt  }
0x85: {  	_ =	shalt  }
0x86: {  	_ =	shalt  }
0x87: {  	_ =	shalt  }
.Lfunc_end0:
.L_simem_size_0:
called_computation.2_lowered:
.L_overlay_start_0:
0x88: {  	s2 =	sld [smem:$0x3FD9]  }
0x89: {  	s3 =	sld [smem:$0x3FFE];
	_ =	sdelay $0x1  }
0x8a: {  	s1 =	srdreg.scid  }
0x8b: {  	s0 =	sand.u32 $0x1, s1  }
0x8c: {  	s17 =	sshll.u32 s0, $0xA;
	s2 =	sadd.s32 s3, s2  }
0x8d: {  	s2 =	sadd.s32 s2, s17  }
0x8e: {  	[smem:$0x3FBE] =	sst s2  }
0x8f: {  	_ = 	snop  }
0x90: {  	s2 =	sld [smem:$0x3FD0];
	(tm) =	ssettm $0x1  }
0x91: {  	s18 =	sld [smem:$0x3FFB];
	_ =	sdelay $0x3  }
0x92: {  	_ =	strace s18  }
0x93: {  	s3 =	sld [smem:$0x3FFC];
	_ =	sdelay $0x3  }
0x94: {  	_ =	strace s3  }
0x95: {  	s3 =	sld [smem:$0x3FFD];
	_ =	sdelay $0x3  }
0x96: {  	_ =	strace s3  }
0x97: {  	_ =	strace $0x8FFFFFFF  }
0x98: {  	s19 =	sld [smem:$0x3FDB];
	_ =	sdelay $0x1  }
0x99: {  	s4 =	simm.s32 $_scs_section_size  }
0x9a: {  	s5 =	simm.s32 $_size__tile_overlayer_lowered;
	s6 =	simm.s32 $_tile_overlayer_lowered  }
0x9b: {  	s22 =	simm.s32 $0x1BFF;
	s21 =	sshll.u32 s6, $0x1;
	s3 =	sadd.s32 s4, s19  }
0x9c: {  	s7 =	simm.s32 $0x0;
	s20 =	sshll.u32 s5, $0x1;
	s5 =	sadd.s32 s21, s3  }
0x9d: {  	[timem:s7], [sflag:s22] =	dma.local [hbm:s5], s20  }
0x9e: {  	_ =	swait.ge [sflag:s22], s20  }
0x9f: {  	s4 =	ssub.s32 $0x0, s20;
	[sflag:s22] =	ssyncset.done $0x0  }
0xa0: {  	[sflag:s22] =	ssyncadd.s32 s4;
	_ =	sdelay $0x1  }
0xa1: {  	s23 =	simm.s32 $0x1B8B  }
0xa2: {  	_ =	swait.ge [sflag:s23], $0x1  }
0xa3: {  	[sflag:s23] =	ssyncset.done $0x0  }
0xa4: {  	s25 =	simm.s32 $0x1B8E;
	s24 =	sld [smem:$0x3FFE];
	[sflag:s23] =	ssyncadd.s32 $0xFFFFFFFF  }
0xa5: {  	s26 =	simm.s32 $execute0_lowered;
	[smem:$0x3FD2] =	sst s25  }
0xa6: {  	s5 =	sshll.u32 s26, $0x1;
	_ =	strace $0x8000004C;
	[dreg:$0x1] =	wrdreg $0xFFFFFFFF  }
0xa7: {  	s28 =	simm.s32 $_size_execute0_lowered;
	s3 =	sadd.s32 s3, s5;
	[dreg:$0x0] =	wrdreg $0x0  }
0xa8: {  	s5 =	sshll.u32 s28, $0x1;
	[dreg:$0x2] =	wrdreg s3  }
0xa9: {  	[dreg:$0x3] =	wrdreg s5  }
0xaa: {  	[dreg:$0x4] =	wrdreg $0xC0  }
0xab: {  	_ =	task [dreg:s7], $0x5FFFF  }
0xac: {  	[dreg:$0x1] =	wrdreg $0xFFFFFFFF  }
0xad: {  	[dreg:$0x0] =	wrdreg $0x60  }
0xae: {  	[dreg:$0x2] =	wrdreg s2  }
0xaf: {  	[dreg:$0x3] =	wrdreg s24  }
0xb0: {  	[dreg:$0x4] =	wrdreg $0x90000  }
0xb1: {  	[dreg:$0x5] =	wrdreg $0x9  }
0xb2: {  	_ =	task.clear_ibuf [dreg:s7], $0x6FFFF;
	_ =	strace $0x9000004C  }
0xb3: {  	s29 =	simm.s32 $0x9;
	_ =	strace $0x8000004E  }
0xb4: {  	_ =	swait.ge [sflag:s29], $0x1  }
0xb5: {  	[sflag:s29] =	ssyncadd.s32 $0xFFFFFFFF  }
0xb6: {  	_ =	strace $0x9000004E  }
0xb7: {  	_ =	sfence  }
0xb8: {  	s30 =	sld [smem:$0x0];
	_ =	sdelay $0x2  }
0xb9: {  	s31 =	sshll.u32 s1, $0xD;
	s1 =	sshrl.u32 s1, $0x2  }
0xba: {  	s3 =	sand.u32 $0x4000, s31;
	s1 =	sadd.s32 s1, s30  }
0xbb: {  	s0 =	sor.u32 s3, s0;
	s1 =	sshll.u32 s1, $0x11  }
0xbc: {  	s0 =	sor.u32 s1, s0  }
0xbd: {  	s0 =	sadd.s32 $0x8F2B, s0  }
0xbe: {  	[sflag:s0] =	ssyncadd.remote.s32 $0x1  }
0xbf: {  	_ =	sfence.sel $0xFFFF  }
0xc0: {  	[dreg:$0x0] =	wrdreg $0xFFFFFFFF;
	(pc) =	sbr.abs _section_cstart, $3  }
0xc1: {  	[dreg:$0x1] =	wrdreg $0xFFFFFFFF  }
0xc2: {  	_ =	task.clear_ibuf [dreg:s7], $0x2FFFF;
	_ =	strace $0x9FFFFFFF  }
0xc3: {  	(tm) =	ssettm $0x7FFFFFFF  }
tec
execute0_lowered:
.L_overlay_start_1:
0x0: {  	(tag) =	ssettag $0x1  }
0x1: {  	s1 =	rddreg [dreg:$0x0]  }
0x2: {  	s0 =	rddreg [dreg:$0x1]  }
0x3: {  	s2 =	srdreg.scid;
	s9 =	stileid.u32  }
0x4: {  	s3 =	rddreg [dreg:$0x2];
	s5 =	smul.u32 $0x2800, s9  }
0x5: {  	s4 =	simm.s32 $0x0;
	s28 =	simm.s32 $0x1;
	s7 =	smul.u32 $0x280, s9  }
0x6: {  	s2 =	sand.u32 $0x1, s2;
	[smem:$0x7FF] =	sst s4;
	s9 =	smul.u32 $0x50000, s9  }
0x7: {  	s29 =	simm.s32 $0x2;
	_ =	strace $0x8000004D;
	s8 =	ssub.s32 $0x2, s2  }
0x8: {  	s10 =	sshrl.u32 s8, $0x1;
	s11 =	sor.u32 $0x50, s7;
	s9 =	sshrl.u32 s9, $0x2  }
0x9: {  	s20 =	sadd.s32 $0xA0, s7;
	s12 =	sadd.s32 $0xF0, s7;
	s13 =	sadd.s32 $0x140, s7  }
0xa: {  	s24 =	sadd.s32 $0x190, s7;
	s15 =	sadd.s32 $0x1E0, s7;
	s7 =	sadd.s32 $0x230, s7  }
0xb: {  	s8 =	ssub.s32 s8, s10;
	s18 =	sshll.u32 s11, $0x7;
	s9 =	sadd.s32 s9, s3  }
0xc: {  	s21 =	sshll.u32 s20, $0x7;
	[dreg:$0x15] =	wrdreg s9;
	s19 =	sadd.s32 s18, s3  }
0xd: {  	s14 =	sshll.u32 s13, $0x7;
	s10 =	sadd.s32 s21, s3;
	[dreg:$0x16] =	wrdreg s19  }
0xe: {  	s25 =	sshll.u32 s24, $0x7;
	s23 =	sadd.s32 s14, s3;
	[dreg:$0x17] =	wrdreg s10  }
0xf: {  	s16 =	sshll.u32 s7, $0x7;
	s14 =	sadd.s32 s25, s3;
	[dreg:$0x19] =	wrdreg s23  }
0x10: {  	s30 =	simm.s32 $0x3;
	s17 =	sadd.s32 s16, s3;
	[dreg:$0x1a] =	wrdreg s14  }
0x11: {  	s31 =	simm.s32 $0x4;
	s8 =	smax.u32 s8, $0x1;
	[dreg:$0x1c] =	wrdreg s17  }
0x12: {  	s22 =	sshll.u32 s12, $0x7;
	s25 =	simm.s32 $0x180;
	[dreg:$0x1d] =	wrdreg s8  }
0x13: {  	s26 =	sshll.u32 s15, $0x7;
	s10 =	sadd.s32 s22, s3;
	[dreg:$0x9] =	wrdreg s25  }
0x14: {  	s6 =	smul.u32 $0x28000, s2;
	s14 =	sadd.s32 s26, s3;
	[dreg:$0x18] =	wrdreg s10  }
0x15: {  	p0 =	seq.s32 s2, $0x0;
	s22 =	simm.s32 $0x80;
	[dreg:$0x1b] =	wrdreg s14  }
0x16: {  	s6 =	sadd.s32 s5, s6;
	s23 =	simm.s32 $0x880;
	[dreg:$0x6] =	wrdreg s22  }
0x17: {  	s7 =	sshll.u32 s7, $0x4;
	s26 =	simm.s32 $0x900;
	[dreg:$0x7] =	wrdreg s23  }
0x18: {  	s6 =	sshrl.u32 s6, $0x3;
	s17 =	simm.s32 $0xA00;
	[dreg:$0xa] =	wrdreg s26  }
0x19: {  	s6 =	sadd.s32 s6, s0;
	s25 =	simm.s32 $0xB80;
	[dreg:$0xe] =	wrdreg s17  }
0x1a: {  	s18 =	sshll.u32 s11, $0x4;
	s21 =	sadd.s32 $0x5200, s6;
	[dreg:$0x13] =	wrdreg s25  }
0x1b: {  	s9 =	sshll.u32 s20, $0x4;
	s6 =	sadd.s32 $0xF200, s6;
	[dreg:$0x4] =	wrdreg s21  }
0x1c: {  	s10 =	sshll.u32 s24, $0x4;
	s24 =	simm.s32 $0x100;
	[dreg:$0x5] =	wrdreg s6  }
0x1d: {  	s14 =	sshll.u32 s15, $0x4;
	s15 =	simm.s32 $0x280;
	[dreg:$0x8] =	wrdreg s24  }
0x1e: {  	s20 =	sshll.u32 s13, $0x4;
	s23 =	simm.s32 $0x380;
	[dreg:$0xd] =	wrdreg s15  }
0x1f: {  	s8 =	simm.s32 $0x40400;
	s26 =	simm.s32 $0x400;
	[dreg:$0x11] =	wrdreg s23  }
0x20: {  	s8 =	simm.s32 @!p0 $0x68400;
	s6 =	simm.s32 $0x980;
	[dreg:$0x14] =	wrdreg s26  }
0x21: {  	s0 =	sadd.s32 s8, s0;
	s8 =	simm.s32 $0x200;
	[dreg:$0xb] =	wrdreg s6  }
0x22: {  	s19 =	sshll.u32 s12, $0x4;
	s21 =	simm.s32 $0x300;
	[dreg:$0xc] =	wrdreg s8  }
0x23: {  	s25 =	simm.s32 $0x7D;
	s24 =	simm.s32 $0xB00;
	[dreg:$0x10] =	wrdreg s21  }
0x24: {  	s17 =	simm.s32 $0xD80;
	s5 =	sadd.s32 s0, s5;
	[dreg:$0x12] =	wrdreg s24  }
0x25: {  	s23 =	simm.s32 $0x5;
	s2 =	sadd.s32 s0, s18;
	[dreg:$0x1e] =	wrdreg s5  }
0x26: {  	s26 =	simm.s32 $0x5000;
	s13 =	sadd.s32 s0, s9;
	[dreg:$0x1f] =	wrdreg s2  }
0x27: {  	s15 =	simm.s32 $0x580;
	s16 =	sadd.s32 s0, s19;
	[smem:$0x7F8] =	sst s13  }
0x28: {  	s18 =	sadd.s32 s0, s20;
	s19 =	simm.s32 $0xA80;
	[smem:$0x7F9] =	sst s16  }
0x29: {  	s20 =	sadd.s32 s0, s10;
	s22 =	sadd.s32 s0, s14;
	[smem:$0x7FA] =	sst s18  }
0x2a: {  	s0 =	sadd.s32 s0, s7;
	s24 =	simm.s32 $0x800;
	[smem:$0x7FB] =	sst s20  }
0x2b: {  	s14 =	simm.s32 $0x500;
	s21 =	simm.s32 $0xE80;
	[dreg:$0xf] =	wrdreg s19  }
0x2c: {  	s6 =	simm.s32 $0x780;
	s7 =	simm.s32 $0xF00;
	[smem:$0x7FC] =	sst s22  }
0x2d: {  	s8 =	simm.s32 $0xF80;
	s10 =	simm.s32 $0x0;
	[smem:$0x7FD] =	sst s0  }
0x2e: {  	s22 =	simm.s32 $0x1000;
	s2 =	simm.s32 $0x480;
	s0 =	simm.s32 $0xC00  }
0x2f: {  	s13 =	simm.s32 $0xC80;
	s16 =	simm.s32 $0xD00;
	s18 =	simm.s32 $0x600  }
0x30: {  	v0 =	vimm.f32 $0.0e+00;
	s19 =	simm.s32 $0x680;
	s20 =	simm.s32 $0xE00;
	s5 =	simm.s32 $0x700  }
.LBB2_1:
0x31: {  	[smem:$0x7F7] =	sst s10;
	s10 =	simm.s32 $0x0;
	s11 =	simm.s32 $0x200  }
.LBB2_2:
0x32: {  	p0 =	sne.s32 s11, $0xF800;
	[tilespmem:s10+$0x1070] =	vst v0  }
0x33: {  	[tilespmem:s10+$0x1000] =	vst v0  }
0x34: {  	[tilespmem:s10+$0x1010] =	vst v0  }
.Ltmp0:
0x35: {  	[tilespmem:s10+$0x1020] =	vst v0;
	(pc) =	sbr.rel @p0 .LBB2_2-.Ltmp0, $4  }
0x36: {  	[tilespmem:s10+$0x1030] =	vst v0  }
0x37: {  	[tilespmem:s10+$0x1040] =	vst v0  }
0x38: {  	[tilespmem:s10+$0x1050] =	vst v0  }
0x39: {  	[tilespmem:s10+$0x1060] =	vst v0;
	s10 =	sshra.s32 s11, $0x2;
	s11 =	sadd.s32 $0x200, s11  }
0x3a: {  	[tilespmem:s10+$0x1070] =	vst v0  }
0x3b: {  	[tilespmem:s10+$0x1000] =	vst v0  }
0x3c: {  	[tilespmem:s10+$0x1010] =	vst v0  }
0x3d: {  	[tilespmem:s10+$0x1020] =	vst v0  }
0x3e: {  	[tilespmem:s10+$0x1030] =	vst v0  }
0x3f: {  	[tilespmem:s10+$0x1040] =	vst v0  }
0x40: {  	[tilespmem:s10+$0x1050] =	vst v0  }
0x41: {  	[tilespmem:s10+$0x1060] =	vst v0;
	s9 =	rddreg [dreg:$0x15]  }
0x42: {  	[spmem:s9] =	stream.linear.scatter [tilespmem:s22], [sflag:$0x5], $0x2800, $0x38;
	[tilespmem:$0x1D000] =	vst v63  }
0x43: {  	_ =	swait.ge [sflag:s23], $0x2800  }
0x44: {  	[sflag:s23] =	ssyncset.done $0x0  }
0x45: {  	s10 =	rddreg [dreg:$0x16];
	[sflag:s23] =	ssyncadd.s32 $0xFFFFD800  }
0x46: {  	[spmem:s10] =	stream.linear.scatter [tilespmem:s22], [sflag:$0x5], $0x2800, $0x38;
	[tilespmem:$0x1D000] =	vst v63  }
0x47: {  	_ =	swait.ge [sflag:s23], $0x2800  }
0x48: {  	[sflag:s23] =	ssyncset.done $0x0  }
0x49: {  	s11 =	rddreg [dreg:$0x17];
	[sflag:s23] =	ssyncadd.s32 $0xFFFFD800  }
0x4a: {  	[spmem:s11] =	stream.linear.scatter [tilespmem:s22], [sflag:$0x5], $0x2800, $0x38;
	[tilespmem:$0x1D000] =	vst v63  }
0x4b: {  	_ =	swait.ge [sflag:s23], $0x2800  }
0x4c: {  	[sflag:s23] =	ssyncset.done $0x0  }
0x4d: {  	s12 =	rddreg [dreg:$0x18];
	[sflag:s23] =	ssyncadd.s32 $0xFFFFD800  }
0x4e: {  	[spmem:s12] =	stream.linear.scatter [tilespmem:s22], [sflag:$0x5], $0x2800, $0x38;
	[tilespmem:$0x1D000] =	vst v63  }
0x4f: {  	_ =	swait.ge [sflag:s23], $0x2800  }
0x50: {  	[sflag:s23] =	ssyncset.done $0x0  }
0x51: {  	s10 =	rddreg [dreg:$0x19];
	[sflag:s23] =	ssyncadd.s32 $0xFFFFD800  }
0x52: {  	[spmem:s10] =	stream.linear.scatter [tilespmem:s22], [sflag:$0x5], $0x2800, $0x38;
	[tilespmem:$0x1D000] =	vst v63  }
0x53: {  	_ =	swait.ge [sflag:s23], $0x2800  }
0x54: {  	[sflag:s23] =	ssyncset.done $0x0  }
0x55: {  	s11 =	rddreg [dreg:$0x1a];
	[sflag:s23] =	ssyncadd.s32 $0xFFFFD800  }
0x56: {  	[spmem:s11] =	stream.linear.scatter [tilespmem:s22], [sflag:$0x5], $0x2800, $0x38;
	[tilespmem:$0x1D000] =	vst v63  }
0x57: {  	_ =	swait.ge [sflag:s23], $0x2800  }
0x58: {  	[sflag:s23] =	ssyncset.done $0x0  }
0x59: {  	s12 =	rddreg [dreg:$0x1b];
	[sflag:s23] =	ssyncadd.s32 $0xFFFFD800  }
0x5a: {  	[spmem:s12] =	stream.linear.scatter [tilespmem:s22], [sflag:$0x5], $0x2800, $0x38;
	[tilespmem:$0x1D000] =	vst v63  }
0x5b: {  	_ =	swait.ge [sflag:s23], $0x2800  }
0x5c: {  	[sflag:s23] =	ssyncset.done $0x0  }
0x5d: {  	s10 =	rddreg [dreg:$0x1c];
	[sflag:s23] =	ssyncadd.s32 $0xFFFFD800  }
0x5e: {  	[spmem:s10] =	stream.linear.scatter [tilespmem:s22], [sflag:$0x5], $0x2800, $0x38;
	[tilespmem:$0x1D000] =	vst v63  }
0x5f: {  	_ =	swait.ge [sflag:s23], $0x2800  }
0x60: {  	[sflag:s23] =	ssyncset.done $0x0  }
0x61: {  	[sflag:s23] =	ssyncadd.s32 $0xFFFFD800  }
0x62: {  	[bflag:$0x0] =	sbarrier.arrive $0xFFFF  }
0x63: {  	s11 =	rddreg [dreg:$0x5]  }
0x64: {  	s10 =	sadd.s32 $0x0, s11  }
0x65: {  	[tilespmem:s4], [sflag:$0x5] =	stream.linear.gather [hbm4b:s10+s4], $0x800, $0x38;
	[tilespmem:$0x1D000] =	vst v63  }
0x66: {  	_ =	swait.ge [sflag:s23], $0x800  }
0x67: {  	s12 =	rddreg [dreg:$0x4];
	[sflag:s23] =	ssyncset.done $0x0  }
0x68: {  	[sflag:s23] =	ssyncadd.s32 $0xFFFFF800;
	s10 =	sadd.s32 $0x0, s12  }
0x69: {  	[tilespmem:s24], [sflag:$0x5] =	stream.linear.gather [hbm4b:s10+s4], $0x800, $0x38;
	[tilespmem:$0x1D000] =	vst v63  }
0x6a: {  	_ =	swait.ge [sflag:s23], $0x800  }
0x6b: {  	[sflag:s23] =	ssyncset.done $0x0  }
0x6c: {  	[sflag:s23] =	ssyncadd.s32 $0xFFFFF800  }
0x6d: {  	[tilespmem:s22], [sflag:$0x1] =	stream.indirect.gather [hbm4b:s1+s25], $0x80, s4, s25, $0xb8;
	[tilespmem:$0x1D000] =	vst v63  }
0x6e: {  	s9 =	rddreg [dreg:$0x6]  }
0x6f: {  	[tilespmem:s26], [sflag:$0x2] =	stream.indirect.gather [hbm4b:s1+s25], $0x80, s9, s25, $0xb8;
	[tilespmem:$0x1D000] =	vst v63  }
0x70: {  	_ =	swait.ge [sflag:s28], $0x3E80  }
0x71: {  	[sflag:s28] =	ssyncset.done $0x0  }
0x72: {  	[sflag:s28] =	ssyncadd.s32 $0xFFFFC180  }
0x73: {  	[spmem:s3] =	stream.indirect.scatter.add.f32 [tilespmem:s22], [sflag:$0x3], $0x80, s24, s25, $0xb8;
	[tilespmem:$0x1D000] =	vst v63  }
0x74: {  	_ =	swait.ge [sflag:s29], $0x3E80  }
0x75: {  	[sflag:s29] =	ssyncset.done $0x0  }
0x76: {  	s11 =	rddreg [dreg:$0x7];
	[sflag:s29] =	ssyncadd.s32 $0xFFFFC180  }
0x77: {  	[spmem:s3] =	stream.indirect.scatter.add.f32 [tilespmem:s26], [sflag:$0x4], $0x80, s11, s25, $0xb8;
	[tilespmem:$0x1D000] =	vst v63  }
0x78: {  	_ =	swait.ge [sflag:s30], $0x3E80  }
0x79: {  	[sflag:s30] =	ssyncset.done $0x0  }
0x7a: {  	s12 =	rddreg [dreg:$0x8];
	[sflag:s30] =	ssyncadd.s32 $0xFFFFC180  }
0x7b: {  	[tilespmem:s22], [sflag:$0x1] =	stream.indirect.gather [hbm4b:s1+s25], $0x80, s12, s25, $0xb8;
	[tilespmem:$0x1D000] =	vst v63  }
0x7c: {  	_ =	swait.ge [sflag:s31], $0x3E80  }
0x7d: {  	[sflag:s31] =	ssyncset.done $0x0  }
0x7e: {  	s9 =	rddreg [dreg:$0x9];
	[sflag:s31] =	ssyncadd.s32 $0xFFFFC180  }
0x7f: {  	[tilespmem:s26], [sflag:$0x2] =	stream.indirect.gather [hbm4b:s1+s25], $0x80, s9, s25, $0xb8;
	[tilespmem:$0x1D000] =	vst v63  }
0x80: {  	_ =	swait.ge [sflag:s28], $0x3E80  }
0x81: {  	[sflag:s28] =	ssyncset.done $0x0  }
0x82: {  	s11 =	rddreg [dreg:$0xa];
	[sflag:s28] =	ssyncadd.s32 $0xFFFFC180  }
0x83: {  	[spmem:s3] =	stream.indirect.scatter.add.f32 [tilespmem:s22], [sflag:$0x3], $0x80, s11, s25, $0xb8;
	[tilespmem:$0x1D000] =	vst v63  }
0x84: {  	_ =	swait.ge [sflag:s29], $0x3E80  }
0x85: {  	[sflag:s29] =	ssyncset.done $0x0  }
0x86: {  	s12 =	rddreg [dreg:$0xb];
	[sflag:s29] =	ssyncadd.s32 $0xFFFFC180  }
0x87: {  	[spmem:s3] =	stream.indirect.scatter.add.f32 [tilespmem:s26], [sflag:$0x4], $0x80, s12, s25, $0xb8;
	[tilespmem:$0x1D000] =	vst v63  }
0x88: {  	_ =	swait.ge [sflag:s30], $0x3E80  }
0x89: {  	[sflag:s30] =	ssyncset.done $0x0  }
0x8a: {  	s9 =	rddreg [dreg:$0xc];
	[sflag:s30] =	ssyncadd.s32 $0xFFFFC180  }
0x8b: {  	[tilespmem:s22], [sflag:$0x1] =	stream.indirect.gather [hbm4b:s1+s25], $0x80, s9, s25, $0xb8;
	[tilespmem:$0x1D000] =	vst v63  }
0x8c: {  	_ =	swait.ge [sflag:s31], $0x3E80  }
0x8d: {  	[sflag:s31] =	ssyncset.done $0x0  }
0x8e: {  	s11 =	rddreg [dreg:$0xd];
	[sflag:s31] =	ssyncadd.s32 $0xFFFFC180  }
0x8f: {  	[tilespmem:s26], [sflag:$0x2] =	stream.indirect.gather [hbm4b:s1+s25], $0x80, s11, s25, $0xb8;
	[tilespmem:$0x1D000] =	vst v63  }
0x90: {  	_ =	swait.ge [sflag:s28], $0x3E80  }
0x91: {  	[sflag:s28] =	ssyncset.done $0x0  }
0x92: {  	s12 =	rddreg [dreg:$0xe];
	[sflag:s28] =	ssyncadd.s32 $0xFFFFC180  }
0x93: {  	[spmem:s3] =	stream.indirect.scatter.add.f32 [tilespmem:s22], [sflag:$0x3], $0x80, s12, s25, $0xb8;
	[tilespmem:$0x1D000] =	vst v63  }
0x94: {  	_ =	swait.ge [sflag:s29], $0x3E80  }
0x95: {  	[sflag:s29] =	ssyncset.done $0x0  }
0x96: {  	s9 =	rddreg [dreg:$0xf];
	[sflag:s29] =	ssyncadd.s32 $0xFFFFC180  }
0x97: {  	[spmem:s3] =	stream.indirect.scatter.add.f32 [tilespmem:s26], [sflag:$0x4], $0x80, s9, s25, $0xb8;
	[tilespmem:$0x1D000] =	vst v63  }
0x98: {  	_ =	swait.ge [sflag:s30], $0x3E80  }
0x99: {  	[sflag:s30] =	ssyncset.done $0x0  }
0x9a: {  	s11 =	rddreg [dreg:$0x10];
	[sflag:s30] =	ssyncadd.s32 $0xFFFFC180  }
0x9b: {  	[tilespmem:s22], [sflag:$0x1] =	stream.indirect.gather [hbm4b:s1+s25], $0x80, s11, s25, $0xb8;
	[tilespmem:$0x1D000] =	vst v63  }
0x9c: {  	_ =	swait.ge [sflag:s31], $0x3E80  }
0x9d: {  	[sflag:s31] =	ssyncset.done $0x0  }
0x9e: {  	s12 =	rddreg [dreg:$0x11];
	[sflag:s31] =	ssyncadd.s32 $0xFFFFC180  }
0x9f: {  	[tilespmem:s26], [sflag:$0x2] =	stream.indirect.gather [hbm4b:s1+s25], $0x80, s12, s25, $0xb8;
	[tilespmem:$0x1D000] =	vst v63  }
0xa0: {  	_ =	swait.ge [sflag:s28], $0x3E80  }
0xa1: {  	[sflag:s28] =	ssyncset.done $0x0  }
0xa2: {  	s9 =	rddreg [dreg:$0x12];
	[sflag:s28] =	ssyncadd.s32 $0xFFFFC180  }
0xa3: {  	[spmem:s3] =	stream.indirect.scatter.add.f32 [tilespmem:s22], [sflag:$0x3], $0x80, s9, s25, $0xb8;
	[tilespmem:$0x1D000] =	vst v63  }
0xa4: {  	_ =	swait.ge [sflag:s29], $0x3E80  }
0xa5: {  	[sflag:s29] =	ssyncset.done $0x0  }
0xa6: {  	s11 =	rddreg [dreg:$0x13];
	[sflag:s29] =	ssyncadd.s32 $0xFFFFC180  }
0xa7: {  	[spmem:s3] =	stream.indirect.scatter.add.f32 [tilespmem:s26], [sflag:$0x4], $0x80, s11, s25, $0xb8;
	[tilespmem:$0x1D000] =	vst v63  }
0xa8: {  	_ =	swait.ge [sflag:s30], $0x3E80  }
0xa9: {  	[sflag:s30] =	ssyncset.done $0x0  }
0xaa: {  	s12 =	rddreg [dreg:$0x14];
	[sflag:s30] =	ssyncadd.s32 $0xFFFFC180  }
0xab: {  	[tilespmem:s22], [sflag:$0x1] =	stream.indirect.gather [hbm4b:s1+s25], $0x80, s12, s25, $0xb8;
	[tilespmem:$0x1D000] =	vst v63  }
0xac: {  	_ =	swait.ge [sflag:s31], $0x3E80  }
0xad: {  	[sflag:s31] =	ssyncset.done $0x0  }
0xae: {  	[sflag:s31] =	ssyncadd.s32 $0xFFFFC180  }
0xaf: {  	[tilespmem:s26], [sflag:$0x2] =	stream.indirect.gather [hbm4b:s1+s25], $0x80, s2, s25, $0xb8;
	[tilespmem:$0x1D000] =	vst v63  }
0xb0: {  	_ =	swait.ge [sflag:s28], $0x3E80  }
0xb1: {  	[sflag:s28] =	ssyncset.done $0x0  }
0xb2: {  	[sflag:s28] =	ssyncadd.s32 $0xFFFFC180  }
0xb3: {  	[spmem:s3] =	stream.indirect.scatter.add.f32 [tilespmem:s22], [sflag:$0x3], $0x80, s0, s25, $0xb8;
	[tilespmem:$0x1D000] =	vst v63  }
0xb4: {  	_ =	swait.ge [sflag:s29], $0x3E80  }
0xb5: {  	[sflag:s29] =	ssyncset.done $0x0  }
0xb6: {  	[sflag:s29] =	ssyncadd.s32 $0xFFFFC180  }
0xb7: {  	[spmem:s3] =	stream.indirect.scatter.add.f32 [tilespmem:s26], [sflag:$0x4], $0x80, s13, s25, $0xb8;
	[tilespmem:$0x1D000] =	vst v63  }
0xb8: {  	_ =	swait.ge [sflag:s30], $0x3E80  }
0xb9: {  	[sflag:s30] =	ssyncset.done $0x0  }
0xba: {  	[sflag:s30] =	ssyncadd.s32 $0xFFFFC180  }
0xbb: {  	[tilespmem:s22], [sflag:$0x1] =	stream.indirect.gather [hbm4b:s1+s25], $0x80, s14, s25, $0xb8;
	[tilespmem:$0x1D000] =	vst v63  }
0xbc: {  	_ =	swait.ge [sflag:s31], $0x3E80  }
0xbd: {  	[sflag:s31] =	ssyncset.done $0x0  }
0xbe: {  	[sflag:s31] =	ssyncadd.s32 $0xFFFFC180  }
0xbf: {  	[tilespmem:s26], [sflag:$0x2] =	stream.indirect.gather [hbm4b:s1+s25], $0x80, s15, s25, $0xb8;
	[tilespmem:$0x1D000] =	vst v63  }
0xc0: {  	_ =	swait.ge [sflag:s28], $0x3E80  }
0xc1: {  	[sflag:s28] =	ssyncset.done $0x0  }
0xc2: {  	[sflag:s28] =	ssyncadd.s32 $0xFFFFC180  }
0xc3: {  	[spmem:s3] =	stream.indirect.scatter.add.f32 [tilespmem:s22], [sflag:$0x3], $0x80, s16, s25, $0xb8;
	[tilespmem:$0x1D000] =	vst v63  }
0xc4: {  	_ =	swait.ge [sflag:s29], $0x3E80  }
0xc5: {  	[sflag:s29] =	ssyncset.done $0x0  }
0xc6: {  	[sflag:s29] =	ssyncadd.s32 $0xFFFFC180  }
0xc7: {  	[spmem:s3] =	stream.indirect.scatter.add.f32 [tilespmem:s26], [sflag:$0x4], $0x80, s17, s25, $0xb8;
	[tilespmem:$0x1D000] =	vst v63  }
0xc8: {  	_ =	swait.ge [sflag:s30], $0x3E80  }
0xc9: {  	[sflag:s30] =	ssyncset.done $0x0  }
0xca: {  	[sflag:s30] =	ssyncadd.s32 $0xFFFFC180  }
0xcb: {  	[tilespmem:s22], [sflag:$0x1] =	stream.indirect.gather [hbm4b:s1+s25], $0x80, s18, s25, $0xb8;
	[tilespmem:$0x1D000] =	vst v63  }
0xcc: {  	_ =	swait.ge [sflag:s31], $0x3E80  }
0xcd: {  	[sflag:s31] =	ssyncset.done $0x0  }
0xce: {  	[sflag:s31] =	ssyncadd.s32 $0xFFFFC180  }
0xcf: {  	[tilespmem:s26], [sflag:$0x2] =	stream.indirect.gather [hbm4b:s1+s25], $0x80, s19, s25, $0xb8;
	[tilespmem:$0x1D000] =	vst v63  }
0xd0: {  	_ =	swait.ge [sflag:s28], $0x3E80  }
0xd1: {  	[sflag:s28] =	ssyncset.done $0x0  }
0xd2: {  	[sflag:s28] =	ssyncadd.s32 $0xFFFFC180  }
0xd3: {  	[spmem:s3] =	stream.indirect.scatter.add.f32 [tilespmem:s22], [sflag:$0x3], $0x80, s20, s25, $0xb8;
	[tilespmem:$0x1D000] =	vst v63  }
0xd4: {  	_ =	swait.ge [sflag:s29], $0x3E80  }
0xd5: {  	[sflag:s29] =	ssyncset.done $0x0  }
0xd6: {  	[sflag:s29] =	ssyncadd.s32 $0xFFFFC180  }
0xd7: {  	[spmem:s3] =	stream.indirect.scatter.add.f32 [tilespmem:s26], [sflag:$0x4], $0x80, s21, s25, $0xb8;
	[tilespmem:$0x1D000] =	vst v63  }
0xd8: {  	_ =	swait.ge [sflag:s30], $0x3E80  }
0xd9: {  	[sflag:s30] =	ssyncset.done $0x0  }
0xda: {  	[sflag:s30] =	ssyncadd.s32 $0xFFFFC180  }
0xdb: {  	[tilespmem:s22], [sflag:$0x1] =	stream.indirect.gather [hbm4b:s1+s25], $0x80, s5, s25, $0xb8;
	[tilespmem:$0x1D000] =	vst v63  }
0xdc: {  	_ =	swait.ge [sflag:s31], $0x3E80  }
0xdd: {  	[sflag:s31] =	ssyncset.done $0x0  }
0xde: {  	[sflag:s31] =	ssyncadd.s32 $0xFFFFC180  }
0xdf: {  	[tilespmem:s26], [sflag:$0x2] =	stream.indirect.gather [hbm4b:s1+s25], $0x80, s6, s25, $0xb8;
	[tilespmem:$0x1D000] =	vst v63  }
0xe0: {  	_ =	swait.ge [sflag:s28], $0x3E80  }
0xe1: {  	[sflag:s28] =	ssyncset.done $0x0  }
0xe2: {  	[sflag:s28] =	ssyncadd.s32 $0xFFFFC180  }
0xe3: {  	[spmem:s3] =	stream.indirect.scatter.add.f32 [tilespmem:s22], [sflag:$0x3], $0x80, s7, s25, $0xb8;
	[tilespmem:$0x1D000] =	vst v63  }
0xe4: {  	_ =	swait.ge [sflag:s29], $0x3E80  }
0xe5: {  	[sflag:s29] =	ssyncset.done $0x0  }
0xe6: {  	[sflag:s29] =	ssyncadd.s32 $0xFFFFC180  }
0xe7: {  	[spmem:s3] =	stream.indirect.scatter.add.f32 [tilespmem:s26], [sflag:$0x4], $0x80, s8, s25, $0xb8;
	[tilespmem:$0x1D000] =	vst v63  }
0xe8: {  	_ =	swait.ge [sflag:s30], $0x3E80  }
0xe9: {  	[sflag:s30] =	ssyncset.done $0x0  }
0xea: {  	[sflag:s30] =	ssyncadd.s32 $0xFFFFC180  }
0xeb: {  	s10 =	simm.s32 $0x100;
	_ =	swait.ge [sflag:s31], $0x3E80  }
0xec: {  	s11 =	simm.s32 $0x200;
	s12 =	rddreg [dreg:$0x5];
	[sflag:s31] =	ssyncset.done $0x0  }
.LBB2_4:
0xed: {  	[sflag:s31] =	ssyncadd.s32 $0xFFFFC180;
	s12 =	sadd.s32 s10, s12  }
0xee: {  	[tilespmem:s4], [sflag:$0x5] =	stream.linear.gather [hbm4b:s12+s4], $0x800, $0x38;
	[tilespmem:$0x1D000] =	vst v63  }
0xef: {  	_ =	swait.ge [sflag:s23], $0x800  }
0xf0: {  	s12 =	rddreg [dreg:$0x4];
	[sflag:s23] =	ssyncset.done $0x0  }
0xf1: {  	[sflag:s23] =	ssyncadd.s32 $0xFFFFF800;
	s12 =	sadd.s32 s10, s12  }
0xf2: {  	[tilespmem:s24], [sflag:$0x5] =	stream.linear.gather [hbm4b:s12+s4], $0x800, $0x38;
	[tilespmem:$0x1D000] =	vst v63  }
0xf3: {  	_ =	swait.ge [sflag:s23], $0x800  }
0xf4: {  	[sflag:s23] =	ssyncset.done $0x0  }
0xf5: {  	[sflag:s23] =	ssyncadd.s32 $0xFFFFF800  }
0xf6: {  	[tilespmem:s22], [sflag:$0x1] =	stream.indirect.gather [hbm4b:s1+s25], $0x80, s4, s25, $0xb8;
	[tilespmem:$0x1D000] =	vst v63  }
0xf7: {  	s12 =	rddreg [dreg:$0x6]  }
0xf8: {  	[tilespmem:s26], [sflag:$0x2] =	stream.indirect.gather [hbm4b:s1+s25], $0x80, s12, s25, $0xb8;
	[tilespmem:$0x1D000] =	vst v63  }
0xf9: {  	_ =	swait.ge [sflag:s28], $0x3E80  }
0xfa: {  	[sflag:s28] =	ssyncset.done $0x0  }
0xfb: {  	[sflag:s28] =	ssyncadd.s32 $0xFFFFC180  }
0xfc: {  	[spmem:s3] =	stream.indirect.scatter.add.f32 [tilespmem:s22], [sflag:$0x3], $0x80, s24, s25, $0xb8;
	[tilespmem:$0x1D000] =	vst v63  }
0xfd: {  	_ =	swait.ge [sflag:s29], $0x3E80  }
0xfe: {  	[sflag:s29] =	ssyncset.done $0x0  }
0xff: {  	s12 =	rddreg [dreg:$0x7];
	[sflag:s29] =	ssyncadd.s32 $0xFFFFC180  }
0x100: {  	[spmem:s3] =	stream.indirect.scatter.add.f32 [tilespmem:s26], [sflag:$0x4], $0x80, s12, s25, $0xb8;
	[tilespmem:$0x1D000] =	vst v63  }
0x101: {  	_ =	swait.ge [sflag:s30], $0x3E80  }
0x102: {  	[sflag:s30] =	ssyncset.done $0x0  }
0x103: {  	s12 =	rddreg [dreg:$0x8];
	[sflag:s30] =	ssyncadd.s32 $0xFFFFC180  }
0x104: {  	[tilespmem:s22], [sflag:$0x1] =	stream.indirect.gather [hbm4b:s1+s25], $0x80, s12, s25, $0xb8;
	[tilespmem:$0x1D000] =	vst v63  }
0x105: {  	_ =	swait.ge [sflag:s31], $0x3E80  }
0x106: {  	[sflag:s31] =	ssyncset.done $0x0  }
0x107: {  	s12 =	rddreg [dreg:$0x9];
	[sflag:s31] =	ssyncadd.s32 $0xFFFFC180  }
0x108: {  	[tilespmem:s26], [sflag:$0x2] =	stream.indirect.gather [hbm4b:s1+s25], $0x80, s12, s25, $0xb8;
	[tilespmem:$0x1D000] =	vst v63  }
0x109: {  	_ =	swait.ge [sflag:s28], $0x3E80  }
0x10a: {  	[sflag:s28] =	ssyncset.done $0x0  }
0x10b: {  	s12 =	rddreg [dreg:$0xa];
	[sflag:s28] =	ssyncadd.s32 $0xFFFFC180  }
0x10c: {  	[spmem:s3] =	stream.indirect.scatter.add.f32 [tilespmem:s22], [sflag:$0x3], $0x80, s12, s25, $0xb8;
	[tilespmem:$0x1D000] =	vst v63  }
0x10d: {  	_ =	swait.ge [sflag:s29], $0x3E80  }
0x10e: {  	[sflag:s29] =	ssyncset.done $0x0  }
0x10f: {  	s12 =	rddreg [dreg:$0xb];
	[sflag:s29] =	ssyncadd.s32 $0xFFFFC180  }
0x110: {  	[spmem:s3] =	stream.indirect.scatter.add.f32 [tilespmem:s26], [sflag:$0x4], $0x80, s12, s25, $0xb8;
	[tilespmem:$0x1D000] =	vst v63  }
0x111: {  	_ =	swait.ge [sflag:s30], $0x3E80  }
0x112: {  	[sflag:s30] =	ssyncset.done $0x0  }
0x113: {  	s12 =	rddreg [dreg:$0xc];
	[sflag:s30] =	ssyncadd.s32 $0xFFFFC180  }
0x114: {  	[tilespmem:s22], [sflag:$0x1] =	stream.indirect.gather [hbm4b:s1+s25], $0x80, s12, s25, $0xb8;
	[tilespmem:$0x1D000] =	vst v63  }
0x115: {  	_ =	swait.ge [sflag:s31], $0x3E80  }
0x116: {  	[sflag:s31] =	ssyncset.done $0x0  }
0x117: {  	s12 =	rddreg [dreg:$0xd];
	[sflag:s31] =	ssyncadd.s32 $0xFFFFC180  }
0x118: {  	[tilespmem:s26], [sflag:$0x2] =	stream.indirect.gather [hbm4b:s1+s25], $0x80, s12, s25, $0xb8;
	[tilespmem:$0x1D000] =	vst v63  }
0x119: {  	_ =	swait.ge [sflag:s28], $0x3E80  }
0x11a: {  	[sflag:s28] =	ssyncset.done $0x0  }
0x11b: {  	s12 =	rddreg [dreg:$0xe];
	[sflag:s28] =	ssyncadd.s32 $0xFFFFC180  }
0x11c: {  	[spmem:s3] =	stream.indirect.scatter.add.f32 [tilespmem:s22], [sflag:$0x3], $0x80, s12, s25, $0xb8;
	[tilespmem:$0x1D000] =	vst v63  }
0x11d: {  	_ =	swait.ge [sflag:s29], $0x3E80  }
0x11e: {  	[sflag:s29] =	ssyncset.done $0x0  }
0x11f: {  	s12 =	rddreg [dreg:$0xf];
	[sflag:s29] =	ssyncadd.s32 $0xFFFFC180  }
0x120: {  	[spmem:s3] =	stream.indirect.scatter.add.f32 [tilespmem:s26], [sflag:$0x4], $0x80, s12, s25, $0xb8;
	[tilespmem:$0x1D000] =	vst v63  }
0x121: {  	_ =	swait.ge [sflag:s30], $0x3E80  }
0x122: {  	[sflag:s30] =	ssyncset.done $0x0  }
0x123: {  	s12 =	rddreg [dreg:$0x10];
	[sflag:s30] =	ssyncadd.s32 $0xFFFFC180  }
0x124: {  	[tilespmem:s22], [sflag:$0x1] =	stream.indirect.gather [hbm4b:s1+s25], $0x80, s12, s25, $0xb8;
	[tilespmem:$0x1D000] =	vst v63  }
0x125: {  	_ =	swait.ge [sflag:s31], $0x3E80  }
0x126: {  	[sflag:s31] =	ssyncset.done $0x0  }
0x127: {  	s12 =	rddreg [dreg:$0x11];
	[sflag:s31] =	ssyncadd.s32 $0xFFFFC180  }
0x128: {  	[tilespmem:s26], [sflag:$0x2] =	stream.indirect.gather [hbm4b:s1+s25], $0x80, s12, s25, $0xb8;
	[tilespmem:$0x1D000] =	vst v63  }
0x129: {  	_ =	swait.ge [sflag:s28], $0x3E80  }
0x12a: {  	[sflag:s28] =	ssyncset.done $0x0  }
0x12b: {  	s12 =	rddreg [dreg:$0x12];
	[sflag:s28] =	ssyncadd.s32 $0xFFFFC180  }
0x12c: {  	[spmem:s3] =	stream.indirect.scatter.add.f32 [tilespmem:s22], [sflag:$0x3], $0x80, s12, s25, $0xb8;
	[tilespmem:$0x1D000] =	vst v63  }
0x12d: {  	_ =	swait.ge [sflag:s29], $0x3E80  }
0x12e: {  	[sflag:s29] =	ssyncset.done $0x0  }
0x12f: {  	s12 =	rddreg [dreg:$0x13];
	[sflag:s29] =	ssyncadd.s32 $0xFFFFC180  }
0x130: {  	[spmem:s3] =	stream.indirect.scatter.add.f32 [tilespmem:s26], [sflag:$0x4], $0x80, s12, s25, $0xb8;
	[tilespmem:$0x1D000] =	vst v63  }
0x131: {  	_ =	swait.ge [sflag:s30], $0x3E80  }
0x132: {  	[sflag:s30] =	ssyncset.done $0x0  }
0x133: {  	s12 =	rddreg [dreg:$0x14];
	[sflag:s30] =	ssyncadd.s32 $0xFFFFC180  }
0x134: {  	[tilespmem:s22], [sflag:$0x1] =	stream.indirect.gather [hbm4b:s1+s25], $0x80, s12, s25, $0xb8;
	[tilespmem:$0x1D000] =	vst v63  }
0x135: {  	_ =	swait.ge [sflag:s31], $0x3E80  }
0x136: {  	[sflag:s31] =	ssyncset.done $0x0  }
0x137: {  	[sflag:s31] =	ssyncadd.s32 $0xFFFFC180  }
0x138: {  	[tilespmem:s26], [sflag:$0x2] =	stream.indirect.gather [hbm4b:s1+s25], $0x80, s2, s25, $0xb8;
	[tilespmem:$0x1D000] =	vst v63  }
0x139: {  	_ =	swait.ge [sflag:s28], $0x3E80  }
0x13a: {  	[sflag:s28] =	ssyncset.done $0x0  }
0x13b: {  	[sflag:s28] =	ssyncadd.s32 $0xFFFFC180  }
0x13c: {  	[spmem:s3] =	stream.indirect.scatter.add.f32 [tilespmem:s22], [sflag:$0x3], $0x80, s0, s25, $0xb8;
	[tilespmem:$0x1D000] =	vst v63  }
0x13d: {  	_ =	swait.ge [sflag:s29], $0x3E80  }
0x13e: {  	[sflag:s29] =	ssyncset.done $0x0  }
0x13f: {  	[sflag:s29] =	ssyncadd.s32 $0xFFFFC180  }
0x140: {  	[spmem:s3] =	stream.indirect.scatter.add.f32 [tilespmem:s26], [sflag:$0x4], $0x80, s13, s25, $0xb8;
	[tilespmem:$0x1D000] =	vst v63  }
0x141: {  	_ =	swait.ge [sflag:s30], $0x3E80  }
0x142: {  	[sflag:s30] =	ssyncset.done $0x0  }
0x143: {  	[sflag:s30] =	ssyncadd.s32 $0xFFFFC180  }
0x144: {  	[tilespmem:s22], [sflag:$0x1] =	stream.indirect.gather [hbm4b:s1+s25], $0x80, s14, s25, $0xb8;
	[tilespmem:$0x1D000] =	vst v63  }
0x145: {  	_ =	swait.ge [sflag:s31], $0x3E80  }
0x146: {  	[sflag:s31] =	ssyncset.done $0x0  }
0x147: {  	[sflag:s31] =	ssyncadd.s32 $0xFFFFC180  }
0x148: {  	[tilespmem:s26], [sflag:$0x2] =	stream.indirect.gather [hbm4b:s1+s25], $0x80, s15, s25, $0xb8;
	[tilespmem:$0x1D000] =	vst v63  }
0x149: {  	_ =	swait.ge [sflag:s28], $0x3E80  }
0x14a: {  	[sflag:s28] =	ssyncset.done $0x0  }
0x14b: {  	[sflag:s28] =	ssyncadd.s32 $0xFFFFC180  }
0x14c: {  	[spmem:s3] =	stream.indirect.scatter.add.f32 [tilespmem:s22], [sflag:$0x3], $0x80, s16, s25, $0xb8;
	[tilespmem:$0x1D000] =	vst v63  }
0x14d: {  	_ =	swait.ge [sflag:s29], $0x3E80  }
0x14e: {  	[sflag:s29] =	ssyncset.done $0x0  }
0x14f: {  	[sflag:s29] =	ssyncadd.s32 $0xFFFFC180  }
0x150: {  	[spmem:s3] =	stream.indirect.scatter.add.f32 [tilespmem:s26], [sflag:$0x4], $0x80, s17, s25, $0xb8;
	[tilespmem:$0x1D000] =	vst v63  }
0x151: {  	_ =	swait.ge [sflag:s30], $0x3E80  }
0x152: {  	[sflag:s30] =	ssyncset.done $0x0  }
0x153: {  	[sflag:s30] =	ssyncadd.s32 $0xFFFFC180  }
0x154: {  	[tilespmem:s22], [sflag:$0x1] =	stream.indirect.gather [hbm4b:s1+s25], $0x80, s18, s25, $0xb8;
	[tilespmem:$0x1D000] =	vst v63  }
0x155: {  	_ =	swait.ge [sflag:s31], $0x3E80  }
0x156: {  	[sflag:s31] =	ssyncset.done $0x0  }
0x157: {  	[sflag:s31] =	ssyncadd.s32 $0xFFFFC180  }
0x158: {  	[tilespmem:s26], [sflag:$0x2] =	stream.indirect.gather [hbm4b:s1+s25], $0x80, s19, s25, $0xb8;
	[tilespmem:$0x1D000] =	vst v63  }
0x159: {  	_ =	swait.ge [sflag:s28], $0x3E80  }
0x15a: {  	[sflag:s28] =	ssyncset.done $0x0  }
0x15b: {  	[sflag:s28] =	ssyncadd.s32 $0xFFFFC180  }
0x15c: {  	[spmem:s3] =	stream.indirect.scatter.add.f32 [tilespmem:s22], [sflag:$0x3], $0x80, s20, s25, $0xb8;
	[tilespmem:$0x1D000] =	vst v63  }
0x15d: {  	_ =	swait.ge [sflag:s29], $0x3E80  }
0x15e: {  	[sflag:s29] =	ssyncset.done $0x0  }
0x15f: {  	[sflag:s29] =	ssyncadd.s32 $0xFFFFC180  }
0x160: {  	[spmem:s3] =	stream.indirect.scatter.add.f32 [tilespmem:s26], [sflag:$0x4], $0x80, s21, s25, $0xb8;
	[tilespmem:$0x1D000] =	vst v63  }
0x161: {  	_ =	swait.ge [sflag:s30], $0x3E80  }
0x162: {  	[sflag:s30] =	ssyncset.done $0x0  }
0x163: {  	[sflag:s30] =	ssyncadd.s32 $0xFFFFC180  }
0x164: {  	[tilespmem:s22], [sflag:$0x1] =	stream.indirect.gather [hbm4b:s1+s25], $0x80, s5, s25, $0xb8;
	[tilespmem:$0x1D000] =	vst v63  }
0x165: {  	_ =	swait.ge [sflag:s31], $0x3E80  }
0x166: {  	[sflag:s31] =	ssyncset.done $0x0  }
0x167: {  	[sflag:s31] =	ssyncadd.s32 $0xFFFFC180  }
0x168: {  	[tilespmem:s26], [sflag:$0x2] =	stream.indirect.gather [hbm4b:s1+s25], $0x80, s6, s25, $0xb8;
	[tilespmem:$0x1D000] =	vst v63  }
0x169: {  	_ =	swait.ge [sflag:s28], $0x3E80  }
0x16a: {  	[sflag:s28] =	ssyncset.done $0x0  }
0x16b: {  	[sflag:s28] =	ssyncadd.s32 $0xFFFFC180  }
0x16c: {  	[spmem:s3] =	stream.indirect.scatter.add.f32 [tilespmem:s22], [sflag:$0x3], $0x80, s7, s25, $0xb8;
	[tilespmem:$0x1D000] =	vst v63  }
0x16d: {  	_ =	swait.ge [sflag:s29], $0x3E80  }
0x16e: {  	[sflag:s29] =	ssyncset.done $0x0  }
0x16f: {  	p0 =	sne.s32 s11, $0x400;
	[sflag:s29] =	ssyncadd.s32 $0xFFFFC180  }
0x170: {  	[spmem:s3] =	stream.indirect.scatter.add.f32 [tilespmem:s26], [sflag:$0x4], $0x80, s8, s25, $0xb8;
	[tilespmem:$0x1D000] =	vst v63  }
.Ltmp1:
0x171: {  	_ =	swait.ge [sflag:s30], $0x3E80;
	(pc) =	sbr.rel @p0 .LBB2_4-.Ltmp1, $4  }
0x172: {  	[sflag:s30] =	ssyncset.done $0x0  }
0x173: {  	[sflag:s30] =	ssyncadd.s32 $0xFFFFC180  }
0x174: {  	s9 =	smov.u32 s11;
	s11 =	sadd.s32 $0x100, s11;
	_ =	swait.ge [sflag:s31], $0x3E80  }
0x175: {  	s10 =	smov.u32 s9;
	s12 =	rddreg [dreg:$0x5];
	[sflag:s31] =	ssyncset.done $0x0  }
0x176: {  	[sflag:s31] =	ssyncadd.s32 $0xFFFFC180;
	s9 =	sadd.s32 s10, s12  }
0x177: {  	[tilespmem:s4], [sflag:$0x5] =	stream.linear.gather [hbm4b:s9+s4], $0x800, $0x38;
	[tilespmem:$0x1D000] =	vst v63  }
0x178: {  	_ =	swait.ge [sflag:s23], $0x800  }
0x179: {  	s12 =	rddreg [dreg:$0x4];
	[sflag:s23] =	ssyncset.done $0x0  }
0x17a: {  	s9 =	sadd.s32 s10, s12;
	[sflag:s23] =	ssyncadd.s32 $0xFFFFF800  }
0x17b: {  	[tilespmem:s24], [sflag:$0x5] =	stream.linear.gather [hbm4b:s9+s4], $0x800, $0x38;
	[tilespmem:$0x1D000] =	vst v63  }
0x17c: {  	_ =	swait.ge [sflag:s23], $0x800  }
0x17d: {  	[sflag:s23] =	ssyncset.done $0x0  }
0x17e: {  	[sflag:s23] =	ssyncadd.s32 $0xFFFFF800  }
0x17f: {  	[tilespmem:s22], [sflag:$0x1] =	stream.indirect.gather [hbm4b:s1+s25], $0x80, s4, s25, $0xb8;
	[tilespmem:$0x1D000] =	vst v63  }
0x180: {  	s10 =	rddreg [dreg:$0x6]  }
0x181: {  	[tilespmem:s26], [sflag:$0x2] =	stream.indirect.gather [hbm4b:s1+s25], $0x80, s10, s25, $0xb8;
	[tilespmem:$0x1D000] =	vst v63  }
0x182: {  	_ =	swait.ge [sflag:s28], $0x3E80  }
0x183: {  	[sflag:s28] =	ssyncset.done $0x0  }
0x184: {  	[sflag:s28] =	ssyncadd.s32 $0xFFFFC180  }
0x185: {  	[spmem:s3] =	stream.indirect.scatter.add.f32 [tilespmem:s22], [sflag:$0x3], $0x80, s24, s25, $0xb8;
	[tilespmem:$0x1D000] =	vst v63  }
0x186: {  	_ =	swait.ge [sflag:s29], $0x3E80  }
0x187: {  	[sflag:s29] =	ssyncset.done $0x0  }
0x188: {  	s11 =	rddreg [dreg:$0x7];
	[sflag:s29] =	ssyncadd.s32 $0xFFFFC180  }
0x189: {  	[spmem:s3] =	stream.indirect.scatter.add.f32 [tilespmem:s26], [sflag:$0x4], $0x80, s11, s25, $0xb8;
	[tilespmem:$0x1D000] =	vst v63  }
0x18a: {  	_ =	swait.ge [sflag:s30], $0x3E80  }
0x18b: {  	[sflag:s30] =	ssyncset.done $0x0  }
0x18c: {  	s12 =	rddreg [dreg:$0x8];
	[sflag:s30] =	ssyncadd.s32 $0xFFFFC180  }
0x18d: {  	[tilespmem:s22], [sflag:$0x1] =	stream.indirect.gather [hbm4b:s1+s25], $0x80, s12, s25, $0xb8;
	[tilespmem:$0x1D000] =	vst v63  }
0x18e: {  	_ =	swait.ge [sflag:s31], $0x3E80  }
0x18f: {  	[sflag:s31] =	ssyncset.done $0x0  }
0x190: {  	s10 =	rddreg [dreg:$0x9];
	[sflag:s31] =	ssyncadd.s32 $0xFFFFC180  }
0x191: {  	[tilespmem:s26], [sflag:$0x2] =	stream.indirect.gather [hbm4b:s1+s25], $0x80, s10, s25, $0xb8;
	[tilespmem:$0x1D000] =	vst v63  }
0x192: {  	_ =	swait.ge [sflag:s28], $0x3E80  }
0x193: {  	[sflag:s28] =	ssyncset.done $0x0  }
0x194: {  	s11 =	rddreg [dreg:$0xa];
	[sflag:s28] =	ssyncadd.s32 $0xFFFFC180  }
0x195: {  	[spmem:s3] =	stream.indirect.scatter.add.f32 [tilespmem:s22], [sflag:$0x3], $0x80, s11, s25, $0xb8;
	[tilespmem:$0x1D000] =	vst v63  }
0x196: {  	_ =	swait.ge [sflag:s29], $0x3E80  }
0x197: {  	[sflag:s29] =	ssyncset.done $0x0  }
0x198: {  	s12 =	rddreg [dreg:$0xb];
	[sflag:s29] =	ssyncadd.s32 $0xFFFFC180  }
0x199: {  	[spmem:s3] =	stream.indirect.scatter.add.f32 [tilespmem:s26], [sflag:$0x4], $0x80, s12, s25, $0xb8;
	[tilespmem:$0x1D000] =	vst v63  }
0x19a: {  	_ =	swait.ge [sflag:s30], $0x3E80  }
0x19b: {  	[sflag:s30] =	ssyncset.done $0x0  }
0x19c: {  	s10 =	rddreg [dreg:$0xc];
	[sflag:s30] =	ssyncadd.s32 $0xFFFFC180  }
0x19d: {  	[tilespmem:s22], [sflag:$0x1] =	stream.indirect.gather [hbm4b:s1+s25], $0x80, s10, s25, $0xb8;
	[tilespmem:$0x1D000] =	vst v63  }
0x19e: {  	_ =	swait.ge [sflag:s31], $0x3E80  }
0x19f: {  	[sflag:s31] =	ssyncset.done $0x0  }
0x1a0: {  	s11 =	rddreg [dreg:$0xd];
	[sflag:s31] =	ssyncadd.s32 $0xFFFFC180  }
0x1a1: {  	[tilespmem:s26], [sflag:$0x2] =	stream.indirect.gather [hbm4b:s1+s25], $0x80, s11, s25, $0xb8;
	[tilespmem:$0x1D000] =	vst v63  }
0x1a2: {  	_ =	swait.ge [sflag:s28], $0x3E80  }
0x1a3: {  	[sflag:s28] =	ssyncset.done $0x0  }
0x1a4: {  	s12 =	rddreg [dreg:$0xe];
	[sflag:s28] =	ssyncadd.s32 $0xFFFFC180  }
0x1a5: {  	[spmem:s3] =	stream.indirect.scatter.add.f32 [tilespmem:s22], [sflag:$0x3], $0x80, s12, s25, $0xb8;
	[tilespmem:$0x1D000] =	vst v63  }
0x1a6: {  	_ =	swait.ge [sflag:s29], $0x3E80  }
0x1a7: {  	[sflag:s29] =	ssyncset.done $0x0  }
0x1a8: {  	s10 =	rddreg [dreg:$0xf];
	[sflag:s29] =	ssyncadd.s32 $0xFFFFC180  }
0x1a9: {  	[spmem:s3] =	stream.indirect.scatter.add.f32 [tilespmem:s26], [sflag:$0x4], $0x80, s10, s25, $0xb8;
	[tilespmem:$0x1D000] =	vst v63  }
0x1aa: {  	_ =	swait.ge [sflag:s30], $0x3E80  }
0x1ab: {  	[sflag:s30] =	ssyncset.done $0x0  }
0x1ac: {  	s11 =	rddreg [dreg:$0x10];
	[sflag:s30] =	ssyncadd.s32 $0xFFFFC180  }
0x1ad: {  	[tilespmem:s22], [sflag:$0x1] =	stream.indirect.gather [hbm4b:s1+s25], $0x80, s11, s25, $0xb8;
	[tilespmem:$0x1D000] =	vst v63  }
0x1ae: {  	_ =	swait.ge [sflag:s31], $0x3E80  }
0x1af: {  	[sflag:s31] =	ssyncset.done $0x0  }
0x1b0: {  	s12 =	rddreg [dreg:$0x11];
	[sflag:s31] =	ssyncadd.s32 $0xFFFFC180  }
0x1b1: {  	[tilespmem:s26], [sflag:$0x2] =	stream.indirect.gather [hbm4b:s1+s25], $0x80, s12, s25, $0xb8;
	[tilespmem:$0x1D000] =	vst v63  }
0x1b2: {  	_ =	swait.ge [sflag:s28], $0x3E80  }
0x1b3: {  	[sflag:s28] =	ssyncset.done $0x0  }
0x1b4: {  	s10 =	rddreg [dreg:$0x12];
	[sflag:s28] =	ssyncadd.s32 $0xFFFFC180  }
0x1b5: {  	[spmem:s3] =	stream.indirect.scatter.add.f32 [tilespmem:s22], [sflag:$0x3], $0x80, s10, s25, $0xb8;
	[tilespmem:$0x1D000] =	vst v63  }
0x1b6: {  	_ =	swait.ge [sflag:s29], $0x3E80  }
0x1b7: {  	[sflag:s29] =	ssyncset.done $0x0  }
0x1b8: {  	s11 =	rddreg [dreg:$0x13];
	[sflag:s29] =	ssyncadd.s32 $0xFFFFC180  }
0x1b9: {  	[spmem:s3] =	stream.indirect.scatter.add.f32 [tilespmem:s26], [sflag:$0x4], $0x80, s11, s25, $0xb8;
	[tilespmem:$0x1D000] =	vst v63  }
0x1ba: {  	_ =	swait.ge [sflag:s30], $0x3E80  }
0x1bb: {  	[sflag:s30] =	ssyncset.done $0x0  }
0x1bc: {  	s12 =	rddreg [dreg:$0x14];
	[sflag:s30] =	ssyncadd.s32 $0xFFFFC180  }
0x1bd: {  	[tilespmem:s22], [sflag:$0x1] =	stream.indirect.gather [hbm4b:s1+s25], $0x80, s12, s25, $0xb8;
	[tilespmem:$0x1D000] =	vst v63  }
0x1be: {  	_ =	swait.ge [sflag:s31], $0x3E80  }
0x1bf: {  	[sflag:s31] =	ssyncset.done $0x0  }
0x1c0: {  	[sflag:s31] =	ssyncadd.s32 $0xFFFFC180  }
0x1c1: {  	[tilespmem:s26], [sflag:$0x2] =	stream.indirect.gather [hbm4b:s1+s25], $0x80, s2, s25, $0xb8;
	[tilespmem:$0x1D000] =	vst v63  }
0x1c2: {  	_ =	swait.ge [sflag:s28], $0x3E80  }
0x1c3: {  	[sflag:s28] =	ssyncset.done $0x0  }
0x1c4: {  	[sflag:s28] =	ssyncadd.s32 $0xFFFFC180  }
0x1c5: {  	[spmem:s3] =	stream.indirect.scatter.add.f32 [tilespmem:s22], [sflag:$0x3], $0x80, s0, s25, $0xb8;
	[tilespmem:$0x1D000] =	vst v63  }
0x1c6: {  	_ =	swait.ge [sflag:s29], $0x3E80  }
0x1c7: {  	[sflag:s29] =	ssyncset.done $0x0  }
0x1c8: {  	[sflag:s29] =	ssyncadd.s32 $0xFFFFC180  }
0x1c9: {  	[spmem:s3] =	stream.indirect.scatter.add.f32 [tilespmem:s26], [sflag:$0x4], $0x80, s13, s25, $0xb8;
	[tilespmem:$0x1D000] =	vst v63  }
0x1ca: {  	_ =	swait.ge [sflag:s30], $0x3E80  }
0x1cb: {  	[sflag:s30] =	ssyncset.done $0x0  }
0x1cc: {  	[sflag:s30] =	ssyncadd.s32 $0xFFFFC180  }
0x1cd: {  	[tilespmem:s22], [sflag:$0x1] =	stream.indirect.gather [hbm4b:s1+s25], $0x80, s14, s25, $0xb8;
	[tilespmem:$0x1D000] =	vst v63  }
0x1ce: {  	_ =	swait.ge [sflag:s31], $0x3E80  }
0x1cf: {  	[sflag:s31] =	ssyncset.done $0x0  }
0x1d0: {  	[sflag:s31] =	ssyncadd.s32 $0xFFFFC180  }
0x1d1: {  	[tilespmem:s26], [sflag:$0x2] =	stream.indirect.gather [hbm4b:s1+s25], $0x80, s15, s25, $0xb8;
	[tilespmem:$0x1D000] =	vst v63  }
0x1d2: {  	_ =	swait.ge [sflag:s28], $0x3E80  }
0x1d3: {  	[sflag:s28] =	ssyncset.done $0x0  }
0x1d4: {  	[sflag:s28] =	ssyncadd.s32 $0xFFFFC180  }
0x1d5: {  	[spmem:s3] =	stream.indirect.scatter.add.f32 [tilespmem:s22], [sflag:$0x3], $0x80, s16, s25, $0xb8;
	[tilespmem:$0x1D000] =	vst v63  }
0x1d6: {  	_ =	swait.ge [sflag:s29], $0x3E80  }
0x1d7: {  	[sflag:s29] =	ssyncset.done $0x0  }
0x1d8: {  	[sflag:s29] =	ssyncadd.s32 $0xFFFFC180  }
0x1d9: {  	[spmem:s3] =	stream.indirect.scatter.add.f32 [tilespmem:s26], [sflag:$0x4], $0x80, s17, s25, $0xb8;
	[tilespmem:$0x1D000] =	vst v63  }
0x1da: {  	_ =	swait.ge [sflag:s30], $0x3E80  }
0x1db: {  	[sflag:s30] =	ssyncset.done $0x0  }
0x1dc: {  	[sflag:s30] =	ssyncadd.s32 $0xFFFFC180  }
0x1dd: {  	[tilespmem:s22], [sflag:$0x1] =	stream.indirect.gather [hbm4b:s1+s25], $0x80, s18, s25, $0xb8;
	[tilespmem:$0x1D000] =	vst v63  }
0x1de: {  	_ =	swait.ge [sflag:s31], $0x3E80  }
0x1df: {  	[sflag:s31] =	ssyncset.done $0x0  }
0x1e0: {  	[sflag:s31] =	ssyncadd.s32 $0xFFFFC180  }
0x1e1: {  	[tilespmem:s26], [sflag:$0x2] =	stream.indirect.gather [hbm4b:s1+s25], $0x80, s19, s25, $0xb8;
	[tilespmem:$0x1D000] =	vst v63  }
0x1e2: {  	_ =	swait.ge [sflag:s28], $0x3E80  }
0x1e3: {  	[sflag:s28] =	ssyncset.done $0x0  }
0x1e4: {  	[sflag:s28] =	ssyncadd.s32 $0xFFFFC180  }
0x1e5: {  	[spmem:s3] =	stream.indirect.scatter.add.f32 [tilespmem:s22], [sflag:$0x3], $0x80, s20, s25, $0xb8;
	[tilespmem:$0x1D000] =	vst v63  }
0x1e6: {  	_ =	swait.ge [sflag:s29], $0x3E80  }
0x1e7: {  	[sflag:s29] =	ssyncset.done $0x0  }
0x1e8: {  	[sflag:s29] =	ssyncadd.s32 $0xFFFFC180  }
0x1e9: {  	[spmem:s3] =	stream.indirect.scatter.add.f32 [tilespmem:s26], [sflag:$0x4], $0x80, s21, s25, $0xb8;
	[tilespmem:$0x1D000] =	vst v63  }
0x1ea: {  	_ =	swait.ge [sflag:s30], $0x3E80  }
0x1eb: {  	[sflag:s30] =	ssyncset.done $0x0  }
0x1ec: {  	[sflag:s30] =	ssyncadd.s32 $0xFFFFC180  }
0x1ed: {  	[tilespmem:s22], [sflag:$0x1] =	stream.indirect.gather [hbm4b:s1+s25], $0x80, s5, s25, $0xb8;
	[tilespmem:$0x1D000] =	vst v63  }
0x1ee: {  	_ =	swait.ge [sflag:s31], $0x3E80  }
0x1ef: {  	[sflag:s31] =	ssyncset.done $0x0  }
0x1f0: {  	[sflag:s31] =	ssyncadd.s32 $0xFFFFC180  }
0x1f1: {  	[tilespmem:s26], [sflag:$0x2] =	stream.indirect.gather [hbm4b:s1+s25], $0x80, s6, s25, $0xb8;
	[tilespmem:$0x1D000] =	vst v63  }
0x1f2: {  	_ =	swait.ge [sflag:s28], $0x3E80  }
0x1f3: {  	[sflag:s28] =	ssyncset.done $0x0  }
0x1f4: {  	[sflag:s28] =	ssyncadd.s32 $0xFFFFC180  }
0x1f5: {  	[spmem:s3] =	stream.indirect.scatter.add.f32 [tilespmem:s22], [sflag:$0x3], $0x80, s7, s25, $0xb8;
	[tilespmem:$0x1D000] =	vst v63  }
0x1f6: {  	_ =	swait.ge [sflag:s29], $0x3E80  }
0x1f7: {  	[sflag:s29] =	ssyncset.done $0x0  }
0x1f8: {  	[sflag:s29] =	ssyncadd.s32 $0xFFFFC180  }
0x1f9: {  	[spmem:s3] =	stream.indirect.scatter.add.f32 [tilespmem:s26], [sflag:$0x4], $0x80, s8, s25, $0xb8;
	[tilespmem:$0x1D000] =	vst v63  }
0x1fa: {  	_ =	swait.ge [sflag:s30], $0x3E80  }
0x1fb: {  	[sflag:s30] =	ssyncset.done $0x0  }
0x1fc: {  	[sflag:s30] =	ssyncadd.s32 $0xFFFFC180  }
0x1fd: {  	_ =	swait.ge [sflag:s31], $0x3E80  }
0x1fe: {  	[sflag:s31] =	ssyncset.done $0x0  }
0x1ff: {  	[sflag:s31] =	ssyncadd.s32 $0xFFFFC180  }
0x200: {  	[bflag:$0x0] =	sbarrier.arrive $0xFFFF  }
0x201: {  	s10 =	rddreg [dreg:$0x15]  }
0x202: {  	[tilespmem:s22], [sflag:$0x5] =	stream.linear.gather [spmem:s10], $0x2800, $0x38;
	[tilespmem:$0x1D000] =	vst v63  }
0x203: {  	_ =	swait.ge [sflag:s23], $0x2800  }
0x204: {  	[sflag:s23] =	ssyncset.done $0x0  }
0x205: {  	s11 =	rddreg [dreg:$0x1e];
	[sflag:s23] =	ssyncadd.s32 $0xFFFFD800  }
0x206: {  	[hbm4b:s11+s4] =	stream.linear.scatter [tilespmem:s22], [sflag:$0x5], $0x2800, $0x38;
	[tilespmem:$0x1D000] =	vst v63  }
0x207: {  	_ =	swait.ge [sflag:s23], $0x2800  }
0x208: {  	[sflag:s23] =	ssyncset.done $0x0  }
0x209: {  	s12 =	rddreg [dreg:$0x16];
	[sflag:s23] =	ssyncadd.s32 $0xFFFFD800  }
0x20a: {  	[tilespmem:s22], [sflag:$0x5] =	stream.linear.gather [spmem:s12], $0x2800, $0x38;
	[tilespmem:$0x1D000] =	vst v63  }
0x20b: {  	_ =	swait.ge [sflag:s23], $0x2800  }
0x20c: {  	[sflag:s23] =	ssyncset.done $0x0  }
0x20d: {  	s10 =	rddreg [dreg:$0x1f];
	[sflag:s23] =	ssyncadd.s32 $0xFFFFD800  }
0x20e: {  	[hbm4b:s10+s4] =	stream.linear.scatter [tilespmem:s22], [sflag:$0x5], $0x2800, $0x38;
	[tilespmem:$0x1D000] =	vst v63  }
0x20f: {  	_ =	swait.ge [sflag:s23], $0x2800  }
0x210: {  	[sflag:s23] =	ssyncset.done $0x0  }
0x211: {  	s11 =	rddreg [dreg:$0x17];
	[sflag:s23] =	ssyncadd.s32 $0xFFFFD800  }
0x212: {  	[tilespmem:s22], [sflag:$0x5] =	stream.linear.gather [spmem:s11], $0x2800, $0x38;
	[tilespmem:$0x1D000] =	vst v63  }
0x213: {  	_ =	swait.ge [sflag:s23], $0x2800  }
0x214: {  	s12 =	sld [smem:$0x7F8]  }
0x215: {  	[sflag:s23] =	ssyncset.done $0x0  }
0x216: {  	[sflag:s23] =	ssyncadd.s32 $0xFFFFD800  }
0x217: {  	[hbm4b:s12+s4] =	stream.linear.scatter [tilespmem:s22], [sflag:$0x5], $0x2800, $0x38;
	[tilespmem:$0x1D000] =	vst v63  }
0x218: {  	_ =	swait.ge [sflag:s23], $0x2800  }
0x219: {  	[sflag:s23] =	ssyncset.done $0x0  }
0x21a: {  	s10 =	rddreg [dreg:$0x18];
	[sflag:s23] =	ssyncadd.s32 $0xFFFFD800  }
0x21b: {  	[tilespmem:s22], [sflag:$0x5] =	stream.linear.gather [spmem:s10], $0x2800, $0x38;
	[tilespmem:$0x1D000] =	vst v63  }
0x21c: {  	_ =	swait.ge [sflag:s23], $0x2800  }
0x21d: {  	s11 =	sld [smem:$0x7F9]  }
0x21e: {  	[sflag:s23] =	ssyncset.done $0x0  }
0x21f: {  	[sflag:s23] =	ssyncadd.s32 $0xFFFFD800  }
0x220: {  	[hbm4b:s11+s4] =	stream.linear.scatter [tilespmem:s22], [sflag:$0x5], $0x2800, $0x38;
	[tilespmem:$0x1D000] =	vst v63  }
0x221: {  	_ =	swait.ge [sflag:s23], $0x2800  }
0x222: {  	[sflag:s23] =	ssyncset.done $0x0  }
0x223: {  	s12 =	rddreg [dreg:$0x19];
	[sflag:s23] =	ssyncadd.s32 $0xFFFFD800  }
0x224: {  	[tilespmem:s22], [sflag:$0x5] =	stream.linear.gather [spmem:s12], $0x2800, $0x38;
	[tilespmem:$0x1D000] =	vst v63  }
0x225: {  	_ =	swait.ge [sflag:s23], $0x2800  }
0x226: {  	s10 =	sld [smem:$0x7FA]  }
0x227: {  	[sflag:s23] =	ssyncset.done $0x0  }
0x228: {  	[sflag:s23] =	ssyncadd.s32 $0xFFFFD800  }
0x229: {  	[hbm4b:s10+s4] =	stream.linear.scatter [tilespmem:s22], [sflag:$0x5], $0x2800, $0x38;
	[tilespmem:$0x1D000] =	vst v63  }
0x22a: {  	_ =	swait.ge [sflag:s23], $0x2800  }
0x22b: {  	[sflag:s23] =	ssyncset.done $0x0  }
0x22c: {  	s11 =	rddreg [dreg:$0x1a];
	[sflag:s23] =	ssyncadd.s32 $0xFFFFD800  }
0x22d: {  	[tilespmem:s22], [sflag:$0x5] =	stream.linear.gather [spmem:s11], $0x2800, $0x38;
	[tilespmem:$0x1D000] =	vst v63  }
0x22e: {  	_ =	swait.ge [sflag:s23], $0x2800  }
0x22f: {  	s12 =	sld [smem:$0x7FB]  }
0x230: {  	[sflag:s23] =	ssyncset.done $0x0  }
0x231: {  	[sflag:s23] =	ssyncadd.s32 $0xFFFFD800  }
0x232: {  	[hbm4b:s12+s4] =	stream.linear.scatter [tilespmem:s22], [sflag:$0x5], $0x2800, $0x38;
	[tilespmem:$0x1D000] =	vst v63  }
0x233: {  	_ =	swait.ge [sflag:s23], $0x2800  }
0x234: {  	[sflag:s23] =	ssyncset.done $0x0  }
0x235: {  	s10 =	rddreg [dreg:$0x1b];
	[sflag:s23] =	ssyncadd.s32 $0xFFFFD800  }
0x236: {  	[tilespmem:s22], [sflag:$0x5] =	stream.linear.gather [spmem:s10], $0x2800, $0x38;
	[tilespmem:$0x1D000] =	vst v63  }
0x237: {  	_ =	swait.ge [sflag:s23], $0x2800  }
0x238: {  	s11 =	sld [smem:$0x7FC]  }
0x239: {  	[sflag:s23] =	ssyncset.done $0x0  }
0x23a: {  	[sflag:s23] =	ssyncadd.s32 $0xFFFFD800  }
0x23b: {  	[hbm4b:s11+s4] =	stream.linear.scatter [tilespmem:s22], [sflag:$0x5], $0x2800, $0x38;
	[tilespmem:$0x1D000] =	vst v63  }
0x23c: {  	_ =	swait.ge [sflag:s23], $0x2800  }
0x23d: {  	[sflag:s23] =	ssyncset.done $0x0  }
0x23e: {  	s12 =	rddreg [dreg:$0x1c];
	[sflag:s23] =	ssyncadd.s32 $0xFFFFD800  }
0x23f: {  	[tilespmem:s22], [sflag:$0x5] =	stream.linear.gather [spmem:s12], $0x2800, $0x38;
	[tilespmem:$0x1D000] =	vst v63  }
0x240: {  	_ =	swait.ge [sflag:s23], $0x2800  }
0x241: {  	s10 =	sld [smem:$0x7FD]  }
0x242: {  	[sflag:s23] =	ssyncset.done $0x0  }
0x243: {  	[sflag:s23] =	ssyncadd.s32 $0xFFFFD800  }
0x244: {  	[hbm4b:s10+s4] =	stream.linear.scatter [tilespmem:s22], [sflag:$0x5], $0x2800, $0x38;
	[tilespmem:$0x1D000] =	vst v63  }
0x245: {  	_ =	swait.ge [sflag:s23], $0x2800  }
0x246: {  	s11 =	sld [smem:$0x7F7];
	_ =	sdelay $0x2  }
0x247: {  	s12 =	rddreg [dreg:$0x1d];
	s10 =	sadd.s32 $0x1, s11  }
0x248: {  	p0 =	sne.s32 s10, s12  }
.Ltmp2:
0x249: {  	_ = 	snop;
	(pc) =	sbr.rel @p0 .LBB2_1-.Ltmp2, $3  }
0x24a: {  	_ =	sdelay $0x1  }
0x24b: {  	[sflag:s23] =	ssyncset.done $0x0  }
0x24c: {  	[sflag:s23] =	ssyncadd.s32 $0xFFFFD800  }
0x24d: {  	_ =	sfence.sel $0x180000  }
0x24e: {  	[bflag:$0x0] =	sbarrier.arrive $0xFFFF  }
0x24f: {  	_ =	strace $0x9000004D  }
0x250: {  	s0 =	stileid.u32;
	[bflag:$0x2] =	sbarrier.arrive $0xFFFF  }
0x251: {  	p0 =	sne.s32 s0, $0x0;
	s0 =	rddreg [dreg:$0x3]  }
0x252: {  	s0 =	sadd.s32 @!p0 $0x100000, s0  }
0x253: {  	[sflag:s0] =	ssyncadd.tile.s32 @!p0 $0x1;
	_ =	shalt  }
.Lfunc_end2:
_tile_overlayer_lowered:
.L_overlay_start_2:
0x254: {  	(tag) =	ssettag $0x2  }
0x255: {  	s0 =	rddreg [dreg:$0x0];
	s2 =	stileid.u32  }
0x256: {  	s1 =	rddreg [dreg:$0x1];
	p0 =	sne.s32 s2, $0x0  }
0x257: {  	s3 =	rddreg [dreg:$0x2];
	[bflag:$0x3] =	sbarrier.arrive $0xFFFF;
	s2 =	simm.s32 @!p0 $0x1C05  }
0x258: {  	[timem:s3], [sflag:s2] =	dma.local @!p0 [hbm:s0], s1  }
0x259: {  	s0 =	simm.s32 @!p0 $0x5  }
0x25a: {  	_ =	swait.ge @!p0 [sflag:s0], s1  }
0x25b: {  	s1 =	ssub.s32 @!p0 $0x0, s1;
	[sflag:s0] =	ssyncset.done @!p0 $0x0  }
0x25c: {  	[sflag:s0] =	ssyncadd.s32 @!p0 s1  }
0x25d: {  	[bflag:$0x3] =	sbarrier.arrive $0xFFFF  }
0x25e: {  	_ =	shalt  }

// kernel: kernel.8.cloned.1.call-start
scs
__scs_entry_jumppad:
0x0: {  	(pc) =	sbr.rel $0x88, $3  }
0x1: {  	(tag) =	ssettag $0x0;
	lr =	simm.s32 $0x1  }
0x2: {  	[smem:$0x3F97] =	sst lr;
	_ =	strace $0xD0000000  }
0x3: {  	_ = 	snop  }
0x4: {  	_ = 	snop  }
0x5: {  	_ = 	snop  }
0x6: {  	_ = 	snop  }
0x7: {  	_ = 	snop  }
__scs_overlays_trampoline_lowered:
0x8: {  	[smem:$0x3FA6] =	sst s0  }
0x9: {  	[smem:$0x3FA7] =	sst s1  }
0xa: {  	[smem:$0x3FA8] =	sst s2  }
0xb: {  	[smem:$0x3FA9] =	sst s3  }
0xc: {  	[smem:$0x3FAA] =	sst s4  }
0xd: {  	[smem:$0x3FAB] =	sst s5  }
0xe: {  	[smem:$0x3FAC] =	sst s6  }
0xf: {  	[smem:$0x3FAD] =	sst s7  }
0x10: {  	[smem:$0x3FAE] =	sst s8  }
0x11: {  	[smem:$0x3FAF] =	sst s9;
	s0 =	simm.s32 @!p0 $0x0  }
0x12: {  	s1 =	sld [smem:$0x3F95];
	s0 =	simm.s32 @p0 $0x1  }
0x13: {  	[smem:$0x3FB0] =	sst s0;
	s0 =	simm.s32 @!p1 $0x0  }
0x14: {  	s2 =	sld [smem:$0x3F94];
	s0 =	simm.s32 @p1 $0x1  }
0x15: {  	[smem:$0x3FB1] =	sst s0;
	s0 =	simm.s32 @!p2 $0x0  }
0x16: {  	s3 =	sld [smem:$0x3FDB];
	s0 =	simm.s32 @p2 $0x1  }
0x17: {  	s4 =	simm.s32 $0x1BF5;
	[smem:$0x3FB3] =	sst s0  }
0x18: {  	s0 =	sld [smem:$0x3F96];
	_ =	swait.ge [sflag:s4], $0x0  }
0x19: {  	s7 =	sld [smem:$0x3F97]  }
0x1a: {  	s8 =	sadd.s32 $0xFFFFE003, lr  }
0x1b: {  	s9 =	sadd.s32 $0xFFFFFEF7, lr;
	s5 =	simm.s32 $0xFFFFFFFF;
	p2 =	slt.u32 s8, $0xFFFFF086  }
0x1c: {  	p1 =	slt.u32 s9, $0xF7A;
	s5 =	simm.s32 @!p2 $0x0  }
0x1d: {  	s5 =	simm.s32 @p1 $0x1;
	p0 =	seq.s32 s7, s2  }
0x1e: {  	s7 =	smul.u32 @!p0 $0xF7A, s2;
	p2 =	seq.s32 @!p0 s5, $0x0  }
0x1f: {  	s9 =	smul.u32 $0xF7A, s1;
	s8 =	simm.s32 @!p0 $0x1BF5;
	p2 =	por !p2, p0  }
0x20: {  	[sflag:s8] =	ssyncset.s32 @!p0 $0xFFFFF086;
	s6 =	sadd.s32 @!p0 s3, s7;
	s7 =	simm.s32 @!p0 $0x108  }
0x21: {  	s3 =	sadd.s32 s3, s9;
	s6 =	sadd.s32 @!p0 $0x88, s6;
	s7 =	simm.s32 @p2 $0x1082  }
0x22: {  	[simem:s7], [sflag:s8] =	dma.local @!p0 [hbm:s6], $0xF7A  }
0x23: {  	s9 =	sor.u32 $0xD0000000, s2;
	s6 =	simm.s32 $0x108;
	_ =	swait.ge @!p0 [sflag:s8], $0x0  }
0x24: {  	s3 =	sadd.s32 $0x88, s3;
	s6 =	simm.s32 @!p1 $0x1082;
	[sflag:s4] =	ssyncset.s32 $0xFFFFF086  }
0x25: {  	[simem:s6], [sflag:s4] =	dma.local [hbm:s3], $0xF7A  }
0x26: {  	[smem:$0x3F97] =	sst s1;
	(tag) =	ssettag s2;
	_ =	strace s9  }
0x27: {  	s1 =	sld [smem:$0x3FA7]  }
0x28: {  	s2 =	sld [smem:$0x3FA8]  }
0x29: {  	s4 =	sld [smem:$0x3FAA]  }
0x2a: {  	p0 =	seq.s32 s5, $0x0;
	s5 =	sld [smem:$0x3FAB]  }
0x2b: {  	s6 =	sld [smem:$0x3FAC]  }
0x2c: {  	s7 =	sld [smem:$0x3FAD]  }
0x2d: {  	s3 =	simm.s32 $0x108;
	s8 =	sld [smem:$0x3FAE]  }
0x2e: {  	s3 =	simm.s32 @!p0 $0x1082;
	s9 =	sld [smem:$0x3FAF]  }
0x2f: {  	lr =	sadd.s32 s0, s3;
	s0 =	sld [smem:$0x3FA6]  }
0x30: {  	s3 =	sld [smem:$0x3FA9]  }
0x31: {  	[smem:$0x3FB2] =	sst s10  }
0x32: {  	s10 =	sld [smem:$0x3FB0];
	_ =	sdelay $0x3  }
0x33: {  	p0 =	seq.s32 s10, $0x1;
	s10 =	sld [smem:$0x3FB2];
	_ =	sdelay $0x3  }
0x34: {  	[smem:$0x3FB2] =	sst s10  }
0x35: {  	s10 =	sld [smem:$0x3FB1];
	_ =	sdelay $0x3  }
0x36: {  	p1 =	seq.s32 s10, $0x1;
	s10 =	sld [smem:$0x3FB2];
	_ =	sdelay $0x3  }
0x37: {  	[smem:$0x3FB2] =	sst s10  }
0x38: {  	s10 =	sld [smem:$0x3FB3]  }
0x39: {  	_ = 	snop;
	(pc) =	sbr.ind lr, $3  }
0x3a: {  	_ = 	snop  }
0x3b: {  	_ = 	snop  }
0x3c: {  	p2 =	seq.s32 s10, $0x1;
	s10 =	sld [smem:$0x3FB2]  }
0x3d: {  	_ =	shalt  }
0x3e: {  	_ =	shalt  }
0x3f: {  	_ =	shalt  }
0x40: {  	_ =	shalt  }
0x41: {  	_ =	shalt  }
0x42: {  	_ =	shalt  }
0x43: {  	_ =	shalt  }
0x44: {  	_ =	shalt  }
0x45: {  	_ =	shalt  }
0x46: {  	_ =	shalt  }
0x47: {  	_ =	shalt  }
0x48: {  	_ =	shalt  }
0x49: {  	_ =	shalt  }
0x4a: {  	_ =	shalt  }
0x4b: {  	_ =	shalt  }
0x4c: {  	_ =	shalt  }
0x4d: {  	_ =	shalt  }
0x4e: {  	_ =	shalt  }
0x4f: {  	_ =	shalt  }
0x50: {  	_ =	shalt  }
0x51: {  	_ =	shalt  }
0x52: {  	_ =	shalt  }
0x53: {  	_ =	shalt  }
0x54: {  	_ =	shalt  }
0x55: {  	_ =	shalt  }
0x56: {  	_ =	shalt  }
0x57: {  	_ =	shalt  }
0x58: {  	_ =	shalt  }
0x59: {  	_ =	shalt  }
0x5a: {  	_ =	shalt  }
0x5b: {  	_ =	shalt  }
0x5c: {  	_ =	shalt  }
0x5d: {  	_ =	shalt  }
0x5e: {  	_ =	shalt  }
0x5f: {  	_ =	shalt  }
0x60: {  	_ =	shalt  }
0x61: {  	_ =	shalt  }
0x62: {  	_ =	shalt  }
0x63: {  	_ =	shalt  }
0x64: {  	_ =	shalt  }
0x65: {  	_ =	shalt  }
0x66: {  	_ =	shalt  }
0x67: {  	_ =	shalt  }
0x68: {  	_ =	shalt  }
0x69: {  	_ =	shalt  }
0x6a: {  	_ =	shalt  }
0x6b: {  	_ =	shalt  }
0x6c: {  	_ =	shalt  }
0x6d: {  	_ =	shalt  }
0x6e: {  	_ =	shalt  }
0x6f: {  	_ =	shalt  }
0x70: {  	_ =	shalt  }
0x71: {  	_ =	shalt  }
0x72: {  	_ =	shalt  }
0x73: {  	_ =	shalt  }
0x74: {  	_ =	shalt  }
0x75: {  	_ =	shalt  }
0x76: {  	_ =	shalt  }
0x77: {  	_ =	shalt  }
0x78: {  	_ =	shalt  }
0x79: {  	_ =	shalt  }
0x7a: {  	_ =	shalt  }
0x7b: {  	_ =	shalt  }
0x7c: {  	_ =	shalt  }
0x7d: {  	_ =	shalt  }
0x7e: {  	_ =	shalt  }
0x7f: {  	_ =	shalt  }
0x80: {  	_ =	shalt  }
0x81: {  	_ =	shalt  }
0x82: {  	_ =	shalt  }
0x83: {  	_ =	shalt  }
0x84: {  	_ =	shalt  }
0x85: {  	_ =	shalt  }
0x86: {  	_ =	shalt  }
0x87: {  	_ =	shalt  }
.Lfunc_end0:
.L_simem_size_0:
called_computation_lowered:
.L_overlay_start_0:
0x88: {  	s2 =	sld [smem:$0x3FD9]  }
0x89: {  	s3 =	sld [smem:$0x3FFE];
	_ =	sdelay $0x1  }
0x8a: {  	s1 =	srdreg.scid  }
0x8b: {  	s0 =	sand.u32 $0x1, s1  }
0x8c: {  	s17 =	sshll.u32 s0, $0xA;
	s2 =	sadd.s32 s3, s2  }
0x8d: {  	s2 =	sadd.s32 s2, s17  }
0x8e: {  	[smem:$0x3FBE] =	sst s2  }
0x8f: {  	_ = 	snop  }
0x90: {  	s2 =	sld [smem:$0x3FD0];
	(tm) =	ssettm $0x1  }
0x91: {  	s18 =	sld [smem:$0x3FFB];
	_ =	sdelay $0x3  }
0x92: {  	_ =	strace s18  }
0x93: {  	s3 =	sld [smem:$0x3FFC];
	_ =	sdelay $0x3  }
0x94: {  	_ =	strace s3  }
0x95: {  	s3 =	sld [smem:$0x3FFD];
	_ =	sdelay $0x3  }
0x96: {  	_ =	strace s3  }
0x97: {  	_ =	strace $0x8FFFFFFF  }
0x98: {  	s19 =	sld [smem:$0x3FDB];
	_ =	sdelay $0x1  }
0x99: {  	s4 =	simm.s32 $_scs_section_size  }
0x9a: {  	s5 =	simm.s32 $_size__tile_overlayer_lowered;
	s6 =	simm.s32 $_tile_overlayer_lowered  }
0x9b: {  	s22 =	simm.s32 $0x1BFF;
	s21 =	sshll.u32 s6, $0x1;
	s3 =	sadd.s32 s4, s19  }
0x9c: {  	s7 =	simm.s32 $0x0;
	s20 =	sshll.u32 s5, $0x1;
	s5 =	sadd.s32 s21, s3  }
0x9d: {  	[timem:s7], [sflag:s22] =	dma.local [hbm:s5], s20  }
0x9e: {  	_ =	swait.ge [sflag:s22], s20  }
0x9f: {  	s4 =	ssub.s32 $0x0, s20;
	[sflag:s22] =	ssyncset.done $0x0  }
0xa0: {  	[sflag:s22] =	ssyncadd.s32 s4;
	_ =	sdelay $0x1  }
0xa1: {  	s23 =	simm.s32 $0x1B8B  }
0xa2: {  	_ =	swait.ge [sflag:s23], $0x1  }
0xa3: {  	[sflag:s23] =	ssyncset.done $0x0  }
0xa4: {  	s25 =	simm.s32 $0x1B8E;
	s24 =	sld [smem:$0x3FFE];
	[sflag:s23] =	ssyncadd.s32 $0xFFFFFFFF  }
0xa5: {  	s26 =	simm.s32 $execute0_lowered;
	[smem:$0x3FD2] =	sst s25  }
0xa6: {  	s5 =	sshll.u32 s26, $0x1;
	_ =	strace $0x80000046;
	[dreg:$0x1] =	wrdreg $0xFFFFFFFF  }
0xa7: {  	s28 =	simm.s32 $_size_execute0_lowered;
	s3 =	sadd.s32 s3, s5;
	[dreg:$0x0] =	wrdreg $0x0  }
0xa8: {  	s5 =	sshll.u32 s28, $0x1;
	[dreg:$0x2] =	wrdreg s3  }
0xa9: {  	[dreg:$0x3] =	wrdreg s5  }
0xaa: {  	[dreg:$0x4] =	wrdreg $0xC0  }
0xab: {  	_ =	task [dreg:s7], $0x5FFFF  }
0xac: {  	[dreg:$0x1] =	wrdreg $0xFFFFFFFF  }
0xad: {  	[dreg:$0x0] =	wrdreg $0x60  }
0xae: {  	[dreg:$0x2] =	wrdreg s2  }
0xaf: {  	[dreg:$0x3] =	wrdreg s24  }
0xb0: {  	[dreg:$0x4] =	wrdreg $0x43000  }
0xb1: {  	[dreg:$0x5] =	wrdreg $0x9  }
0xb2: {  	_ =	task.clear_ibuf [dreg:s7], $0x6FFFF;
	_ =	strace $0x90000046  }
0xb3: {  	s29 =	simm.s32 $0x9;
	_ =	strace $0x80000048  }
0xb4: {  	_ =	swait.ge [sflag:s29], $0x1  }
0xb5: {  	[sflag:s29] =	ssyncadd.s32 $0xFFFFFFFF  }
0xb6: {  	_ =	strace $0x90000048  }
0xb7: {  	_ =	sfence  }
0xb8: {  	s30 =	sld [smem:$0x0];
	_ =	sdelay $0x2  }
0xb9: {  	s31 =	sshll.u32 s1, $0xD;
	s1 =	sshrl.u32 s1, $0x2  }
0xba: {  	s3 =	sand.u32 $0x4000, s31;
	s1 =	sadd.s32 s1, s30  }
0xbb: {  	s0 =	sor.u32 s3, s0;
	s1 =	sshll.u32 s1, $0x11  }
0xbc: {  	s0 =	sor.u32 s1, s0  }
0xbd: {  	s0 =	sadd.s32 $0x8F2B, s0  }
0xbe: {  	[sflag:s0] =	ssyncadd.remote.s32 $0x1  }
0xbf: {  	_ =	sfence.sel $0xFFFF  }
0xc0: {  	[dreg:$0x0] =	wrdreg $0xFFFFFFFF;
	(pc) =	sbr.abs _section_cstart, $3  }
0xc1: {  	[dreg:$0x1] =	wrdreg $0xFFFFFFFF  }
0xc2: {  	_ =	task.clear_ibuf [dreg:s7], $0x2FFFF;
	_ =	strace $0x9FFFFFFF  }
0xc3: {  	(tm) =	ssettm $0x7FFFFFFF  }
tec
execute0_lowered:
.L_overlay_start_1:
0x0: {  	(tag) =	ssettag $0x1  }
0x1: {  	s4 =	rddreg [dreg:$0x0]  }
0x2: {  	s5 =	rddreg [dreg:$0x1]  }
0x3: {  	s2 =	rddreg [dreg:$0x2]  }
0x4: {  	s0 =	rddreg [dreg:$0x3]  }
0x5: {  	s6 =	srdreg.scid;
	s1 =	stileid.u32;
	s3 =	simm.s32 $0x0  }
0x6: {  	s11 =	simm.s32 $0x4000;
	s12 =	simm.s32 $0x80;
	s13 =	simm.s32 $0x100  }
0x7: {  	s14 =	simm.s32 $0x0;
	s6 =	sand.u32 $0x1, s6;
	s7 =	smul.u32 $0x500, s1  }
0x8: {  	[smem:$0x7FF] =	sst s3;
	s9 =	smul.u32 $0xA00, s1;
	s10 =	sshll.u32 s1, $0xB  }
0x9: {  	s8 =	sshll.u32 s6, $0x7;
	_ =	strace $0x80000047;
	s30 =	ssub.s32 $0x2, s6  }
0xa: {  	s6 =	sshll.u32 s6, $0xF;
	s10 =	sadd.s32 s4, s10;
	s7 =	sor.u32 s8, s7  }
0xb: {  	s31 =	sshrl.u32 s30, $0x1;
	s9 =	sshrl.u32 s9, $0x2;
	s7 =	sshrl.u32 s7, $0x3  }
0xc: {  	s8 =	ssub.s32 s30, s31;
	s4 =	sadd.s32 s9, s2;
	s9 =	simm.s32 $0x1  }
0xd: {  	s7 =	sadd.s32 s7, s5;
	s5 =	sadd.s32 s6, s10;
	s10 =	simm.s32 $0x50  }
0xe: {  	v0 =	vimm.f32 $0.0e+00;
	v1 =	vimm.f32 $1.000000000e+00;
	s6 =	sadd.s32 $0x4800, s7;
	s7 =	smax.u32 s8, $0x1;
	s8 =	simm.s32 $0x4080  }
.LBB2_1:
0xf: {  	[tilespmem:$0x4080] =	vst v0  }
0x10: {  	[tilespmem:$0x4090] =	vst v0  }
0x11: {  	[tilespmem:$0x40A0] =	vst v0  }
0x12: {  	[tilespmem:$0x40B0] =	vst v0  }
0x13: {  	[tilespmem:$0x40C0] =	vst v0  }
0x14: {  	[tilespmem:$0x40D0] =	vst v0  }
0x15: {  	[tilespmem:$0x40E0] =	vst v0  }
0x16: {  	[tilespmem:$0x40F0] =	vst v0  }
0x17: {  	[tilespmem:$0x4100] =	vst v0  }
0x18: {  	[tilespmem:$0x4110] =	vst v0  }
0x19: {  	[tilespmem:$0x4120] =	vst v0  }
0x1a: {  	[tilespmem:$0x4130] =	vst v0  }
0x1b: {  	[tilespmem:$0x4140] =	vst v0  }
0x1c: {  	[tilespmem:$0x4150] =	vst v0  }
0x1d: {  	[tilespmem:$0x4160] =	vst v0  }
0x1e: {  	[tilespmem:$0x4170] =	vst v0  }
0x1f: {  	[tilespmem:$0x4180] =	vst v0  }
0x20: {  	[tilespmem:$0x4190] =	vst v0  }
0x21: {  	[tilespmem:$0x41A0] =	vst v0  }
0x22: {  	[tilespmem:$0x41B0] =	vst v0  }
0x23: {  	[tilespmem:$0x41C0] =	vst v0  }
0x24: {  	[tilespmem:$0x41D0] =	vst v0  }
0x25: {  	[tilespmem:$0x41E0] =	vst v0  }
0x26: {  	[tilespmem:$0x41F0] =	vst v0  }
0x27: {  	[tilespmem:$0x4200] =	vst v0  }
0x28: {  	[tilespmem:$0x4210] =	vst v0  }
0x29: {  	[tilespmem:$0x4220] =	vst v0  }
0x2a: {  	[tilespmem:$0x4230] =	vst v0  }
0x2b: {  	[tilespmem:$0x4240] =	vst v0  }
0x2c: {  	[tilespmem:$0x4250] =	vst v0  }
0x2d: {  	[tilespmem:$0x4260] =	vst v0  }
0x2e: {  	[tilespmem:$0x4270] =	vst v0  }
0x2f: {  	[tilespmem:$0x4280] =	vst v0  }
0x30: {  	[tilespmem:$0x4290] =	vst v0  }
0x31: {  	[tilespmem:$0x42A0] =	vst v0  }
0x32: {  	[tilespmem:$0x42B0] =	vst v0  }
0x33: {  	[tilespmem:$0x42C0] =	vst v0  }
0x34: {  	[tilespmem:$0x42D0] =	vst v0  }
0x35: {  	[tilespmem:$0x42E0] =	vst v0  }
0x36: {  	[tilespmem:$0x42F0] =	vst v0  }
0x37: {  	[spmem:s4] =	stream.linear.scatter [tilespmem:s8], [sflag:$0x1], $0x280, $0x38;
	[tilespmem:$0x4580] =	vst v63  }
0x38: {  	_ =	swait.ge [sflag:s9], $0x280  }
0x39: {  	[sflag:s9] =	ssyncset.done $0x0  }
0x3a: {  	[sflag:s9] =	ssyncadd.s32 $0xFFFFFD80  }
0x3b: {  	[tilespmem:$0x4000] =	vst v1  }
0x3c: {  	[tilespmem:$0x4010] =	vst v1  }
0x3d: {  	[tilespmem:$0x4020] =	vst v1  }
0x3e: {  	[tilespmem:$0x4030] =	vst v1  }
0x3f: {  	[tilespmem:$0x4040] =	vst v1  }
0x40: {  	[tilespmem:s3], [sflag:$0x1] =	stream.linear.gather [hbm4b:s5+s3], $0x3E80, $0x38;
	[tilespmem:$0x4580] =	vst v63  }
0x41: {  	_ =	swait.ge [sflag:s9], $0x3E80  }
0x42: {  	[sflag:s9] =	ssyncset.done $0x0  }
0x43: {  	[sflag:s9] =	ssyncadd.s32 $0xFFFFC180  }
0x44: {  	s15 =	simm.s32 $0x0;
	[bflag:$0x0] =	sbarrier.arrive $0xFFFF  }
0x45: {  	[spmem:s2] =	stream.indirect.scatter.add.f32 [tilespmem:s11], [sflag:$0x1], $0x1, s15, s10, $0xb8;
	[tilespmem:$0x4580] =	vst v63  }
0x46: {  	_ =	swait.ge [sflag:s9], $0x50  }
0x47: {  	s15 =	simm.s32 $0x200;
	[sflag:s9] =	ssyncset.done $0x0  }
.LBB2_2:
0x48: {  	s16 =	sshra.s32 s15, $0x2;
	[sflag:s9] =	ssyncadd.s32 $0xFFFFFFB0;
	p0 =	sne.s32 s15, $0xF800  }
0x49: {  	[spmem:s2] =	stream.indirect.scatter.add.f32 [tilespmem:s11], [sflag:$0x1], $0x1, s16, s10, $0xb8;
	[tilespmem:$0x4580] =	vst v63  }
.Ltmp0:
0x4a: {  	_ = 	snop;
	(pc) =	sbr.rel @p0 .LBB2_2-.Ltmp0, $4  }
0x4b: {  	_ = 	snop  }
0x4c: {  	s15 =	sadd.s32 $0x200, s15  }
0x4d: {  	_ =	swait.ge [sflag:s9], $0x50  }
0x4e: {  	[sflag:s9] =	ssyncset.done $0x0  }
0x4f: {  	[sflag:s9] =	ssyncadd.s32 $0xFFFFFFB0  }
0x50: {  	[bflag:$0x0] =	sbarrier.arrive $0xFFFF  }
0x51: {  	[tilespmem:s8], [sflag:$0x1] =	stream.linear.gather [spmem:s4], $0x280, $0x38;
	[tilespmem:$0x4580] =	vst v63  }
0x52: {  	s14 =	sadd.s32 $0x1, s14;
	_ =	swait.ge [sflag:s9], $0x280  }
0x53: {  	p0 =	sne.s32 s14, s7;
	[sflag:s9] =	ssyncset.done $0x0  }
.Ltmp1:
0x54: {  	[sflag:s9] =	ssyncadd.s32 $0xFFFFFD80;
	(pc) =	sbr.rel @p0 .LBB2_1-.Ltmp1, $4  }
0x55: {  	[hbm4b:s6+s12] =	stream.strided.scatter [tilespmem:s8], [sflag:$0x1], $0x280, s13, s12, $0x38;
	[tilespmem:$0x4580] =	vst v63  }
0x56: {  	_ =	swait.ge [sflag:s9], $0x280  }
0x57: {  	[sflag:s9] =	ssyncset.done $0x0  }
0x58: {  	[sflag:s9] =	ssyncadd.s32 $0xFFFFFD80  }
0x59: {  	_ =	sfence.sel $0x180000  }
0x5a: {  	[bflag:$0x0] =	sbarrier.arrive $0xFFFF  }
0x5b: {  	p0 =	sne.s32 s1, $0x0;
	_ =	strace $0x90000047  }
0x5c: {  	s0 =	sadd.s32 @!p0 $0x100000, s0;
	[bflag:$0x2] =	sbarrier.arrive $0xFFFF  }
0x5d: {  	[sflag:s0] =	ssyncadd.tile.s32 @!p0 $0x1;
	_ =	shalt  }
.Lfunc_end2:
_tile_overlayer_lowered:
.L_overlay_start_2:
0x5e: {  	(tag) =	ssettag $0x2  }
0x5f: {  	s0 =	rddreg [dreg:$0x0];
	s2 =	stileid.u32  }
0x60: {  	s1 =	rddreg [dreg:$0x1];
	p0 =	sne.s32 s2, $0x0  }
0x61: {  	s3 =	rddreg [dreg:$0x2];
	[bflag:$0x3] =	sbarrier.arrive $0xFFFF;
	s2 =	simm.s32 @!p0 $0x1C01  }
0x62: {  	[timem:s3], [sflag:s2] =	dma.local @!p0 [hbm:s0], s1  }
0x63: {  	s0 =	simm.s32 @!p0 $0x1  }
0x64: {  	_ =	swait.ge @!p0 [sflag:s0], s1  }
0x65: {  	s1 =	ssub.s32 @!p0 $0x0, s1;
	[sflag:s0] =	ssyncset.done @!p0 $0x0  }
0x66: {  	[sflag:s0] =	ssyncadd.s32 @!p0 s1  }
0x67: {  	[bflag:$0x3] =	sbarrier.arrive $0xFFFF  }
0x68: {  	_ =	shalt  }

</sc_bundles>
